<compile_context>
chip_gen: v7x
topology: tpu7x:2x2x1
jax: 0.10.2.dev20260603
libtpu: 0.0.44.dev20260713+nightly
codegen_flags: <defaults>
</compile_context>

<pallas_src>
import jax
import jax.numpy as jnp
from jax import lax
from jax.experimental import pallas as pl
from jax.experimental.pallas import tpu as pltpu
from jax.experimental.pallas import tpu_sc as plsc

SAMPLE_RATE = 16000
BLOCK = 64
MAX_DELAY = 480
N_VOICES = 16 * 512
NUM_WORKERS = 32
VPW = N_VOICES // NUM_WORKERS
GROUPS = VPW // 16
PAD = BLOCK
NPITCH = VPW + 1
YPITCH = BLOCK + 1
UNROLL = 8


def _sc_body(noise_hbm, params_hbm, out_hbm, noise_v, nz_t, y65,
             out_v, params_v, r_v, sem_in, sem_out):
    wid = lax.axis_index("s") * 2 + lax.axis_index("c")
    row = wid // 2
    colw = (wid % 2)
    cp_noise = pltpu.async_copy(
        noise_hbm.at[row, pl.ds(colw * (VPW * BLOCK), VPW * BLOCK)],
        noise_v, sem_in)
    cp_params = pltpu.async_copy(
        params_hbm.at[row, pl.ds(colw * (VPW * 4), VPW * 4)],
        params_v, sem_in)

    iota = lax.iota(jnp.int32, 16)
    iota_np = iota * NPITCH
    zf = jnp.zeros((16,), jnp.float32)

    def zero_pad(k, off):
        for j in range(UNROLL):
            nz_t[pl.ds(off + j * 16, 16)] = zf
        return off + UNROLL * 16

    lax.fori_loop(0, (PAD * NPITCH + UNROLL * 16 - 1) // (UNROLL * 16),
                  zero_pad, 0)
    cp_noise.wait()
    cp_params.wait()

    def repack_in(k, carry):
        voff, base = carry
        ls = [noise_v[pl.ds(voff + j * BLOCK + q * 16, 16)]
              for j in range(2) for q in range(4)]
        i = 0
        for j in range(2):
            for q in range(4):
                plsc.store_scatter(
                    nz_t,
                    [iota_np + (base + j + (PAD + q * 16) * NPITCH)], ls[i])
                i += 1
        return (voff + 2 * BLOCK, base + 2)

    lax.fori_loop(0, VPW // 2, repack_in, (0, 0))

    def group(g, _):
        gb = g * 16
        vi = gb + iota
        pidx = vi * 4
        pa = plsc.load_gather(params_v, [pidx])
        en = plsc.load_gather(params_v, [pidx + 1])
        pt = plsc.load_gather(params_v, [pidx + 2])
        pb = plsc.load_gather(params_v, [pidx + 3])
        tau = jnp.maximum((0.0005 + pa * 0.0495) * SAMPLE_RATE, 1.0)
        rho = jnp.exp(-1.0 / tau)
        rho2 = rho * rho
        rho4 = rho2 * rho2
        rho8 = rho4 * rho4
        tilt = pt * 2.0 - 1.0
        bandwidth = 0.05 + pb * 0.95
        dly = jnp.clip((BLOCK * (0.5 + 0.5 * bandwidth)).astype(jnp.int32),
                       1, MAX_DELAY)
        tilt2 = tilt * jnp.exp(dly.astype(jnp.float32) / tau)

        def step_b(k, carry):
            acc0, acc1, env, gidx, noff, yv = carry
            e1 = env * rho
            e2 = env * rho2
            e3 = e1 * rho2
            es = (env, e1, e2, e3,
                  env * rho4, e1 * rho4, e2 * rho4, e3 * rho4)
            bs = [nz_t[pl.ds(noff + j * NPITCH, 16)] for j in range(UNROLL)]
            gs = [plsc.load_gather(nz_t, [gidx + j * NPITCH])
                  for j in range(UNROLL)]
            ys = [es[j] * (bs[j] + tilt2 * gs[j]) for j in range(UNROLL)]
            for j in range(UNROLL):
                plsc.store_scatter(y65, [yv + j], ys[j])
            sq = [y * y for y in ys]
            a0 = acc0 + ((sq[0] + sq[1]) + (sq[2] + sq[3]))
            a1 = acc1 + ((sq[4] + sq[5]) + (sq[6] + sq[7]))
            return (a0, a1, env * rho8, gidx + UNROLL * NPITCH,
                    noff + UNROLL * NPITCH, yv + UNROLL)

        acc0, acc1, _, _, _, _ = lax.fori_loop(
            0, BLOCK // UNROLL, step_b,
            (zf, zf, en, (PAD - dly) * NPITCH + vi, PAD * NPITCH + gb,
             vi * YPITCH))

        m = (acc0 + acc1) * (1.0 / BLOCK) + 1e-5
        bits = plsc.bitcast(m, jnp.int32)
        r = plsc.bitcast(0x5F3759DF - (bits >> 1), jnp.float32)
        for _ in range(4):
            r = r * (1.5 - 0.5 * m * r * r)
        r_v[pl.ds(gb, 16)] = r
        return 0

    lax.fori_loop(0, GROUPS, group, 0)

    def repack_out(g, _):
        gb = g * 16
        rvec = r_v[pl.ds(gb, 16)]
        for j in range(0, 16, 2):
            rv0 = rvec[j]
            rv1 = rvec[j + 1]
            b0 = (gb + j) * YPITCH
            b1 = (gb + j + 1) * YPITCH
            o0 = (gb + j) * BLOCK
            o1 = (gb + j + 1) * BLOCK
            vs = ([plsc.load_gather(y65, [iota + (b0 + q * 16)])
                   for q in range(4)] +
                  [plsc.load_gather(y65, [iota + (b1 + q * 16)])
                   for q in range(4)])
            ws = [v * rv0 for v in vs[:4]] + [v * rv1 for v in vs[4:]]
            for q in range(4):
                out_v[pl.ds(o0 + q * 16, 16)] = ws[q]
            for q in range(4):
                out_v[pl.ds(o1 + q * 16, 16)] = ws[4 + q]
        return 0

    chunk = (VPW * BLOCK) // 4
    handles = []
    for c in range(4):
        lax.fori_loop(c * (GROUPS // 4), (c + 1) * (GROUPS // 4),
                      repack_out, 0)
        handles.append(pltpu.async_copy(
            out_v.at[pl.ds(c * chunk, chunk)],
            out_hbm.at[row, pl.ds(colw * (VPW * BLOCK) + c * chunk, chunk)],
            sem_out))
    for h in handles:
        h.wait()


_sc_call = pl.kernel(
    _sc_body,
    out_type=jax.ShapeDtypeStruct((N_VOICES // 512, 512 * BLOCK),
                                  jnp.float32),
    mesh=plsc.VectorSubcoreMesh(core_axis_name="c", subcore_axis_name="s"),
    compiler_params=pltpu.CompilerParams(needs_layout_passes=False),
    scratch_types=[
        pltpu.VMEM((VPW * BLOCK,), jnp.float32),
        pltpu.VMEM(((PAD + BLOCK) * NPITCH,), jnp.float32),
        pltpu.VMEM((VPW * YPITCH,), jnp.float32),
        pltpu.VMEM((VPW * BLOCK,), jnp.float32),
        pltpu.VMEM((4 * VPW,), jnp.float32),
        pltpu.VMEM((VPW,), jnp.float32),
        pltpu.SemaphoreType.DMA,
        pltpu.SemaphoreType.DMA,
    ],
)


def kernel(transient_params, noise):
    Bb, Tt, _ = transient_params.shape
    p = transient_params.reshape(Bb, Tt * 4)
    noise_rows = noise.reshape(Bb, Tt * BLOCK)
    return _sc_call(noise_rows, p)

# --- scband reference (transcript-rebuilt; emitter-appended) ---
"""Pipeline reference for scband-transient-comb-noise-32573031973082 (READ-ONLY COPY).

The authoritative reference and input builder live on the scoring server;
editing this copy changes nothing except your own understanding.
"""

import jax, jax.numpy as jnp
import numpy as np

SAMPLE_RATE = 16000
BLOCK_SIZE = 64
MAX_DELAY = 480
B, T = 16, 512


def setup_inputs(seed: int = 0) -> dict:
    key = jax.random.key(seed)
    k1, k2 = jax.random.split(key)
    transient_params = jax.random.uniform(k1, (B, T, 4), dtype=jnp.float32)
    noise = jax.random.normal(k2, (B, T, BLOCK_SIZE), dtype=jnp.float32)
    return {"transient_params": transient_params, "noise": noise}


def _forward(transient_params, noise):
    Bb, Tt, _ = transient_params.shape
    dtype = transient_params.dtype
    attack_s = 0.0005 + transient_params[:, :, 0] * 0.0495
    energy = transient_params[:, :, 1]
    tilt = transient_params[:, :, 2] * 2.0 - 1.0
    bandwidth = 0.05 + transient_params[:, :, 3] * 0.95
    attack_samples = jnp.maximum(attack_s * SAMPLE_RATE, 1.0)
    offsets = jnp.arange(BLOCK_SIZE, dtype=dtype).reshape(1, 1, BLOCK_SIZE)
    tau = jnp.maximum(attack_samples[:, :, None], 1.0)
    envelope = jnp.exp(-offsets / tau)
    burst = noise * envelope * energy[:, :, None]
    delay = (BLOCK_SIZE * (0.5 + 0.5 * bandwidth)).astype(jnp.int32)
    delay = jnp.clip(delay, 1, MAX_DELAY)
    N = Bb * Tt
    burst_flat = burst.reshape(N, BLOCK_SIZE)
    tilt_flat = tilt.reshape(N)
    delay_flat = delay.reshape(N)
    rows = jnp.arange(N)
    buf = jnp.zeros((N, MAX_DELAY), dtype=dtype)
    write_ptr = jnp.zeros((N,), dtype=jnp.int32)
    outs = []
    for s in range(BLOCK_SIZE):
        x = burst_flat[:, s]
        read_idx = (write_ptr - delay_flat) % MAX_DELAY
        delayed = buf[rows, read_idx]
        y = x + tilt_flat * delayed
        outs.append(y)
        buf = buf.at[rows, write_ptr].set(y)
        write_ptr = (write_ptr + 1) % MAX_DELAY
    output = jnp.stack(outs, axis=1)
    rms = jnp.sqrt(jnp.mean(output ** 2, axis=-1) + 1e-05)
    output = output / rms[:, None]
    return output.reshape(Bb, Tt * BLOCK_SIZE)


def reference(transient_params, noise):
    return _forward(transient_params, noise)

if __name__ == "__main__":
    import jax
    _d = setup_inputs()
    print(jax.jit(kernel)(*tuple(_d.values())))

</pallas_src>

<mosaic_0001>
#map = affine_map<(d0, d1) -> (0, 0)>
module attributes {stable_mosaic.version = 14 : i64} {
  func.func @_sc_body(%arg0: i32, %arg1: i32, %arg2: memref<16x32768xf32, #tpu.memory_space<hbm>>, %arg3: memref<16x2048xf32, #tpu.memory_space<hbm>>, %arg4: memref<16x32768xf32, #tpu.memory_space<hbm>>, %arg5: memref<16384xf32, #tpu.memory_space<vmem>>, %arg6: memref<32896xf32, #tpu.memory_space<vmem>>, %arg7: memref<16640xf32, #tpu.memory_space<vmem>>, %arg8: memref<16384xf32, #tpu.memory_space<vmem>>, %arg9: memref<1024xf32, #tpu.memory_space<vmem>>, %arg10: memref<256xf32, #tpu.memory_space<vmem>>, %arg11: memref<!tpu.dma_semaphore, #tpu.memory_space<semaphore_mem>>, %arg12: memref<!tpu.dma_semaphore, #tpu.memory_space<semaphore_mem>>) attributes {dimension_semantics = [#tpu.dimension_semantics<core_parallel>, #tpu.dimension_semantics<subcore_parallel>], iteration_bounds = array<i64: 2, 16>, scalar_prefetch = 0 : i64, scratch_operands = 8 : i64, tpu.core_type = #tpu.core_type<sc_vector_subcore>, window_params = [{transform_indices = #map}, {transform_indices = #map}, {transform_indices = #map}]} {
    %mul3A = arith.constant 2 : i32
    %mul3A_0 = arith.muli %arg1, %mul3A : i32
    %add3A = arith.addi %mul3A_0, %arg0 : i32
    %jit3A = arith.constant 2 : i32
    %div3A = arith.divsi %add3A, %jit3A : i32
    %sign3A = arith.constant 0 : i32
    %sign3A_1 = arith.cmpi sgt, %add3A, %sign3A : i32
    %sign3A_2 = arith.extui %sign3A_1 : i1 to i32
    %sign3A_3 = arith.constant 0 : i32
    %sign3A_4 = arith.cmpi slt, %add3A, %sign3A_3 : i32
    %sign3A_5 = arith.extui %sign3A_4 : i1 to i32
    %sign3A_6 = arith.subi %sign3A_2, %sign3A_5 : i32
    %sign3A_7 = arith.constant 0 : i32
    %sign3A_8 = arith.cmpi sgt, %jit3A, %sign3A_7 : i32
    %sign3A_9 = arith.extui %sign3A_8 : i1 to i32
    %sign3A_10 = arith.constant 0 : i32
    %sign3A_11 = arith.cmpi slt, %jit3A, %sign3A_10 : i32
    %sign3A_12 = arith.extui %sign3A_11 : i1 to i32
    %sign3A_13 = arith.subi %sign3A_9, %sign3A_12 : i32
    %ne3A = arith.cmpi ne, %sign3A_6, %sign3A_13 : i32
    %rem3A = arith.remsi %add3A, %jit3A : i32
    %ne3A_14 = arith.constant 0 : i32
    %ne3A_15 = arith.cmpi ne, %rem3A, %ne3A_14 : i32
    %and3A = arith.andi %ne3A, %ne3A_15 : i1
    %sub3A = arith.constant 1 : i32
    %sub3A_16 = arith.subi %div3A, %sub3A : i32
    %select_n3A = arith.select %and3A, %sub3A_16, %div3A : i32
    %jit3A_17 = arith.constant 2 : i32
    %eq3A = arith.constant 0 : i32
    %eq3A_18 = arith.cmpi eq, %jit3A_17, %eq3A : i32
    %jit3A_19 = arith.constant 1 : i32
    %select_n3A_20 = arith.select %eq3A_18, %jit3A_19, %jit3A_17 : i32
    %rem3A_21 = arith.remsi %add3A, %select_n3A_20 : i32
    %ne3A_22 = arith.constant 0 : i32
    %ne3A_23 = arith.cmpi ne, %rem3A_21, %ne3A_22 : i32
    %lt3A = arith.constant 0 : i32
    %lt3A_24 = arith.cmpi slt, %rem3A_21, %lt3A : i32
    %lt3A_25 = arith.constant 0 : i32
    %lt3A_26 = arith.cmpi slt, %select_n3A_20, %lt3A_25 : i32
    %ne3A_27 = arith.xori %lt3A_24, %lt3A_26 : i1
    %and3A_28 = arith.andi %ne3A_27, %ne3A_23 : i1
    %add3A_29 = arith.addi %rem3A_21, %select_n3A_20 : i32
    %select_n3A_30 = arith.select %and3A_28, %add3A_29, %rem3A_21 : i32
    %mul3A_31 = arith.constant 16384 : i32
    %mul3A_32 = arith.muli %select_n3A_30, %mul3A_31 : i32
    %dma_start3A = tpu.memref_slice %arg2[%select_n3A, %mul3A_32] : memref<16x32768xf32, #tpu.memory_space<hbm>> -> memref<1x16384xf32, #tpu.memory_space<hbm>>
    %dma_start3A_33 = tpu.memref_squeeze %dma_start3A : memref<1x16384xf32, #tpu.memory_space<hbm>> -> memref<16384xf32, #tpu.memory_space<hbm>>
    %dma_start3A_34 = tpu.memref_slice %arg2[%select_n3A, %mul3A_32] : memref<16x32768xf32, #tpu.memory_space<hbm>> -> memref<1x16384xf32, #tpu.memory_space<hbm>>
    %dma_start3A_35 = tpu.memref_squeeze %dma_start3A_34 : memref<1x16384xf32, #tpu.memory_space<hbm>> -> memref<16384xf32, #tpu.memory_space<hbm>>
    tpu.enqueue_dma source(%dma_start3A_35 : memref<16384xf32, #tpu.memory_space<hbm>>) target(%arg5 : memref<16384xf32, #tpu.memory_space<vmem>>) target_semaphore(%arg11 : memref<!tpu.dma_semaphore, #tpu.memory_space<semaphore_mem>>)
    %mul3A_36 = arith.constant 1024 : i32
    %mul3A_37 = arith.muli %select_n3A_30, %mul3A_36 : i32
    %dma_start3A_38 = tpu.memref_slice %arg3[%select_n3A, %mul3A_37] : memref<16x2048xf32, #tpu.memory_space<hbm>> -> memref<1x1024xf32, #tpu.memory_space<hbm>>
    %dma_start3A_39 = tpu.memref_squeeze %dma_start3A_38 : memref<1x1024xf32, #tpu.memory_space<hbm>> -> memref<1024xf32, #tpu.memory_space<hbm>>
    %dma_start3A_40 = tpu.memref_slice %arg3[%select_n3A, %mul3A_37] : memref<16x2048xf32, #tpu.memory_space<hbm>> -> memref<1x1024xf32, #tpu.memory_space<hbm>>
    %dma_start3A_41 = tpu.memref_squeeze %dma_start3A_40 : memref<1x1024xf32, #tpu.memory_space<hbm>> -> memref<1024xf32, #tpu.memory_space<hbm>>
    tpu.enqueue_dma source(%dma_start3A_41 : memref<1024xf32, #tpu.memory_space<hbm>>) target(%arg9 : memref<1024xf32, #tpu.memory_space<vmem>>) target_semaphore(%arg11 : memref<!tpu.dma_semaphore, #tpu.memory_space<semaphore_mem>>)
    %iota3A = tpu.iota {dimensions = array<i32: 0>} : vector<16xi32>
    %mul3A_42 = arith.constant 257 : i32
    %mul3A_43 = vector.broadcast %mul3A_42 : i32 to vector<16xi32>
    %mul3A_44 = arith.muli %iota3A, %mul3A_43 : vector<16xi32>
    %broadcast_in_dim3A = arith.constant 0.000000e+00 : f32
    %broadcast_in_dim3A_45 = vector.broadcast %broadcast_in_dim3A : f32 to vector<16xf32>
    %scan3A = arith.constant 0 : i32
    %scan3A_46 = arith.constant 0 : i32
    %scan3A_47 = arith.constant 129 : i32
    %scan3A_48 = arith.addi %scan3A_46, %scan3A_47 : i32
    %scan3A_49 = arith.constant 1 : i32
    %scan3A_50 = scf.for %scan3A_182 = %scan3A_46 to %scan3A_48 step %scan3A_49 iter_args(%scan3A_183 = %scan3A) -> (i32)  : i32 {
      %add3A_184 = arith.constant 0 : i32
      %add3A_185 = arith.addi %scan3A_183, %add3A_184 : i32
      %swap3A = arith.index_cast %add3A_185 : i32 to index
      %swap3A_186 = tpu.vector_load %arg6[%swap3A] {strides = array<i32>} : memref<32896xf32, #tpu.memory_space<vmem>>, vector<16xf32>,
      tpu.vector_store %arg6[%swap3A], %broadcast_in_dim3A_45 {strides = array<i32>} : memref<32896xf32, #tpu.memory_space<vmem>>, vector<16xf32>,
      %add3A_187 = arith.constant 16 : i32
      %add3A_188 = arith.addi %scan3A_183, %add3A_187 : i32
      %swap3A_189 = arith.index_cast %add3A_188 : i32 to index
      %swap3A_190 = tpu.vector_load %arg6[%swap3A_189] {strides = array<i32>} : memref<32896xf32, #tpu.memory_space<vmem>>, vector<16xf32>,
      tpu.vector_store %arg6[%swap3A_189], %broadcast_in_dim3A_45 {strides = array<i32>} : memref<32896xf32, #tpu.memory_space<vmem>>, vector<16xf32>,
      %add3A_191 = arith.constant 32 : i32
      %add3A_192 = arith.addi %scan3A_183, %add3A_191 : i32
      %swap3A_193 = arith.index_cast %add3A_192 : i32 to index
      %swap3A_194 = tpu.vector_load %arg6[%swap3A_193] {strides = array<i32>} : memref<32896xf32, #tpu.memory_space<vmem>>, vector<16xf32>,
      tpu.vector_store %arg6[%swap3A_193], %broadcast_in_dim3A_45 {strides = array<i32>} : memref<32896xf32, #tpu.memory_space<vmem>>, vector<16xf32>,
      %add3A_195 = arith.constant 48 : i32
      %add3A_196 = arith.addi %scan3A_183, %add3A_195 : i32
      %swap3A_197 = arith.index_cast %add3A_196 : i32 to index
      %swap3A_198 = tpu.vector_load %arg6[%swap3A_197] {strides = array<i32>} : memref<32896xf32, #tpu.memory_space<vmem>>, vector<16xf32>,
      tpu.vector_store %arg6[%swap3A_197], %broadcast_in_dim3A_45 {strides = array<i32>} : memref<32896xf32, #tpu.memory_space<vmem>>, vector<16xf32>,
      %add3A_199 = arith.constant 64 : i32
      %add3A_200 = arith.addi %scan3A_183, %add3A_199 : i32
      %swap3A_201 = arith.index_cast %add3A_200 : i32 to index
      %swap3A_202 = tpu.vector_load %arg6[%swap3A_201] {strides = array<i32>} : memref<32896xf32, #tpu.memory_space<vmem>>, vector<16xf32>,
      tpu.vector_store %arg6[%swap3A_201], %broadcast_in_dim3A_45 {strides = array<i32>} : memref<32896xf32, #tpu.memory_space<vmem>>, vector<16xf32>,
      %add3A_203 = arith.constant 80 : i32
      %add3A_204 = arith.addi %scan3A_183, %add3A_203 : i32
      %swap3A_205 = arith.index_cast %add3A_204 : i32 to index
      %swap3A_206 = tpu.vector_load %arg6[%swap3A_205] {strides = array<i32>} : memref<32896xf32, #tpu.memory_space<vmem>>, vector<16xf32>,
      tpu.vector_store %arg6[%swap3A_205], %broadcast_in_dim3A_45 {strides = array<i32>} : memref<32896xf32, #tpu.memory_space<vmem>>, vector<16xf32>,
      %add3A_207 = arith.constant 96 : i32
      %add3A_208 = arith.addi %scan3A_183, %add3A_207 : i32
      %swap3A_209 = arith.index_cast %add3A_208 : i32 to index
      %swap3A_210 = tpu.vector_load %arg6[%swap3A_209] {strides = array<i32>} : memref<32896xf32, #tpu.memory_space<vmem>>, vector<16xf32>,
      tpu.vector_store %arg6[%swap3A_209], %broadcast_in_dim3A_45 {strides = array<i32>} : memref<32896xf32, #tpu.memory_space<vmem>>, vector<16xf32>,
      %add3A_211 = arith.constant 112 : i32
      %add3A_212 = arith.addi %scan3A_183, %add3A_211 : i32
      %swap3A_213 = arith.index_cast %add3A_212 : i32 to index
      %swap3A_214 = tpu.vector_load %arg6[%swap3A_213] {strides = array<i32>} : memref<32896xf32, #tpu.memory_space<vmem>>, vector<16xf32>,
      tpu.vector_store %arg6[%swap3A_213], %broadcast_in_dim3A_45 {strides = array<i32>} : memref<32896xf32, #tpu.memory_space<vmem>>, vector<16xf32>,
      %add3A_215 = arith.constant 128 : i32
      %add3A_216 = arith.addi %scan3A_183, %add3A_215 : i32
      scf.yield %add3A_216 : i32
    }
    %scan3A_51 = arith.constant 129 : i32
    %dma_wait3A = tpu.memref_slice %arg2[%select_n3A, %mul3A_32] : memref<16x32768xf32, #tpu.memory_space<hbm>> -> memref<1x16384xf32, #tpu.memory_space<hbm>>
    %dma_wait3A_52 = tpu.memref_squeeze %dma_wait3A : memref<1x16384xf32, #tpu.memory_space<hbm>> -> memref<16384xf32, #tpu.memory_space<hbm>>
    %dma_wait3A_53 = tpu.memref_slice %arg2[%select_n3A, %mul3A_32] : memref<16x32768xf32, #tpu.memory_space<hbm>> -> memref<1x16384xf32, #tpu.memory_space<hbm>>
    %dma_wait3A_54 = tpu.memref_squeeze %dma_wait3A_53 : memref<1x16384xf32, #tpu.memory_space<hbm>> -> memref<16384xf32, #tpu.memory_space<hbm>>
    tpu.wait_dma2 semaphore(%arg11 : memref<!tpu.dma_semaphore, #tpu.memory_space<semaphore_mem>>) src(%dma_wait3A_54 : memref<16384xf32, #tpu.memory_space<hbm>>) dst(%arg5 : memref<16384xf32, #tpu.memory_space<vmem>>)
    %dma_wait3A_55 = tpu.memref_slice %arg3[%select_n3A, %mul3A_37] : memref<16x2048xf32, #tpu.memory_space<hbm>> -> memref<1x1024xf32, #tpu.memory_space<hbm>>
    %dma_wait3A_56 = tpu.memref_squeeze %dma_wait3A_55 : memref<1x1024xf32, #tpu.memory_space<hbm>> -> memref<1024xf32, #tpu.memory_space<hbm>>
    %dma_wait3A_57 = tpu.memref_slice %arg3[%select_n3A, %mul3A_37] : memref<16x2048xf32, #tpu.memory_space<hbm>> -> memref<1x1024xf32, #tpu.memory_space<hbm>>
    %dma_wait3A_58 = tpu.memref_squeeze %dma_wait3A_57 : memref<1x1024xf32, #tpu.memory_space<hbm>> -> memref<1024xf32, #tpu.memory_space<hbm>>
    tpu.wait_dma2 semaphore(%arg11 : memref<!tpu.dma_semaphore, #tpu.memory_space<semaphore_mem>>) src(%dma_wait3A_58 : memref<1024xf32, #tpu.memory_space<hbm>>) dst(%arg9 : memref<1024xf32, #tpu.memory_space<vmem>>)
    %scan3A_59 = arith.constant 0 : i32
    %scan3A_60 = arith.constant 0 : i32
    %scan3A_61 = arith.constant 0 : i32
    %scan3A_62 = arith.constant 128 : i32
    %scan3A_63 = arith.addi %scan3A_61, %scan3A_62 : i32
    %scan3A_64 = arith.constant 1 : i32
    %scan3A_65:2 = scf.for %scan3A_182 = %scan3A_61 to %scan3A_63 step %scan3A_64 iter_args(%scan3A_183 = %scan3A_59, %scan3A_184 = %scan3A_60) -> (i32, i32)  : i32 {
      %add3A_185 = arith.constant 0 : i32
      %add3A_186 = arith.addi %scan3A_183, %add3A_185 : i32
      %add3A_187 = arith.constant 0 : i32
      %add3A_188 = arith.addi %add3A_186, %add3A_187 : i32
      %get3A = arith.index_cast %add3A_188 : i32 to index
      %get3A_189 = tpu.vector_load %arg5[%get3A] {strides = array<i32>} : memref<16384xf32, #tpu.memory_space<vmem>>, vector<16xf32>,
      %add3A_190 = arith.constant 0 : i32
      %add3A_191 = arith.addi %scan3A_183, %add3A_190 : i32
      %add3A_192 = arith.constant 16 : i32
      %add3A_193 = arith.addi %add3A_191, %add3A_192 : i32
      %get3A_194 = arith.index_cast %add3A_193 : i32 to index
      %get3A_195 = tpu.vector_load %arg5[%get3A_194] {strides = array<i32>} : memref<16384xf32, #tpu.memory_space<vmem>>, vector<16xf32>,
      %add3A_196 = arith.constant 0 : i32
      %add3A_197 = arith.addi %scan3A_183, %add3A_196 : i32
      %add3A_198 = arith.constant 32 : i32
      %add3A_199 = arith.addi %add3A_197, %add3A_198 : i32
      %get3A_200 = arith.index_cast %add3A_199 : i32 to index
      %get3A_201 = tpu.vector_load %arg5[%get3A_200] {strides = array<i32>} : memref<16384xf32, #tpu.memory_space<vmem>>, vector<16xf32>,
      %add3A_202 = arith.constant 0 : i32
      %add3A_203 = arith.addi %scan3A_183, %add3A_202 : i32
      %add3A_204 = arith.constant 48 : i32
      %add3A_205 = arith.addi %add3A_203, %add3A_204 : i32
      %get3A_206 = arith.index_cast %add3A_205 : i32 to index
      %get3A_207 = tpu.vector_load %arg5[%get3A_206] {strides = array<i32>} : memref<16384xf32, #tpu.memory_space<vmem>>, vector<16xf32>,
      %add3A_208 = arith.constant 64 : i32
      %add3A_209 = arith.addi %scan3A_183, %add3A_208 : i32
      %add3A_210 = arith.constant 0 : i32
      %add3A_211 = arith.addi %add3A_209, %add3A_210 : i32
      %get3A_212 = arith.index_cast %add3A_211 : i32 to index
      %get3A_213 = tpu.vector_load %arg5[%get3A_212] {strides = array<i32>} : memref<16384xf32, #tpu.memory_space<vmem>>, vector<16xf32>,
      %add3A_214 = arith.constant 64 : i32
      %add3A_215 = arith.addi %scan3A_183, %add3A_214 : i32
      %add3A_216 = arith.constant 16 : i32
      %add3A_217 = arith.addi %add3A_215, %add3A_216 : i32
      %get3A_218 = arith.index_cast %add3A_217 : i32 to index
      %get3A_219 = tpu.vector_load %arg5[%get3A_218] {strides = array<i32>} : memref<16384xf32, #tpu.memory_space<vmem>>, vector<16xf32>,
      %add3A_220 = arith.constant 64 : i32
      %add3A_221 = arith.addi %scan3A_183, %add3A_220 : i32
      %add3A_222 = arith.constant 32 : i32
      %add3A_223 = arith.addi %add3A_221, %add3A_222 : i32
      %get3A_224 = arith.index_cast %add3A_223 : i32 to index
      %get3A_225 = tpu.vector_load %arg5[%get3A_224] {strides = array<i32>} : memref<16384xf32, #tpu.memory_space<vmem>>, vector<16xf32>,
      %add3A_226 = arith.constant 64 : i32
      %add3A_227 = arith.addi %scan3A_183, %add3A_226 : i32
      %add3A_228 = arith.constant 48 : i32
      %add3A_229 = arith.addi %add3A_227, %add3A_228 : i32
      %get3A_230 = arith.index_cast %add3A_229 : i32 to index
      %get3A_231 = tpu.vector_load %arg5[%get3A_230] {strides = array<i32>} : memref<16384xf32, #tpu.memory_space<vmem>>, vector<16xf32>,
      %add3A_232 = arith.constant 0 : i32
      %add3A_233 = arith.addi %scan3A_184, %add3A_232 : i32
      %add3A_234 = arith.constant 16448 : i32
      %add3A_235 = arith.addi %add3A_233, %add3A_234 : i32
      %add3A_236 = vector.broadcast %add3A_235 : i32 to vector<16xi32>
      %add3A_237 = arith.addi %mul3A_44, %add3A_236 : vector<16xi32>
      tpu.vector_store_idx %arg6[%add3A_237], %get3A_189 : memref<32896xf32, #tpu.memory_space<vmem>>[vector<16xi32>], vector<16xf32>,
      %add3A_238 = arith.constant 0 : i32
      %add3A_239 = arith.addi %scan3A_184, %add3A_238 : i32
      %add3A_240 = arith.constant 20560 : i32
      %add3A_241 = arith.addi %add3A_239, %add3A_240 : i32
      %add3A_242 = vector.broadcast %add3A_241 : i32 to vector<16xi32>
      %add3A_243 = arith.addi %mul3A_44, %add3A_242 : vector<16xi32>
      tpu.vector_store_idx %arg6[%add3A_243], %get3A_195 : memref<32896xf32, #tpu.memory_space<vmem>>[vector<16xi32>], vector<16xf32>,
      %add3A_244 = arith.constant 0 : i32
      %add3A_245 = arith.addi %scan3A_184, %add3A_244 : i32
      %add3A_246 = arith.constant 24672 : i32
      %add3A_247 = arith.addi %add3A_245, %add3A_246 : i32
      %add3A_248 = vector.broadcast %add3A_247 : i32 to vector<16xi32>
      %add3A_249 = arith.addi %mul3A_44, %add3A_248 : vector<16xi32>
      tpu.vector_store_idx %arg6[%add3A_249], %get3A_201 : memref<32896xf32, #tpu.memory_space<vmem>>[vector<16xi32>], vector<16xf32>,
      %add3A_250 = arith.constant 0 : i32
      %add3A_251 = arith.addi %scan3A_184, %add3A_250 : i32
      %add3A_252 = arith.constant 28784 : i32
      %add3A_253 = arith.addi %add3A_251, %add3A_252 : i32
      %add3A_254 = vector.broadcast %add3A_253 : i32 to vector<16xi32>
      %add3A_255 = arith.addi %mul3A_44, %add3A_254 : vector<16xi32>
      tpu.vector_store_idx %arg6[%add3A_255], %get3A_207 : memref<32896xf32, #tpu.memory_space<vmem>>[vector<16xi32>], vector<16xf32>,
      %add3A_256 = arith.constant 1 : i32
      %add3A_257 = arith.addi %scan3A_184, %add3A_256 : i32
      %add3A_258 = arith.constant 16448 : i32
      %add3A_259 = arith.addi %add3A_257, %add3A_258 : i32
      %add3A_260 = vector.broadcast %add3A_259 : i32 to vector<16xi32>
      %add3A_261 = arith.addi %mul3A_44, %add3A_260 : vector<16xi32>
      tpu.vector_store_idx %arg6[%add3A_261], %get3A_213 : memref<32896xf32, #tpu.memory_space<vmem>>[vector<16xi32>], vector<16xf32>,
      %add3A_262 = arith.constant 1 : i32
      %add3A_263 = arith.addi %scan3A_184, %add3A_262 : i32
      %add3A_264 = arith.constant 20560 : i32
      %add3A_265 = arith.addi %add3A_263, %add3A_264 : i32
      %add3A_266 = vector.broadcast %add3A_265 : i32 to vector<16xi32>
      %add3A_267 = arith.addi %mul3A_44, %add3A_266 : vector<16xi32>
      tpu.vector_store_idx %arg6[%add3A_267], %get3A_219 : memref<32896xf32, #tpu.memory_space<vmem>>[vector<16xi32>], vector<16xf32>,
      %add3A_268 = arith.constant 1 : i32
      %add3A_269 = arith.addi %scan3A_184, %add3A_268 : i32
      %add3A_270 = arith.constant 24672 : i32
      %add3A_271 = arith.addi %add3A_269, %add3A_270 : i32
      %add3A_272 = vector.broadcast %add3A_271 : i32 to vector<16xi32>
      %add3A_273 = arith.addi %mul3A_44, %add3A_272 : vector<16xi32>
      tpu.vector_store_idx %arg6[%add3A_273], %get3A_225 : memref<32896xf32, #tpu.memory_space<vmem>>[vector<16xi32>], vector<16xf32>,
      %add3A_274 = arith.constant 1 : i32
      %add3A_275 = arith.addi %scan3A_184, %add3A_274 : i32
      %add3A_276 = arith.constant 28784 : i32
      %add3A_277 = arith.addi %add3A_275, %add3A_276 : i32
      %add3A_278 = vector.broadcast %add3A_277 : i32 to vector<16xi32>
      %add3A_279 = arith.addi %mul3A_44, %add3A_278 : vector<16xi32>
      tpu.vector_store_idx %arg6[%add3A_279], %get3A_231 : memref<32896xf32, #tpu.memory_space<vmem>>[vector<16xi32>], vector<16xf32>,
      %add3A_280 = arith.constant 128 : i32
      %add3A_281 = arith.addi %scan3A_183, %add3A_280 : i32
      %add3A_282 = arith.constant 2 : i32
      %add3A_283 = arith.addi %scan3A_184, %add3A_282 : i32
      scf.yield %add3A_281, %add3A_283 : i32, i32
    }
    %scan3A_66 = arith.constant 128 : i32
    %scan3A_67 = arith.constant 0 : i32
    %scan3A_68 = arith.constant 0 : i32
    %scan3A_69 = arith.constant 16 : i32
    %scan3A_70 = arith.addi %scan3A_68, %scan3A_69 : i32
    %scan3A_71 = arith.constant 1 : i32
    %scan3A_72 = scf.for %scan3A_182 = %scan3A_68 to %scan3A_70 step %scan3A_71 iter_args(%scan3A_183 = %scan3A_67) -> (i32)  : i32 {
      %mul3A_184 = arith.constant 16 : i32
      %mul3A_185 = arith.muli %scan3A_182, %mul3A_184 : i32
      %add3A_186 = vector.broadcast %mul3A_185 : i32 to vector<16xi32>
      %add3A_187 = arith.addi %add3A_186, %iota3A : vector<16xi32>
      %mul3A_188 = arith.constant 4 : i32
      %mul3A_189 = vector.broadcast %mul3A_188 : i32 to vector<16xi32>
      %mul3A_190 = arith.muli %add3A_187, %mul3A_189 : vector<16xi32>
      %gather3A = tpu.vector_load_idx %arg9[%mul3A_190] : memref<1024xf32, #tpu.memory_space<vmem>>[vector<16xi32>], vector<16xf32>,
      %add3A_191 = arith.constant 1 : i32
      %add3A_192 = vector.broadcast %add3A_191 : i32 to vector<16xi32>
      %add3A_193 = arith.addi %mul3A_190, %add3A_192 : vector<16xi32>
      %gather3A_194 = tpu.vector_load_idx %arg9[%add3A_193] : memref<1024xf32, #tpu.memory_space<vmem>>[vector<16xi32>], vector<16xf32>,
      %add3A_195 = arith.constant 2 : i32
      %add3A_196 = vector.broadcast %add3A_195 : i32 to vector<16xi32>
      %add3A_197 = arith.addi %mul3A_190, %add3A_196 : vector<16xi32>
      %gather3A_198 = tpu.vector_load_idx %arg9[%add3A_197] : memref<1024xf32, #tpu.memory_space<vmem>>[vector<16xi32>], vector<16xf32>,
      %add3A_199 = arith.constant 3 : i32
      %add3A_200 = vector.broadcast %add3A_199 : i32 to vector<16xi32>
      %add3A_201 = arith.addi %mul3A_190, %add3A_200 : vector<16xi32>
      %gather3A_202 = tpu.vector_load_idx %arg9[%add3A_201] : memref<1024xf32, #tpu.memory_space<vmem>>[vector<16xi32>], vector<16xf32>,
      %mul3A_203 = arith.constant 4.950000e-02 : f32
      %mul3A_204 = vector.broadcast %mul3A_203 : f32 to vector<16xf32>
      %mul3A_205 = arith.mulf %gather3A, %mul3A_204 : vector<16xf32>
      %add3A_206 = arith.constant 5.000000e-04 : f32
      %add3A_207 = vector.broadcast %add3A_206 : f32 to vector<16xf32>
      %add3A_208 = arith.addf %add3A_207, %mul3A_205 : vector<16xf32>
      %mul3A_209 = arith.constant 1.600000e+04 : f32
      %mul3A_210 = vector.broadcast %mul3A_209 : f32 to vector<16xf32>
      %mul3A_211 = arith.mulf %add3A_208, %mul3A_210 : vector<16xf32>
      %max3A = arith.constant 1.000000e+00 : f32
      %max3A_212 = vector.broadcast %max3A : f32 to vector<16xf32>
      %max3A_213 = arith.maximumf %mul3A_211, %max3A_212 : vector<16xf32>
      %div3A_214 = arith.constant -1.000000e+00 : f32
      %div3A_215 = vector.broadcast %div3A_214 : f32 to vector<16xf32>
      %div3A_216 = arith.divf %div3A_215, %max3A_213 : vector<16xf32>
      %exp3A = math.exp %div3A_216 : vector<16xf32>
      %mul3A_217 = arith.mulf %exp3A, %exp3A : vector<16xf32>
      %mul3A_218 = arith.mulf %mul3A_217, %mul3A_217 : vector<16xf32>
      %mul3A_219 = arith.mulf %mul3A_218, %mul3A_218 : vector<16xf32>
      %mul3A_220 = arith.constant 2.000000e+00 : f32
      %mul3A_221 = vector.broadcast %mul3A_220 : f32 to vector<16xf32>
      %mul3A_222 = arith.mulf %gather3A_198, %mul3A_221 : vector<16xf32>
      %sub3A_223 = arith.constant 1.000000e+00 : f32
      %sub3A_224 = vector.broadcast %sub3A_223 : f32 to vector<16xf32>
      %sub3A_225 = arith.subf %mul3A_222, %sub3A_224 : vector<16xf32>
      %mul3A_226 = arith.constant 0.949999988 : f32
      %mul3A_227 = vector.broadcast %mul3A_226 : f32 to vector<16xf32>
      %mul3A_228 = arith.mulf %gather3A_202, %mul3A_227 : vector<16xf32>
      %add3A_229 = arith.constant 5.000000e-02 : f32
      %add3A_230 = vector.broadcast %add3A_229 : f32 to vector<16xf32>
      %add3A_231 = arith.addf %add3A_230, %mul3A_228 : vector<16xf32>
      %mul3A_232 = arith.constant 5.000000e-01 : f32
      %mul3A_233 = vector.broadcast %mul3A_232 : f32 to vector<16xf32>
      %mul3A_234 = arith.mulf %mul3A_233, %add3A_231 : vector<16xf32>
      %add3A_235 = arith.constant 5.000000e-01 : f32
      %add3A_236 = vector.broadcast %add3A_235 : f32 to vector<16xf32>
      %add3A_237 = arith.addf %add3A_236, %mul3A_234 : vector<16xf32>
      %mul3A_238 = arith.constant 6.400000e+01 : f32
      %mul3A_239 = vector.broadcast %mul3A_238 : f32 to vector<16xf32>
      %mul3A_240 = arith.mulf %mul3A_239, %add3A_237 : vector<16xf32>
      %convert_element_type3A = arith.fptosi %mul3A_240 : vector<16xf32> to vector<16xi32>
      %jit3A_241 = arith.constant 1 : i32
      %jit3A_242 = arith.constant 480 : i32
      %max3A_243 = vector.broadcast %jit3A_241 : i32 to vector<16xi32>
      %max3A_244 = arith.maxsi %max3A_243, %convert_element_type3A : vector<16xi32>
      %min3A = vector.broadcast %jit3A_242 : i32 to vector<16xi32>
      %min3A_245 = arith.minsi %min3A, %max3A_244 : vector<16xi32>
      %convert_element_type3A_246 = arith.sitofp %min3A_245 : vector<16xi32> to vector<16xf32>
      %div3A_247 = arith.divf %convert_element_type3A_246, %max3A_213 : vector<16xf32>
      %exp3A_248 = math.exp %div3A_247 : vector<16xf32>
      %mul3A_249 = arith.mulf %sub3A_225, %exp3A_248 : vector<16xf32>
      %sub3A_250 = arith.constant 64 : i32
      %sub3A_251 = vector.broadcast %sub3A_250 : i32 to vector<16xi32>
      %sub3A_252 = arith.subi %sub3A_251, %min3A_245 : vector<16xi32>
      %mul3A_253 = arith.constant 257 : i32
      %mul3A_254 = vector.broadcast %mul3A_253 : i32 to vector<16xi32>
      %mul3A_255 = arith.muli %sub3A_252, %mul3A_254 : vector<16xi32>
      %add3A_256 = arith.addi %mul3A_255, %add3A_187 : vector<16xi32>
      %add3A_257 = arith.constant 16448 : i32
      %add3A_258 = arith.addi %add3A_257, %mul3A_185 : i32
      %mul3A_259 = arith.constant 65 : i32
      %mul3A_260 = vector.broadcast %mul3A_259 : i32 to vector<16xi32>
      %mul3A_261 = arith.muli %add3A_187, %mul3A_260 : vector<16xi32>
      %scan3A_262 = arith.constant 0 : i32
      %scan3A_263 = arith.constant 8 : i32
      %scan3A_264 = arith.addi %scan3A_262, %scan3A_263 : i32
      %scan3A_265 = arith.constant 1 : i32
      %scan3A_266:6 = scf.for %scan3A_319 = %scan3A_262 to %scan3A_264 step %scan3A_265 iter_args(%scan3A_320 = %broadcast_in_dim3A_45, %scan3A_321 = %broadcast_in_dim3A_45, %scan3A_322 = %gather3A_194, %scan3A_323 = %add3A_256, %scan3A_324 = %add3A_258, %scan3A_325 = %mul3A_261) -> (vector<16xf32>, vector<16xf32>, vector<16xf32>, vector<16xi32>, i32, vector<16xi32>)  : i32 {
        %mul3A_326 = arith.mulf %scan3A_322, %exp3A : vector<16xf32>
        %mul3A_327 = arith.mulf %scan3A_322, %mul3A_217 : vector<16xf32>
        %mul3A_328 = arith.mulf %mul3A_326, %mul3A_217 : vector<16xf32>
        %mul3A_329 = arith.mulf %scan3A_322, %mul3A_218 : vector<16xf32>
        %mul3A_330 = arith.mulf %mul3A_326, %mul3A_218 : vector<16xf32>
        %mul3A_331 = arith.mulf %mul3A_327, %mul3A_218 : vector<16xf32>
        %mul3A_332 = arith.mulf %mul3A_328, %mul3A_218 : vector<16xf32>
        %add3A_333 = arith.constant 0 : i32
        %add3A_334 = arith.addi %scan3A_324, %add3A_333 : i32
        %get3A = arith.index_cast %add3A_334 : i32 to index
        %get3A_335 = tpu.vector_load %arg6[%get3A] {strides = array<i32>} : memref<32896xf32, #tpu.memory_space<vmem>>, vector<16xf32>,
        %add3A_336 = arith.constant 257 : i32
        %add3A_337 = arith.addi %scan3A_324, %add3A_336 : i32
        %get3A_338 = arith.index_cast %add3A_337 : i32 to index
        %get3A_339 = tpu.vector_load %arg6[%get3A_338] {strides = array<i32>} : memref<32896xf32, #tpu.memory_space<vmem>>, vector<16xf32>,
        %add3A_340 = arith.constant 514 : i32
        %add3A_341 = arith.addi %scan3A_324, %add3A_340 : i32
        %get3A_342 = arith.index_cast %add3A_341 : i32 to index
        %get3A_343 = tpu.vector_load %arg6[%get3A_342] {strides = array<i32>} : memref<32896xf32, #tpu.memory_space<vmem>>, vector<16xf32>,
        %add3A_344 = arith.constant 771 : i32
        %add3A_345 = arith.addi %scan3A_324, %add3A_344 : i32
        %get3A_346 = arith.index_cast %add3A_345 : i32 to index
        %get3A_347 = tpu.vector_load %arg6[%get3A_346] {strides = array<i32>} : memref<32896xf32, #tpu.memory_space<vmem>>, vector<16xf32>,
        %add3A_348 = arith.constant 1028 : i32
        %add3A_349 = arith.addi %scan3A_324, %add3A_348 : i32
        %get3A_350 = arith.index_cast %add3A_349 : i32 to index
        %get3A_351 = tpu.vector_load %arg6[%get3A_350] {strides = array<i32>} : memref<32896xf32, #tpu.memory_space<vmem>>, vector<16xf32>,
        %add3A_352 = arith.constant 1285 : i32
        %add3A_353 = arith.addi %scan3A_324, %add3A_352 : i32
        %get3A_354 = arith.index_cast %add3A_353 : i32 to index
        %get3A_355 = tpu.vector_load %arg6[%get3A_354] {strides = array<i32>} : memref<32896xf32, #tpu.memory_space<vmem>>, vector<16xf32>,
        %add3A_356 = arith.constant 1542 : i32
        %add3A_357 = arith.addi %scan3A_324, %add3A_356 : i32
        %get3A_358 = arith.index_cast %add3A_357 : i32 to index
        %get3A_359 = tpu.vector_load %arg6[%get3A_358] {strides = array<i32>} : memref<32896xf32, #tpu.memory_space<vmem>>, vector<16xf32>,
        %add3A_360 = arith.constant 1799 : i32
        %add3A_361 = arith.addi %scan3A_324, %add3A_360 : i32
        %get3A_362 = arith.index_cast %add3A_361 : i32 to index
        %get3A_363 = tpu.vector_load %arg6[%get3A_362] {strides = array<i32>} : memref<32896xf32, #tpu.memory_space<vmem>>, vector<16xf32>,
        %add3A_364 = arith.constant 0 : i32
        %add3A_365 = vector.broadcast %add3A_364 : i32 to vector<16xi32>
        %add3A_366 = arith.addi %scan3A_323, %add3A_365 : vector<16xi32>
        %gather3A_367 = tpu.vector_load_idx %arg6[%add3A_366] : memref<32896xf32, #tpu.memory_space<vmem>>[vector<16xi32>], vector<16xf32>,
        %add3A_368 = arith.constant 257 : i32
        %add3A_369 = vector.broadcast %add3A_368 : i32 to vector<16xi32>
        %add3A_370 = arith.addi %scan3A_323, %add3A_369 : vector<16xi32>
        %gather3A_371 = tpu.vector_load_idx %arg6[%add3A_370] : memref<32896xf32, #tpu.memory_space<vmem>>[vector<16xi32>], vector<16xf32>,
        %add3A_372 = arith.constant 514 : i32
        %add3A_373 = vector.broadcast %add3A_372 : i32 to vector<16xi32>
        %add3A_374 = arith.addi %scan3A_323, %add3A_373 : vector<16xi32>
        %gather3A_375 = tpu.vector_load_idx %arg6[%add3A_374] : memref<32896xf32, #tpu.memory_space<vmem>>[vector<16xi32>], vector<16xf32>,
        %add3A_376 = arith.constant 771 : i32
        %add3A_377 = vector.broadcast %add3A_376 : i32 to vector<16xi32>
        %add3A_378 = arith.addi %scan3A_323, %add3A_377 : vector<16xi32>
        %gather3A_379 = tpu.vector_load_idx %arg6[%add3A_378] : memref<32896xf32, #tpu.memory_space<vmem>>[vector<16xi32>], vector<16xf32>,
        %add3A_380 = arith.constant 1028 : i32
        %add3A_381 = vector.broadcast %add3A_380 : i32 to vector<16xi32>
        %add3A_382 = arith.addi %scan3A_323, %add3A_381 : vector<16xi32>
        %gather3A_383 = tpu.vector_load_idx %arg6[%add3A_382] : memref<32896xf32, #tpu.memory_space<vmem>>[vector<16xi32>], vector<16xf32>,
        %add3A_384 = arith.constant 1285 : i32
        %add3A_385 = vector.broadcast %add3A_384 : i32 to vector<16xi32>
        %add3A_386 = arith.addi %scan3A_323, %add3A_385 : vector<16xi32>
        %gather3A_387 = tpu.vector_load_idx %arg6[%add3A_386] : memref<32896xf32, #tpu.memory_space<vmem>>[vector<16xi32>], vector<16xf32>,
        %add3A_388 = arith.constant 1542 : i32
        %add3A_389 = vector.broadcast %add3A_388 : i32 to vector<16xi32>
        %add3A_390 = arith.addi %scan3A_323, %add3A_389 : vector<16xi32>
        %gather3A_391 = tpu.vector_load_idx %arg6[%add3A_390] : memref<32896xf32, #tpu.memory_space<vmem>>[vector<16xi32>], vector<16xf32>,
        %add3A_392 = arith.constant 1799 : i32
        %add3A_393 = vector.broadcast %add3A_392 : i32 to vector<16xi32>
        %add3A_394 = arith.addi %scan3A_323, %add3A_393 : vector<16xi32>
        %gather3A_395 = tpu.vector_load_idx %arg6[%add3A_394] : memref<32896xf32, #tpu.memory_space<vmem>>[vector<16xi32>], vector<16xf32>,
        %mul3A_396 = arith.mulf %mul3A_249, %gather3A_367 : vector<16xf32>
        %add3A_397 = arith.addf %get3A_335, %mul3A_396 : vector<16xf32>
        %mul3A_398 = arith.mulf %scan3A_322, %add3A_397 : vector<16xf32>
        %mul3A_399 = arith.mulf %mul3A_249, %gather3A_371 : vector<16xf32>
        %add3A_400 = arith.addf %get3A_339, %mul3A_399 : vector<16xf32>
        %mul3A_401 = arith.mulf %mul3A_326, %add3A_400 : vector<16xf32>
        %mul3A_402 = arith.mulf %mul3A_249, %gather3A_375 : vector<16xf32>
        %add3A_403 = arith.addf %get3A_343, %mul3A_402 : vector<16xf32>
        %mul3A_404 = arith.mulf %mul3A_327, %add3A_403 : vector<16xf32>
        %mul3A_405 = arith.mulf %mul3A_249, %gather3A_379 : vector<16xf32>
        %add3A_406 = arith.addf %get3A_347, %mul3A_405 : vector<16xf32>
        %mul3A_407 = arith.mulf %mul3A_328, %add3A_406 : vector<16xf32>
        %mul3A_408 = arith.mulf %mul3A_249, %gather3A_383 : vector<16xf32>
        %add3A_409 = arith.addf %get3A_351, %mul3A_408 : vector<16xf32>
        %mul3A_410 = arith.mulf %mul3A_329, %add3A_409 : vector<16xf32>
        %mul3A_411 = arith.mulf %mul3A_249, %gather3A_387 : vector<16xf32>
        %add3A_412 = arith.addf %get3A_355, %mul3A_411 : vector<16xf32>
        %mul3A_413 = arith.mulf %mul3A_330, %add3A_412 : vector<16xf32>
        %mul3A_414 = arith.mulf %mul3A_249, %gather3A_391 : vector<16xf32>
        %add3A_415 = arith.addf %get3A_359, %mul3A_414 : vector<16xf32>
        %mul3A_416 = arith.mulf %mul3A_331, %add3A_415 : vector<16xf32>
        %mul3A_417 = arith.mulf %mul3A_249, %gather3A_395 : vector<16xf32>
        %add3A_418 = arith.addf %get3A_363, %mul3A_417 : vector<16xf32>
        %mul3A_419 = arith.mulf %mul3A_332, %add3A_418 : vector<16xf32>
        %add3A_420 = arith.constant 0 : i32
        %add3A_421 = vector.broadcast %add3A_420 : i32 to vector<16xi32>
        %add3A_422 = arith.addi %scan3A_325, %add3A_421 : vector<16xi32>
        tpu.vector_store_idx %arg7[%add3A_422], %mul3A_398 : memref<16640xf32, #tpu.memory_space<vmem>>[vector<16xi32>], vector<16xf32>,
        %add3A_423 = arith.constant 1 : i32
        %add3A_424 = vector.broadcast %add3A_423 : i32 to vector<16xi32>
        %add3A_425 = arith.addi %scan3A_325, %add3A_424 : vector<16xi32>
        tpu.vector_store_idx %arg7[%add3A_425], %mul3A_401 : memref<16640xf32, #tpu.memory_space<vmem>>[vector<16xi32>], vector<16xf32>,
        %add3A_426 = arith.constant 2 : i32
        %add3A_427 = vector.broadcast %add3A_426 : i32 to vector<16xi32>
        %add3A_428 = arith.addi %scan3A_325, %add3A_427 : vector<16xi32>
        tpu.vector_store_idx %arg7[%add3A_428], %mul3A_404 : memref<16640xf32, #tpu.memory_space<vmem>>[vector<16xi32>], vector<16xf32>,
        %add3A_429 = arith.constant 3 : i32
        %add3A_430 = vector.broadcast %add3A_429 : i32 to vector<16xi32>
        %add3A_431 = arith.addi %scan3A_325, %add3A_430 : vector<16xi32>
        tpu.vector_store_idx %arg7[%add3A_431], %mul3A_407 : memref<16640xf32, #tpu.memory_space<vmem>>[vector<16xi32>], vector<16xf32>,
        %add3A_432 = arith.constant 4 : i32
        %add3A_433 = vector.broadcast %add3A_432 : i32 to vector<16xi32>
        %add3A_434 = arith.addi %scan3A_325, %add3A_433 : vector<16xi32>
        tpu.vector_store_idx %arg7[%add3A_434], %mul3A_410 : memref<16640xf32, #tpu.memory_space<vmem>>[vector<16xi32>], vector<16xf32>,
        %add3A_435 = arith.constant 5 : i32
        %add3A_436 = vector.broadcast %add3A_435 : i32 to vector<16xi32>
        %add3A_437 = arith.addi %scan3A_325, %add3A_436 : vector<16xi32>
        tpu.vector_store_idx %arg7[%add3A_437], %mul3A_413 : memref<16640xf32, #tpu.memory_space<vmem>>[vector<16xi32>], vector<16xf32>,
        %add3A_438 = arith.constant 6 : i32
        %add3A_439 = vector.broadcast %add3A_438 : i32 to vector<16xi32>
        %add3A_440 = arith.addi %scan3A_325, %add3A_439 : vector<16xi32>
        tpu.vector_store_idx %arg7[%add3A_440], %mul3A_416 : memref<16640xf32, #tpu.memory_space<vmem>>[vector<16xi32>], vector<16xf32>,
        %add3A_441 = arith.constant 7 : i32
        %add3A_442 = vector.broadcast %add3A_441 : i32 to vector<16xi32>
        %add3A_443 = arith.addi %scan3A_325, %add3A_442 : vector<16xi32>
        tpu.vector_store_idx %arg7[%add3A_443], %mul3A_419 : memref<16640xf32, #tpu.memory_space<vmem>>[vector<16xi32>], vector<16xf32>,
        %mul3A_444 = arith.mulf %mul3A_398, %mul3A_398 : vector<16xf32>
        %mul3A_445 = arith.mulf %mul3A_401, %mul3A_401 : vector<16xf32>
        %mul3A_446 = arith.mulf %mul3A_404, %mul3A_404 : vector<16xf32>
        %mul3A_447 = arith.mulf %mul3A_407, %mul3A_407 : vector<16xf32>
        %mul3A_448 = arith.mulf %mul3A_410, %mul3A_410 : vector<16xf32>
        %mul3A_449 = arith.mulf %mul3A_413, %mul3A_413 : vector<16xf32>
        %mul3A_450 = arith.mulf %mul3A_416, %mul3A_416 : vector<16xf32>
        %mul3A_451 = arith.mulf %mul3A_419, %mul3A_419 : vector<16xf32>
        %add3A_452 = arith.addf %mul3A_444, %mul3A_445 : vector<16xf32>
        %add3A_453 = arith.addf %mul3A_446, %mul3A_447 : vector<16xf32>
        %add3A_454 = arith.addf %add3A_452, %add3A_453 : vector<16xf32>
        %add3A_455 = arith.addf %scan3A_320, %add3A_454 : vector<16xf32>
        %add3A_456 = arith.addf %mul3A_448, %mul3A_449 : vector<16xf32>
        %add3A_457 = arith.addf %mul3A_450, %mul3A_451 : vector<16xf32>
        %add3A_458 = arith.addf %add3A_456, %add3A_457 : vector<16xf32>
        %add3A_459 = arith.addf %scan3A_321, %add3A_458 : vector<16xf32>
        %mul3A_460 = arith.mulf %scan3A_322, %mul3A_219 : vector<16xf32>
        %add3A_461 = arith.constant 2056 : i32
        %add3A_462 = vector.broadcast %add3A_461 : i32 to vector<16xi32>
        %add3A_463 = arith.addi %scan3A_323, %add3A_462 : vector<16xi32>
        %add3A_464 = arith.constant 2056 : i32
        %add3A_465 = arith.addi %scan3A_324, %add3A_464 : i32
        %add3A_466 = arith.constant 8 : i32
        %add3A_467 = vector.broadcast %add3A_466 : i32 to vector<16xi32>
        %add3A_468 = arith.addi %scan3A_325, %add3A_467 : vector<16xi32>
        scf.yield %add3A_455, %add3A_459, %mul3A_460, %add3A_463, %add3A_465, %add3A_468 : vector<16xf32>, vector<16xf32>, vector<16xf32>, vector<16xi32>, i32, vector<16xi32>
      }
      %scan3A_267 = arith.constant 8 : i32
      %add3A_268 = arith.addf %scan3A_266#0, %scan3A_266#1 : vector<16xf32>
      %mul3A_269 = arith.constant 1.562500e-02 : f32
      %mul3A_270 = vector.broadcast %mul3A_269 : f32 to vector<16xf32>
      %mul3A_271 = arith.mulf %add3A_268, %mul3A_270 : vector<16xf32>
      %add3A_272 = arith.constant 9.99999974E-6 : f32
      %add3A_273 = vector.broadcast %add3A_272 : f32 to vector<16xf32>
      %add3A_274 = arith.addf %mul3A_271, %add3A_273 : vector<16xf32>
      %bitcast3A = vector.bitcast %add3A_274 : vector<16xf32> to vector<16xi32>
      %shift_right_arithmetic3A = arith.constant 1 : i32
      %shift_right_arithmetic3A_275 = vector.broadcast %shift_right_arithmetic3A : i32 to vector<16xi32>
      %shift_right_arithmetic3A_276 = arith.shrsi %bitcast3A, %shift_right_arithmetic3A_275 : vector<16xi32>
      %sub3A_277 = arith.constant 1597463007 : i32
      %sub3A_278 = vector.broadcast %sub3A_277 : i32 to vector<16xi32>
      %sub3A_279 = arith.subi %sub3A_278, %shift_right_arithmetic3A_276 : vector<16xi32>
      %bitcast3A_280 = vector.bitcast %sub3A_279 : vector<16xi32> to vector<16xf32>
      %mul3A_281 = arith.constant 5.000000e-01 : f32
      %mul3A_282 = vector.broadcast %mul3A_281 : f32 to vector<16xf32>
      %mul3A_283 = arith.mulf %mul3A_282, %add3A_274 : vector<16xf32>
      %mul3A_284 = arith.mulf %mul3A_283, %bitcast3A_280 : vector<16xf32>
      %mul3A_285 = arith.mulf %mul3A_284, %bitcast3A_280 : vector<16xf32>
      %sub3A_286 = arith.constant 1.500000e+00 : f32
      %sub3A_287 = vector.broadcast %sub3A_286 : f32 to vector<16xf32>
      %sub3A_288 = arith.subf %sub3A_287, %mul3A_285 : vector<16xf32>
      %mul3A_289 = arith.mulf %bitcast3A_280, %sub3A_288 : vector<16xf32>
      %mul3A_290 = arith.constant 5.000000e-01 : f32
      %mul3A_291 = vector.broadcast %mul3A_290 : f32 to vector<16xf32>
      %mul3A_292 = arith.mulf %mul3A_291, %add3A_274 : vector<16xf32>
      %mul3A_293 = arith.mulf %mul3A_292, %mul3A_289 : vector<16xf32>
      %mul3A_294 = arith.mulf %mul3A_293, %mul3A_289 : vector<16xf32>
      %sub3A_295 = arith.constant 1.500000e+00 : f32
      %sub3A_296 = vector.broadcast %sub3A_295 : f32 to vector<16xf32>
      %sub3A_297 = arith.subf %sub3A_296, %mul3A_294 : vector<16xf32>
      %mul3A_298 = arith.mulf %mul3A_289, %sub3A_297 : vector<16xf32>
      %mul3A_299 = arith.constant 5.000000e-01 : f32
      %mul3A_300 = vector.broadcast %mul3A_299 : f32 to vector<16xf32>
      %mul3A_301 = arith.mulf %mul3A_300, %add3A_274 : vector<16xf32>
      %mul3A_302 = arith.mulf %mul3A_301, %mul3A_298 : vector<16xf32>
      %mul3A_303 = arith.mulf %mul3A_302, %mul3A_298 : vector<16xf32>
      %sub3A_304 = arith.constant 1.500000e+00 : f32
      %sub3A_305 = vector.broadcast %sub3A_304 : f32 to vector<16xf32>
      %sub3A_306 = arith.subf %sub3A_305, %mul3A_303 : vector<16xf32>
      %mul3A_307 = arith.mulf %mul3A_298, %sub3A_306 : vector<16xf32>
      %mul3A_308 = arith.constant 5.000000e-01 : f32
      %mul3A_309 = vector.broadcast %mul3A_308 : f32 to vector<16xf32>
      %mul3A_310 = arith.mulf %mul3A_309, %add3A_274 : vector<16xf32>
      %mul3A_311 = arith.mulf %mul3A_310, %mul3A_307 : vector<16xf32>
      %mul3A_312 = arith.mulf %mul3A_311, %mul3A_307 : vector<16xf32>
      %sub3A_313 = arith.constant 1.500000e+00 : f32
      %sub3A_314 = vector.broadcast %sub3A_313 : f32 to vector<16xf32>
      %sub3A_315 = arith.subf %sub3A_314, %mul3A_312 : vector<16xf32>
      %mul3A_316 = arith.mulf %mul3A_307, %sub3A_315 : vector<16xf32>
      %swap3A = arith.index_cast %mul3A_185 : i32 to index
      %swap3A_317 = tpu.vector_load %arg10[%swap3A] {strides = array<i32>} : memref<256xf32, #tpu.memory_space<vmem>>, vector<16xf32>,
      tpu.vector_store %arg10[%swap3A], %mul3A_316 {strides = array<i32>} : memref<256xf32, #tpu.memory_space<vmem>>, vector<16xf32>,
      %scan3A_318 = arith.constant 0 : i32
      scf.yield %scan3A_318 : i32
    }
    %scan3A_73 = arith.constant 16 : i32
    %scan3A_74 = arith.constant 0 : i32
    %scan3A_75 = arith.constant 0 : i32
    %scan3A_76 = arith.constant 4 : i32
    %scan3A_77 = arith.addi %scan3A_75, %scan3A_76 : i32
    %scan3A_78 = arith.constant 1 : i32
    %scan3A_79 = scf.for %scan3A_182 = %scan3A_75 to %scan3A_77 step %scan3A_78 iter_args(%scan3A_183 = %scan3A_74) -> (i32)  : i32 {
      %mul3A_184 = arith.constant 16 : i32
      %mul3A_185 = arith.muli %scan3A_182, %mul3A_184 : i32
      %get3A = arith.index_cast %mul3A_185 : i32 to index
      %get3A_186 = tpu.vector_load %arg10[%get3A] {strides = array<i32>} : memref<256xf32, #tpu.memory_space<vmem>>, vector<16xf32>,
      %slice3A = vector.extract_strided_slice %get3A_186 {offsets = [0], sizes = [1], strides = [1]} : vector<16xf32> to vector<1xf32>
      %squeeze3A = vector.extract %slice3A[0] : f32 from vector<1xf32>
      %slice3A_187 = vector.extract_strided_slice %get3A_186 {offsets = [1], sizes = [1], strides = [1]} : vector<16xf32> to vector<1xf32>
      %squeeze3A_188 = vector.extract %slice3A_187[0] : f32 from vector<1xf32>
      %add3A_189 = arith.constant 0 : i32
      %add3A_190 = arith.addi %mul3A_185, %add3A_189 : i32
      %mul3A_191 = arith.constant 65 : i32
      %mul3A_192 = arith.muli %add3A_190, %mul3A_191 : i32
      %add3A_193 = arith.constant 0 : i32
      %add3A_194 = arith.addi %mul3A_185, %add3A_193 : i32
      %add3A_195 = arith.constant 1 : i32
      %add3A_196 = arith.addi %add3A_194, %add3A_195 : i32
      %mul3A_197 = arith.constant 65 : i32
      %mul3A_198 = arith.muli %add3A_196, %mul3A_197 : i32
      %add3A_199 = arith.constant 0 : i32
      %add3A_200 = arith.addi %mul3A_185, %add3A_199 : i32
      %mul3A_201 = arith.constant 64 : i32
      %mul3A_202 = arith.muli %add3A_200, %mul3A_201 : i32
      %add3A_203 = arith.constant 0 : i32
      %add3A_204 = arith.addi %mul3A_185, %add3A_203 : i32
      %add3A_205 = arith.constant 1 : i32
      %add3A_206 = arith.addi %add3A_204, %add3A_205 : i32
      %mul3A_207 = arith.constant 64 : i32
      %mul3A_208 = arith.muli %add3A_206, %mul3A_207 : i32
      %add3A_209 = arith.constant 0 : i32
      %add3A_210 = arith.addi %mul3A_192, %add3A_209 : i32
      %add3A_211 = vector.broadcast %add3A_210 : i32 to vector<16xi32>
      %add3A_212 = arith.addi %iota3A, %add3A_211 : vector<16xi32>
      %gather3A = tpu.vector_load_idx %arg7[%add3A_212] : memref<16640xf32, #tpu.memory_space<vmem>>[vector<16xi32>], vector<16xf32>,
      %add3A_213 = arith.constant 16 : i32
      %add3A_214 = arith.addi %mul3A_192, %add3A_213 : i32
      %add3A_215 = vector.broadcast %add3A_214 : i32 to vector<16xi32>
      %add3A_216 = arith.addi %iota3A, %add3A_215 : vector<16xi32>
      %gather3A_217 = tpu.vector_load_idx %arg7[%add3A_216] : memref<16640xf32, #tpu.memory_space<vmem>>[vector<16xi32>], vector<16xf32>,
      %add3A_218 = arith.constant 32 : i32
      %add3A_219 = arith.addi %mul3A_192, %add3A_218 : i32
      %add3A_220 = vector.broadcast %add3A_219 : i32 to vector<16xi32>
      %add3A_221 = arith.addi %iota3A, %add3A_220 : vector<16xi32>
      %gather3A_222 = tpu.vector_load_idx %arg7[%add3A_221] : memref<16640xf32, #tpu.memory_space<vmem>>[vector<16xi32>], vector<16xf32>,
      %add3A_223 = arith.constant 48 : i32
      %add3A_224 = arith.addi %mul3A_192, %add3A_223 : i32
      %add3A_225 = vector.broadcast %add3A_224 : i32 to vector<16xi32>
      %add3A_226 = arith.addi %iota3A, %add3A_225 : vector<16xi32>
      %gather3A_227 = tpu.vector_load_idx %arg7[%add3A_226] : memref<16640xf32, #tpu.memory_space<vmem>>[vector<16xi32>], vector<16xf32>,
      %add3A_228 = arith.constant 0 : i32
      %add3A_229 = arith.addi %mul3A_198, %add3A_228 : i32
      %add3A_230 = vector.broadcast %add3A_229 : i32 to vector<16xi32>
      %add3A_231 = arith.addi %iota3A, %add3A_230 : vector<16xi32>
      %gather3A_232 = tpu.vector_load_idx %arg7[%add3A_231] : memref<16640xf32, #tpu.memory_space<vmem>>[vector<16xi32>], vector<16xf32>,
      %add3A_233 = arith.constant 16 : i32
      %add3A_234 = arith.addi %mul3A_198, %add3A_233 : i32
      %add3A_235 = vector.broadcast %add3A_234 : i32 to vector<16xi32>
      %add3A_236 = arith.addi %iota3A, %add3A_235 : vector<16xi32>
      %gather3A_237 = tpu.vector_load_idx %arg7[%add3A_236] : memref<16640xf32, #tpu.memory_space<vmem>>[vector<16xi32>], vector<16xf32>,
      %add3A_238 = arith.constant 32 : i32
      %add3A_239 = arith.addi %mul3A_198, %add3A_238 : i32
      %add3A_240 = vector.broadcast %add3A_239 : i32 to vector<16xi32>
      %add3A_241 = arith.addi %iota3A, %add3A_240 : vector<16xi32>
      %gather3A_242 = tpu.vector_load_idx %arg7[%add3A_241] : memref<16640xf32, #tpu.memory_space<vmem>>[vector<16xi32>], vector<16xf32>,
      %add3A_243 = arith.constant 48 : i32
      %add3A_244 = arith.addi %mul3A_198, %add3A_243 : i32
      %add3A_245 = vector.broadcast %add3A_244 : i32 to vector<16xi32>
      %add3A_246 = arith.addi %iota3A, %add3A_245 : vector<16xi32>
      %gather3A_247 = tpu.vector_load_idx %arg7[%add3A_246] : memref<16640xf32, #tpu.memory_space<vmem>>[vector<16xi32>], vector<16xf32>,
      %mul3A_248 = vector.broadcast %squeeze3A : f32 to vector<16xf32>
      %mul3A_249 = arith.mulf %gather3A, %mul3A_248 : vector<16xf32>
      %mul3A_250 = vector.broadcast %squeeze3A : f32 to vector<16xf32>
      %mul3A_251 = arith.mulf %gather3A_217, %mul3A_250 : vector<16xf32>
      %mul3A_252 = vector.broadcast %squeeze3A : f32 to vector<16xf32>
      %mul3A_253 = arith.mulf %gather3A_222, %mul3A_252 : vector<16xf32>
      %mul3A_254 = vector.broadcast %squeeze3A : f32 to vector<16xf32>
      %mul3A_255 = arith.mulf %gather3A_227, %mul3A_254 : vector<16xf32>
      %mul3A_256 = vector.broadcast %squeeze3A_188 : f32 to vector<16xf32>
      %mul3A_257 = arith.mulf %gather3A_232, %mul3A_256 : vector<16xf32>
      %mul3A_258 = vector.broadcast %squeeze3A_188 : f32 to vector<16xf32>
      %mul3A_259 = arith.mulf %gather3A_237, %mul3A_258 : vector<16xf32>
      %mul3A_260 = vector.broadcast %squeeze3A_188 : f32 to vector<16xf32>
      %mul3A_261 = arith.mulf %gather3A_242, %mul3A_260 : vector<16xf32>
      %mul3A_262 = vector.broadcast %squeeze3A_188 : f32 to vector<16xf32>
      %mul3A_263 = arith.mulf %gather3A_247, %mul3A_262 : vector<16xf32>
      %add3A_264 = arith.constant 0 : i32
      %add3A_265 = arith.addi %mul3A_202, %add3A_264 : i32
      %swap3A = arith.index_cast %add3A_265 : i32 to index
      %swap3A_266 = tpu.vector_load %arg8[%swap3A] {strides = array<i32>} : memref<16384xf32, #tpu.memory_space<vmem>>, vector<16xf32>,
      tpu.vector_store %arg8[%swap3A], %mul3A_249 {strides = array<i32>} : memref<16384xf32, #tpu.memory_space<vmem>>, vector<16xf32>,
      %add3A_267 = arith.constant 16 : i32
      %add3A_268 = arith.addi %mul3A_202, %add3A_267 : i32
      %swap3A_269 = arith.index_cast %add3A_268 : i32 to index
      %swap3A_270 = tpu.vector_load %arg8[%swap3A_269] {strides = array<i32>} : memref<16384xf32, #tpu.memory_space<vmem>>, vector<16xf32>,
      tpu.vector_store %arg8[%swap3A_269], %mul3A_251 {strides = array<i32>} : memref<16384xf32, #tpu.memory_space<vmem>>, vector<16xf32>,
      %add3A_271 = arith.constant 32 : i32
      %add3A_272 = arith.addi %mul3A_202, %add3A_271 : i32
      %swap3A_273 = arith.index_cast %add3A_272 : i32 to index
      %swap3A_274 = tpu.vector_load %arg8[%swap3A_273] {strides = array<i32>} : memref<16384xf32, #tpu.memory_space<vmem>>, vector<16xf32>,
      tpu.vector_store %arg8[%swap3A_273], %mul3A_253 {strides = array<i32>} : memref<16384xf32, #tpu.memory_space<vmem>>, vector<16xf32>,
      %add3A_275 = arith.constant 48 : i32
      %add3A_276 = arith.addi %mul3A_202, %add3A_275 : i32
      %swap3A_277 = arith.index_cast %add3A_276 : i32 to index
      %swap3A_278 = tpu.vector_load %arg8[%swap3A_277] {strides = array<i32>} : memref<16384xf32, #tpu.memory_space<vmem>>, vector<16xf32>,
      tpu.vector_store %arg8[%swap3A_277], %mul3A_255 {strides = array<i32>} : memref<16384xf32, #tpu.memory_space<vmem>>, vector<16xf32>,
      %add3A_279 = arith.constant 0 : i32
      %add3A_280 = arith.addi %mul3A_208, %add3A_279 : i32
      %swap3A_281 = arith.index_cast %add3A_280 : i32 to index
      %swap3A_282 = tpu.vector_load %arg8[%swap3A_281] {strides = array<i32>} : memref<16384xf32, #tpu.memory_space<vmem>>, vector<16xf32>,
      tpu.vector_store %arg8[%swap3A_281], %mul3A_257 {strides = array<i32>} : memref<16384xf32, #tpu.memory_space<vmem>>, vector<16xf32>,
      %add3A_283 = arith.constant 16 : i32
      %add3A_284 = arith.addi %mul3A_208, %add3A_283 : i32
      %swap3A_285 = arith.index_cast %add3A_284 : i32 to index
      %swap3A_286 = tpu.vector_load %arg8[%swap3A_285] {strides = array<i32>} : memref<16384xf32, #tpu.memory_space<vmem>>, vector<16xf32>,
      tpu.vector_store %arg8[%swap3A_285], %mul3A_259 {strides = array<i32>} : memref<16384xf32, #tpu.memory_space<vmem>>, vector<16xf32>,
      %add3A_287 = arith.constant 32 : i32
      %add3A_288 = arith.addi %mul3A_208, %add3A_287 : i32
      %swap3A_289 = arith.index_cast %add3A_288 : i32 to index
      %swap3A_290 = tpu.vector_load %arg8[%swap3A_289] {strides = array<i32>} : memref<16384xf32, #tpu.memory_space<vmem>>, vector<16xf32>,
      tpu.vector_store %arg8[%swap3A_289], %mul3A_261 {strides = array<i32>} : memref<16384xf32, #tpu.memory_space<vmem>>, vector<16xf32>,
      %add3A_291 = arith.constant 48 : i32
      %add3A_292 = arith.addi %mul3A_208, %add3A_291 : i32
      %swap3A_293 = arith.index_cast %add3A_292 : i32 to index
      %swap3A_294 = tpu.vector_load %arg8[%swap3A_293] {strides = array<i32>} : memref<16384xf32, #tpu.memory_space<vmem>>, vector<16xf32>,
      tpu.vector_store %arg8[%swap3A_293], %mul3A_263 {strides = array<i32>} : memref<16384xf32, #tpu.memory_space<vmem>>, vector<16xf32>,
      %slice3A_295 = vector.extract_strided_slice %get3A_186 {offsets = [2], sizes = [1], strides = [1]} : vector<16xf32> to vector<1xf32>
      %squeeze3A_296 = vector.extract %slice3A_295[0] : f32 from vector<1xf32>
      %slice3A_297 = vector.extract_strided_slice %get3A_186 {offsets = [3], sizes = [1], strides = [1]} : vector<16xf32> to vector<1xf32>
      %squeeze3A_298 = vector.extract %slice3A_297[0] : f32 from vector<1xf32>
      %add3A_299 = arith.constant 2 : i32
      %add3A_300 = arith.addi %mul3A_185, %add3A_299 : i32
      %mul3A_301 = arith.constant 65 : i32
      %mul3A_302 = arith.muli %add3A_300, %mul3A_301 : i32
      %add3A_303 = arith.constant 2 : i32
      %add3A_304 = arith.addi %mul3A_185, %add3A_303 : i32
      %add3A_305 = arith.constant 1 : i32
      %add3A_306 = arith.addi %add3A_304, %add3A_305 : i32
      %mul3A_307 = arith.constant 65 : i32
      %mul3A_308 = arith.muli %add3A_306, %mul3A_307 : i32
      %add3A_309 = arith.constant 2 : i32
      %add3A_310 = arith.addi %mul3A_185, %add3A_309 : i32
      %mul3A_311 = arith.constant 64 : i32
      %mul3A_312 = arith.muli %add3A_310, %mul3A_311 : i32
      %add3A_313 = arith.constant 2 : i32
      %add3A_314 = arith.addi %mul3A_185, %add3A_313 : i32
      %add3A_315 = arith.constant 1 : i32
      %add3A_316 = arith.addi %add3A_314, %add3A_315 : i32
      %mul3A_317 = arith.constant 64 : i32
      %mul3A_318 = arith.muli %add3A_316, %mul3A_317 : i32
      %add3A_319 = arith.constant 0 : i32
      %add3A_320 = arith.addi %mul3A_302, %add3A_319 : i32
      %add3A_321 = vector.broadcast %add3A_320 : i32 to vector<16xi32>
      %add3A_322 = arith.addi %iota3A, %add3A_321 : vector<16xi32>
      %gather3A_323 = tpu.vector_load_idx %arg7[%add3A_322] : memref<16640xf32, #tpu.memory_space<vmem>>[vector<16xi32>], vector<16xf32>,
      %add3A_324 = arith.constant 16 : i32
      %add3A_325 = arith.addi %mul3A_302, %add3A_324 : i32
      %add3A_326 = vector.broadcast %add3A_325 : i32 to vector<16xi32>
      %add3A_327 = arith.addi %iota3A, %add3A_326 : vector<16xi32>
      %gather3A_328 = tpu.vector_load_idx %arg7[%add3A_327] : memref<16640xf32, #tpu.memory_space<vmem>>[vector<16xi32>], vector<16xf32>,
      %add3A_329 = arith.constant 32 : i32
      %add3A_330 = arith.addi %mul3A_302, %add3A_329 : i32
      %add3A_331 = vector.broadcast %add3A_330 : i32 to vector<16xi32>
      %add3A_332 = arith.addi %iota3A, %add3A_331 : vector<16xi32>
      %gather3A_333 = tpu.vector_load_idx %arg7[%add3A_332] : memref<16640xf32, #tpu.memory_space<vmem>>[vector<16xi32>], vector<16xf32>,
      %add3A_334 = arith.constant 48 : i32
      %add3A_335 = arith.addi %mul3A_302, %add3A_334 : i32
      %add3A_336 = vector.broadcast %add3A_335 : i32 to vector<16xi32>
      %add3A_337 = arith.addi %iota3A, %add3A_336 : vector<16xi32>
      %gather3A_338 = tpu.vector_load_idx %arg7[%add3A_337] : memref<16640xf32, #tpu.memory_space<vmem>>[vector<16xi32>], vector<16xf32>,
      %add3A_339 = arith.constant 0 : i32
      %add3A_340 = arith.addi %mul3A_308, %add3A_339 : i32
      %add3A_341 = vector.broadcast %add3A_340 : i32 to vector<16xi32>
      %add3A_342 = arith.addi %iota3A, %add3A_341 : vector<16xi32>
      %gather3A_343 = tpu.vector_load_idx %arg7[%add3A_342] : memref<16640xf32, #tpu.memory_space<vmem>>[vector<16xi32>], vector<16xf32>,
      %add3A_344 = arith.constant 16 : i32
      %add3A_345 = arith.addi %mul3A_308, %add3A_344 : i32
      %add3A_346 = vector.broadcast %add3A_345 : i32 to vector<16xi32>
      %add3A_347 = arith.addi %iota3A, %add3A_346 : vector<16xi32>
      %gather3A_348 = tpu.vector_load_idx %arg7[%add3A_347] : memref<16640xf32, #tpu.memory_space<vmem>>[vector<16xi32>], vector<16xf32>,
      %add3A_349 = arith.constant 32 : i32
      %add3A_350 = arith.addi %mul3A_308, %add3A_349 : i32
      %add3A_351 = vector.broadcast %add3A_350 : i32 to vector<16xi32>
      %add3A_352 = arith.addi %iota3A, %add3A_351 : vector<16xi32>
      %gather3A_353 = tpu.vector_load_idx %arg7[%add3A_352] : memref<16640xf32, #tpu.memory_space<vmem>>[vector<16xi32>], vector<16xf32>,
      %add3A_354 = arith.constant 48 : i32
      %add3A_355 = arith.addi %mul3A_308, %add3A_354 : i32
      %add3A_356 = vector.broadcast %add3A_355 : i32 to vector<16xi32>
      %add3A_357 = arith.addi %iota3A, %add3A_356 : vector<16xi32>
      %gather3A_358 = tpu.vector_load_idx %arg7[%add3A_357] : memref<16640xf32, #tpu.memory_space<vmem>>[vector<16xi32>], vector<16xf32>,
      %mul3A_359 = vector.broadcast %squeeze3A_296 : f32 to vector<16xf32>
      %mul3A_360 = arith.mulf %gather3A_323, %mul3A_359 : vector<16xf32>
      %mul3A_361 = vector.broadcast %squeeze3A_296 : f32 to vector<16xf32>
      %mul3A_362 = arith.mulf %gather3A_328, %mul3A_361 : vector<16xf32>
      %mul3A_363 = vector.broadcast %squeeze3A_296 : f32 to vector<16xf32>
      %mul3A_364 = arith.mulf %gather3A_333, %mul3A_363 : vector<16xf32>
      %mul3A_365 = vector.broadcast %squeeze3A_296 : f32 to vector<16xf32>
      %mul3A_366 = arith.mulf %gather3A_338, %mul3A_365 : vector<16xf32>
      %mul3A_367 = vector.broadcast %squeeze3A_298 : f32 to vector<16xf32>
      %mul3A_368 = arith.mulf %gather3A_343, %mul3A_367 : vector<16xf32>
      %mul3A_369 = vector.broadcast %squeeze3A_298 : f32 to vector<16xf32>
      %mul3A_370 = arith.mulf %gather3A_348, %mul3A_369 : vector<16xf32>
      %mul3A_371 = vector.broadcast %squeeze3A_298 : f32 to vector<16xf32>
      %mul3A_372 = arith.mulf %gather3A_353, %mul3A_371 : vector<16xf32>
      %mul3A_373 = vector.broadcast %squeeze3A_298 : f32 to vector<16xf32>
      %mul3A_374 = arith.mulf %gather3A_358, %mul3A_373 : vector<16xf32>
      %add3A_375 = arith.constant 0 : i32
      %add3A_376 = arith.addi %mul3A_312, %add3A_375 : i32
      %swap3A_377 = arith.index_cast %add3A_376 : i32 to index
      %swap3A_378 = tpu.vector_load %arg8[%swap3A_377] {strides = array<i32>} : memref<16384xf32, #tpu.memory_space<vmem>>, vector<16xf32>,
      tpu.vector_store %arg8[%swap3A_377], %mul3A_360 {strides = array<i32>} : memref<16384xf32, #tpu.memory_space<vmem>>, vector<16xf32>,
      %add3A_379 = arith.constant 16 : i32
      %add3A_380 = arith.addi %mul3A_312, %add3A_379 : i32
      %swap3A_381 = arith.index_cast %add3A_380 : i32 to index
      %swap3A_382 = tpu.vector_load %arg8[%swap3A_381] {strides = array<i32>} : memref<16384xf32, #tpu.memory_space<vmem>>, vector<16xf32>,
      tpu.vector_store %arg8[%swap3A_381], %mul3A_362 {strides = array<i32>} : memref<16384xf32, #tpu.memory_space<vmem>>, vector<16xf32>,
      %add3A_383 = arith.constant 32 : i32
      %add3A_384 = arith.addi %mul3A_312, %add3A_383 : i32
      %swap3A_385 = arith.index_cast %add3A_384 : i32 to index
      %swap3A_386 = tpu.vector_load %arg8[%swap3A_385] {strides = array<i32>} : memref<16384xf32, #tpu.memory_space<vmem>>, vector<16xf32>,
      tpu.vector_store %arg8[%swap3A_385], %mul3A_364 {strides = array<i32>} : memref<16384xf32, #tpu.memory_space<vmem>>, vector<16xf32>,
      %add3A_387 = arith.constant 48 : i32
      %add3A_388 = arith.addi %mul3A_312, %add3A_387 : i32
      %swap3A_389 = arith.index_cast %add3A_388 : i32 to index
      %swap3A_390 = tpu.vector_load %arg8[%swap3A_389] {strides = array<i32>} : memref<16384xf32, #tpu.memory_space<vmem>>, vector<16xf32>,
      tpu.vector_store %arg8[%swap3A_389], %mul3A_366 {strides = array<i32>} : memref<16384xf32, #tpu.memory_space<vmem>>, vector<16xf32>,
      %add3A_391 = arith.constant 0 : i32
      %add3A_392 = arith.addi %mul3A_318, %add3A_391 : i32
      %swap3A_393 = arith.index_cast %add3A_392 : i32 to index
      %swap3A_394 = tpu.vector_load %arg8[%swap3A_393] {strides = array<i32>} : memref<16384xf32, #tpu.memory_space<vmem>>, vector<16xf32>,
      tpu.vector_store %arg8[%swap3A_393], %mul3A_368 {strides = array<i32>} : memref<16384xf32, #tpu.memory_space<vmem>>, vector<16xf32>,
      %add3A_395 = arith.constant 16 : i32
      %add3A_396 = arith.addi %mul3A_318, %add3A_395 : i32
      %swap3A_397 = arith.index_cast %add3A_396 : i32 to index
      %swap3A_398 = tpu.vector_load %arg8[%swap3A_397] {strides = array<i32>} : memref<16384xf32, #tpu.memory_space<vmem>>, vector<16xf32>,
      tpu.vector_store %arg8[%swap3A_397], %mul3A_370 {strides = array<i32>} : memref<16384xf32, #tpu.memory_space<vmem>>, vector<16xf32>,
      %add3A_399 = arith.constant 32 : i32
      %add3A_400 = arith.addi %mul3A_318, %add3A_399 : i32
      %swap3A_401 = arith.index_cast %add3A_400 : i32 to index
      %swap3A_402 = tpu.vector_load %arg8[%swap3A_401] {strides = array<i32>} : memref<16384xf32, #tpu.memory_space<vmem>>, vector<16xf32>,
      tpu.vector_store %arg8[%swap3A_401], %mul3A_372 {strides = array<i32>} : memref<16384xf32, #tpu.memory_space<vmem>>, vector<16xf32>,
      %add3A_403 = arith.constant 48 : i32
      %add3A_404 = arith.addi %mul3A_318, %add3A_403 : i32
      %swap3A_405 = arith.index_cast %add3A_404 : i32 to index
      %swap3A_406 = tpu.vector_load %arg8[%swap3A_405] {strides = array<i32>} : memref<16384xf32, #tpu.memory_space<vmem>>, vector<16xf32>,
      tpu.vector_store %arg8[%swap3A_405], %mul3A_374 {strides = array<i32>} : memref<16384xf32, #tpu.memory_space<vmem>>, vector<16xf32>,
      %slice3A_407 = vector.extract_strided_slice %get3A_186 {offsets = [4], sizes = [1], strides = [1]} : vector<16xf32> to vector<1xf32>
      %squeeze3A_408 = vector.extract %slice3A_407[0] : f32 from vector<1xf32>
      %slice3A_409 = vector.extract_strided_slice %get3A_186 {offsets = [5], sizes = [1], strides = [1]} : vector<16xf32> to vector<1xf32>
      %squeeze3A_410 = vector.extract %slice3A_409[0] : f32 from vector<1xf32>
      %add3A_411 = arith.constant 4 : i32
      %add3A_412 = arith.addi %mul3A_185, %add3A_411 : i32
      %mul3A_413 = arith.constant 65 : i32
      %mul3A_414 = arith.muli %add3A_412, %mul3A_413 : i32
      %add3A_415 = arith.constant 4 : i32
      %add3A_416 = arith.addi %mul3A_185, %add3A_415 : i32
      %add3A_417 = arith.constant 1 : i32
      %add3A_418 = arith.addi %add3A_416, %add3A_417 : i32
      %mul3A_419 = arith.constant 65 : i32
      %mul3A_420 = arith.muli %add3A_418, %mul3A_419 : i32
      %add3A_421 = arith.constant 4 : i32
      %add3A_422 = arith.addi %mul3A_185, %add3A_421 : i32
      %mul3A_423 = arith.constant 64 : i32
      %mul3A_424 = arith.muli %add3A_422, %mul3A_423 : i32
      %add3A_425 = arith.constant 4 : i32
      %add3A_426 = arith.addi %mul3A_185, %add3A_425 : i32
      %add3A_427 = arith.constant 1 : i32
      %add3A_428 = arith.addi %add3A_426, %add3A_427 : i32
      %mul3A_429 = arith.constant 64 : i32
      %mul3A_430 = arith.muli %add3A_428, %mul3A_429 : i32
      %add3A_431 = arith.constant 0 : i32
      %add3A_432 = arith.addi %mul3A_414, %add3A_431 : i32
      %add3A_433 = vector.broadcast %add3A_432 : i32 to vector<16xi32>
      %add3A_434 = arith.addi %iota3A, %add3A_433 : vector<16xi32>
      %gather3A_435 = tpu.vector_load_idx %arg7[%add3A_434] : memref<16640xf32, #tpu.memory_space<vmem>>[vector<16xi32>], vector<16xf32>,
      %add3A_436 = arith.constant 16 : i32
      %add3A_437 = arith.addi %mul3A_414, %add3A_436 : i32
      %add3A_438 = vector.broadcast %add3A_437 : i32 to vector<16xi32>
      %add3A_439 = arith.addi %iota3A, %add3A_438 : vector<16xi32>
      %gather3A_440 = tpu.vector_load_idx %arg7[%add3A_439] : memref<16640xf32, #tpu.memory_space<vmem>>[vector<16xi32>], vector<16xf32>,
      %add3A_441 = arith.constant 32 : i32
      %add3A_442 = arith.addi %mul3A_414, %add3A_441 : i32
      %add3A_443 = vector.broadcast %add3A_442 : i32 to vector<16xi32>
      %add3A_444 = arith.addi %iota3A, %add3A_443 : vector<16xi32>
      %gather3A_445 = tpu.vector_load_idx %arg7[%add3A_444] : memref<16640xf32, #tpu.memory_space<vmem>>[vector<16xi32>], vector<16xf32>,
      %add3A_446 = arith.constant 48 : i32
      %add3A_447 = arith.addi %mul3A_414, %add3A_446 : i32
      %add3A_448 = vector.broadcast %add3A_447 : i32 to vector<16xi32>
      %add3A_449 = arith.addi %iota3A, %add3A_448 : vector<16xi32>
      %gather3A_450 = tpu.vector_load_idx %arg7[%add3A_449] : memref<16640xf32, #tpu.memory_space<vmem>>[vector<16xi32>], vector<16xf32>,
      %add3A_451 = arith.constant 0 : i32
      %add3A_452 = arith.addi %mul3A_420, %add3A_451 : i32
      %add3A_453 = vector.broadcast %add3A_452 : i32 to vector<16xi32>
      %add3A_454 = arith.addi %iota3A, %add3A_453 : vector<16xi32>
      %gather3A_455 = tpu.vector_load_idx %arg7[%add3A_454] : memref<16640xf32, #tpu.memory_space<vmem>>[vector<16xi32>], vector<16xf32>,
      %add3A_456 = arith.constant 16 : i32
      %add3A_457 = arith.addi %mul3A_420, %add3A_456 : i32
      %add3A_458 = vector.broadcast %add3A_457 : i32 to vector<16xi32>
      %add3A_459 = arith.addi %iota3A, %add3A_458 : vector<16xi32>
      %gather3A_460 = tpu.vector_load_idx %arg7[%add3A_459] : memref<16640xf32, #tpu.memory_space<vmem>>[vector<16xi32>], vector<16xf32>,
      %add3A_461 = arith.constant 32 : i32
      %add3A_462 = arith.addi %mul3A_420, %add3A_461 : i32
      %add3A_463 = vector.broadcast %add3A_462 : i32 to vector<16xi32>
      %add3A_464 = arith.addi %iota3A, %add3A_463 : vector<16xi32>
      %gather3A_465 = tpu.vector_load_idx %arg7[%add3A_464] : memref<16640xf32, #tpu.memory_space<vmem>>[vector<16xi32>], vector<16xf32>,
      %add3A_466 = arith.constant 48 : i32
      %add3A_467 = arith.addi %mul3A_420, %add3A_466 : i32
      %add3A_468 = vector.broadcast %add3A_467 : i32 to vector<16xi32>
      %add3A_469 = arith.addi %iota3A, %add3A_468 : vector<16xi32>
      %gather3A_470 = tpu.vector_load_idx %arg7[%add3A_469] : memref<16640xf32, #tpu.memory_space<vmem>>[vector<16xi32>], vector<16xf32>,
      %mul3A_471 = vector.broadcast %squeeze3A_408 : f32 to vector<16xf32>
      %mul3A_472 = arith.mulf %gather3A_435, %mul3A_471 : vector<16xf32>
      %mul3A_473 = vector.broadcast %squeeze3A_408 : f32 to vector<16xf32>
      %mul3A_474 = arith.mulf %gather3A_440, %mul3A_473 : vector<16xf32>
      %mul3A_475 = vector.broadcast %squeeze3A_408 : f32 to vector<16xf32>
      %mul3A_476 = arith.mulf %gather3A_445, %mul3A_475 : vector<16xf32>
      %mul3A_477 = vector.broadcast %squeeze3A_408 : f32 to vector<16xf32>
      %mul3A_478 = arith.mulf %gather3A_450, %mul3A_477 : vector<16xf32>
      %mul3A_479 = vector.broadcast %squeeze3A_410 : f32 to vector<16xf32>
      %mul3A_480 = arith.mulf %gather3A_455, %mul3A_479 : vector<16xf32>
      %mul3A_481 = vector.broadcast %squeeze3A_410 : f32 to vector<16xf32>
      %mul3A_482 = arith.mulf %gather3A_460, %mul3A_481 : vector<16xf32>
      %mul3A_483 = vector.broadcast %squeeze3A_410 : f32 to vector<16xf32>
      %mul3A_484 = arith.mulf %gather3A_465, %mul3A_483 : vector<16xf32>
      %mul3A_485 = vector.broadcast %squeeze3A_410 : f32 to vector<16xf32>
      %mul3A_486 = arith.mulf %gather3A_470, %mul3A_485 : vector<16xf32>
      %add3A_487 = arith.constant 0 : i32
      %add3A_488 = arith.addi %mul3A_424, %add3A_487 : i32
      %swap3A_489 = arith.index_cast %add3A_488 : i32 to index
      %swap3A_490 = tpu.vector_load %arg8[%swap3A_489] {strides = array<i32>} : memref<16384xf32, #tpu.memory_space<vmem>>, vector<16xf32>,
      tpu.vector_store %arg8[%swap3A_489], %mul3A_472 {strides = array<i32>} : memref<16384xf32, #tpu.memory_space<vmem>>, vector<16xf32>,
      %add3A_491 = arith.constant 16 : i32
      %add3A_492 = arith.addi %mul3A_424, %add3A_491 : i32
      %swap3A_493 = arith.index_cast %add3A_492 : i32 to index
      %swap3A_494 = tpu.vector_load %arg8[%swap3A_493] {strides = array<i32>} : memref<16384xf32, #tpu.memory_space<vmem>>, vector<16xf32>,
      tpu.vector_store %arg8[%swap3A_493], %mul3A_474 {strides = array<i32>} : memref<16384xf32, #tpu.memory_space<vmem>>, vector<16xf32>,
      %add3A_495 = arith.constant 32 : i32
      %add3A_496 = arith.addi %mul3A_424, %add3A_495 : i32
      %swap3A_497 = arith.index_cast %add3A_496 : i32 to index
      %swap3A_498 = tpu.vector_load %arg8[%swap3A_497] {strides = array<i32>} : memref<16384xf32, #tpu.memory_space<vmem>>, vector<16xf32>,
      tpu.vector_store %arg8[%swap3A_497], %mul3A_476 {strides = array<i32>} : memref<16384xf32, #tpu.memory_space<vmem>>, vector<16xf32>,
      %add3A_499 = arith.constant 48 : i32
      %add3A_500 = arith.addi %mul3A_424, %add3A_499 : i32
      %swap3A_501 = arith.index_cast %add3A_500 : i32 to index
      %swap3A_502 = tpu.vector_load %arg8[%swap3A_501] {strides = array<i32>} : memref<16384xf32, #tpu.memory_space<vmem>>, vector<16xf32>,
      tpu.vector_store %arg8[%swap3A_501], %mul3A_478 {strides = array<i32>} : memref<16384xf32, #tpu.memory_space<vmem>>, vector<16xf32>,
      %add3A_503 = arith.constant 0 : i32
      %add3A_504 = arith.addi %mul3A_430, %add3A_503 : i32
      %swap3A_505 = arith.index_cast %add3A_504 : i32 to index
      %swap3A_506 = tpu.vector_load %arg8[%swap3A_505] {strides = array<i32>} : memref<16384xf32, #tpu.memory_space<vmem>>, vector<16xf32>,
      tpu.vector_store %arg8[%swap3A_505], %mul3A_480 {strides = array<i32>} : memref<16384xf32, #tpu.memory_space<vmem>>, vector<16xf32>,
      %add3A_507 = arith.constant 16 : i32
      %add3A_508 = arith.addi %mul3A_430, %add3A_507 : i32
      %swap3A_509 = arith.index_cast %add3A_508 : i32 to index
      %swap3A_510 = tpu.vector_load %arg8[%swap3A_509] {strides = array<i32>} : memref<16384xf32, #tpu.memory_space<vmem>>, vector<16xf32>,
      tpu.vector_store %arg8[%swap3A_509], %mul3A_482 {strides = array<i32>} : memref<16384xf32, #tpu.memory_space<vmem>>, vector<16xf32>,
      %add3A_511 = arith.constant 32 : i32
      %add3A_512 = arith.addi %mul3A_430, %add3A_511 : i32
      %swap3A_513 = arith.index_cast %add3A_512 : i32 to index
      %swap3A_514 = tpu.vector_load %arg8[%swap3A_513] {strides = array<i32>} : memref<16384xf32, #tpu.memory_space<vmem>>, vector<16xf32>,
      tpu.vector_store %arg8[%swap3A_513], %mul3A_484 {strides = array<i32>} : memref<16384xf32, #tpu.memory_space<vmem>>, vector<16xf32>,
      %add3A_515 = arith.constant 48 : i32
      %add3A_516 = arith.addi %mul3A_430, %add3A_515 : i32
      %swap3A_517 = arith.index_cast %add3A_516 : i32 to index
      %swap3A_518 = tpu.vector_load %arg8[%swap3A_517] {strides = array<i32>} : memref<16384xf32, #tpu.memory_space<vmem>>, vector<16xf32>,
      tpu.vector_store %arg8[%swap3A_517], %mul3A_486 {strides = array<i32>} : memref<16384xf32, #tpu.memory_space<vmem>>, vector<16xf32>,
      %slice3A_519 = vector.extract_strided_slice %get3A_186 {offsets = [6], sizes = [1], strides = [1]} : vector<16xf32> to vector<1xf32>
      %squeeze3A_520 = vector.extract %slice3A_519[0] : f32 from vector<1xf32>
      %slice3A_521 = vector.extract_strided_slice %get3A_186 {offsets = [7], sizes = [1], strides = [1]} : vector<16xf32> to vector<1xf32>
      %squeeze3A_522 = vector.extract %slice3A_521[0] : f32 from vector<1xf32>
      %add3A_523 = arith.constant 6 : i32
      %add3A_524 = arith.addi %mul3A_185, %add3A_523 : i32
      %mul3A_525 = arith.constant 65 : i32
      %mul3A_526 = arith.muli %add3A_524, %mul3A_525 : i32
      %add3A_527 = arith.constant 6 : i32
      %add3A_528 = arith.addi %mul3A_185, %add3A_527 : i32
      %add3A_529 = arith.constant 1 : i32
      %add3A_530 = arith.addi %add3A_528, %add3A_529 : i32
      %mul3A_531 = arith.constant 65 : i32
      %mul3A_532 = arith.muli %add3A_530, %mul3A_531 : i32
      %add3A_533 = arith.constant 6 : i32
      %add3A_534 = arith.addi %mul3A_185, %add3A_533 : i32
      %mul3A_535 = arith.constant 64 : i32
      %mul3A_536 = arith.muli %add3A_534, %mul3A_535 : i32
      %add3A_537 = arith.constant 6 : i32
      %add3A_538 = arith.addi %mul3A_185, %add3A_537 : i32
      %add3A_539 = arith.constant 1 : i32
      %add3A_540 = arith.addi %add3A_538, %add3A_539 : i32
      %mul3A_541 = arith.constant 64 : i32
      %mul3A_542 = arith.muli %add3A_540, %mul3A_541 : i32
      %add3A_543 = arith.constant 0 : i32
      %add3A_544 = arith.addi %mul3A_526, %add3A_543 : i32
      %add3A_545 = vector.broadcast %add3A_544 : i32 to vector<16xi32>
      %add3A_546 = arith.addi %iota3A, %add3A_545 : vector<16xi32>
      %gather3A_547 = tpu.vector_load_idx %arg7[%add3A_546] : memref<16640xf32, #tpu.memory_space<vmem>>[vector<16xi32>], vector<16xf32>,
      %add3A_548 = arith.constant 16 : i32
      %add3A_549 = arith.addi %mul3A_526, %add3A_548 : i32
      %add3A_550 = vector.broadcast %add3A_549 : i32 to vector<16xi32>
      %add3A_551 = arith.addi %iota3A, %add3A_550 : vector<16xi32>
      %gather3A_552 = tpu.vector_load_idx %arg7[%add3A_551] : memref<16640xf32, #tpu.memory_space<vmem>>[vector<16xi32>], vector<16xf32>,
      %add3A_553 = arith.constant 32 : i32
      %add3A_554 = arith.addi %mul3A_526, %add3A_553 : i32
      %add3A_555 = vector.broadcast %add3A_554 : i32 to vector<16xi32>
      %add3A_556 = arith.addi %iota3A, %add3A_555 : vector<16xi32>
      %gather3A_557 = tpu.vector_load_idx %arg7[%add3A_556] : memref<16640xf32, #tpu.memory_space<vmem>>[vector<16xi32>], vector<16xf32>,
      %add3A_558 = arith.constant 48 : i32
      %add3A_559 = arith.addi %mul3A_526, %add3A_558 : i32
      %add3A_560 = vector.broadcast %add3A_559 : i32 to vector<16xi32>
      %add3A_561 = arith.addi %iota3A, %add3A_560 : vector<16xi32>
      %gather3A_562 = tpu.vector_load_idx %arg7[%add3A_561] : memref<16640xf32, #tpu.memory_space<vmem>>[vector<16xi32>], vector<16xf32>,
      %add3A_563 = arith.constant 0 : i32
      %add3A_564 = arith.addi %mul3A_532, %add3A_563 : i32
      %add3A_565 = vector.broadcast %add3A_564 : i32 to vector<16xi32>
      %add3A_566 = arith.addi %iota3A, %add3A_565 : vector<16xi32>
      %gather3A_567 = tpu.vector_load_idx %arg7[%add3A_566] : memref<16640xf32, #tpu.memory_space<vmem>>[vector<16xi32>], vector<16xf32>,
      %add3A_568 = arith.constant 16 : i32
      %add3A_569 = arith.addi %mul3A_532, %add3A_568 : i32
      %add3A_570 = vector.broadcast %add3A_569 : i32 to vector<16xi32>
      %add3A_571 = arith.addi %iota3A, %add3A_570 : vector<16xi32>
      %gather3A_572 = tpu.vector_load_idx %arg7[%add3A_571] : memref<16640xf32, #tpu.memory_space<vmem>>[vector<16xi32>], vector<16xf32>,
      %add3A_573 = arith.constant 32 : i32
      %add3A_574 = arith.addi %mul3A_532, %add3A_573 : i32
      %add3A_575 = vector.broadcast %add3A_574 : i32 to vector<16xi32>
      %add3A_576 = arith.addi %iota3A, %add3A_575 : vector<16xi32>
      %gather3A_577 = tpu.vector_load_idx %arg7[%add3A_576] : memref<16640xf32, #tpu.memory_space<vmem>>[vector<16xi32>], vector<16xf32>,
      %add3A_578 = arith.constant 48 : i32
      %add3A_579 = arith.addi %mul3A_532, %add3A_578 : i32
      %add3A_580 = vector.broadcast %add3A_579 : i32 to vector<16xi32>
      %add3A_581 = arith.addi %iota3A, %add3A_580 : vector<16xi32>
      %gather3A_582 = tpu.vector_load_idx %arg7[%add3A_581] : memref<16640xf32, #tpu.memory_space<vmem>>[vector<16xi32>], vector<16xf32>,
      %mul3A_583 = vector.broadcast %squeeze3A_520 : f32 to vector<16xf32>
      %mul3A_584 = arith.mulf %gather3A_547, %mul3A_583 : vector<16xf32>
      %mul3A_585 = vector.broadcast %squeeze3A_520 : f32 to vector<16xf32>
      %mul3A_586 = arith.mulf %gather3A_552, %mul3A_585 : vector<16xf32>
      %mul3A_587 = vector.broadcast %squeeze3A_520 : f32 to vector<16xf32>
      %mul3A_588 = arith.mulf %gather3A_557, %mul3A_587 : vector<16xf32>
      %mul3A_589 = vector.broadcast %squeeze3A_520 : f32 to vector<16xf32>
      %mul3A_590 = arith.mulf %gather3A_562, %mul3A_589 : vector<16xf32>
      %mul3A_591 = vector.broadcast %squeeze3A_522 : f32 to vector<16xf32>
      %mul3A_592 = arith.mulf %gather3A_567, %mul3A_591 : vector<16xf32>
      %mul3A_593 = vector.broadcast %squeeze3A_522 : f32 to vector<16xf32>
      %mul3A_594 = arith.mulf %gather3A_572, %mul3A_593 : vector<16xf32>
      %mul3A_595 = vector.broadcast %squeeze3A_522 : f32 to vector<16xf32>
      %mul3A_596 = arith.mulf %gather3A_577, %mul3A_595 : vector<16xf32>
      %mul3A_597 = vector.broadcast %squeeze3A_522 : f32 to vector<16xf32>
      %mul3A_598 = arith.mulf %gather3A_582, %mul3A_597 : vector<16xf32>
      %add3A_599 = arith.constant 0 : i32
      %add3A_600 = arith.addi %mul3A_536, %add3A_599 : i32
      %swap3A_601 = arith.index_cast %add3A_600 : i32 to index
      %swap3A_602 = tpu.vector_load %arg8[%swap3A_601] {strides = array<i32>} : memref<16384xf32, #tpu.memory_space<vmem>>, vector<16xf32>,
      tpu.vector_store %arg8[%swap3A_601], %mul3A_584 {strides = array<i32>} : memref<16384xf32, #tpu.memory_space<vmem>>, vector<16xf32>,
      %add3A_603 = arith.constant 16 : i32
      %add3A_604 = arith.addi %mul3A_536, %add3A_603 : i32
      %swap3A_605 = arith.index_cast %add3A_604 : i32 to index
      %swap3A_606 = tpu.vector_load %arg8[%swap3A_605] {strides = array<i32>} : memref<16384xf32, #tpu.memory_space<vmem>>, vector<16xf32>,
      tpu.vector_store %arg8[%swap3A_605], %mul3A_586 {strides = array<i32>} : memref<16384xf32, #tpu.memory_space<vmem>>, vector<16xf32>,
      %add3A_607 = arith.constant 32 : i32
      %add3A_608 = arith.addi %mul3A_536, %add3A_607 : i32
      %swap3A_609 = arith.index_cast %add3A_608 : i32 to index
      %swap3A_610 = tpu.vector_load %arg8[%swap3A_609] {strides = array<i32>} : memref<16384xf32, #tpu.memory_space<vmem>>, vector<16xf32>,
      tpu.vector_store %arg8[%swap3A_609], %mul3A_588 {strides = array<i32>} : memref<16384xf32, #tpu.memory_space<vmem>>, vector<16xf32>,
      %add3A_611 = arith.constant 48 : i32
      %add3A_612 = arith.addi %mul3A_536, %add3A_611 : i32
      %swap3A_613 = arith.index_cast %add3A_612 : i32 to index
      %swap3A_614 = tpu.vector_load %arg8[%swap3A_613] {strides = array<i32>} : memref<16384xf32, #tpu.memory_space<vmem>>, vector<16xf32>,
      tpu.vector_store %arg8[%swap3A_613], %mul3A_590 {strides = array<i32>} : memref<16384xf32, #tpu.memory_space<vmem>>, vector<16xf32>,
      %add3A_615 = arith.constant 0 : i32
      %add3A_616 = arith.addi %mul3A_542, %add3A_615 : i32
      %swap3A_617 = arith.index_cast %add3A_616 : i32 to index
      %swap3A_618 = tpu.vector_load %arg8[%swap3A_617] {strides = array<i32>} : memref<16384xf32, #tpu.memory_space<vmem>>, vector<16xf32>,
      tpu.vector_store %arg8[%swap3A_617], %mul3A_592 {strides = array<i32>} : memref<16384xf32, #tpu.memory_space<vmem>>, vector<16xf32>,
      %add3A_619 = arith.constant 16 : i32
      %add3A_620 = arith.addi %mul3A_542, %add3A_619 : i32
      %swap3A_621 = arith.index_cast %add3A_620 : i32 to index
      %swap3A_622 = tpu.vector_load %arg8[%swap3A_621] {strides = array<i32>} : memref<16384xf32, #tpu.memory_space<vmem>>, vector<16xf32>,
      tpu.vector_store %arg8[%swap3A_621], %mul3A_594 {strides = array<i32>} : memref<16384xf32, #tpu.memory_space<vmem>>, vector<16xf32>,
      %add3A_623 = arith.constant 32 : i32
      %add3A_624 = arith.addi %mul3A_542, %add3A_623 : i32
      %swap3A_625 = arith.index_cast %add3A_624 : i32 to index
      %swap3A_626 = tpu.vector_load %arg8[%swap3A_625] {strides = array<i32>} : memref<16384xf32, #tpu.memory_space<vmem>>, vector<16xf32>,
      tpu.vector_store %arg8[%swap3A_625], %mul3A_596 {strides = array<i32>} : memref<16384xf32, #tpu.memory_space<vmem>>, vector<16xf32>,
      %add3A_627 = arith.constant 48 : i32
      %add3A_628 = arith.addi %mul3A_542, %add3A_627 : i32
      %swap3A_629 = arith.index_cast %add3A_628 : i32 to index
      %swap3A_630 = tpu.vector_load %arg8[%swap3A_629] {strides = array<i32>} : memref<16384xf32, #tpu.memory_space<vmem>>, vector<16xf32>,
      tpu.vector_store %arg8[%swap3A_629], %mul3A_598 {strides = array<i32>} : memref<16384xf32, #tpu.memory_space<vmem>>, vector<16xf32>,
      %slice3A_631 = vector.extract_strided_slice %get3A_186 {offsets = [8], sizes = [1], strides = [1]} : vector<16xf32> to vector<1xf32>
      %squeeze3A_632 = vector.extract %slice3A_631[0] : f32 from vector<1xf32>
      %slice3A_633 = vector.extract_strided_slice %get3A_186 {offsets = [9], sizes = [1], strides = [1]} : vector<16xf32> to vector<1xf32>
      %squeeze3A_634 = vector.extract %slice3A_633[0] : f32 from vector<1xf32>
      %add3A_635 = arith.constant 8 : i32
      %add3A_636 = arith.addi %mul3A_185, %add3A_635 : i32
      %mul3A_637 = arith.constant 65 : i32
      %mul3A_638 = arith.muli %add3A_636, %mul3A_637 : i32
      %add3A_639 = arith.constant 8 : i32
      %add3A_640 = arith.addi %mul3A_185, %add3A_639 : i32
      %add3A_641 = arith.constant 1 : i32
      %add3A_642 = arith.addi %add3A_640, %add3A_641 : i32
      %mul3A_643 = arith.constant 65 : i32
      %mul3A_644 = arith.muli %add3A_642, %mul3A_643 : i32
      %add3A_645 = arith.constant 8 : i32
      %add3A_646 = arith.addi %mul3A_185, %add3A_645 : i32
      %mul3A_647 = arith.constant 64 : i32
      %mul3A_648 = arith.muli %add3A_646, %mul3A_647 : i32
      %add3A_649 = arith.constant 8 : i32
      %add3A_650 = arith.addi %mul3A_185, %add3A_649 : i32
      %add3A_651 = arith.constant 1 : i32
      %add3A_652 = arith.addi %add3A_650, %add3A_651 : i32
      %mul3A_653 = arith.constant 64 : i32
      %mul3A_654 = arith.muli %add3A_652, %mul3A_653 : i32
      %add3A_655 = arith.constant 0 : i32
      %add3A_656 = arith.addi %mul3A_638, %add3A_655 : i32
      %add3A_657 = vector.broadcast %add3A_656 : i32 to vector<16xi32>
      %add3A_658 = arith.addi %iota3A, %add3A_657 : vector<16xi32>
      %gather3A_659 = tpu.vector_load_idx %arg7[%add3A_658] : memref<16640xf32, #tpu.memory_space<vmem>>[vector<16xi32>], vector<16xf32>,
      %add3A_660 = arith.constant 16 : i32
      %add3A_661 = arith.addi %mul3A_638, %add3A_660 : i32
      %add3A_662 = vector.broadcast %add3A_661 : i32 to vector<16xi32>
      %add3A_663 = arith.addi %iota3A, %add3A_662 : vector<16xi32>
      %gather3A_664 = tpu.vector_load_idx %arg7[%add3A_663] : memref<16640xf32, #tpu.memory_space<vmem>>[vector<16xi32>], vector<16xf32>,
      %add3A_665 = arith.constant 32 : i32
      %add3A_666 = arith.addi %mul3A_638, %add3A_665 : i32
      %add3A_667 = vector.broadcast %add3A_666 : i32 to vector<16xi32>
      %add3A_668 = arith.addi %iota3A, %add3A_667 : vector<16xi32>
      %gather3A_669 = tpu.vector_load_idx %arg7[%add3A_668] : memref<16640xf32, #tpu.memory_space<vmem>>[vector<16xi32>], vector<16xf32>,
      %add3A_670 = arith.constant 48 : i32
      %add3A_671 = arith.addi %mul3A_638, %add3A_670 : i32
      %add3A_672 = vector.broadcast %add3A_671 : i32 to vector<16xi32>
      %add3A_673 = arith.addi %iota3A, %add3A_672 : vector<16xi32>
      %gather3A_674 = tpu.vector_load_idx %arg7[%add3A_673] : memref<16640xf32, #tpu.memory_space<vmem>>[vector<16xi32>], vector<16xf32>,
      %add3A_675 = arith.constant 0 : i32
      %add3A_676 = arith.addi %mul3A_644, %add3A_675 : i32
      %add3A_677 = vector.broadcast %add3A_676 : i32 to vector<16xi32>
      %add3A_678 = arith.addi %iota3A, %add3A_677 : vector<16xi32>
      %gather3A_679 = tpu.vector_load_idx %arg7[%add3A_678] : memref<16640xf32, #tpu.memory_space<vmem>>[vector<16xi32>], vector<16xf32>,
      %add3A_680 = arith.constant 16 : i32
      %add3A_681 = arith.addi %mul3A_644, %add3A_680 : i32
      %add3A_682 = vector.broadcast %add3A_681 : i32 to vector<16xi32>
      %add3A_683 = arith.addi %iota3A, %add3A_682 : vector<16xi32>
      %gather3A_684 = tpu.vector_load_idx %arg7[%add3A_683] : memref<16640xf32, #tpu.memory_space<vmem>>[vector<16xi32>], vector<16xf32>,
      %add3A_685 = arith.constant 32 : i32
      %add3A_686 = arith.addi %mul3A_644, %add3A_685 : i32
      %add3A_687 = vector.broadcast %add3A_686 : i32 to vector<16xi32>
      %add3A_688 = arith.addi %iota3A, %add3A_687 : vector<16xi32>
      %gather3A_689 = tpu.vector_load_idx %arg7[%add3A_688] : memref<16640xf32, #tpu.memory_space<vmem>>[vector<16xi32>], vector<16xf32>,
      %add3A_690 = arith.constant 48 : i32
      %add3A_691 = arith.addi %mul3A_644, %add3A_690 : i32
      %add3A_692 = vector.broadcast %add3A_691 : i32 to vector<16xi32>
      %add3A_693 = arith.addi %iota3A, %add3A_692 : vector<16xi32>
      %gather3A_694 = tpu.vector_load_idx %arg7[%add3A_693] : memref<16640xf32, #tpu.memory_space<vmem>>[vector<16xi32>], vector<16xf32>,
      %mul3A_695 = vector.broadcast %squeeze3A_632 : f32 to vector<16xf32>
      %mul3A_696 = arith.mulf %gather3A_659, %mul3A_695 : vector<16xf32>
      %mul3A_697 = vector.broadcast %squeeze3A_632 : f32 to vector<16xf32>
      %mul3A_698 = arith.mulf %gather3A_664, %mul3A_697 : vector<16xf32>
      %mul3A_699 = vector.broadcast %squeeze3A_632 : f32 to vector<16xf32>
      %mul3A_700 = arith.mulf %gather3A_669, %mul3A_699 : vector<16xf32>
      %mul3A_701 = vector.broadcast %squeeze3A_632 : f32 to vector<16xf32>
      %mul3A_702 = arith.mulf %gather3A_674, %mul3A_701 : vector<16xf32>
      %mul3A_703 = vector.broadcast %squeeze3A_634 : f32 to vector<16xf32>
      %mul3A_704 = arith.mulf %gather3A_679, %mul3A_703 : vector<16xf32>
      %mul3A_705 = vector.broadcast %squeeze3A_634 : f32 to vector<16xf32>
      %mul3A_706 = arith.mulf %gather3A_684, %mul3A_705 : vector<16xf32>
      %mul3A_707 = vector.broadcast %squeeze3A_634 : f32 to vector<16xf32>
      %mul3A_708 = arith.mulf %gather3A_689, %mul3A_707 : vector<16xf32>
      %mul3A_709 = vector.broadcast %squeeze3A_634 : f32 to vector<16xf32>
      %mul3A_710 = arith.mulf %gather3A_694, %mul3A_709 : vector<16xf32>
      %add3A_711 = arith.constant 0 : i32
      %add3A_712 = arith.addi %mul3A_648, %add3A_711 : i32
      %swap3A_713 = arith.index_cast %add3A_712 : i32 to index
      %swap3A_714 = tpu.vector_load %arg8[%swap3A_713] {strides = array<i32>} : memref<16384xf32, #tpu.memory_space<vmem>>, vector<16xf32>,
      tpu.vector_store %arg8[%swap3A_713], %mul3A_696 {strides = array<i32>} : memref<16384xf32, #tpu.memory_space<vmem>>, vector<16xf32>,
      %add3A_715 = arith.constant 16 : i32
      %add3A_716 = arith.addi %mul3A_648, %add3A_715 : i32
      %swap3A_717 = arith.index_cast %add3A_716 : i32 to index
      %swap3A_718 = tpu.vector_load %arg8[%swap3A_717] {strides = array<i32>} : memref<16384xf32, #tpu.memory_space<vmem>>, vector<16xf32>,
      tpu.vector_store %arg8[%swap3A_717], %mul3A_698 {strides = array<i32>} : memref<16384xf32, #tpu.memory_space<vmem>>, vector<16xf32>,
      %add3A_719 = arith.constant 32 : i32
      %add3A_720 = arith.addi %mul3A_648, %add3A_719 : i32
      %swap3A_721 = arith.index_cast %add3A_720 : i32 to index
      %swap3A_722 = tpu.vector_load %arg8[%swap3A_721] {strides = array<i32>} : memref<16384xf32, #tpu.memory_space<vmem>>, vector<16xf32>,
      tpu.vector_store %arg8[%swap3A_721], %mul3A_700 {strides = array<i32>} : memref<16384xf32, #tpu.memory_space<vmem>>, vector<16xf32>,
      %add3A_723 = arith.constant 48 : i32
      %add3A_724 = arith.addi %mul3A_648, %add3A_723 : i32
      %swap3A_725 = arith.index_cast %add3A_724 : i32 to index
      %swap3A_726 = tpu.vector_load %arg8[%swap3A_725] {strides = array<i32>} : memref<16384xf32, #tpu.memory_space<vmem>>, vector<16xf32>,
      tpu.vector_store %arg8[%swap3A_725], %mul3A_702 {strides = array<i32>} : memref<16384xf32, #tpu.memory_space<vmem>>, vector<16xf32>,
      %add3A_727 = arith.constant 0 : i32
      %add3A_728 = arith.addi %mul3A_654, %add3A_727 : i32
      %swap3A_729 = arith.index_cast %add3A_728 : i32 to index
      %swap3A_730 = tpu.vector_load %arg8[%swap3A_729] {strides = array<i32>} : memref<16384xf32, #tpu.memory_space<vmem>>, vector<16xf32>,
      tpu.vector_store %arg8[%swap3A_729], %mul3A_704 {strides = array<i32>} : memref<16384xf32, #tpu.memory_space<vmem>>, vector<16xf32>,
      %add3A_731 = arith.constant 16 : i32
      %add3A_732 = arith.addi %mul3A_654, %add3A_731 : i32
      %swap3A_733 = arith.index_cast %add3A_732 : i32 to index
      %swap3A_734 = tpu.vector_load %arg8[%swap3A_733] {strides = array<i32>} : memref<16384xf32, #tpu.memory_space<vmem>>, vector<16xf32>,
      tpu.vector_store %arg8[%swap3A_733], %mul3A_706 {strides = array<i32>} : memref<16384xf32, #tpu.memory_space<vmem>>, vector<16xf32>,
      %add3A_735 = arith.constant 32 : i32
      %add3A_736 = arith.addi %mul3A_654, %add3A_735 : i32
      %swap3A_737 = arith.index_cast %add3A_736 : i32 to index
      %swap3A_738 = tpu.vector_load %arg8[%swap3A_737] {strides = array<i32>} : memref<16384xf32, #tpu.memory_space<vmem>>, vector<16xf32>,
      tpu.vector_store %arg8[%swap3A_737], %mul3A_708 {strides = array<i32>} : memref<16384xf32, #tpu.memory_space<vmem>>, vector<16xf32>,
      %add3A_739 = arith.constant 48 : i32
      %add3A_740 = arith.addi %mul3A_654, %add3A_739 : i32
      %swap3A_741 = arith.index_cast %add3A_740 : i32 to index
      %swap3A_742 = tpu.vector_load %arg8[%swap3A_741] {strides = array<i32>} : memref<16384xf32, #tpu.memory_space<vmem>>, vector<16xf32>,
      tpu.vector_store %arg8[%swap3A_741], %mul3A_710 {strides = array<i32>} : memref<16384xf32, #tpu.memory_space<vmem>>, vector<16xf32>,
      %slice3A_743 = vector.extract_strided_slice %get3A_186 {offsets = [10], sizes = [1], strides = [1]} : vector<16xf32> to vector<1xf32>
      %squeeze3A_744 = vector.extract %slice3A_743[0] : f32 from vector<1xf32>
      %slice3A_745 = vector.extract_strided_slice %get3A_186 {offsets = [11], sizes = [1], strides = [1]} : vector<16xf32> to vector<1xf32>
      %squeeze3A_746 = vector.extract %slice3A_745[0] : f32 from vector<1xf32>
      %add3A_747 = arith.constant 10 : i32
      %add3A_748 = arith.addi %mul3A_185, %add3A_747 : i32
      %mul3A_749 = arith.constant 65 : i32
      %mul3A_750 = arith.muli %add3A_748, %mul3A_749 : i32
      %add3A_751 = arith.constant 10 : i32
      %add3A_752 = arith.addi %mul3A_185, %add3A_751 : i32
      %add3A_753 = arith.constant 1 : i32
      %add3A_754 = arith.addi %add3A_752, %add3A_753 : i32
      %mul3A_755 = arith.constant 65 : i32
      %mul3A_756 = arith.muli %add3A_754, %mul3A_755 : i32
      %add3A_757 = arith.constant 10 : i32
      %add3A_758 = arith.addi %mul3A_185, %add3A_757 : i32
      %mul3A_759 = arith.constant 64 : i32
      %mul3A_760 = arith.muli %add3A_758, %mul3A_759 : i32
      %add3A_761 = arith.constant 10 : i32
      %add3A_762 = arith.addi %mul3A_185, %add3A_761 : i32
      %add3A_763 = arith.constant 1 : i32
      %add3A_764 = arith.addi %add3A_762, %add3A_763 : i32
      %mul3A_765 = arith.constant 64 : i32
      %mul3A_766 = arith.muli %add3A_764, %mul3A_765 : i32
      %add3A_767 = arith.constant 0 : i32
      %add3A_768 = arith.addi %mul3A_750, %add3A_767 : i32
      %add3A_769 = vector.broadcast %add3A_768 : i32 to vector<16xi32>
      %add3A_770 = arith.addi %iota3A, %add3A_769 : vector<16xi32>
      %gather3A_771 = tpu.vector_load_idx %arg7[%add3A_770] : memref<16640xf32, #tpu.memory_space<vmem>>[vector<16xi32>], vector<16xf32>,
      %add3A_772 = arith.constant 16 : i32
      %add3A_773 = arith.addi %mul3A_750, %add3A_772 : i32
      %add3A_774 = vector.broadcast %add3A_773 : i32 to vector<16xi32>
      %add3A_775 = arith.addi %iota3A, %add3A_774 : vector<16xi32>
      %gather3A_776 = tpu.vector_load_idx %arg7[%add3A_775] : memref<16640xf32, #tpu.memory_space<vmem>>[vector<16xi32>], vector<16xf32>,
      %add3A_777 = arith.constant 32 : i32
      %add3A_778 = arith.addi %mul3A_750, %add3A_777 : i32
      %add3A_779 = vector.broadcast %add3A_778 : i32 to vector<16xi32>
      %add3A_780 = arith.addi %iota3A, %add3A_779 : vector<16xi32>
      %gather3A_781 = tpu.vector_load_idx %arg7[%add3A_780] : memref<16640xf32, #tpu.memory_space<vmem>>[vector<16xi32>], vector<16xf32>,
      %add3A_782 = arith.constant 48 : i32
      %add3A_783 = arith.addi %mul3A_750, %add3A_782 : i32
      %add3A_784 = vector.broadcast %add3A_783 : i32 to vector<16xi32>
      %add3A_785 = arith.addi %iota3A, %add3A_784 : vector<16xi32>
      %gather3A_786 = tpu.vector_load_idx %arg7[%add3A_785] : memref<16640xf32, #tpu.memory_space<vmem>>[vector<16xi32>], vector<16xf32>,
      %add3A_787 = arith.constant 0 : i32
      %add3A_788 = arith.addi %mul3A_756, %add3A_787 : i32
      %add3A_789 = vector.broadcast %add3A_788 : i32 to vector<16xi32>
      %add3A_790 = arith.addi %iota3A, %add3A_789 : vector<16xi32>
      %gather3A_791 = tpu.vector_load_idx %arg7[%add3A_790] : memref<16640xf32, #tpu.memory_space<vmem>>[vector<16xi32>], vector<16xf32>,
      %add3A_792 = arith.constant 16 : i32
      %add3A_793 = arith.addi %mul3A_756, %add3A_792 : i32
      %add3A_794 = vector.broadcast %add3A_793 : i32 to vector<16xi32>
      %add3A_795 = arith.addi %iota3A, %add3A_794 : vector<16xi32>
      %gather3A_796 = tpu.vector_load_idx %arg7[%add3A_795] : memref<16640xf32, #tpu.memory_space<vmem>>[vector<16xi32>], vector<16xf32>,
      %add3A_797 = arith.constant 32 : i32
      %add3A_798 = arith.addi %mul3A_756, %add3A_797 : i32
      %add3A_799 = vector.broadcast %add3A_798 : i32 to vector<16xi32>
      %add3A_800 = arith.addi %iota3A, %add3A_799 : vector<16xi32>
      %gather3A_801 = tpu.vector_load_idx %arg7[%add3A_800] : memref<16640xf32, #tpu.memory_space<vmem>>[vector<16xi32>], vector<16xf32>,
      %add3A_802 = arith.constant 48 : i32
      %add3A_803 = arith.addi %mul3A_756, %add3A_802 : i32
      %add3A_804 = vector.broadcast %add3A_803 : i32 to vector<16xi32>
      %add3A_805 = arith.addi %iota3A, %add3A_804 : vector<16xi32>
      %gather3A_806 = tpu.vector_load_idx %arg7[%add3A_805] : memref<16640xf32, #tpu.memory_space<vmem>>[vector<16xi32>], vector<16xf32>,
      %mul3A_807 = vector.broadcast %squeeze3A_744 : f32 to vector<16xf32>
      %mul3A_808 = arith.mulf %gather3A_771, %mul3A_807 : vector<16xf32>
      %mul3A_809 = vector.broadcast %squeeze3A_744 : f32 to vector<16xf32>
      %mul3A_810 = arith.mulf %gather3A_776, %mul3A_809 : vector<16xf32>
      %mul3A_811 = vector.broadcast %squeeze3A_744 : f32 to vector<16xf32>
      %mul3A_812 = arith.mulf %gather3A_781, %mul3A_811 : vector<16xf32>
      %mul3A_813 = vector.broadcast %squeeze3A_744 : f32 to vector<16xf32>
      %mul3A_814 = arith.mulf %gather3A_786, %mul3A_813 : vector<16xf32>
      %mul3A_815 = vector.broadcast %squeeze3A_746 : f32 to vector<16xf32>
      %mul3A_816 = arith.mulf %gather3A_791, %mul3A_815 : vector<16xf32>
      %mul3A_817 = vector.broadcast %squeeze3A_746 : f32 to vector<16xf32>
      %mul3A_818 = arith.mulf %gather3A_796, %mul3A_817 : vector<16xf32>
      %mul3A_819 = vector.broadcast %squeeze3A_746 : f32 to vector<16xf32>
      %mul3A_820 = arith.mulf %gather3A_801, %mul3A_819 : vector<16xf32>
      %mul3A_821 = vector.broadcast %squeeze3A_746 : f32 to vector<16xf32>
      %mul3A_822 = arith.mulf %gather3A_806, %mul3A_821 : vector<16xf32>
      %add3A_823 = arith.constant 0 : i32
      %add3A_824 = arith.addi %mul3A_760, %add3A_823 : i32
      %swap3A_825 = arith.index_cast %add3A_824 : i32 to index
      %swap3A_826 = tpu.vector_load %arg8[%swap3A_825] {strides = array<i32>} : memref<16384xf32, #tpu.memory_space<vmem>>, vector<16xf32>,
      tpu.vector_store %arg8[%swap3A_825], %mul3A_808 {strides = array<i32>} : memref<16384xf32, #tpu.memory_space<vmem>>, vector<16xf32>,
      %add3A_827 = arith.constant 16 : i32
      %add3A_828 = arith.addi %mul3A_760, %add3A_827 : i32
      %swap3A_829 = arith.index_cast %add3A_828 : i32 to index
      %swap3A_830 = tpu.vector_load %arg8[%swap3A_829] {strides = array<i32>} : memref<16384xf32, #tpu.memory_space<vmem>>, vector<16xf32>,
      tpu.vector_store %arg8[%swap3A_829], %mul3A_810 {strides = array<i32>} : memref<16384xf32, #tpu.memory_space<vmem>>, vector<16xf32>,
      %add3A_831 = arith.constant 32 : i32
      %add3A_832 = arith.addi %mul3A_760, %add3A_831 : i32
      %swap3A_833 = arith.index_cast %add3A_832 : i32 to index
      %swap3A_834 = tpu.vector_load %arg8[%swap3A_833] {strides = array<i32>} : memref<16384xf32, #tpu.memory_space<vmem>>, vector<16xf32>,
      tpu.vector_store %arg8[%swap3A_833], %mul3A_812 {strides = array<i32>} : memref<16384xf32, #tpu.memory_space<vmem>>, vector<16xf32>,
      %add3A_835 = arith.constant 48 : i32
      %add3A_836 = arith.addi %mul3A_760, %add3A_835 : i32
      %swap3A_837 = arith.index_cast %add3A_836 : i32 to index
      %swap3A_838 = tpu.vector_load %arg8[%swap3A_837] {strides = array<i32>} : memref<16384xf32, #tpu.memory_space<vmem>>, vector<16xf32>,
      tpu.vector_store %arg8[%swap3A_837], %mul3A_814 {strides = array<i32>} : memref<16384xf32, #tpu.memory_space<vmem>>, vector<16xf32>,
      %add3A_839 = arith.constant 0 : i32
      %add3A_840 = arith.addi %mul3A_766, %add3A_839 : i32
      %swap3A_841 = arith.index_cast %add3A_840 : i32 to index
      %swap3A_842 = tpu.vector_load %arg8[%swap3A_841] {strides = array<i32>} : memref<16384xf32, #tpu.memory_space<vmem>>, vector<16xf32>,
      tpu.vector_store %arg8[%swap3A_841], %mul3A_816 {strides = array<i32>} : memref<16384xf32, #tpu.memory_space<vmem>>, vector<16xf32>,
      %add3A_843 = arith.constant 16 : i32
      %add3A_844 = arith.addi %mul3A_766, %add3A_843 : i32
      %swap3A_845 = arith.index_cast %add3A_844 : i32 to index
      %swap3A_846 = tpu.vector_load %arg8[%swap3A_845] {strides = array<i32>} : memref<16384xf32, #tpu.memory_space<vmem>>, vector<16xf32>,
      tpu.vector_store %arg8[%swap3A_845], %mul3A_818 {strides = array<i32>} : memref<16384xf32, #tpu.memory_space<vmem>>, vector<16xf32>,
      %add3A_847 = arith.constant 32 : i32
      %add3A_848 = arith.addi %mul3A_766, %add3A_847 : i32
      %swap3A_849 = arith.index_cast %add3A_848 : i32 to index
      %swap3A_850 = tpu.vector_load %arg8[%swap3A_849] {strides = array<i32>} : memref<16384xf32, #tpu.memory_space<vmem>>, vector<16xf32>,
      tpu.vector_store %arg8[%swap3A_849], %mul3A_820 {strides = array<i32>} : memref<16384xf32, #tpu.memory_space<vmem>>, vector<16xf32>,
      %add3A_851 = arith.constant 48 : i32
      %add3A_852 = arith.addi %mul3A_766, %add3A_851 : i32
      %swap3A_853 = arith.index_cast %add3A_852 : i32 to index
      %swap3A_854 = tpu.vector_load %arg8[%swap3A_853] {strides = array<i32>} : memref<16384xf32, #tpu.memory_space<vmem>>, vector<16xf32>,
      tpu.vector_store %arg8[%swap3A_853], %mul3A_822 {strides = array<i32>} : memref<16384xf32, #tpu.memory_space<vmem>>, vector<16xf32>,
      %slice3A_855 = vector.extract_strided_slice %get3A_186 {offsets = [12], sizes = [1], strides = [1]} : vector<16xf32> to vector<1xf32>
      %squeeze3A_856 = vector.extract %slice3A_855[0] : f32 from vector<1xf32>
      %slice3A_857 = vector.extract_strided_slice %get3A_186 {offsets = [13], sizes = [1], strides = [1]} : vector<16xf32> to vector<1xf32>
      %squeeze3A_858 = vector.extract %slice3A_857[0] : f32 from vector<1xf32>
      %add3A_859 = arith.constant 12 : i32
      %add3A_860 = arith.addi %mul3A_185, %add3A_859 : i32
      %mul3A_861 = arith.constant 65 : i32
      %mul3A_862 = arith.muli %add3A_860, %mul3A_861 : i32
      %add3A_863 = arith.constant 12 : i32
      %add3A_864 = arith.addi %mul3A_185, %add3A_863 : i32
      %add3A_865 = arith.constant 1 : i32
      %add3A_866 = arith.addi %add3A_864, %add3A_865 : i32
      %mul3A_867 = arith.constant 65 : i32
      %mul3A_868 = arith.muli %add3A_866, %mul3A_867 : i32
      %add3A_869 = arith.constant 12 : i32
      %add3A_870 = arith.addi %mul3A_185, %add3A_869 : i32
      %mul3A_871 = arith.constant 64 : i32
      %mul3A_872 = arith.muli %add3A_870, %mul3A_871 : i32
      %add3A_873 = arith.constant 12 : i32
      %add3A_874 = arith.addi %mul3A_185, %add3A_873 : i32
      %add3A_875 = arith.constant 1 : i32
      %add3A_876 = arith.addi %add3A_874, %add3A_875 : i32
      %mul3A_877 = arith.constant 64 : i32
      %mul3A_878 = arith.muli %add3A_876, %mul3A_877 : i32
      %add3A_879 = arith.constant 0 : i32
      %add3A_880 = arith.addi %mul3A_862, %add3A_879 : i32
      %add3A_881 = vector.broadcast %add3A_880 : i32 to vector<16xi32>
      %add3A_882 = arith.addi %iota3A, %add3A_881 : vector<16xi32>
      %gather3A_883 = tpu.vector_load_idx %arg7[%add3A_882] : memref<16640xf32, #tpu.memory_space<vmem>>[vector<16xi32>], vector<16xf32>,
      %add3A_884 = arith.constant 16 : i32
      %add3A_885 = arith.addi %mul3A_862, %add3A_884 : i32
      %add3A_886 = vector.broadcast %add3A_885 : i32 to vector<16xi32>
      %add3A_887 = arith.addi %iota3A, %add3A_886 : vector<16xi32>
      %gather3A_888 = tpu.vector_load_idx %arg7[%add3A_887] : memref<16640xf32, #tpu.memory_space<vmem>>[vector<16xi32>], vector<16xf32>,
      %add3A_889 = arith.constant 32 : i32
      %add3A_890 = arith.addi %mul3A_862, %add3A_889 : i32
      %add3A_891 = vector.broadcast %add3A_890 : i32 to vector<16xi32>
      %add3A_892 = arith.addi %iota3A, %add3A_891 : vector<16xi32>
      %gather3A_893 = tpu.vector_load_idx %arg7[%add3A_892] : memref<16640xf32, #tpu.memory_space<vmem>>[vector<16xi32>], vector<16xf32>,
      %add3A_894 = arith.constant 48 : i32
      %add3A_895 = arith.addi %mul3A_862, %add3A_894 : i32
      %add3A_896 = vector.broadcast %add3A_895 : i32 to vector<16xi32>
      %add3A_897 = arith.addi %iota3A, %add3A_896 : vector<16xi32>
      %gather3A_898 = tpu.vector_load_idx %arg7[%add3A_897] : memref<16640xf32, #tpu.memory_space<vmem>>[vector<16xi32>], vector<16xf32>,
      %add3A_899 = arith.constant 0 : i32
      %add3A_900 = arith.addi %mul3A_868, %add3A_899 : i32
      %add3A_901 = vector.broadcast %add3A_900 : i32 to vector<16xi32>
      %add3A_902 = arith.addi %iota3A, %add3A_901 : vector<16xi32>
      %gather3A_903 = tpu.vector_load_idx %arg7[%add3A_902] : memref<16640xf32, #tpu.memory_space<vmem>>[vector<16xi32>], vector<16xf32>,
      %add3A_904 = arith.constant 16 : i32
      %add3A_905 = arith.addi %mul3A_868, %add3A_904 : i32
      %add3A_906 = vector.broadcast %add3A_905 : i32 to vector<16xi32>
      %add3A_907 = arith.addi %iota3A, %add3A_906 : vector<16xi32>
      %gather3A_908 = tpu.vector_load_idx %arg7[%add3A_907] : memref<16640xf32, #tpu.memory_space<vmem>>[vector<16xi32>], vector<16xf32>,
      %add3A_909 = arith.constant 32 : i32
      %add3A_910 = arith.addi %mul3A_868, %add3A_909 : i32
      %add3A_911 = vector.broadcast %add3A_910 : i32 to vector<16xi32>
      %add3A_912 = arith.addi %iota3A, %add3A_911 : vector<16xi32>
      %gather3A_913 = tpu.vector_load_idx %arg7[%add3A_912] : memref<16640xf32, #tpu.memory_space<vmem>>[vector<16xi32>], vector<16xf32>,
      %add3A_914 = arith.constant 48 : i32
      %add3A_915 = arith.addi %mul3A_868, %add3A_914 : i32
      %add3A_916 = vector.broadcast %add3A_915 : i32 to vector<16xi32>
      %add3A_917 = arith.addi %iota3A, %add3A_916 : vector<16xi32>
      %gather3A_918 = tpu.vector_load_idx %arg7[%add3A_917] : memref<16640xf32, #tpu.memory_space<vmem>>[vector<16xi32>], vector<16xf32>,
      %mul3A_919 = vector.broadcast %squeeze3A_856 : f32 to vector<16xf32>
      %mul3A_920 = arith.mulf %gather3A_883, %mul3A_919 : vector<16xf32>
      %mul3A_921 = vector.broadcast %squeeze3A_856 : f32 to vector<16xf32>
      %mul3A_922 = arith.mulf %gather3A_888, %mul3A_921 : vector<16xf32>
      %mul3A_923 = vector.broadcast %squeeze3A_856 : f32 to vector<16xf32>
      %mul3A_924 = arith.mulf %gather3A_893, %mul3A_923 : vector<16xf32>
      %mul3A_925 = vector.broadcast %squeeze3A_856 : f32 to vector<16xf32>
      %mul3A_926 = arith.mulf %gather3A_898, %mul3A_925 : vector<16xf32>
      %mul3A_927 = vector.broadcast %squeeze3A_858 : f32 to vector<16xf32>
      %mul3A_928 = arith.mulf %gather3A_903, %mul3A_927 : vector<16xf32>
      %mul3A_929 = vector.broadcast %squeeze3A_858 : f32 to vector<16xf32>
      %mul3A_930 = arith.mulf %gather3A_908, %mul3A_929 : vector<16xf32>
      %mul3A_931 = vector.broadcast %squeeze3A_858 : f32 to vector<16xf32>
      %mul3A_932 = arith.mulf %gather3A_913, %mul3A_931 : vector<16xf32>
      %mul3A_933 = vector.broadcast %squeeze3A_858 : f32 to vector<16xf32>
      %mul3A_934 = arith.mulf %gather3A_918, %mul3A_933 : vector<16xf32>
      %add3A_935 = arith.constant 0 : i32
      %add3A_936 = arith.addi %mul3A_872, %add3A_935 : i32
      %swap3A_937 = arith.index_cast %add3A_936 : i32 to index
      %swap3A_938 = tpu.vector_load %arg8[%swap3A_937] {strides = array<i32>} : memref<16384xf32, #tpu.memory_space<vmem>>, vector<16xf32>,
      tpu.vector_store %arg8[%swap3A_937], %mul3A_920 {strides = array<i32>} : memref<16384xf32, #tpu.memory_space<vmem>>, vector<16xf32>,
      %add3A_939 = arith.constant 16 : i32
      %add3A_940 = arith.addi %mul3A_872, %add3A_939 : i32
      %swap3A_941 = arith.index_cast %add3A_940 : i32 to index
      %swap3A_942 = tpu.vector_load %arg8[%swap3A_941] {strides = array<i32>} : memref<16384xf32, #tpu.memory_space<vmem>>, vector<16xf32>,
      tpu.vector_store %arg8[%swap3A_941], %mul3A_922 {strides = array<i32>} : memref<16384xf32, #tpu.memory_space<vmem>>, vector<16xf32>,
      %add3A_943 = arith.constant 32 : i32
      %add3A_944 = arith.addi %mul3A_872, %add3A_943 : i32
      %swap3A_945 = arith.index_cast %add3A_944 : i32 to index
      %swap3A_946 = tpu.vector_load %arg8[%swap3A_945] {strides = array<i32>} : memref<16384xf32, #tpu.memory_space<vmem>>, vector<16xf32>,
      tpu.vector_store %arg8[%swap3A_945], %mul3A_924 {strides = array<i32>} : memref<16384xf32, #tpu.memory_space<vmem>>, vector<16xf32>,
      %add3A_947 = arith.constant 48 : i32
      %add3A_948 = arith.addi %mul3A_872, %add3A_947 : i32
      %swap3A_949 = arith.index_cast %add3A_948 : i32 to index
      %swap3A_950 = tpu.vector_load %arg8[%swap3A_949] {strides = array<i32>} : memref<16384xf32, #tpu.memory_space<vmem>>, vector<16xf32>,
      tpu.vector_store %arg8[%swap3A_949], %mul3A_926 {strides = array<i32>} : memref<16384xf32, #tpu.memory_space<vmem>>, vector<16xf32>,
      %add3A_951 = arith.constant 0 : i32
      %add3A_952 = arith.addi %mul3A_878, %add3A_951 : i32
      %swap3A_953 = arith.index_cast %add3A_952 : i32 to index
      %swap3A_954 = tpu.vector_load %arg8[%swap3A_953] {strides = array<i32>} : memref<16384xf32, #tpu.memory_space<vmem>>, vector<16xf32>,
      tpu.vector_store %arg8[%swap3A_953], %mul3A_928 {strides = array<i32>} : memref<16384xf32, #tpu.memory_space<vmem>>, vector<16xf32>,
      %add3A_955 = arith.constant 16 : i32
      %add3A_956 = arith.addi %mul3A_878, %add3A_955 : i32
      %swap3A_957 = arith.index_cast %add3A_956 : i32 to index
      %swap3A_958 = tpu.vector_load %arg8[%swap3A_957] {strides = array<i32>} : memref<16384xf32, #tpu.memory_space<vmem>>, vector<16xf32>,
      tpu.vector_store %arg8[%swap3A_957], %mul3A_930 {strides = array<i32>} : memref<16384xf32, #tpu.memory_space<vmem>>, vector<16xf32>,
      %add3A_959 = arith.constant 32 : i32
      %add3A_960 = arith.addi %mul3A_878, %add3A_959 : i32
      %swap3A_961 = arith.index_cast %add3A_960 : i32 to index
      %swap3A_962 = tpu.vector_load %arg8[%swap3A_961] {strides = array<i32>} : memref<16384xf32, #tpu.memory_space<vmem>>, vector<16xf32>,
      tpu.vector_store %arg8[%swap3A_961], %mul3A_932 {strides = array<i32>} : memref<16384xf32, #tpu.memory_space<vmem>>, vector<16xf32>,
      %add3A_963 = arith.constant 48 : i32
      %add3A_964 = arith.addi %mul3A_878, %add3A_963 : i32
      %swap3A_965 = arith.index_cast %add3A_964 : i32 to index
      %swap3A_966 = tpu.vector_load %arg8[%swap3A_965] {strides = array<i32>} : memref<16384xf32, #tpu.memory_space<vmem>>, vector<16xf32>,
      tpu.vector_store %arg8[%swap3A_965], %mul3A_934 {strides = array<i32>} : memref<16384xf32, #tpu.memory_space<vmem>>, vector<16xf32>,
      %slice3A_967 = vector.extract_strided_slice %get3A_186 {offsets = [14], sizes = [1], strides = [1]} : vector<16xf32> to vector<1xf32>
      %squeeze3A_968 = vector.extract %slice3A_967[0] : f32 from vector<1xf32>
      %slice3A_969 = vector.extract_strided_slice %get3A_186 {offsets = [15], sizes = [1], strides = [1]} : vector<16xf32> to vector<1xf32>
      %squeeze3A_970 = vector.extract %slice3A_969[0] : f32 from vector<1xf32>
      %add3A_971 = arith.constant 14 : i32
      %add3A_972 = arith.addi %mul3A_185, %add3A_971 : i32
      %mul3A_973 = arith.constant 65 : i32
      %mul3A_974 = arith.muli %add3A_972, %mul3A_973 : i32
      %add3A_975 = arith.constant 14 : i32
      %add3A_976 = arith.addi %mul3A_185, %add3A_975 : i32
      %add3A_977 = arith.constant 1 : i32
      %add3A_978 = arith.addi %add3A_976, %add3A_977 : i32
      %mul3A_979 = arith.constant 65 : i32
      %mul3A_980 = arith.muli %add3A_978, %mul3A_979 : i32
      %add3A_981 = arith.constant 14 : i32
      %add3A_982 = arith.addi %mul3A_185, %add3A_981 : i32
      %mul3A_983 = arith.constant 64 : i32
      %mul3A_984 = arith.muli %add3A_982, %mul3A_983 : i32
      %add3A_985 = arith.constant 14 : i32
      %add3A_986 = arith.addi %mul3A_185, %add3A_985 : i32
      %add3A_987 = arith.constant 1 : i32
      %add3A_988 = arith.addi %add3A_986, %add3A_987 : i32
      %mul3A_989 = arith.constant 64 : i32
      %mul3A_990 = arith.muli %add3A_988, %mul3A_989 : i32
      %add3A_991 = arith.constant 0 : i32
      %add3A_992 = arith.addi %mul3A_974, %add3A_991 : i32
      %add3A_993 = vector.broadcast %add3A_992 : i32 to vector<16xi32>
      %add3A_994 = arith.addi %iota3A, %add3A_993 : vector<16xi32>
      %gather3A_995 = tpu.vector_load_idx %arg7[%add3A_994] : memref<16640xf32, #tpu.memory_space<vmem>>[vector<16xi32>], vector<16xf32>,
      %add3A_996 = arith.constant 16 : i32
      %add3A_997 = arith.addi %mul3A_974, %add3A_996 : i32
      %add3A_998 = vector.broadcast %add3A_997 : i32 to vector<16xi32>
      %add3A_999 = arith.addi %iota3A, %add3A_998 : vector<16xi32>
      %gather3A_1000 = tpu.vector_load_idx %arg7[%add3A_999] : memref<16640xf32, #tpu.memory_space<vmem>>[vector<16xi32>], vector<16xf32>,
      %add3A_1001 = arith.constant 32 : i32
      %add3A_1002 = arith.addi %mul3A_974, %add3A_1001 : i32
      %add3A_1003 = vector.broadcast %add3A_1002 : i32 to vector<16xi32>
      %add3A_1004 = arith.addi %iota3A, %add3A_1003 : vector<16xi32>
      %gather3A_1005 = tpu.vector_load_idx %arg7[%add3A_1004] : memref<16640xf32, #tpu.memory_space<vmem>>[vector<16xi32>], vector<16xf32>,
      %add3A_1006 = arith.constant 48 : i32
      %add3A_1007 = arith.addi %mul3A_974, %add3A_1006 : i32
      %add3A_1008 = vector.broadcast %add3A_1007 : i32 to vector<16xi32>
      %add3A_1009 = arith.addi %iota3A, %add3A_1008 : vector<16xi32>
      %gather3A_1010 = tpu.vector_load_idx %arg7[%add3A_1009] : memref<16640xf32, #tpu.memory_space<vmem>>[vector<16xi32>], vector<16xf32>,
      %add3A_1011 = arith.constant 0 : i32
      %add3A_1012 = arith.addi %mul3A_980, %add3A_1011 : i32
      %add3A_1013 = vector.broadcast %add3A_1012 : i32 to vector<16xi32>
      %add3A_1014 = arith.addi %iota3A, %add3A_1013 : vector<16xi32>
      %gather3A_1015 = tpu.vector_load_idx %arg7[%add3A_1014] : memref<16640xf32, #tpu.memory_space<vmem>>[vector<16xi32>], vector<16xf32>,
      %add3A_1016 = arith.constant 16 : i32
      %add3A_1017 = arith.addi %mul3A_980, %add3A_1016 : i32
      %add3A_1018 = vector.broadcast %add3A_1017 : i32 to vector<16xi32>
      %add3A_1019 = arith.addi %iota3A, %add3A_1018 : vector<16xi32>
      %gather3A_1020 = tpu.vector_load_idx %arg7[%add3A_1019] : memref<16640xf32, #tpu.memory_space<vmem>>[vector<16xi32>], vector<16xf32>,
      %add3A_1021 = arith.constant 32 : i32
      %add3A_1022 = arith.addi %mul3A_980, %add3A_1021 : i32
      %add3A_1023 = vector.broadcast %add3A_1022 : i32 to vector<16xi32>
      %add3A_1024 = arith.addi %iota3A, %add3A_1023 : vector<16xi32>
      %gather3A_1025 = tpu.vector_load_idx %arg7[%add3A_1024] : memref<16640xf32, #tpu.memory_space<vmem>>[vector<16xi32>], vector<16xf32>,
      %add3A_1026 = arith.constant 48 : i32
      %add3A_1027 = arith.addi %mul3A_980, %add3A_1026 : i32
      %add3A_1028 = vector.broadcast %add3A_1027 : i32 to vector<16xi32>
      %add3A_1029 = arith.addi %iota3A, %add3A_1028 : vector<16xi32>
      %gather3A_1030 = tpu.vector_load_idx %arg7[%add3A_1029] : memref<16640xf32, #tpu.memory_space<vmem>>[vector<16xi32>], vector<16xf32>,
      %mul3A_1031 = vector.broadcast %squeeze3A_968 : f32 to vector<16xf32>
      %mul3A_1032 = arith.mulf %gather3A_995, %mul3A_1031 : vector<16xf32>
      %mul3A_1033 = vector.broadcast %squeeze3A_968 : f32 to vector<16xf32>
      %mul3A_1034 = arith.mulf %gather3A_1000, %mul3A_1033 : vector<16xf32>
      %mul3A_1035 = vector.broadcast %squeeze3A_968 : f32 to vector<16xf32>
      %mul3A_1036 = arith.mulf %gather3A_1005, %mul3A_1035 : vector<16xf32>
      %mul3A_1037 = vector.broadcast %squeeze3A_968 : f32 to vector<16xf32>
      %mul3A_1038 = arith.mulf %gather3A_1010, %mul3A_1037 : vector<16xf32>
      %mul3A_1039 = vector.broadcast %squeeze3A_970 : f32 to vector<16xf32>
      %mul3A_1040 = arith.mulf %gather3A_1015, %mul3A_1039 : vector<16xf32>
      %mul3A_1041 = vector.broadcast %squeeze3A_970 : f32 to vector<16xf32>
      %mul3A_1042 = arith.mulf %gather3A_1020, %mul3A_1041 : vector<16xf32>
      %mul3A_1043 = vector.broadcast %squeeze3A_970 : f32 to vector<16xf32>
      %mul3A_1044 = arith.mulf %gather3A_1025, %mul3A_1043 : vector<16xf32>
      %mul3A_1045 = vector.broadcast %squeeze3A_970 : f32 to vector<16xf32>
      %mul3A_1046 = arith.mulf %gather3A_1030, %mul3A_1045 : vector<16xf32>
      %add3A_1047 = arith.constant 0 : i32
      %add3A_1048 = arith.addi %mul3A_984, %add3A_1047 : i32
      %swap3A_1049 = arith.index_cast %add3A_1048 : i32 to index
      %swap3A_1050 = tpu.vector_load %arg8[%swap3A_1049] {strides = array<i32>} : memref<16384xf32, #tpu.memory_space<vmem>>, vector<16xf32>,
      tpu.vector_store %arg8[%swap3A_1049], %mul3A_1032 {strides = array<i32>} : memref<16384xf32, #tpu.memory_space<vmem>>, vector<16xf32>,
      %add3A_1051 = arith.constant 16 : i32
      %add3A_1052 = arith.addi %mul3A_984, %add3A_1051 : i32
      %swap3A_1053 = arith.index_cast %add3A_1052 : i32 to index
      %swap3A_1054 = tpu.vector_load %arg8[%swap3A_1053] {strides = array<i32>} : memref<16384xf32, #tpu.memory_space<vmem>>, vector<16xf32>,
      tpu.vector_store %arg8[%swap3A_1053], %mul3A_1034 {strides = array<i32>} : memref<16384xf32, #tpu.memory_space<vmem>>, vector<16xf32>,
      %add3A_1055 = arith.constant 32 : i32
      %add3A_1056 = arith.addi %mul3A_984, %add3A_1055 : i32
      %swap3A_1057 = arith.index_cast %add3A_1056 : i32 to index
      %swap3A_1058 = tpu.vector_load %arg8[%swap3A_1057] {strides = array<i32>} : memref<16384xf32, #tpu.memory_space<vmem>>, vector<16xf32>,
      tpu.vector_store %arg8[%swap3A_1057], %mul3A_1036 {strides = array<i32>} : memref<16384xf32, #tpu.memory_space<vmem>>, vector<16xf32>,
      %add3A_1059 = arith.constant 48 : i32
      %add3A_1060 = arith.addi %mul3A_984, %add3A_1059 : i32
      %swap3A_1061 = arith.index_cast %add3A_1060 : i32 to index
      %swap3A_1062 = tpu.vector_load %arg8[%swap3A_1061] {strides = array<i32>} : memref<16384xf32, #tpu.memory_space<vmem>>, vector<16xf32>,
      tpu.vector_store %arg8[%swap3A_1061], %mul3A_1038 {strides = array<i32>} : memref<16384xf32, #tpu.memory_space<vmem>>, vector<16xf32>,
      %add3A_1063 = arith.constant 0 : i32
      %add3A_1064 = arith.addi %mul3A_990, %add3A_1063 : i32
      %swap3A_1065 = arith.index_cast %add3A_1064 : i32 to index
      %swap3A_1066 = tpu.vector_load %arg8[%swap3A_1065] {strides = array<i32>} : memref<16384xf32, #tpu.memory_space<vmem>>, vector<16xf32>,
      tpu.vector_store %arg8[%swap3A_1065], %mul3A_1040 {strides = array<i32>} : memref<16384xf32, #tpu.memory_space<vmem>>, vector<16xf32>,
      %add3A_1067 = arith.constant 16 : i32
      %add3A_1068 = arith.addi %mul3A_990, %add3A_1067 : i32
      %swap3A_1069 = arith.index_cast %add3A_1068 : i32 to index
      %swap3A_1070 = tpu.vector_load %arg8[%swap3A_1069] {strides = array<i32>} : memref<16384xf32, #tpu.memory_space<vmem>>, vector<16xf32>,
      tpu.vector_store %arg8[%swap3A_1069], %mul3A_1042 {strides = array<i32>} : memref<16384xf32, #tpu.memory_space<vmem>>, vector<16xf32>,
      %add3A_1071 = arith.constant 32 : i32
      %add3A_1072 = arith.addi %mul3A_990, %add3A_1071 : i32
      %swap3A_1073 = arith.index_cast %add3A_1072 : i32 to index
      %swap3A_1074 = tpu.vector_load %arg8[%swap3A_1073] {strides = array<i32>} : memref<16384xf32, #tpu.memory_space<vmem>>, vector<16xf32>,
      tpu.vector_store %arg8[%swap3A_1073], %mul3A_1044 {strides = array<i32>} : memref<16384xf32, #tpu.memory_space<vmem>>, vector<16xf32>,
      %add3A_1075 = arith.constant 48 : i32
      %add3A_1076 = arith.addi %mul3A_990, %add3A_1075 : i32
      %swap3A_1077 = arith.index_cast %add3A_1076 : i32 to index
      %swap3A_1078 = tpu.vector_load %arg8[%swap3A_1077] {strides = array<i32>} : memref<16384xf32, #tpu.memory_space<vmem>>, vector<16xf32>,
      tpu.vector_store %arg8[%swap3A_1077], %mul3A_1046 {strides = array<i32>} : memref<16384xf32, #tpu.memory_space<vmem>>, vector<16xf32>,
      %scan3A_1079 = arith.constant 0 : i32
      scf.yield %scan3A_1079 : i32
    }
    %scan3A_80 = arith.constant 4 : i32
    %mul3A_81 = arith.constant 16384 : i32
    %mul3A_82 = arith.muli %select_n3A_30, %mul3A_81 : i32
    %add3A_83 = arith.constant 0 : i32
    %add3A_84 = arith.addi %mul3A_82, %add3A_83 : i32
    %dma_start3A_85 = arith.constant 0 : i32
    %dma_start3A_86 = tpu.memref_slice %arg8[%dma_start3A_85] : memref<16384xf32, #tpu.memory_space<vmem>> -> memref<4096xf32, #tpu.memory_space<vmem>>
    %dma_start3A_87 = tpu.memref_slice %arg4[%select_n3A, %add3A_84] : memref<16x32768xf32, #tpu.memory_space<hbm>> -> memref<1x4096xf32, #tpu.memory_space<hbm>>
    %dma_start3A_88 = tpu.memref_squeeze %dma_start3A_87 : memref<1x4096xf32, #tpu.memory_space<hbm>> -> memref<4096xf32, #tpu.memory_space<hbm>>
    %dma_start3A_89 = tpu.memref_slice %arg4[%select_n3A, %add3A_84] : memref<16x32768xf32, #tpu.memory_space<hbm>> -> memref<1x4096xf32, #tpu.memory_space<hbm>>
    %dma_start3A_90 = tpu.memref_squeeze %dma_start3A_89 : memref<1x4096xf32, #tpu.memory_space<hbm>> -> memref<4096xf32, #tpu.memory_space<hbm>>
    %dma_start3A_91 = arith.constant 0 : i32
    %dma_start3A_92 = tpu.memref_slice %arg8[%dma_start3A_91] : memref<16384xf32, #tpu.memory_space<vmem>> -> memref<4096xf32, #tpu.memory_space<vmem>>
    tpu.enqueue_dma source(%dma_start3A_92 : memref<4096xf32, #tpu.memory_space<vmem>>) target(%dma_start3A_90 : memref<4096xf32, #tpu.memory_space<hbm>>) target_semaphore(%arg12 : memref<!tpu.dma_semaphore, #tpu.memory_space<semaphore_mem>>)
    %scan3A_93 = arith.constant 0 : i32
    %scan3A_94 = arith.constant 4 : i32
    %scan3A_95 = arith.constant 4 : i32
    %scan3A_96 = arith.addi %scan3A_94, %scan3A_95 : i32
    %scan3A_97 = arith.constant 1 : i32
    %scan3A_98 = scf.for %scan3A_182 = %scan3A_94 to %scan3A_96 step %scan3A_97 iter_args(%scan3A_183 = %scan3A_93) -> (i32)  : i32 {
      %mul3A_184 = arith.constant 16 : i32
      %mul3A_185 = arith.muli %scan3A_182, %mul3A_184 : i32
      %get3A = arith.index_cast %mul3A_185 : i32 to index
      %get3A_186 = tpu.vector_load %arg10[%get3A] {strides = array<i32>} : memref<256xf32, #tpu.memory_space<vmem>>, vector<16xf32>,
      %slice3A = vector.extract_strided_slice %get3A_186 {offsets = [0], sizes = [1], strides = [1]} : vector<16xf32> to vector<1xf32>
      %squeeze3A = vector.extract %slice3A[0] : f32 from vector<1xf32>
      %slice3A_187 = vector.extract_strided_slice %get3A_186 {offsets = [1], sizes = [1], strides = [1]} : vector<16xf32> to vector<1xf32>
      %squeeze3A_188 = vector.extract %slice3A_187[0] : f32 from vector<1xf32>
      %add3A_189 = arith.constant 0 : i32
      %add3A_190 = arith.addi %mul3A_185, %add3A_189 : i32
      %mul3A_191 = arith.constant 65 : i32
      %mul3A_192 = arith.muli %add3A_190, %mul3A_191 : i32
      %add3A_193 = arith.constant 0 : i32
      %add3A_194 = arith.addi %mul3A_185, %add3A_193 : i32
      %add3A_195 = arith.constant 1 : i32
      %add3A_196 = arith.addi %add3A_194, %add3A_195 : i32
      %mul3A_197 = arith.constant 65 : i32
      %mul3A_198 = arith.muli %add3A_196, %mul3A_197 : i32
      %add3A_199 = arith.constant 0 : i32
      %add3A_200 = arith.addi %mul3A_185, %add3A_199 : i32
      %mul3A_201 = arith.constant 64 : i32
      %mul3A_202 = arith.muli %add3A_200, %mul3A_201 : i32
      %add3A_203 = arith.constant 0 : i32
      %add3A_204 = arith.addi %mul3A_185, %add3A_203 : i32
      %add3A_205 = arith.constant 1 : i32
      %add3A_206 = arith.addi %add3A_204, %add3A_205 : i32
      %mul3A_207 = arith.constant 64 : i32
      %mul3A_208 = arith.muli %add3A_206, %mul3A_207 : i32
      %add3A_209 = arith.constant 0 : i32
      %add3A_210 = arith.addi %mul3A_192, %add3A_209 : i32
      %add3A_211 = vector.broadcast %add3A_210 : i32 to vector<16xi32>
      %add3A_212 = arith.addi %iota3A, %add3A_211 : vector<16xi32>
      %gather3A = tpu.vector_load_idx %arg7[%add3A_212] : memref<16640xf32, #tpu.memory_space<vmem>>[vector<16xi32>], vector<16xf32>,
      %add3A_213 = arith.constant 16 : i32
      %add3A_214 = arith.addi %mul3A_192, %add3A_213 : i32
      %add3A_215 = vector.broadcast %add3A_214 : i32 to vector<16xi32>
      %add3A_216 = arith.addi %iota3A, %add3A_215 : vector<16xi32>
      %gather3A_217 = tpu.vector_load_idx %arg7[%add3A_216] : memref<16640xf32, #tpu.memory_space<vmem>>[vector<16xi32>], vector<16xf32>,
      %add3A_218 = arith.constant 32 : i32
      %add3A_219 = arith.addi %mul3A_192, %add3A_218 : i32
      %add3A_220 = vector.broadcast %add3A_219 : i32 to vector<16xi32>
      %add3A_221 = arith.addi %iota3A, %add3A_220 : vector<16xi32>
      %gather3A_222 = tpu.vector_load_idx %arg7[%add3A_221] : memref<16640xf32, #tpu.memory_space<vmem>>[vector<16xi32>], vector<16xf32>,
      %add3A_223 = arith.constant 48 : i32
      %add3A_224 = arith.addi %mul3A_192, %add3A_223 : i32
      %add3A_225 = vector.broadcast %add3A_224 : i32 to vector<16xi32>
      %add3A_226 = arith.addi %iota3A, %add3A_225 : vector<16xi32>
      %gather3A_227 = tpu.vector_load_idx %arg7[%add3A_226] : memref<16640xf32, #tpu.memory_space<vmem>>[vector<16xi32>], vector<16xf32>,
      %add3A_228 = arith.constant 0 : i32
      %add3A_229 = arith.addi %mul3A_198, %add3A_228 : i32
      %add3A_230 = vector.broadcast %add3A_229 : i32 to vector<16xi32>
      %add3A_231 = arith.addi %iota3A, %add3A_230 : vector<16xi32>
      %gather3A_232 = tpu.vector_load_idx %arg7[%add3A_231] : memref<16640xf32, #tpu.memory_space<vmem>>[vector<16xi32>], vector<16xf32>,
      %add3A_233 = arith.constant 16 : i32
      %add3A_234 = arith.addi %mul3A_198, %add3A_233 : i32
      %add3A_235 = vector.broadcast %add3A_234 : i32 to vector<16xi32>
      %add3A_236 = arith.addi %iota3A, %add3A_235 : vector<16xi32>
      %gather3A_237 = tpu.vector_load_idx %arg7[%add3A_236] : memref<16640xf32, #tpu.memory_space<vmem>>[vector<16xi32>], vector<16xf32>,
      %add3A_238 = arith.constant 32 : i32
      %add3A_239 = arith.addi %mul3A_198, %add3A_238 : i32
      %add3A_240 = vector.broadcast %add3A_239 : i32 to vector<16xi32>
      %add3A_241 = arith.addi %iota3A, %add3A_240 : vector<16xi32>
      %gather3A_242 = tpu.vector_load_idx %arg7[%add3A_241] : memref<16640xf32, #tpu.memory_space<vmem>>[vector<16xi32>], vector<16xf32>,
      %add3A_243 = arith.constant 48 : i32
      %add3A_244 = arith.addi %mul3A_198, %add3A_243 : i32
      %add3A_245 = vector.broadcast %add3A_244 : i32 to vector<16xi32>
      %add3A_246 = arith.addi %iota3A, %add3A_245 : vector<16xi32>
      %gather3A_247 = tpu.vector_load_idx %arg7[%add3A_246] : memref<16640xf32, #tpu.memory_space<vmem>>[vector<16xi32>], vector<16xf32>,
      %mul3A_248 = vector.broadcast %squeeze3A : f32 to vector<16xf32>
      %mul3A_249 = arith.mulf %gather3A, %mul3A_248 : vector<16xf32>
      %mul3A_250 = vector.broadcast %squeeze3A : f32 to vector<16xf32>
      %mul3A_251 = arith.mulf %gather3A_217, %mul3A_250 : vector<16xf32>
      %mul3A_252 = vector.broadcast %squeeze3A : f32 to vector<16xf32>
      %mul3A_253 = arith.mulf %gather3A_222, %mul3A_252 : vector<16xf32>
      %mul3A_254 = vector.broadcast %squeeze3A : f32 to vector<16xf32>
      %mul3A_255 = arith.mulf %gather3A_227, %mul3A_254 : vector<16xf32>
      %mul3A_256 = vector.broadcast %squeeze3A_188 : f32 to vector<16xf32>
      %mul3A_257 = arith.mulf %gather3A_232, %mul3A_256 : vector<16xf32>
      %mul3A_258 = vector.broadcast %squeeze3A_188 : f32 to vector<16xf32>
      %mul3A_259 = arith.mulf %gather3A_237, %mul3A_258 : vector<16xf32>
      %mul3A_260 = vector.broadcast %squeeze3A_188 : f32 to vector<16xf32>
      %mul3A_261 = arith.mulf %gather3A_242, %mul3A_260 : vector<16xf32>
      %mul3A_262 = vector.broadcast %squeeze3A_188 : f32 to vector<16xf32>
      %mul3A_263 = arith.mulf %gather3A_247, %mul3A_262 : vector<16xf32>
      %add3A_264 = arith.constant 0 : i32
      %add3A_265 = arith.addi %mul3A_202, %add3A_264 : i32
      %swap3A = arith.index_cast %add3A_265 : i32 to index
      %swap3A_266 = tpu.vector_load %arg8[%swap3A] {strides = array<i32>} : memref<16384xf32, #tpu.memory_space<vmem>>, vector<16xf32>,
      tpu.vector_store %arg8[%swap3A], %mul3A_249 {strides = array<i32>} : memref<16384xf32, #tpu.memory_space<vmem>>, vector<16xf32>,
      %add3A_267 = arith.constant 16 : i32
      %add3A_268 = arith.addi %mul3A_202, %add3A_267 : i32
      %swap3A_269 = arith.index_cast %add3A_268 : i32 to index
      %swap3A_270 = tpu.vector_load %arg8[%swap3A_269] {strides = array<i32>} : memref<16384xf32, #tpu.memory_space<vmem>>, vector<16xf32>,
      tpu.vector_store %arg8[%swap3A_269], %mul3A_251 {strides = array<i32>} : memref<16384xf32, #tpu.memory_space<vmem>>, vector<16xf32>,
      %add3A_271 = arith.constant 32 : i32
      %add3A_272 = arith.addi %mul3A_202, %add3A_271 : i32
      %swap3A_273 = arith.index_cast %add3A_272 : i32 to index
      %swap3A_274 = tpu.vector_load %arg8[%swap3A_273] {strides = array<i32>} : memref<16384xf32, #tpu.memory_space<vmem>>, vector<16xf32>,
      tpu.vector_store %arg8[%swap3A_273], %mul3A_253 {strides = array<i32>} : memref<16384xf32, #tpu.memory_space<vmem>>, vector<16xf32>,
      %add3A_275 = arith.constant 48 : i32
      %add3A_276 = arith.addi %mul3A_202, %add3A_275 : i32
      %swap3A_277 = arith.index_cast %add3A_276 : i32 to index
      %swap3A_278 = tpu.vector_load %arg8[%swap3A_277] {strides = array<i32>} : memref<16384xf32, #tpu.memory_space<vmem>>, vector<16xf32>,
      tpu.vector_store %arg8[%swap3A_277], %mul3A_255 {strides = array<i32>} : memref<16384xf32, #tpu.memory_space<vmem>>, vector<16xf32>,
      %add3A_279 = arith.constant 0 : i32
      %add3A_280 = arith.addi %mul3A_208, %add3A_279 : i32
      %swap3A_281 = arith.index_cast %add3A_280 : i32 to index
      %swap3A_282 = tpu.vector_load %arg8[%swap3A_281] {strides = array<i32>} : memref<16384xf32, #tpu.memory_space<vmem>>, vector<16xf32>,
      tpu.vector_store %arg8[%swap3A_281], %mul3A_257 {strides = array<i32>} : memref<16384xf32, #tpu.memory_space<vmem>>, vector<16xf32>,
      %add3A_283 = arith.constant 16 : i32
      %add3A_284 = arith.addi %mul3A_208, %add3A_283 : i32
      %swap3A_285 = arith.index_cast %add3A_284 : i32 to index
      %swap3A_286 = tpu.vector_load %arg8[%swap3A_285] {strides = array<i32>} : memref<16384xf32, #tpu.memory_space<vmem>>, vector<16xf32>,
      tpu.vector_store %arg8[%swap3A_285], %mul3A_259 {strides = array<i32>} : memref<16384xf32, #tpu.memory_space<vmem>>, vector<16xf32>,
      %add3A_287 = arith.constant 32 : i32
      %add3A_288 = arith.addi %mul3A_208, %add3A_287 : i32
      %swap3A_289 = arith.index_cast %add3A_288 : i32 to index
      %swap3A_290 = tpu.vector_load %arg8[%swap3A_289] {strides = array<i32>} : memref<16384xf32, #tpu.memory_space<vmem>>, vector<16xf32>,
      tpu.vector_store %arg8[%swap3A_289], %mul3A_261 {strides = array<i32>} : memref<16384xf32, #tpu.memory_space<vmem>>, vector<16xf32>,
      %add3A_291 = arith.constant 48 : i32
      %add3A_292 = arith.addi %mul3A_208, %add3A_291 : i32
      %swap3A_293 = arith.index_cast %add3A_292 : i32 to index
      %swap3A_294 = tpu.vector_load %arg8[%swap3A_293] {strides = array<i32>} : memref<16384xf32, #tpu.memory_space<vmem>>, vector<16xf32>,
      tpu.vector_store %arg8[%swap3A_293], %mul3A_263 {strides = array<i32>} : memref<16384xf32, #tpu.memory_space<vmem>>, vector<16xf32>,
      %slice3A_295 = vector.extract_strided_slice %get3A_186 {offsets = [2], sizes = [1], strides = [1]} : vector<16xf32> to vector<1xf32>
      %squeeze3A_296 = vector.extract %slice3A_295[0] : f32 from vector<1xf32>
      %slice3A_297 = vector.extract_strided_slice %get3A_186 {offsets = [3], sizes = [1], strides = [1]} : vector<16xf32> to vector<1xf32>
      %squeeze3A_298 = vector.extract %slice3A_297[0] : f32 from vector<1xf32>
      %add3A_299 = arith.constant 2 : i32
      %add3A_300 = arith.addi %mul3A_185, %add3A_299 : i32
      %mul3A_301 = arith.constant 65 : i32
      %mul3A_302 = arith.muli %add3A_300, %mul3A_301 : i32
      %add3A_303 = arith.constant 2 : i32
      %add3A_304 = arith.addi %mul3A_185, %add3A_303 : i32
      %add3A_305 = arith.constant 1 : i32
      %add3A_306 = arith.addi %add3A_304, %add3A_305 : i32
      %mul3A_307 = arith.constant 65 : i32
      %mul3A_308 = arith.muli %add3A_306, %mul3A_307 : i32
      %add3A_309 = arith.constant 2 : i32
      %add3A_310 = arith.addi %mul3A_185, %add3A_309 : i32
      %mul3A_311 = arith.constant 64 : i32
      %mul3A_312 = arith.muli %add3A_310, %mul3A_311 : i32
      %add3A_313 = arith.constant 2 : i32
      %add3A_314 = arith.addi %mul3A_185, %add3A_313 : i32
      %add3A_315 = arith.constant 1 : i32
      %add3A_316 = arith.addi %add3A_314, %add3A_315 : i32
      %mul3A_317 = arith.constant 64 : i32
      %mul3A_318 = arith.muli %add3A_316, %mul3A_317 : i32
      %add3A_319 = arith.constant 0 : i32
      %add3A_320 = arith.addi %mul3A_302, %add3A_319 : i32
      %add3A_321 = vector.broadcast %add3A_320 : i32 to vector<16xi32>
      %add3A_322 = arith.addi %iota3A, %add3A_321 : vector<16xi32>
      %gather3A_323 = tpu.vector_load_idx %arg7[%add3A_322] : memref<16640xf32, #tpu.memory_space<vmem>>[vector<16xi32>], vector<16xf32>,
      %add3A_324 = arith.constant 16 : i32
      %add3A_325 = arith.addi %mul3A_302, %add3A_324 : i32
      %add3A_326 = vector.broadcast %add3A_325 : i32 to vector<16xi32>
      %add3A_327 = arith.addi %iota3A, %add3A_326 : vector<16xi32>
      %gather3A_328 = tpu.vector_load_idx %arg7[%add3A_327] : memref<16640xf32, #tpu.memory_space<vmem>>[vector<16xi32>], vector<16xf32>,
      %add3A_329 = arith.constant 32 : i32
      %add3A_330 = arith.addi %mul3A_302, %add3A_329 : i32
      %add3A_331 = vector.broadcast %add3A_330 : i32 to vector<16xi32>
      %add3A_332 = arith.addi %iota3A, %add3A_331 : vector<16xi32>
      %gather3A_333 = tpu.vector_load_idx %arg7[%add3A_332] : memref<16640xf32, #tpu.memory_space<vmem>>[vector<16xi32>], vector<16xf32>,
      %add3A_334 = arith.constant 48 : i32
      %add3A_335 = arith.addi %mul3A_302, %add3A_334 : i32
      %add3A_336 = vector.broadcast %add3A_335 : i32 to vector<16xi32>
      %add3A_337 = arith.addi %iota3A, %add3A_336 : vector<16xi32>
      %gather3A_338 = tpu.vector_load_idx %arg7[%add3A_337] : memref<16640xf32, #tpu.memory_space<vmem>>[vector<16xi32>], vector<16xf32>,
      %add3A_339 = arith.constant 0 : i32
      %add3A_340 = arith.addi %mul3A_308, %add3A_339 : i32
      %add3A_341 = vector.broadcast %add3A_340 : i32 to vector<16xi32>
      %add3A_342 = arith.addi %iota3A, %add3A_341 : vector<16xi32>
      %gather3A_343 = tpu.vector_load_idx %arg7[%add3A_342] : memref<16640xf32, #tpu.memory_space<vmem>>[vector<16xi32>], vector<16xf32>,
      %add3A_344 = arith.constant 16 : i32
      %add3A_345 = arith.addi %mul3A_308, %add3A_344 : i32
      %add3A_346 = vector.broadcast %add3A_345 : i32 to vector<16xi32>
      %add3A_347 = arith.addi %iota3A, %add3A_346 : vector<16xi32>
      %gather3A_348 = tpu.vector_load_idx %arg7[%add3A_347] : memref<16640xf32, #tpu.memory_space<vmem>>[vector<16xi32>], vector<16xf32>,
      %add3A_349 = arith.constant 32 : i32
      %add3A_350 = arith.addi %mul3A_308, %add3A_349 : i32
      %add3A_351 = vector.broadcast %add3A_350 : i32 to vector<16xi32>
      %add3A_352 = arith.addi %iota3A, %add3A_351 : vector<16xi32>
      %gather3A_353 = tpu.vector_load_idx %arg7[%add3A_352] : memref<16640xf32, #tpu.memory_space<vmem>>[vector<16xi32>], vector<16xf32>,
      %add3A_354 = arith.constant 48 : i32
      %add3A_355 = arith.addi %mul3A_308, %add3A_354 : i32
      %add3A_356 = vector.broadcast %add3A_355 : i32 to vector<16xi32>
      %add3A_357 = arith.addi %iota3A, %add3A_356 : vector<16xi32>
      %gather3A_358 = tpu.vector_load_idx %arg7[%add3A_357] : memref<16640xf32, #tpu.memory_space<vmem>>[vector<16xi32>], vector<16xf32>,
      %mul3A_359 = vector.broadcast %squeeze3A_296 : f32 to vector<16xf32>
      %mul3A_360 = arith.mulf %gather3A_323, %mul3A_359 : vector<16xf32>
      %mul3A_361 = vector.broadcast %squeeze3A_296 : f32 to vector<16xf32>
      %mul3A_362 = arith.mulf %gather3A_328, %mul3A_361 : vector<16xf32>
      %mul3A_363 = vector.broadcast %squeeze3A_296 : f32 to vector<16xf32>
      %mul3A_364 = arith.mulf %gather3A_333, %mul3A_363 : vector<16xf32>
      %mul3A_365 = vector.broadcast %squeeze3A_296 : f32 to vector<16xf32>
      %mul3A_366 = arith.mulf %gather3A_338, %mul3A_365 : vector<16xf32>
      %mul3A_367 = vector.broadcast %squeeze3A_298 : f32 to vector<16xf32>
      %mul3A_368 = arith.mulf %gather3A_343, %mul3A_367 : vector<16xf32>
      %mul3A_369 = vector.broadcast %squeeze3A_298 : f32 to vector<16xf32>
      %mul3A_370 = arith.mulf %gather3A_348, %mul3A_369 : vector<16xf32>
      %mul3A_371 = vector.broadcast %squeeze3A_298 : f32 to vector<16xf32>
      %mul3A_372 = arith.mulf %gather3A_353, %mul3A_371 : vector<16xf32>
      %mul3A_373 = vector.broadcast %squeeze3A_298 : f32 to vector<16xf32>
      %mul3A_374 = arith.mulf %gather3A_358, %mul3A_373 : vector<16xf32>
      %add3A_375 = arith.constant 0 : i32
      %add3A_376 = arith.addi %mul3A_312, %add3A_375 : i32
      %swap3A_377 = arith.index_cast %add3A_376 : i32 to index
      %swap3A_378 = tpu.vector_load %arg8[%swap3A_377] {strides = array<i32>} : memref<16384xf32, #tpu.memory_space<vmem>>, vector<16xf32>,
      tpu.vector_store %arg8[%swap3A_377], %mul3A_360 {strides = array<i32>} : memref<16384xf32, #tpu.memory_space<vmem>>, vector<16xf32>,
      %add3A_379 = arith.constant 16 : i32
      %add3A_380 = arith.addi %mul3A_312, %add3A_379 : i32
      %swap3A_381 = arith.index_cast %add3A_380 : i32 to index
      %swap3A_382 = tpu.vector_load %arg8[%swap3A_381] {strides = array<i32>} : memref<16384xf32, #tpu.memory_space<vmem>>, vector<16xf32>,
      tpu.vector_store %arg8[%swap3A_381], %mul3A_362 {strides = array<i32>} : memref<16384xf32, #tpu.memory_space<vmem>>, vector<16xf32>,
      %add3A_383 = arith.constant 32 : i32
      %add3A_384 = arith.addi %mul3A_312, %add3A_383 : i32
      %swap3A_385 = arith.index_cast %add3A_384 : i32 to index
      %swap3A_386 = tpu.vector_load %arg8[%swap3A_385] {strides = array<i32>} : memref<16384xf32, #tpu.memory_space<vmem>>, vector<16xf32>,
      tpu.vector_store %arg8[%swap3A_385], %mul3A_364 {strides = array<i32>} : memref<16384xf32, #tpu.memory_space<vmem>>, vector<16xf32>,
      %add3A_387 = arith.constant 48 : i32
      %add3A_388 = arith.addi %mul3A_312, %add3A_387 : i32
      %swap3A_389 = arith.index_cast %add3A_388 : i32 to index
      %swap3A_390 = tpu.vector_load %arg8[%swap3A_389] {strides = array<i32>} : memref<16384xf32, #tpu.memory_space<vmem>>, vector<16xf32>,
      tpu.vector_store %arg8[%swap3A_389], %mul3A_366 {strides = array<i32>} : memref<16384xf32, #tpu.memory_space<vmem>>, vector<16xf32>,
      %add3A_391 = arith.constant 0 : i32
      %add3A_392 = arith.addi %mul3A_318, %add3A_391 : i32
      %swap3A_393 = arith.index_cast %add3A_392 : i32 to index
      %swap3A_394 = tpu.vector_load %arg8[%swap3A_393] {strides = array<i32>} : memref<16384xf32, #tpu.memory_space<vmem>>, vector<16xf32>,
      tpu.vector_store %arg8[%swap3A_393], %mul3A_368 {strides = array<i32>} : memref<16384xf32, #tpu.memory_space<vmem>>, vector<16xf32>,
      %add3A_395 = arith.constant 16 : i32
      %add3A_396 = arith.addi %mul3A_318, %add3A_395 : i32
      %swap3A_397 = arith.index_cast %add3A_396 : i32 to index
      %swap3A_398 = tpu.vector_load %arg8[%swap3A_397] {strides = array<i32>} : memref<16384xf32, #tpu.memory_space<vmem>>, vector<16xf32>,
      tpu.vector_store %arg8[%swap3A_397], %mul3A_370 {strides = array<i32>} : memref<16384xf32, #tpu.memory_space<vmem>>, vector<16xf32>,
      %add3A_399 = arith.constant 32 : i32
      %add3A_400 = arith.addi %mul3A_318, %add3A_399 : i32
      %swap3A_401 = arith.index_cast %add3A_400 : i32 to index
      %swap3A_402 = tpu.vector_load %arg8[%swap3A_401] {strides = array<i32>} : memref<16384xf32, #tpu.memory_space<vmem>>, vector<16xf32>,
      tpu.vector_store %arg8[%swap3A_401], %mul3A_372 {strides = array<i32>} : memref<16384xf32, #tpu.memory_space<vmem>>, vector<16xf32>,
      %add3A_403 = arith.constant 48 : i32
      %add3A_404 = arith.addi %mul3A_318, %add3A_403 : i32
      %swap3A_405 = arith.index_cast %add3A_404 : i32 to index
      %swap3A_406 = tpu.vector_load %arg8[%swap3A_405] {strides = array<i32>} : memref<16384xf32, #tpu.memory_space<vmem>>, vector<16xf32>,
      tpu.vector_store %arg8[%swap3A_405], %mul3A_374 {strides = array<i32>} : memref<16384xf32, #tpu.memory_space<vmem>>, vector<16xf32>,
      %slice3A_407 = vector.extract_strided_slice %get3A_186 {offsets = [4], sizes = [1], strides = [1]} : vector<16xf32> to vector<1xf32>
      %squeeze3A_408 = vector.extract %slice3A_407[0] : f32 from vector<1xf32>
      %slice3A_409 = vector.extract_strided_slice %get3A_186 {offsets = [5], sizes = [1], strides = [1]} : vector<16xf32> to vector<1xf32>
      %squeeze3A_410 = vector.extract %slice3A_409[0] : f32 from vector<1xf32>
      %add3A_411 = arith.constant 4 : i32
      %add3A_412 = arith.addi %mul3A_185, %add3A_411 : i32
      %mul3A_413 = arith.constant 65 : i32
      %mul3A_414 = arith.muli %add3A_412, %mul3A_413 : i32
      %add3A_415 = arith.constant 4 : i32
      %add3A_416 = arith.addi %mul3A_185, %add3A_415 : i32
      %add3A_417 = arith.constant 1 : i32
      %add3A_418 = arith.addi %add3A_416, %add3A_417 : i32
      %mul3A_419 = arith.constant 65 : i32
      %mul3A_420 = arith.muli %add3A_418, %mul3A_419 : i32
      %add3A_421 = arith.constant 4 : i32
      %add3A_422 = arith.addi %mul3A_185, %add3A_421 : i32
      %mul3A_423 = arith.constant 64 : i32
      %mul3A_424 = arith.muli %add3A_422, %mul3A_423 : i32
      %add3A_425 = arith.constant 4 : i32
      %add3A_426 = arith.addi %mul3A_185, %add3A_425 : i32
      %add3A_427 = arith.constant 1 : i32
      %add3A_428 = arith.addi %add3A_426, %add3A_427 : i32
      %mul3A_429 = arith.constant 64 : i32
      %mul3A_430 = arith.muli %add3A_428, %mul3A_429 : i32
      %add3A_431 = arith.constant 0 : i32
      %add3A_432 = arith.addi %mul3A_414, %add3A_431 : i32
      %add3A_433 = vector.broadcast %add3A_432 : i32 to vector<16xi32>
      %add3A_434 = arith.addi %iota3A, %add3A_433 : vector<16xi32>
      %gather3A_435 = tpu.vector_load_idx %arg7[%add3A_434] : memref<16640xf32, #tpu.memory_space<vmem>>[vector<16xi32>], vector<16xf32>,
      %add3A_436 = arith.constant 16 : i32
      %add3A_437 = arith.addi %mul3A_414, %add3A_436 : i32
      %add3A_438 = vector.broadcast %add3A_437 : i32 to vector<16xi32>
      %add3A_439 = arith.addi %iota3A, %add3A_438 : vector<16xi32>
      %gather3A_440 = tpu.vector_load_idx %arg7[%add3A_439] : memref<16640xf32, #tpu.memory_space<vmem>>[vector<16xi32>], vector<16xf32>,
      %add3A_441 = arith.constant 32 : i32
      %add3A_442 = arith.addi %mul3A_414, %add3A_441 : i32
      %add3A_443 = vector.broadcast %add3A_442 : i32 to vector<16xi32>
      %add3A_444 = arith.addi %iota3A, %add3A_443 : vector<16xi32>
      %gather3A_445 = tpu.vector_load_idx %arg7[%add3A_444] : memref<16640xf32, #tpu.memory_space<vmem>>[vector<16xi32>], vector<16xf32>,
      %add3A_446 = arith.constant 48 : i32
      %add3A_447 = arith.addi %mul3A_414, %add3A_446 : i32
      %add3A_448 = vector.broadcast %add3A_447 : i32 to vector<16xi32>
      %add3A_449 = arith.addi %iota3A, %add3A_448 : vector<16xi32>
      %gather3A_450 = tpu.vector_load_idx %arg7[%add3A_449] : memref<16640xf32, #tpu.memory_space<vmem>>[vector<16xi32>], vector<16xf32>,
      %add3A_451 = arith.constant 0 : i32
      %add3A_452 = arith.addi %mul3A_420, %add3A_451 : i32
      %add3A_453 = vector.broadcast %add3A_452 : i32 to vector<16xi32>
      %add3A_454 = arith.addi %iota3A, %add3A_453 : vector<16xi32>
      %gather3A_455 = tpu.vector_load_idx %arg7[%add3A_454] : memref<16640xf32, #tpu.memory_space<vmem>>[vector<16xi32>], vector<16xf32>,
      %add3A_456 = arith.constant 16 : i32
      %add3A_457 = arith.addi %mul3A_420, %add3A_456 : i32
      %add3A_458 = vector.broadcast %add3A_457 : i32 to vector<16xi32>
      %add3A_459 = arith.addi %iota3A, %add3A_458 : vector<16xi32>
      %gather3A_460 = tpu.vector_load_idx %arg7[%add3A_459] : memref<16640xf32, #tpu.memory_space<vmem>>[vector<16xi32>], vector<16xf32>,
      %add3A_461 = arith.constant 32 : i32
      %add3A_462 = arith.addi %mul3A_420, %add3A_461 : i32
      %add3A_463 = vector.broadcast %add3A_462 : i32 to vector<16xi32>
      %add3A_464 = arith.addi %iota3A, %add3A_463 : vector<16xi32>
      %gather3A_465 = tpu.vector_load_idx %arg7[%add3A_464] : memref<16640xf32, #tpu.memory_space<vmem>>[vector<16xi32>], vector<16xf32>,
      %add3A_466 = arith.constant 48 : i32
      %add3A_467 = arith.addi %mul3A_420, %add3A_466 : i32
      %add3A_468 = vector.broadcast %add3A_467 : i32 to vector<16xi32>
      %add3A_469 = arith.addi %iota3A, %add3A_468 : vector<16xi32>
      %gather3A_470 = tpu.vector_load_idx %arg7[%add3A_469] : memref<16640xf32, #tpu.memory_space<vmem>>[vector<16xi32>], vector<16xf32>,
      %mul3A_471 = vector.broadcast %squeeze3A_408 : f32 to vector<16xf32>
      %mul3A_472 = arith.mulf %gather3A_435, %mul3A_471 : vector<16xf32>
      %mul3A_473 = vector.broadcast %squeeze3A_408 : f32 to vector<16xf32>
      %mul3A_474 = arith.mulf %gather3A_440, %mul3A_473 : vector<16xf32>
      %mul3A_475 = vector.broadcast %squeeze3A_408 : f32 to vector<16xf32>
      %mul3A_476 = arith.mulf %gather3A_445, %mul3A_475 : vector<16xf32>
      %mul3A_477 = vector.broadcast %squeeze3A_408 : f32 to vector<16xf32>
      %mul3A_478 = arith.mulf %gather3A_450, %mul3A_477 : vector<16xf32>
      %mul3A_479 = vector.broadcast %squeeze3A_410 : f32 to vector<16xf32>
      %mul3A_480 = arith.mulf %gather3A_455, %mul3A_479 : vector<16xf32>
      %mul3A_481 = vector.broadcast %squeeze3A_410 : f32 to vector<16xf32>
      %mul3A_482 = arith.mulf %gather3A_460, %mul3A_481 : vector<16xf32>
      %mul3A_483 = vector.broadcast %squeeze3A_410 : f32 to vector<16xf32>
      %mul3A_484 = arith.mulf %gather3A_465, %mul3A_483 : vector<16xf32>
      %mul3A_485 = vector.broadcast %squeeze3A_410 : f32 to vector<16xf32>
      %mul3A_486 = arith.mulf %gather3A_470, %mul3A_485 : vector<16xf32>
      %add3A_487 = arith.constant 0 : i32
      %add3A_488 = arith.addi %mul3A_424, %add3A_487 : i32
      %swap3A_489 = arith.index_cast %add3A_488 : i32 to index
      %swap3A_490 = tpu.vector_load %arg8[%swap3A_489] {strides = array<i32>} : memref<16384xf32, #tpu.memory_space<vmem>>, vector<16xf32>,
      tpu.vector_store %arg8[%swap3A_489], %mul3A_472 {strides = array<i32>} : memref<16384xf32, #tpu.memory_space<vmem>>, vector<16xf32>,
      %add3A_491 = arith.constant 16 : i32
      %add3A_492 = arith.addi %mul3A_424, %add3A_491 : i32
      %swap3A_493 = arith.index_cast %add3A_492 : i32 to index
      %swap3A_494 = tpu.vector_load %arg8[%swap3A_493] {strides = array<i32>} : memref<16384xf32, #tpu.memory_space<vmem>>, vector<16xf32>,
      tpu.vector_store %arg8[%swap3A_493], %mul3A_474 {strides = array<i32>} : memref<16384xf32, #tpu.memory_space<vmem>>, vector<16xf32>,
      %add3A_495 = arith.constant 32 : i32
      %add3A_496 = arith.addi %mul3A_424, %add3A_495 : i32
      %swap3A_497 = arith.index_cast %add3A_496 : i32 to index
      %swap3A_498 = tpu.vector_load %arg8[%swap3A_497] {strides = array<i32>} : memref<16384xf32, #tpu.memory_space<vmem>>, vector<16xf32>,
      tpu.vector_store %arg8[%swap3A_497], %mul3A_476 {strides = array<i32>} : memref<16384xf32, #tpu.memory_space<vmem>>, vector<16xf32>,
      %add3A_499 = arith.constant 48 : i32
      %add3A_500 = arith.addi %mul3A_424, %add3A_499 : i32
      %swap3A_501 = arith.index_cast %add3A_500 : i32 to index
      %swap3A_502 = tpu.vector_load %arg8[%swap3A_501] {strides = array<i32>} : memref<16384xf32, #tpu.memory_space<vmem>>, vector<16xf32>,
      tpu.vector_store %arg8[%swap3A_501], %mul3A_478 {strides = array<i32>} : memref<16384xf32, #tpu.memory_space<vmem>>, vector<16xf32>,
      %add3A_503 = arith.constant 0 : i32
      %add3A_504 = arith.addi %mul3A_430, %add3A_503 : i32
      %swap3A_505 = arith.index_cast %add3A_504 : i32 to index
      %swap3A_506 = tpu.vector_load %arg8[%swap3A_505] {strides = array<i32>} : memref<16384xf32, #tpu.memory_space<vmem>>, vector<16xf32>,
      tpu.vector_store %arg8[%swap3A_505], %mul3A_480 {strides = array<i32>} : memref<16384xf32, #tpu.memory_space<vmem>>, vector<16xf32>,
      %add3A_507 = arith.constant 16 : i32
      %add3A_508 = arith.addi %mul3A_430, %add3A_507 : i32
      %swap3A_509 = arith.index_cast %add3A_508 : i32 to index
      %swap3A_510 = tpu.vector_load %arg8[%swap3A_509] {strides = array<i32>} : memref<16384xf32, #tpu.memory_space<vmem>>, vector<16xf32>,
      tpu.vector_store %arg8[%swap3A_509], %mul3A_482 {strides = array<i32>} : memref<16384xf32, #tpu.memory_space<vmem>>, vector<16xf32>,
      %add3A_511 = arith.constant 32 : i32
      %add3A_512 = arith.addi %mul3A_430, %add3A_511 : i32
      %swap3A_513 = arith.index_cast %add3A_512 : i32 to index
      %swap3A_514 = tpu.vector_load %arg8[%swap3A_513] {strides = array<i32>} : memref<16384xf32, #tpu.memory_space<vmem>>, vector<16xf32>,
      tpu.vector_store %arg8[%swap3A_513], %mul3A_484 {strides = array<i32>} : memref<16384xf32, #tpu.memory_space<vmem>>, vector<16xf32>,
      %add3A_515 = arith.constant 48 : i32
      %add3A_516 = arith.addi %mul3A_430, %add3A_515 : i32
      %swap3A_517 = arith.index_cast %add3A_516 : i32 to index
      %swap3A_518 = tpu.vector_load %arg8[%swap3A_517] {strides = array<i32>} : memref<16384xf32, #tpu.memory_space<vmem>>, vector<16xf32>,
      tpu.vector_store %arg8[%swap3A_517], %mul3A_486 {strides = array<i32>} : memref<16384xf32, #tpu.memory_space<vmem>>, vector<16xf32>,
      %slice3A_519 = vector.extract_strided_slice %get3A_186 {offsets = [6], sizes = [1], strides = [1]} : vector<16xf32> to vector<1xf32>
      %squeeze3A_520 = vector.extract %slice3A_519[0] : f32 from vector<1xf32>
      %slice3A_521 = vector.extract_strided_slice %get3A_186 {offsets = [7], sizes = [1], strides = [1]} : vector<16xf32> to vector<1xf32>
      %squeeze3A_522 = vector.extract %slice3A_521[0] : f32 from vector<1xf32>
      %add3A_523 = arith.constant 6 : i32
      %add3A_524 = arith.addi %mul3A_185, %add3A_523 : i32
      %mul3A_525 = arith.constant 65 : i32
      %mul3A_526 = arith.muli %add3A_524, %mul3A_525 : i32
      %add3A_527 = arith.constant 6 : i32
      %add3A_528 = arith.addi %mul3A_185, %add3A_527 : i32
      %add3A_529 = arith.constant 1 : i32
      %add3A_530 = arith.addi %add3A_528, %add3A_529 : i32
      %mul3A_531 = arith.constant 65 : i32
      %mul3A_532 = arith.muli %add3A_530, %mul3A_531 : i32
      %add3A_533 = arith.constant 6 : i32
      %add3A_534 = arith.addi %mul3A_185, %add3A_533 : i32
      %mul3A_535 = arith.constant 64 : i32
      %mul3A_536 = arith.muli %add3A_534, %mul3A_535 : i32
      %add3A_537 = arith.constant 6 : i32
      %add3A_538 = arith.addi %mul3A_185, %add3A_537 : i32
      %add3A_539 = arith.constant 1 : i32
      %add3A_540 = arith.addi %add3A_538, %add3A_539 : i32
      %mul3A_541 = arith.constant 64 : i32
      %mul3A_542 = arith.muli %add3A_540, %mul3A_541 : i32
      %add3A_543 = arith.constant 0 : i32
      %add3A_544 = arith.addi %mul3A_526, %add3A_543 : i32
      %add3A_545 = vector.broadcast %add3A_544 : i32 to vector<16xi32>
      %add3A_546 = arith.addi %iota3A, %add3A_545 : vector<16xi32>
      %gather3A_547 = tpu.vector_load_idx %arg7[%add3A_546] : memref<16640xf32, #tpu.memory_space<vmem>>[vector<16xi32>], vector<16xf32>,
      %add3A_548 = arith.constant 16 : i32
      %add3A_549 = arith.addi %mul3A_526, %add3A_548 : i32
      %add3A_550 = vector.broadcast %add3A_549 : i32 to vector<16xi32>
      %add3A_551 = arith.addi %iota3A, %add3A_550 : vector<16xi32>
      %gather3A_552 = tpu.vector_load_idx %arg7[%add3A_551] : memref<16640xf32, #tpu.memory_space<vmem>>[vector<16xi32>], vector<16xf32>,
      %add3A_553 = arith.constant 32 : i32
      %add3A_554 = arith.addi %mul3A_526, %add3A_553 : i32
      %add3A_555 = vector.broadcast %add3A_554 : i32 to vector<16xi32>
      %add3A_556 = arith.addi %iota3A, %add3A_555 : vector<16xi32>
      %gather3A_557 = tpu.vector_load_idx %arg7[%add3A_556] : memref<16640xf32, #tpu.memory_space<vmem>>[vector<16xi32>], vector<16xf32>,
      %add3A_558 = arith.constant 48 : i32
      %add3A_559 = arith.addi %mul3A_526, %add3A_558 : i32
      %add3A_560 = vector.broadcast %add3A_559 : i32 to vector<16xi32>
      %add3A_561 = arith.addi %iota3A, %add3A_560 : vector<16xi32>
      %gather3A_562 = tpu.vector_load_idx %arg7[%add3A_561] : memref<16640xf32, #tpu.memory_space<vmem>>[vector<16xi32>], vector<16xf32>,
      %add3A_563 = arith.constant 0 : i32
      %add3A_564 = arith.addi %mul3A_532, %add3A_563 : i32
      %add3A_565 = vector.broadcast %add3A_564 : i32 to vector<16xi32>
      %add3A_566 = arith.addi %iota3A, %add3A_565 : vector<16xi32>
      %gather3A_567 = tpu.vector_load_idx %arg7[%add3A_566] : memref<16640xf32, #tpu.memory_space<vmem>>[vector<16xi32>], vector<16xf32>,
      %add3A_568 = arith.constant 16 : i32
      %add3A_569 = arith.addi %mul3A_532, %add3A_568 : i32
      %add3A_570 = vector.broadcast %add3A_569 : i32 to vector<16xi32>
      %add3A_571 = arith.addi %iota3A, %add3A_570 : vector<16xi32>
      %gather3A_572 = tpu.vector_load_idx %arg7[%add3A_571] : memref<16640xf32, #tpu.memory_space<vmem>>[vector<16xi32>], vector<16xf32>,
      %add3A_573 = arith.constant 32 : i32
      %add3A_574 = arith.addi %mul3A_532, %add3A_573 : i32
      %add3A_575 = vector.broadcast %add3A_574 : i32 to vector<16xi32>
      %add3A_576 = arith.addi %iota3A, %add3A_575 : vector<16xi32>
      %gather3A_577 = tpu.vector_load_idx %arg7[%add3A_576] : memref<16640xf32, #tpu.memory_space<vmem>>[vector<16xi32>], vector<16xf32>,
      %add3A_578 = arith.constant 48 : i32
      %add3A_579 = arith.addi %mul3A_532, %add3A_578 : i32
      %add3A_580 = vector.broadcast %add3A_579 : i32 to vector<16xi32>
      %add3A_581 = arith.addi %iota3A, %add3A_580 : vector<16xi32>
      %gather3A_582 = tpu.vector_load_idx %arg7[%add3A_581] : memref<16640xf32, #tpu.memory_space<vmem>>[vector<16xi32>], vector<16xf32>,
      %mul3A_583 = vector.broadcast %squeeze3A_520 : f32 to vector<16xf32>
      %mul3A_584 = arith.mulf %gather3A_547, %mul3A_583 : vector<16xf32>
      %mul3A_585 = vector.broadcast %squeeze3A_520 : f32 to vector<16xf32>
      %mul3A_586 = arith.mulf %gather3A_552, %mul3A_585 : vector<16xf32>
      %mul3A_587 = vector.broadcast %squeeze3A_520 : f32 to vector<16xf32>
      %mul3A_588 = arith.mulf %gather3A_557, %mul3A_587 : vector<16xf32>
      %mul3A_589 = vector.broadcast %squeeze3A_520 : f32 to vector<16xf32>
      %mul3A_590 = arith.mulf %gather3A_562, %mul3A_589 : vector<16xf32>
      %mul3A_591 = vector.broadcast %squeeze3A_522 : f32 to vector<16xf32>
      %mul3A_592 = arith.mulf %gather3A_567, %mul3A_591 : vector<16xf32>
      %mul3A_593 = vector.broadcast %squeeze3A_522 : f32 to vector<16xf32>
      %mul3A_594 = arith.mulf %gather3A_572, %mul3A_593 : vector<16xf32>
      %mul3A_595 = vector.broadcast %squeeze3A_522 : f32 to vector<16xf32>
      %mul3A_596 = arith.mulf %gather3A_577, %mul3A_595 : vector<16xf32>
      %mul3A_597 = vector.broadcast %squeeze3A_522 : f32 to vector<16xf32>
      %mul3A_598 = arith.mulf %gather3A_582, %mul3A_597 : vector<16xf32>
      %add3A_599 = arith.constant 0 : i32
      %add3A_600 = arith.addi %mul3A_536, %add3A_599 : i32
      %swap3A_601 = arith.index_cast %add3A_600 : i32 to index
      %swap3A_602 = tpu.vector_load %arg8[%swap3A_601] {strides = array<i32>} : memref<16384xf32, #tpu.memory_space<vmem>>, vector<16xf32>,
      tpu.vector_store %arg8[%swap3A_601], %mul3A_584 {strides = array<i32>} : memref<16384xf32, #tpu.memory_space<vmem>>, vector<16xf32>,
      %add3A_603 = arith.constant 16 : i32
      %add3A_604 = arith.addi %mul3A_536, %add3A_603 : i32
      %swap3A_605 = arith.index_cast %add3A_604 : i32 to index
      %swap3A_606 = tpu.vector_load %arg8[%swap3A_605] {strides = array<i32>} : memref<16384xf32, #tpu.memory_space<vmem>>, vector<16xf32>,
      tpu.vector_store %arg8[%swap3A_605], %mul3A_586 {strides = array<i32>} : memref<16384xf32, #tpu.memory_space<vmem>>, vector<16xf32>,
      %add3A_607 = arith.constant 32 : i32
      %add3A_608 = arith.addi %mul3A_536, %add3A_607 : i32
      %swap3A_609 = arith.index_cast %add3A_608 : i32 to index
      %swap3A_610 = tpu.vector_load %arg8[%swap3A_609] {strides = array<i32>} : memref<16384xf32, #tpu.memory_space<vmem>>, vector<16xf32>,
      tpu.vector_store %arg8[%swap3A_609], %mul3A_588 {strides = array<i32>} : memref<16384xf32, #tpu.memory_space<vmem>>, vector<16xf32>,
      %add3A_611 = arith.constant 48 : i32
      %add3A_612 = arith.addi %mul3A_536, %add3A_611 : i32
      %swap3A_613 = arith.index_cast %add3A_612 : i32 to index
      %swap3A_614 = tpu.vector_load %arg8[%swap3A_613] {strides = array<i32>} : memref<16384xf32, #tpu.memory_space<vmem>>, vector<16xf32>,
      tpu.vector_store %arg8[%swap3A_613], %mul3A_590 {strides = array<i32>} : memref<16384xf32, #tpu.memory_space<vmem>>, vector<16xf32>,
      %add3A_615 = arith.constant 0 : i32
      %add3A_616 = arith.addi %mul3A_542, %add3A_615 : i32
      %swap3A_617 = arith.index_cast %add3A_616 : i32 to index
      %swap3A_618 = tpu.vector_load %arg8[%swap3A_617] {strides = array<i32>} : memref<16384xf32, #tpu.memory_space<vmem>>, vector<16xf32>,
      tpu.vector_store %arg8[%swap3A_617], %mul3A_592 {strides = array<i32>} : memref<16384xf32, #tpu.memory_space<vmem>>, vector<16xf32>,
      %add3A_619 = arith.constant 16 : i32
      %add3A_620 = arith.addi %mul3A_542, %add3A_619 : i32
      %swap3A_621 = arith.index_cast %add3A_620 : i32 to index
      %swap3A_622 = tpu.vector_load %arg8[%swap3A_621] {strides = array<i32>} : memref<16384xf32, #tpu.memory_space<vmem>>, vector<16xf32>,
      tpu.vector_store %arg8[%swap3A_621], %mul3A_594 {strides = array<i32>} : memref<16384xf32, #tpu.memory_space<vmem>>, vector<16xf32>,
      %add3A_623 = arith.constant 32 : i32
      %add3A_624 = arith.addi %mul3A_542, %add3A_623 : i32
      %swap3A_625 = arith.index_cast %add3A_624 : i32 to index
      %swap3A_626 = tpu.vector_load %arg8[%swap3A_625] {strides = array<i32>} : memref<16384xf32, #tpu.memory_space<vmem>>, vector<16xf32>,
      tpu.vector_store %arg8[%swap3A_625], %mul3A_596 {strides = array<i32>} : memref<16384xf32, #tpu.memory_space<vmem>>, vector<16xf32>,
      %add3A_627 = arith.constant 48 : i32
      %add3A_628 = arith.addi %mul3A_542, %add3A_627 : i32
      %swap3A_629 = arith.index_cast %add3A_628 : i32 to index
      %swap3A_630 = tpu.vector_load %arg8[%swap3A_629] {strides = array<i32>} : memref<16384xf32, #tpu.memory_space<vmem>>, vector<16xf32>,
      tpu.vector_store %arg8[%swap3A_629], %mul3A_598 {strides = array<i32>} : memref<16384xf32, #tpu.memory_space<vmem>>, vector<16xf32>,
      %slice3A_631 = vector.extract_strided_slice %get3A_186 {offsets = [8], sizes = [1], strides = [1]} : vector<16xf32> to vector<1xf32>
      %squeeze3A_632 = vector.extract %slice3A_631[0] : f32 from vector<1xf32>
      %slice3A_633 = vector.extract_strided_slice %get3A_186 {offsets = [9], sizes = [1], strides = [1]} : vector<16xf32> to vector<1xf32>
      %squeeze3A_634 = vector.extract %slice3A_633[0] : f32 from vector<1xf32>
      %add3A_635 = arith.constant 8 : i32
      %add3A_636 = arith.addi %mul3A_185, %add3A_635 : i32
      %mul3A_637 = arith.constant 65 : i32
      %mul3A_638 = arith.muli %add3A_636, %mul3A_637 : i32
      %add3A_639 = arith.constant 8 : i32
      %add3A_640 = arith.addi %mul3A_185, %add3A_639 : i32
      %add3A_641 = arith.constant 1 : i32
      %add3A_642 = arith.addi %add3A_640, %add3A_641 : i32
      %mul3A_643 = arith.constant 65 : i32
      %mul3A_644 = arith.muli %add3A_642, %mul3A_643 : i32
      %add3A_645 = arith.constant 8 : i32
      %add3A_646 = arith.addi %mul3A_185, %add3A_645 : i32
      %mul3A_647 = arith.constant 64 : i32
      %mul3A_648 = arith.muli %add3A_646, %mul3A_647 : i32
      %add3A_649 = arith.constant 8 : i32
      %add3A_650 = arith.addi %mul3A_185, %add3A_649 : i32
      %add3A_651 = arith.constant 1 : i32
      %add3A_652 = arith.addi %add3A_650, %add3A_651 : i32
      %mul3A_653 = arith.constant 64 : i32
      %mul3A_654 = arith.muli %add3A_652, %mul3A_653 : i32
      %add3A_655 = arith.constant 0 : i32
      %add3A_656 = arith.addi %mul3A_638, %add3A_655 : i32
      %add3A_657 = vector.broadcast %add3A_656 : i32 to vector<16xi32>
      %add3A_658 = arith.addi %iota3A, %add3A_657 : vector<16xi32>
      %gather3A_659 = tpu.vector_load_idx %arg7[%add3A_658] : memref<16640xf32, #tpu.memory_space<vmem>>[vector<16xi32>], vector<16xf32>,
      %add3A_660 = arith.constant 16 : i32
      %add3A_661 = arith.addi %mul3A_638, %add3A_660 : i32
      %add3A_662 = vector.broadcast %add3A_661 : i32 to vector<16xi32>
      %add3A_663 = arith.addi %iota3A, %add3A_662 : vector<16xi32>
      %gather3A_664 = tpu.vector_load_idx %arg7[%add3A_663] : memref<16640xf32, #tpu.memory_space<vmem>>[vector<16xi32>], vector<16xf32>,
      %add3A_665 = arith.constant 32 : i32
      %add3A_666 = arith.addi %mul3A_638, %add3A_665 : i32
      %add3A_667 = vector.broadcast %add3A_666 : i32 to vector<16xi32>
      %add3A_668 = arith.addi %iota3A, %add3A_667 : vector<16xi32>
      %gather3A_669 = tpu.vector_load_idx %arg7[%add3A_668] : memref<16640xf32, #tpu.memory_space<vmem>>[vector<16xi32>], vector<16xf32>,
      %add3A_670 = arith.constant 48 : i32
      %add3A_671 = arith.addi %mul3A_638, %add3A_670 : i32
      %add3A_672 = vector.broadcast %add3A_671 : i32 to vector<16xi32>
      %add3A_673 = arith.addi %iota3A, %add3A_672 : vector<16xi32>
      %gather3A_674 = tpu.vector_load_idx %arg7[%add3A_673] : memref<16640xf32, #tpu.memory_space<vmem>>[vector<16xi32>], vector<16xf32>,
      %add3A_675 = arith.constant 0 : i32
      %add3A_676 = arith.addi %mul3A_644, %add3A_675 : i32
      %add3A_677 = vector.broadcast %add3A_676 : i32 to vector<16xi32>
      %add3A_678 = arith.addi %iota3A, %add3A_677 : vector<16xi32>
      %gather3A_679 = tpu.vector_load_idx %arg7[%add3A_678] : memref<16640xf32, #tpu.memory_space<vmem>>[vector<16xi32>], vector<16xf32>,
      %add3A_680 = arith.constant 16 : i32
      %add3A_681 = arith.addi %mul3A_644, %add3A_680 : i32
      %add3A_682 = vector.broadcast %add3A_681 : i32 to vector<16xi32>
      %add3A_683 = arith.addi %iota3A, %add3A_682 : vector<16xi32>
      %gather3A_684 = tpu.vector_load_idx %arg7[%add3A_683] : memref<16640xf32, #tpu.memory_space<vmem>>[vector<16xi32>], vector<16xf32>,
      %add3A_685 = arith.constant 32 : i32
      %add3A_686 = arith.addi %mul3A_644, %add3A_685 : i32
      %add3A_687 = vector.broadcast %add3A_686 : i32 to vector<16xi32>
      %add3A_688 = arith.addi %iota3A, %add3A_687 : vector<16xi32>
      %gather3A_689 = tpu.vector_load_idx %arg7[%add3A_688] : memref<16640xf32, #tpu.memory_space<vmem>>[vector<16xi32>], vector<16xf32>,
      %add3A_690 = arith.constant 48 : i32
      %add3A_691 = arith.addi %mul3A_644, %add3A_690 : i32
      %add3A_692 = vector.broadcast %add3A_691 : i32 to vector<16xi32>
      %add3A_693 = arith.addi %iota3A, %add3A_692 : vector<16xi32>
      %gather3A_694 = tpu.vector_load_idx %arg7[%add3A_693] : memref<16640xf32, #tpu.memory_space<vmem>>[vector<16xi32>], vector<16xf32>,
      %mul3A_695 = vector.broadcast %squeeze3A_632 : f32 to vector<16xf32>
      %mul3A_696 = arith.mulf %gather3A_659, %mul3A_695 : vector<16xf32>
      %mul3A_697 = vector.broadcast %squeeze3A_632 : f32 to vector<16xf32>
      %mul3A_698 = arith.mulf %gather3A_664, %mul3A_697 : vector<16xf32>
      %mul3A_699 = vector.broadcast %squeeze3A_632 : f32 to vector<16xf32>
      %mul3A_700 = arith.mulf %gather3A_669, %mul3A_699 : vector<16xf32>
      %mul3A_701 = vector.broadcast %squeeze3A_632 : f32 to vector<16xf32>
      %mul3A_702 = arith.mulf %gather3A_674, %mul3A_701 : vector<16xf32>
      %mul3A_703 = vector.broadcast %squeeze3A_634 : f32 to vector<16xf32>
      %mul3A_704 = arith.mulf %gather3A_679, %mul3A_703 : vector<16xf32>
      %mul3A_705 = vector.broadcast %squeeze3A_634 : f32 to vector<16xf32>
      %mul3A_706 = arith.mulf %gather3A_684, %mul3A_705 : vector<16xf32>
      %mul3A_707 = vector.broadcast %squeeze3A_634 : f32 to vector<16xf32>
      %mul3A_708 = arith.mulf %gather3A_689, %mul3A_707 : vector<16xf32>
      %mul3A_709 = vector.broadcast %squeeze3A_634 : f32 to vector<16xf32>
      %mul3A_710 = arith.mulf %gather3A_694, %mul3A_709 : vector<16xf32>
      %add3A_711 = arith.constant 0 : i32
      %add3A_712 = arith.addi %mul3A_648, %add3A_711 : i32
      %swap3A_713 = arith.index_cast %add3A_712 : i32 to index
      %swap3A_714 = tpu.vector_load %arg8[%swap3A_713] {strides = array<i32>} : memref<16384xf32, #tpu.memory_space<vmem>>, vector<16xf32>,
      tpu.vector_store %arg8[%swap3A_713], %mul3A_696 {strides = array<i32>} : memref<16384xf32, #tpu.memory_space<vmem>>, vector<16xf32>,
      %add3A_715 = arith.constant 16 : i32
      %add3A_716 = arith.addi %mul3A_648, %add3A_715 : i32
      %swap3A_717 = arith.index_cast %add3A_716 : i32 to index
      %swap3A_718 = tpu.vector_load %arg8[%swap3A_717] {strides = array<i32>} : memref<16384xf32, #tpu.memory_space<vmem>>, vector<16xf32>,
      tpu.vector_store %arg8[%swap3A_717], %mul3A_698 {strides = array<i32>} : memref<16384xf32, #tpu.memory_space<vmem>>, vector<16xf32>,
      %add3A_719 = arith.constant 32 : i32
      %add3A_720 = arith.addi %mul3A_648, %add3A_719 : i32
      %swap3A_721 = arith.index_cast %add3A_720 : i32 to index
      %swap3A_722 = tpu.vector_load %arg8[%swap3A_721] {strides = array<i32>} : memref<16384xf32, #tpu.memory_space<vmem>>, vector<16xf32>,
      tpu.vector_store %arg8[%swap3A_721], %mul3A_700 {strides = array<i32>} : memref<16384xf32, #tpu.memory_space<vmem>>, vector<16xf32>,
      %add3A_723 = arith.constant 48 : i32
      %add3A_724 = arith.addi %mul3A_648, %add3A_723 : i32
      %swap3A_725 = arith.index_cast %add3A_724 : i32 to index
      %swap3A_726 = tpu.vector_load %arg8[%swap3A_725] {strides = array<i32>} : memref<16384xf32, #tpu.memory_space<vmem>>, vector<16xf32>,
      tpu.vector_store %arg8[%swap3A_725], %mul3A_702 {strides = array<i32>} : memref<16384xf32, #tpu.memory_space<vmem>>, vector<16xf32>,
      %add3A_727 = arith.constant 0 : i32
      %add3A_728 = arith.addi %mul3A_654, %add3A_727 : i32
      %swap3A_729 = arith.index_cast %add3A_728 : i32 to index
      %swap3A_730 = tpu.vector_load %arg8[%swap3A_729] {strides = array<i32>} : memref<16384xf32, #tpu.memory_space<vmem>>, vector<16xf32>,
      tpu.vector_store %arg8[%swap3A_729], %mul3A_704 {strides = array<i32>} : memref<16384xf32, #tpu.memory_space<vmem>>, vector<16xf32>,
      %add3A_731 = arith.constant 16 : i32
      %add3A_732 = arith.addi %mul3A_654, %add3A_731 : i32
      %swap3A_733 = arith.index_cast %add3A_732 : i32 to index
      %swap3A_734 = tpu.vector_load %arg8[%swap3A_733] {strides = array<i32>} : memref<16384xf32, #tpu.memory_space<vmem>>, vector<16xf32>,
      tpu.vector_store %arg8[%swap3A_733], %mul3A_706 {strides = array<i32>} : memref<16384xf32, #tpu.memory_space<vmem>>, vector<16xf32>,
      %add3A_735 = arith.constant 32 : i32
      %add3A_736 = arith.addi %mul3A_654, %add3A_735 : i32
      %swap3A_737 = arith.index_cast %add3A_736 : i32 to index
      %swap3A_738 = tpu.vector_load %arg8[%swap3A_737] {strides = array<i32>} : memref<16384xf32, #tpu.memory_space<vmem>>, vector<16xf32>,
      tpu.vector_store %arg8[%swap3A_737], %mul3A_708 {strides = array<i32>} : memref<16384xf32, #tpu.memory_space<vmem>>, vector<16xf32>,
      %add3A_739 = arith.constant 48 : i32
      %add3A_740 = arith.addi %mul3A_654, %add3A_739 : i32
      %swap3A_741 = arith.index_cast %add3A_740 : i32 to index
      %swap3A_742 = tpu.vector_load %arg8[%swap3A_741] {strides = array<i32>} : memref<16384xf32, #tpu.memory_space<vmem>>, vector<16xf32>,
      tpu.vector_store %arg8[%swap3A_741], %mul3A_710 {strides = array<i32>} : memref<16384xf32, #tpu.memory_space<vmem>>, vector<16xf32>,
      %slice3A_743 = vector.extract_strided_slice %get3A_186 {offsets = [10], sizes = [1], strides = [1]} : vector<16xf32> to vector<1xf32>
      %squeeze3A_744 = vector.extract %slice3A_743[0] : f32 from vector<1xf32>
      %slice3A_745 = vector.extract_strided_slice %get3A_186 {offsets = [11], sizes = [1], strides = [1]} : vector<16xf32> to vector<1xf32>
      %squeeze3A_746 = vector.extract %slice3A_745[0] : f32 from vector<1xf32>
      %add3A_747 = arith.constant 10 : i32
      %add3A_748 = arith.addi %mul3A_185, %add3A_747 : i32
      %mul3A_749 = arith.constant 65 : i32
      %mul3A_750 = arith.muli %add3A_748, %mul3A_749 : i32
      %add3A_751 = arith.constant 10 : i32
      %add3A_752 = arith.addi %mul3A_185, %add3A_751 : i32
      %add3A_753 = arith.constant 1 : i32
      %add3A_754 = arith.addi %add3A_752, %add3A_753 : i32
      %mul3A_755 = arith.constant 65 : i32
      %mul3A_756 = arith.muli %add3A_754, %mul3A_755 : i32
      %add3A_757 = arith.constant 10 : i32
      %add3A_758 = arith.addi %mul3A_185, %add3A_757 : i32
      %mul3A_759 = arith.constant 64 : i32
      %mul3A_760 = arith.muli %add3A_758, %mul3A_759 : i32
      %add3A_761 = arith.constant 10 : i32
      %add3A_762 = arith.addi %mul3A_185, %add3A_761 : i32
      %add3A_763 = arith.constant 1 : i32
      %add3A_764 = arith.addi %add3A_762, %add3A_763 : i32
      %mul3A_765 = arith.constant 64 : i32
      %mul3A_766 = arith.muli %add3A_764, %mul3A_765 : i32
      %add3A_767 = arith.constant 0 : i32
      %add3A_768 = arith.addi %mul3A_750, %add3A_767 : i32
      %add3A_769 = vector.broadcast %add3A_768 : i32 to vector<16xi32>
      %add3A_770 = arith.addi %iota3A, %add3A_769 : vector<16xi32>
      %gather3A_771 = tpu.vector_load_idx %arg7[%add3A_770] : memref<16640xf32, #tpu.memory_space<vmem>>[vector<16xi32>], vector<16xf32>,
      %add3A_772 = arith.constant 16 : i32
      %add3A_773 = arith.addi %mul3A_750, %add3A_772 : i32
      %add3A_774 = vector.broadcast %add3A_773 : i32 to vector<16xi32>
      %add3A_775 = arith.addi %iota3A, %add3A_774 : vector<16xi32>
      %gather3A_776 = tpu.vector_load_idx %arg7[%add3A_775] : memref<16640xf32, #tpu.memory_space<vmem>>[vector<16xi32>], vector<16xf32>,
      %add3A_777 = arith.constant 32 : i32
      %add3A_778 = arith.addi %mul3A_750, %add3A_777 : i32
      %add3A_779 = vector.broadcast %add3A_778 : i32 to vector<16xi32>
      %add3A_780 = arith.addi %iota3A, %add3A_779 : vector<16xi32>
      %gather3A_781 = tpu.vector_load_idx %arg7[%add3A_780] : memref<16640xf32, #tpu.memory_space<vmem>>[vector<16xi32>], vector<16xf32>,
      %add3A_782 = arith.constant 48 : i32
      %add3A_783 = arith.addi %mul3A_750, %add3A_782 : i32
      %add3A_784 = vector.broadcast %add3A_783 : i32 to vector<16xi32>
      %add3A_785 = arith.addi %iota3A, %add3A_784 : vector<16xi32>
      %gather3A_786 = tpu.vector_load_idx %arg7[%add3A_785] : memref<16640xf32, #tpu.memory_space<vmem>>[vector<16xi32>], vector<16xf32>,
      %add3A_787 = arith.constant 0 : i32
      %add3A_788 = arith.addi %mul3A_756, %add3A_787 : i32
      %add3A_789 = vector.broadcast %add3A_788 : i32 to vector<16xi32>
      %add3A_790 = arith.addi %iota3A, %add3A_789 : vector<16xi32>
      %gather3A_791 = tpu.vector_load_idx %arg7[%add3A_790] : memref<16640xf32, #tpu.memory_space<vmem>>[vector<16xi32>], vector<16xf32>,
      %add3A_792 = arith.constant 16 : i32
      %add3A_793 = arith.addi %mul3A_756, %add3A_792 : i32
      %add3A_794 = vector.broadcast %add3A_793 : i32 to vector<16xi32>
      %add3A_795 = arith.addi %iota3A, %add3A_794 : vector<16xi32>
      %gather3A_796 = tpu.vector_load_idx %arg7[%add3A_795] : memref<16640xf32, #tpu.memory_space<vmem>>[vector<16xi32>], vector<16xf32>,
      %add3A_797 = arith.constant 32 : i32
      %add3A_798 = arith.addi %mul3A_756, %add3A_797 : i32
      %add3A_799 = vector.broadcast %add3A_798 : i32 to vector<16xi32>
      %add3A_800 = arith.addi %iota3A, %add3A_799 : vector<16xi32>
      %gather3A_801 = tpu.vector_load_idx %arg7[%add3A_800] : memref<16640xf32, #tpu.memory_space<vmem>>[vector<16xi32>], vector<16xf32>,
      %add3A_802 = arith.constant 48 : i32
      %add3A_803 = arith.addi %mul3A_756, %add3A_802 : i32
      %add3A_804 = vector.broadcast %add3A_803 : i32 to vector<16xi32>
      %add3A_805 = arith.addi %iota3A, %add3A_804 : vector<16xi32>
      %gather3A_806 = tpu.vector_load_idx %arg7[%add3A_805] : memref<16640xf32, #tpu.memory_space<vmem>>[vector<16xi32>], vector<16xf32>,
      %mul3A_807 = vector.broadcast %squeeze3A_744 : f32 to vector<16xf32>
      %mul3A_808 = arith.mulf %gather3A_771, %mul3A_807 : vector<16xf32>
      %mul3A_809 = vector.broadcast %squeeze3A_744 : f32 to vector<16xf32>
      %mul3A_810 = arith.mulf %gather3A_776, %mul3A_809 : vector<16xf32>
      %mul3A_811 = vector.broadcast %squeeze3A_744 : f32 to vector<16xf32>
      %mul3A_812 = arith.mulf %gather3A_781, %mul3A_811 : vector<16xf32>
      %mul3A_813 = vector.broadcast %squeeze3A_744 : f32 to vector<16xf32>
      %mul3A_814 = arith.mulf %gather3A_786, %mul3A_813 : vector<16xf32>
      %mul3A_815 = vector.broadcast %squeeze3A_746 : f32 to vector<16xf32>
      %mul3A_816 = arith.mulf %gather3A_791, %mul3A_815 : vector<16xf32>
      %mul3A_817 = vector.broadcast %squeeze3A_746 : f32 to vector<16xf32>
      %mul3A_818 = arith.mulf %gather3A_796, %mul3A_817 : vector<16xf32>
      %mul3A_819 = vector.broadcast %squeeze3A_746 : f32 to vector<16xf32>
      %mul3A_820 = arith.mulf %gather3A_801, %mul3A_819 : vector<16xf32>
      %mul3A_821 = vector.broadcast %squeeze3A_746 : f32 to vector<16xf32>
      %mul3A_822 = arith.mulf %gather3A_806, %mul3A_821 : vector<16xf32>
      %add3A_823 = arith.constant 0 : i32
      %add3A_824 = arith.addi %mul3A_760, %add3A_823 : i32
      %swap3A_825 = arith.index_cast %add3A_824 : i32 to index
      %swap3A_826 = tpu.vector_load %arg8[%swap3A_825] {strides = array<i32>} : memref<16384xf32, #tpu.memory_space<vmem>>, vector<16xf32>,
      tpu.vector_store %arg8[%swap3A_825], %mul3A_808 {strides = array<i32>} : memref<16384xf32, #tpu.memory_space<vmem>>, vector<16xf32>,
      %add3A_827 = arith.constant 16 : i32
      %add3A_828 = arith.addi %mul3A_760, %add3A_827 : i32
      %swap3A_829 = arith.index_cast %add3A_828 : i32 to index
      %swap3A_830 = tpu.vector_load %arg8[%swap3A_829] {strides = array<i32>} : memref<16384xf32, #tpu.memory_space<vmem>>, vector<16xf32>,
      tpu.vector_store %arg8[%swap3A_829], %mul3A_810 {strides = array<i32>} : memref<16384xf32, #tpu.memory_space<vmem>>, vector<16xf32>,
      %add3A_831 = arith.constant 32 : i32
      %add3A_832 = arith.addi %mul3A_760, %add3A_831 : i32
      %swap3A_833 = arith.index_cast %add3A_832 : i32 to index
      %swap3A_834 = tpu.vector_load %arg8[%swap3A_833] {strides = array<i32>} : memref<16384xf32, #tpu.memory_space<vmem>>, vector<16xf32>,
      tpu.vector_store %arg8[%swap3A_833], %mul3A_812 {strides = array<i32>} : memref<16384xf32, #tpu.memory_space<vmem>>, vector<16xf32>,
      %add3A_835 = arith.constant 48 : i32
      %add3A_836 = arith.addi %mul3A_760, %add3A_835 : i32
      %swap3A_837 = arith.index_cast %add3A_836 : i32 to index
      %swap3A_838 = tpu.vector_load %arg8[%swap3A_837] {strides = array<i32>} : memref<16384xf32, #tpu.memory_space<vmem>>, vector<16xf32>,
      tpu.vector_store %arg8[%swap3A_837], %mul3A_814 {strides = array<i32>} : memref<16384xf32, #tpu.memory_space<vmem>>, vector<16xf32>,
      %add3A_839 = arith.constant 0 : i32
      %add3A_840 = arith.addi %mul3A_766, %add3A_839 : i32
      %swap3A_841 = arith.index_cast %add3A_840 : i32 to index
      %swap3A_842 = tpu.vector_load %arg8[%swap3A_841] {strides = array<i32>} : memref<16384xf32, #tpu.memory_space<vmem>>, vector<16xf32>,
      tpu.vector_store %arg8[%swap3A_841], %mul3A_816 {strides = array<i32>} : memref<16384xf32, #tpu.memory_space<vmem>>, vector<16xf32>,
      %add3A_843 = arith.constant 16 : i32
      %add3A_844 = arith.addi %mul3A_766, %add3A_843 : i32
      %swap3A_845 = arith.index_cast %add3A_844 : i32 to index
      %swap3A_846 = tpu.vector_load %arg8[%swap3A_845] {strides = array<i32>} : memref<16384xf32, #tpu.memory_space<vmem>>, vector<16xf32>,
      tpu.vector_store %arg8[%swap3A_845], %mul3A_818 {strides = array<i32>} : memref<16384xf32, #tpu.memory_space<vmem>>, vector<16xf32>,
      %add3A_847 = arith.constant 32 : i32
      %add3A_848 = arith.addi %mul3A_766, %add3A_847 : i32
      %swap3A_849 = arith.index_cast %add3A_848 : i32 to index
      %swap3A_850 = tpu.vector_load %arg8[%swap3A_849] {strides = array<i32>} : memref<16384xf32, #tpu.memory_space<vmem>>, vector<16xf32>,
      tpu.vector_store %arg8[%swap3A_849], %mul3A_820 {strides = array<i32>} : memref<16384xf32, #tpu.memory_space<vmem>>, vector<16xf32>,
      %add3A_851 = arith.constant 48 : i32
      %add3A_852 = arith.addi %mul3A_766, %add3A_851 : i32
      %swap3A_853 = arith.index_cast %add3A_852 : i32 to index
      %swap3A_854 = tpu.vector_load %arg8[%swap3A_853] {strides = array<i32>} : memref<16384xf32, #tpu.memory_space<vmem>>, vector<16xf32>,
      tpu.vector_store %arg8[%swap3A_853], %mul3A_822 {strides = array<i32>} : memref<16384xf32, #tpu.memory_space<vmem>>, vector<16xf32>,
      %slice3A_855 = vector.extract_strided_slice %get3A_186 {offsets = [12], sizes = [1], strides = [1]} : vector<16xf32> to vector<1xf32>
      %squeeze3A_856 = vector.extract %slice3A_855[0] : f32 from vector<1xf32>
      %slice3A_857 = vector.extract_strided_slice %get3A_186 {offsets = [13], sizes = [1], strides = [1]} : vector<16xf32> to vector<1xf32>
      %squeeze3A_858 = vector.extract %slice3A_857[0] : f32 from vector<1xf32>
      %add3A_859 = arith.constant 12 : i32
      %add3A_860 = arith.addi %mul3A_185, %add3A_859 : i32
      %mul3A_861 = arith.constant 65 : i32
      %mul3A_862 = arith.muli %add3A_860, %mul3A_861 : i32
      %add3A_863 = arith.constant 12 : i32
      %add3A_864 = arith.addi %mul3A_185, %add3A_863 : i32
      %add3A_865 = arith.constant 1 : i32
      %add3A_866 = arith.addi %add3A_864, %add3A_865 : i32
      %mul3A_867 = arith.constant 65 : i32
      %mul3A_868 = arith.muli %add3A_866, %mul3A_867 : i32
      %add3A_869 = arith.constant 12 : i32
      %add3A_870 = arith.addi %mul3A_185, %add3A_869 : i32
      %mul3A_871 = arith.constant 64 : i32
      %mul3A_872 = arith.muli %add3A_870, %mul3A_871 : i32
      %add3A_873 = arith.constant 12 : i32
      %add3A_874 = arith.addi %mul3A_185, %add3A_873 : i32
      %add3A_875 = arith.constant 1 : i32
      %add3A_876 = arith.addi %add3A_874, %add3A_875 : i32
      %mul3A_877 = arith.constant 64 : i32
      %mul3A_878 = arith.muli %add3A_876, %mul3A_877 : i32
      %add3A_879 = arith.constant 0 : i32
      %add3A_880 = arith.addi %mul3A_862, %add3A_879 : i32
      %add3A_881 = vector.broadcast %add3A_880 : i32 to vector<16xi32>
      %add3A_882 = arith.addi %iota3A, %add3A_881 : vector<16xi32>
      %gather3A_883 = tpu.vector_load_idx %arg7[%add3A_882] : memref<16640xf32, #tpu.memory_space<vmem>>[vector<16xi32>], vector<16xf32>,
      %add3A_884 = arith.constant 16 : i32
      %add3A_885 = arith.addi %mul3A_862, %add3A_884 : i32
      %add3A_886 = vector.broadcast %add3A_885 : i32 to vector<16xi32>
      %add3A_887 = arith.addi %iota3A, %add3A_886 : vector<16xi32>
      %gather3A_888 = tpu.vector_load_idx %arg7[%add3A_887] : memref<16640xf32, #tpu.memory_space<vmem>>[vector<16xi32>], vector<16xf32>,
      %add3A_889 = arith.constant 32 : i32
      %add3A_890 = arith.addi %mul3A_862, %add3A_889 : i32
      %add3A_891 = vector.broadcast %add3A_890 : i32 to vector<16xi32>
      %add3A_892 = arith.addi %iota3A, %add3A_891 : vector<16xi32>
      %gather3A_893 = tpu.vector_load_idx %arg7[%add3A_892] : memref<16640xf32, #tpu.memory_space<vmem>>[vector<16xi32>], vector<16xf32>,
      %add3A_894 = arith.constant 48 : i32
      %add3A_895 = arith.addi %mul3A_862, %add3A_894 : i32
      %add3A_896 = vector.broadcast %add3A_895 : i32 to vector<16xi32>
      %add3A_897 = arith.addi %iota3A, %add3A_896 : vector<16xi32>
      %gather3A_898 = tpu.vector_load_idx %arg7[%add3A_897] : memref<16640xf32, #tpu.memory_space<vmem>>[vector<16xi32>], vector<16xf32>,
      %add3A_899 = arith.constant 0 : i32
      %add3A_900 = arith.addi %mul3A_868, %add3A_899 : i32
      %add3A_901 = vector.broadcast %add3A_900 : i32 to vector<16xi32>
      %add3A_902 = arith.addi %iota3A, %add3A_901 : vector<16xi32>
      %gather3A_903 = tpu.vector_load_idx %arg7[%add3A_902] : memref<16640xf32, #tpu.memory_space<vmem>>[vector<16xi32>], vector<16xf32>,
      %add3A_904 = arith.constant 16 : i32
      %add3A_905 = arith.addi %mul3A_868, %add3A_904 : i32
      %add3A_906 = vector.broadcast %add3A_905 : i32 to vector<16xi32>
      %add3A_907 = arith.addi %iota3A, %add3A_906 : vector<16xi32>
      %gather3A_908 = tpu.vector_load_idx %arg7[%add3A_907] : memref<16640xf32, #tpu.memory_space<vmem>>[vector<16xi32>], vector<16xf32>,
      %add3A_909 = arith.constant 32 : i32
      %add3A_910 = arith.addi %mul3A_868, %add3A_909 : i32
      %add3A_911 = vector.broadcast %add3A_910 : i32 to vector<16xi32>
      %add3A_912 = arith.addi %iota3A, %add3A_911 : vector<16xi32>
      %gather3A_913 = tpu.vector_load_idx %arg7[%add3A_912] : memref<16640xf32, #tpu.memory_space<vmem>>[vector<16xi32>], vector<16xf32>,
      %add3A_914 = arith.constant 48 : i32
      %add3A_915 = arith.addi %mul3A_868, %add3A_914 : i32
      %add3A_916 = vector.broadcast %add3A_915 : i32 to vector<16xi32>
      %add3A_917 = arith.addi %iota3A, %add3A_916 : vector<16xi32>
      %gather3A_918 = tpu.vector_load_idx %arg7[%add3A_917] : memref<16640xf32, #tpu.memory_space<vmem>>[vector<16xi32>], vector<16xf32>,
      %mul3A_919 = vector.broadcast %squeeze3A_856 : f32 to vector<16xf32>
      %mul3A_920 = arith.mulf %gather3A_883, %mul3A_919 : vector<16xf32>
      %mul3A_921 = vector.broadcast %squeeze3A_856 : f32 to vector<16xf32>
      %mul3A_922 = arith.mulf %gather3A_888, %mul3A_921 : vector<16xf32>
      %mul3A_923 = vector.broadcast %squeeze3A_856 : f32 to vector<16xf32>
      %mul3A_924 = arith.mulf %gather3A_893, %mul3A_923 : vector<16xf32>
      %mul3A_925 = vector.broadcast %squeeze3A_856 : f32 to vector<16xf32>
      %mul3A_926 = arith.mulf %gather3A_898, %mul3A_925 : vector<16xf32>
      %mul3A_927 = vector.broadcast %squeeze3A_858 : f32 to vector<16xf32>
      %mul3A_928 = arith.mulf %gather3A_903, %mul3A_927 : vector<16xf32>
      %mul3A_929 = vector.broadcast %squeeze3A_858 : f32 to vector<16xf32>
      %mul3A_930 = arith.mulf %gather3A_908, %mul3A_929 : vector<16xf32>
      %mul3A_931 = vector.broadcast %squeeze3A_858 : f32 to vector<16xf32>
      %mul3A_932 = arith.mulf %gather3A_913, %mul3A_931 : vector<16xf32>
      %mul3A_933 = vector.broadcast %squeeze3A_858 : f32 to vector<16xf32>
      %mul3A_934 = arith.mulf %gather3A_918, %mul3A_933 : vector<16xf32>
      %add3A_935 = arith.constant 0 : i32
      %add3A_936 = arith.addi %mul3A_872, %add3A_935 : i32
      %swap3A_937 = arith.index_cast %add3A_936 : i32 to index
      %swap3A_938 = tpu.vector_load %arg8[%swap3A_937] {strides = array<i32>} : memref<16384xf32, #tpu.memory_space<vmem>>, vector<16xf32>,
      tpu.vector_store %arg8[%swap3A_937], %mul3A_920 {strides = array<i32>} : memref<16384xf32, #tpu.memory_space<vmem>>, vector<16xf32>,
      %add3A_939 = arith.constant 16 : i32
      %add3A_940 = arith.addi %mul3A_872, %add3A_939 : i32
      %swap3A_941 = arith.index_cast %add3A_940 : i32 to index
      %swap3A_942 = tpu.vector_load %arg8[%swap3A_941] {strides = array<i32>} : memref<16384xf32, #tpu.memory_space<vmem>>, vector<16xf32>,
      tpu.vector_store %arg8[%swap3A_941], %mul3A_922 {strides = array<i32>} : memref<16384xf32, #tpu.memory_space<vmem>>, vector<16xf32>,
      %add3A_943 = arith.constant 32 : i32
      %add3A_944 = arith.addi %mul3A_872, %add3A_943 : i32
      %swap3A_945 = arith.index_cast %add3A_944 : i32 to index
      %swap3A_946 = tpu.vector_load %arg8[%swap3A_945] {strides = array<i32>} : memref<16384xf32, #tpu.memory_space<vmem>>, vector<16xf32>,
      tpu.vector_store %arg8[%swap3A_945], %mul3A_924 {strides = array<i32>} : memref<16384xf32, #tpu.memory_space<vmem>>, vector<16xf32>,
      %add3A_947 = arith.constant 48 : i32
      %add3A_948 = arith.addi %mul3A_872, %add3A_947 : i32
      %swap3A_949 = arith.index_cast %add3A_948 : i32 to index
      %swap3A_950 = tpu.vector_load %arg8[%swap3A_949] {strides = array<i32>} : memref<16384xf32, #tpu.memory_space<vmem>>, vector<16xf32>,
      tpu.vector_store %arg8[%swap3A_949], %mul3A_926 {strides = array<i32>} : memref<16384xf32, #tpu.memory_space<vmem>>, vector<16xf32>,
      %add3A_951 = arith.constant 0 : i32
      %add3A_952 = arith.addi %mul3A_878, %add3A_951 : i32
      %swap3A_953 = arith.index_cast %add3A_952 : i32 to index
      %swap3A_954 = tpu.vector_load %arg8[%swap3A_953] {strides = array<i32>} : memref<16384xf32, #tpu.memory_space<vmem>>, vector<16xf32>,
      tpu.vector_store %arg8[%swap3A_953], %mul3A_928 {strides = array<i32>} : memref<16384xf32, #tpu.memory_space<vmem>>, vector<16xf32>,
      %add3A_955 = arith.constant 16 : i32
      %add3A_956 = arith.addi %mul3A_878, %add3A_955 : i32
      %swap3A_957 = arith.index_cast %add3A_956 : i32 to index
      %swap3A_958 = tpu.vector_load %arg8[%swap3A_957] {strides = array<i32>} : memref<16384xf32, #tpu.memory_space<vmem>>, vector<16xf32>,
      tpu.vector_store %arg8[%swap3A_957], %mul3A_930 {strides = array<i32>} : memref<16384xf32, #tpu.memory_space<vmem>>, vector<16xf32>,
      %add3A_959 = arith.constant 32 : i32
      %add3A_960 = arith.addi %mul3A_878, %add3A_959 : i32
      %swap3A_961 = arith.index_cast %add3A_960 : i32 to index
      %swap3A_962 = tpu.vector_load %arg8[%swap3A_961] {strides = array<i32>} : memref<16384xf32, #tpu.memory_space<vmem>>, vector<16xf32>,
      tpu.vector_store %arg8[%swap3A_961], %mul3A_932 {strides = array<i32>} : memref<16384xf32, #tpu.memory_space<vmem>>, vector<16xf32>,
      %add3A_963 = arith.constant 48 : i32
      %add3A_964 = arith.addi %mul3A_878, %add3A_963 : i32
      %swap3A_965 = arith.index_cast %add3A_964 : i32 to index
      %swap3A_966 = tpu.vector_load %arg8[%swap3A_965] {strides = array<i32>} : memref<16384xf32, #tpu.memory_space<vmem>>, vector<16xf32>,
      tpu.vector_store %arg8[%swap3A_965], %mul3A_934 {strides = array<i32>} : memref<16384xf32, #tpu.memory_space<vmem>>, vector<16xf32>,
      %slice3A_967 = vector.extract_strided_slice %get3A_186 {offsets = [14], sizes = [1], strides = [1]} : vector<16xf32> to vector<1xf32>
      %squeeze3A_968 = vector.extract %slice3A_967[0] : f32 from vector<1xf32>
      %slice3A_969 = vector.extract_strided_slice %get3A_186 {offsets = [15], sizes = [1], strides = [1]} : vector<16xf32> to vector<1xf32>
      %squeeze3A_970 = vector.extract %slice3A_969[0] : f32 from vector<1xf32>
      %add3A_971 = arith.constant 14 : i32
      %add3A_972 = arith.addi %mul3A_185, %add3A_971 : i32
      %mul3A_973 = arith.constant 65 : i32
      %mul3A_974 = arith.muli %add3A_972, %mul3A_973 : i32
      %add3A_975 = arith.constant 14 : i32
      %add3A_976 = arith.addi %mul3A_185, %add3A_975 : i32
      %add3A_977 = arith.constant 1 : i32
      %add3A_978 = arith.addi %add3A_976, %add3A_977 : i32
      %mul3A_979 = arith.constant 65 : i32
      %mul3A_980 = arith.muli %add3A_978, %mul3A_979 : i32
      %add3A_981 = arith.constant 14 : i32
      %add3A_982 = arith.addi %mul3A_185, %add3A_981 : i32
      %mul3A_983 = arith.constant 64 : i32
      %mul3A_984 = arith.muli %add3A_982, %mul3A_983 : i32
      %add3A_985 = arith.constant 14 : i32
      %add3A_986 = arith.addi %mul3A_185, %add3A_985 : i32
      %add3A_987 = arith.constant 1 : i32
      %add3A_988 = arith.addi %add3A_986, %add3A_987 : i32
      %mul3A_989 = arith.constant 64 : i32
      %mul3A_990 = arith.muli %add3A_988, %mul3A_989 : i32
      %add3A_991 = arith.constant 0 : i32
      %add3A_992 = arith.addi %mul3A_974, %add3A_991 : i32
      %add3A_993 = vector.broadcast %add3A_992 : i32 to vector<16xi32>
      %add3A_994 = arith.addi %iota3A, %add3A_993 : vector<16xi32>
      %gather3A_995 = tpu.vector_load_idx %arg7[%add3A_994] : memref<16640xf32, #tpu.memory_space<vmem>>[vector<16xi32>], vector<16xf32>,
      %add3A_996 = arith.constant 16 : i32
      %add3A_997 = arith.addi %mul3A_974, %add3A_996 : i32
      %add3A_998 = vector.broadcast %add3A_997 : i32 to vector<16xi32>
      %add3A_999 = arith.addi %iota3A, %add3A_998 : vector<16xi32>
      %gather3A_1000 = tpu.vector_load_idx %arg7[%add3A_999] : memref<16640xf32, #tpu.memory_space<vmem>>[vector<16xi32>], vector<16xf32>,
      %add3A_1001 = arith.constant 32 : i32
      %add3A_1002 = arith.addi %mul3A_974, %add3A_1001 : i32
      %add3A_1003 = vector.broadcast %add3A_1002 : i32 to vector<16xi32>
      %add3A_1004 = arith.addi %iota3A, %add3A_1003 : vector<16xi32>
      %gather3A_1005 = tpu.vector_load_idx %arg7[%add3A_1004] : memref<16640xf32, #tpu.memory_space<vmem>>[vector<16xi32>], vector<16xf32>,
      %add3A_1006 = arith.constant 48 : i32
      %add3A_1007 = arith.addi %mul3A_974, %add3A_1006 : i32
      %add3A_1008 = vector.broadcast %add3A_1007 : i32 to vector<16xi32>
      %add3A_1009 = arith.addi %iota3A, %add3A_1008 : vector<16xi32>
      %gather3A_1010 = tpu.vector_load_idx %arg7[%add3A_1009] : memref<16640xf32, #tpu.memory_space<vmem>>[vector<16xi32>], vector<16xf32>,
      %add3A_1011 = arith.constant 0 : i32
      %add3A_1012 = arith.addi %mul3A_980, %add3A_1011 : i32
      %add3A_1013 = vector.broadcast %add3A_1012 : i32 to vector<16xi32>
      %add3A_1014 = arith.addi %iota3A, %add3A_1013 : vector<16xi32>
      %gather3A_1015 = tpu.vector_load_idx %arg7[%add3A_1014] : memref<16640xf32, #tpu.memory_space<vmem>>[vector<16xi32>], vector<16xf32>,
      %add3A_1016 = arith.constant 16 : i32
      %add3A_1017 = arith.addi %mul3A_980, %add3A_1016 : i32
      %add3A_1018 = vector.broadcast %add3A_1017 : i32 to vector<16xi32>
      %add3A_1019 = arith.addi %iota3A, %add3A_1018 : vector<16xi32>
      %gather3A_1020 = tpu.vector_load_idx %arg7[%add3A_1019] : memref<16640xf32, #tpu.memory_space<vmem>>[vector<16xi32>], vector<16xf32>,
      %add3A_1021 = arith.constant 32 : i32
      %add3A_1022 = arith.addi %mul3A_980, %add3A_1021 : i32
      %add3A_1023 = vector.broadcast %add3A_1022 : i32 to vector<16xi32>
      %add3A_1024 = arith.addi %iota3A, %add3A_1023 : vector<16xi32>
      %gather3A_1025 = tpu.vector_load_idx %arg7[%add3A_1024] : memref<16640xf32, #tpu.memory_space<vmem>>[vector<16xi32>], vector<16xf32>,
      %add3A_1026 = arith.constant 48 : i32
      %add3A_1027 = arith.addi %mul3A_980, %add3A_1026 : i32
      %add3A_1028 = vector.broadcast %add3A_1027 : i32 to vector<16xi32>
      %add3A_1029 = arith.addi %iota3A, %add3A_1028 : vector<16xi32>
      %gather3A_1030 = tpu.vector_load_idx %arg7[%add3A_1029] : memref<16640xf32, #tpu.memory_space<vmem>>[vector<16xi32>], vector<16xf32>,
      %mul3A_1031 = vector.broadcast %squeeze3A_968 : f32 to vector<16xf32>
      %mul3A_1032 = arith.mulf %gather3A_995, %mul3A_1031 : vector<16xf32>
      %mul3A_1033 = vector.broadcast %squeeze3A_968 : f32 to vector<16xf32>
      %mul3A_1034 = arith.mulf %gather3A_1000, %mul3A_1033 : vector<16xf32>
      %mul3A_1035 = vector.broadcast %squeeze3A_968 : f32 to vector<16xf32>
      %mul3A_1036 = arith.mulf %gather3A_1005, %mul3A_1035 : vector<16xf32>
      %mul3A_1037 = vector.broadcast %squeeze3A_968 : f32 to vector<16xf32>
      %mul3A_1038 = arith.mulf %gather3A_1010, %mul3A_1037 : vector<16xf32>
      %mul3A_1039 = vector.broadcast %squeeze3A_970 : f32 to vector<16xf32>
      %mul3A_1040 = arith.mulf %gather3A_1015, %mul3A_1039 : vector<16xf32>
      %mul3A_1041 = vector.broadcast %squeeze3A_970 : f32 to vector<16xf32>
      %mul3A_1042 = arith.mulf %gather3A_1020, %mul3A_1041 : vector<16xf32>
      %mul3A_1043 = vector.broadcast %squeeze3A_970 : f32 to vector<16xf32>
      %mul3A_1044 = arith.mulf %gather3A_1025, %mul3A_1043 : vector<16xf32>
      %mul3A_1045 = vector.broadcast %squeeze3A_970 : f32 to vector<16xf32>
      %mul3A_1046 = arith.mulf %gather3A_1030, %mul3A_1045 : vector<16xf32>
      %add3A_1047 = arith.constant 0 : i32
      %add3A_1048 = arith.addi %mul3A_984, %add3A_1047 : i32
      %swap3A_1049 = arith.index_cast %add3A_1048 : i32 to index
      %swap3A_1050 = tpu.vector_load %arg8[%swap3A_1049] {strides = array<i32>} : memref<16384xf32, #tpu.memory_space<vmem>>, vector<16xf32>,
      tpu.vector_store %arg8[%swap3A_1049], %mul3A_1032 {strides = array<i32>} : memref<16384xf32, #tpu.memory_space<vmem>>, vector<16xf32>,
      %add3A_1051 = arith.constant 16 : i32
      %add3A_1052 = arith.addi %mul3A_984, %add3A_1051 : i32
      %swap3A_1053 = arith.index_cast %add3A_1052 : i32 to index
      %swap3A_1054 = tpu.vector_load %arg8[%swap3A_1053] {strides = array<i32>} : memref<16384xf32, #tpu.memory_space<vmem>>, vector<16xf32>,
      tpu.vector_store %arg8[%swap3A_1053], %mul3A_1034 {strides = array<i32>} : memref<16384xf32, #tpu.memory_space<vmem>>, vector<16xf32>,
      %add3A_1055 = arith.constant 32 : i32
      %add3A_1056 = arith.addi %mul3A_984, %add3A_1055 : i32
      %swap3A_1057 = arith.index_cast %add3A_1056 : i32 to index
      %swap3A_1058 = tpu.vector_load %arg8[%swap3A_1057] {strides = array<i32>} : memref<16384xf32, #tpu.memory_space<vmem>>, vector<16xf32>,
      tpu.vector_store %arg8[%swap3A_1057], %mul3A_1036 {strides = array<i32>} : memref<16384xf32, #tpu.memory_space<vmem>>, vector<16xf32>,
      %add3A_1059 = arith.constant 48 : i32
      %add3A_1060 = arith.addi %mul3A_984, %add3A_1059 : i32
      %swap3A_1061 = arith.index_cast %add3A_1060 : i32 to index
      %swap3A_1062 = tpu.vector_load %arg8[%swap3A_1061] {strides = array<i32>} : memref<16384xf32, #tpu.memory_space<vmem>>, vector<16xf32>,
      tpu.vector_store %arg8[%swap3A_1061], %mul3A_1038 {strides = array<i32>} : memref<16384xf32, #tpu.memory_space<vmem>>, vector<16xf32>,
      %add3A_1063 = arith.constant 0 : i32
      %add3A_1064 = arith.addi %mul3A_990, %add3A_1063 : i32
      %swap3A_1065 = arith.index_cast %add3A_1064 : i32 to index
      %swap3A_1066 = tpu.vector_load %arg8[%swap3A_1065] {strides = array<i32>} : memref<16384xf32, #tpu.memory_space<vmem>>, vector<16xf32>,
      tpu.vector_store %arg8[%swap3A_1065], %mul3A_1040 {strides = array<i32>} : memref<16384xf32, #tpu.memory_space<vmem>>, vector<16xf32>,
      %add3A_1067 = arith.constant 16 : i32
      %add3A_1068 = arith.addi %mul3A_990, %add3A_1067 : i32
      %swap3A_1069 = arith.index_cast %add3A_1068 : i32 to index
      %swap3A_1070 = tpu.vector_load %arg8[%swap3A_1069] {strides = array<i32>} : memref<16384xf32, #tpu.memory_space<vmem>>, vector<16xf32>,
      tpu.vector_store %arg8[%swap3A_1069], %mul3A_1042 {strides = array<i32>} : memref<16384xf32, #tpu.memory_space<vmem>>, vector<16xf32>,
      %add3A_1071 = arith.constant 32 : i32
      %add3A_1072 = arith.addi %mul3A_990, %add3A_1071 : i32
      %swap3A_1073 = arith.index_cast %add3A_1072 : i32 to index
      %swap3A_1074 = tpu.vector_load %arg8[%swap3A_1073] {strides = array<i32>} : memref<16384xf32, #tpu.memory_space<vmem>>, vector<16xf32>,
      tpu.vector_store %arg8[%swap3A_1073], %mul3A_1044 {strides = array<i32>} : memref<16384xf32, #tpu.memory_space<vmem>>, vector<16xf32>,
      %add3A_1075 = arith.constant 48 : i32
      %add3A_1076 = arith.addi %mul3A_990, %add3A_1075 : i32
      %swap3A_1077 = arith.index_cast %add3A_1076 : i32 to index
      %swap3A_1078 = tpu.vector_load %arg8[%swap3A_1077] {strides = array<i32>} : memref<16384xf32, #tpu.memory_space<vmem>>, vector<16xf32>,
      tpu.vector_store %arg8[%swap3A_1077], %mul3A_1046 {strides = array<i32>} : memref<16384xf32, #tpu.memory_space<vmem>>, vector<16xf32>,
      %scan3A_1079 = arith.constant 0 : i32
      scf.yield %scan3A_1079 : i32
    }
    %scan3A_99 = arith.constant 4 : i32
    %mul3A_100 = arith.constant 16384 : i32
    %mul3A_101 = arith.muli %select_n3A_30, %mul3A_100 : i32
    %add3A_102 = arith.constant 4096 : i32
    %add3A_103 = arith.addi %mul3A_101, %add3A_102 : i32
    %dma_start3A_104 = arith.constant 4096 : i32
    %dma_start3A_105 = tpu.memref_slice %arg8[%dma_start3A_104] : memref<16384xf32, #tpu.memory_space<vmem>> -> memref<4096xf32, #tpu.memory_space<vmem>>
    %dma_start3A_106 = tpu.memref_slice %arg4[%select_n3A, %add3A_103] : memref<16x32768xf32, #tpu.memory_space<hbm>> -> memref<1x4096xf32, #tpu.memory_space<hbm>>
    %dma_start3A_107 = tpu.memref_squeeze %dma_start3A_106 : memref<1x4096xf32, #tpu.memory_space<hbm>> -> memref<4096xf32, #tpu.memory_space<hbm>>
    %dma_start3A_108 = tpu.memref_slice %arg4[%select_n3A, %add3A_103] : memref<16x32768xf32, #tpu.memory_space<hbm>> -> memref<1x4096xf32, #tpu.memory_space<hbm>>
    %dma_start3A_109 = tpu.memref_squeeze %dma_start3A_108 : memref<1x4096xf32, #tpu.memory_space<hbm>> -> memref<4096xf32, #tpu.memory_space<hbm>>
    %dma_start3A_110 = arith.constant 4096 : i32
    %dma_start3A_111 = tpu.memref_slice %arg8[%dma_start3A_110] : memref<16384xf32, #tpu.memory_space<vmem>> -> memref<4096xf32, #tpu.memory_space<vmem>>
    tpu.enqueue_dma source(%dma_start3A_111 : memref<4096xf32, #tpu.memory_space<vmem>>) target(%dma_start3A_109 : memref<4096xf32, #tpu.memory_space<hbm>>) target_semaphore(%arg12 : memref<!tpu.dma_semaphore, #tpu.memory_space<semaphore_mem>>)
    %scan3A_112 = arith.constant 0 : i32
    %scan3A_113 = arith.constant 8 : i32
    %scan3A_114 = arith.constant 4 : i32
    %scan3A_115 = arith.addi %scan3A_113, %scan3A_114 : i32
    %scan3A_116 = arith.constant 1 : i32
    %scan3A_117 = scf.for %scan3A_182 = %scan3A_113 to %scan3A_115 step %scan3A_116 iter_args(%scan3A_183 = %scan3A_112) -> (i32)  : i32 {
      %mul3A_184 = arith.constant 16 : i32
      %mul3A_185 = arith.muli %scan3A_182, %mul3A_184 : i32
      %get3A = arith.index_cast %mul3A_185 : i32 to index
      %get3A_186 = tpu.vector_load %arg10[%get3A] {strides = array<i32>} : memref<256xf32, #tpu.memory_space<vmem>>, vector<16xf32>,
      %slice3A = vector.extract_strided_slice %get3A_186 {offsets = [0], sizes = [1], strides = [1]} : vector<16xf32> to vector<1xf32>
      %squeeze3A = vector.extract %slice3A[0] : f32 from vector<1xf32>
      %slice3A_187 = vector.extract_strided_slice %get3A_186 {offsets = [1], sizes = [1], strides = [1]} : vector<16xf32> to vector<1xf32>
      %squeeze3A_188 = vector.extract %slice3A_187[0] : f32 from vector<1xf32>
      %add3A_189 = arith.constant 0 : i32
      %add3A_190 = arith.addi %mul3A_185, %add3A_189 : i32
      %mul3A_191 = arith.constant 65 : i32
      %mul3A_192 = arith.muli %add3A_190, %mul3A_191 : i32
      %add3A_193 = arith.constant 0 : i32
      %add3A_194 = arith.addi %mul3A_185, %add3A_193 : i32
      %add3A_195 = arith.constant 1 : i32
      %add3A_196 = arith.addi %add3A_194, %add3A_195 : i32
      %mul3A_197 = arith.constant 65 : i32
      %mul3A_198 = arith.muli %add3A_196, %mul3A_197 : i32
      %add3A_199 = arith.constant 0 : i32
      %add3A_200 = arith.addi %mul3A_185, %add3A_199 : i32
      %mul3A_201 = arith.constant 64 : i32
      %mul3A_202 = arith.muli %add3A_200, %mul3A_201 : i32
      %add3A_203 = arith.constant 0 : i32
      %add3A_204 = arith.addi %mul3A_185, %add3A_203 : i32
      %add3A_205 = arith.constant 1 : i32
      %add3A_206 = arith.addi %add3A_204, %add3A_205 : i32
      %mul3A_207 = arith.constant 64 : i32
      %mul3A_208 = arith.muli %add3A_206, %mul3A_207 : i32
      %add3A_209 = arith.constant 0 : i32
      %add3A_210 = arith.addi %mul3A_192, %add3A_209 : i32
      %add3A_211 = vector.broadcast %add3A_210 : i32 to vector<16xi32>
      %add3A_212 = arith.addi %iota3A, %add3A_211 : vector<16xi32>
      %gather3A = tpu.vector_load_idx %arg7[%add3A_212] : memref<16640xf32, #tpu.memory_space<vmem>>[vector<16xi32>], vector<16xf32>,
      %add3A_213 = arith.constant 16 : i32
      %add3A_214 = arith.addi %mul3A_192, %add3A_213 : i32
      %add3A_215 = vector.broadcast %add3A_214 : i32 to vector<16xi32>
      %add3A_216 = arith.addi %iota3A, %add3A_215 : vector<16xi32>
      %gather3A_217 = tpu.vector_load_idx %arg7[%add3A_216] : memref<16640xf32, #tpu.memory_space<vmem>>[vector<16xi32>], vector<16xf32>,
      %add3A_218 = arith.constant 32 : i32
      %add3A_219 = arith.addi %mul3A_192, %add3A_218 : i32
      %add3A_220 = vector.broadcast %add3A_219 : i32 to vector<16xi32>
      %add3A_221 = arith.addi %iota3A, %add3A_220 : vector<16xi32>
      %gather3A_222 = tpu.vector_load_idx %arg7[%add3A_221] : memref<16640xf32, #tpu.memory_space<vmem>>[vector<16xi32>], vector<16xf32>,
      %add3A_223 = arith.constant 48 : i32
      %add3A_224 = arith.addi %mul3A_192, %add3A_223 : i32
      %add3A_225 = vector.broadcast %add3A_224 : i32 to vector<16xi32>
      %add3A_226 = arith.addi %iota3A, %add3A_225 : vector<16xi32>
      %gather3A_227 = tpu.vector_load_idx %arg7[%add3A_226] : memref<16640xf32, #tpu.memory_space<vmem>>[vector<16xi32>], vector<16xf32>,
      %add3A_228 = arith.constant 0 : i32
      %add3A_229 = arith.addi %mul3A_198, %add3A_228 : i32
      %add3A_230 = vector.broadcast %add3A_229 : i32 to vector<16xi32>
      %add3A_231 = arith.addi %iota3A, %add3A_230 : vector<16xi32>
      %gather3A_232 = tpu.vector_load_idx %arg7[%add3A_231] : memref<16640xf32, #tpu.memory_space<vmem>>[vector<16xi32>], vector<16xf32>,
      %add3A_233 = arith.constant 16 : i32
      %add3A_234 = arith.addi %mul3A_198, %add3A_233 : i32
      %add3A_235 = vector.broadcast %add3A_234 : i32 to vector<16xi32>
      %add3A_236 = arith.addi %iota3A, %add3A_235 : vector<16xi32>
      %gather3A_237 = tpu.vector_load_idx %arg7[%add3A_236] : memref<16640xf32, #tpu.memory_space<vmem>>[vector<16xi32>], vector<16xf32>,
      %add3A_238 = arith.constant 32 : i32
      %add3A_239 = arith.addi %mul3A_198, %add3A_238 : i32
      %add3A_240 = vector.broadcast %add3A_239 : i32 to vector<16xi32>
      %add3A_241 = arith.addi %iota3A, %add3A_240 : vector<16xi32>
      %gather3A_242 = tpu.vector_load_idx %arg7[%add3A_241] : memref<16640xf32, #tpu.memory_space<vmem>>[vector<16xi32>], vector<16xf32>,
      %add3A_243 = arith.constant 48 : i32
      %add3A_244 = arith.addi %mul3A_198, %add3A_243 : i32
      %add3A_245 = vector.broadcast %add3A_244 : i32 to vector<16xi32>
      %add3A_246 = arith.addi %iota3A, %add3A_245 : vector<16xi32>
      %gather3A_247 = tpu.vector_load_idx %arg7[%add3A_246] : memref<16640xf32, #tpu.memory_space<vmem>>[vector<16xi32>], vector<16xf32>,
      %mul3A_248 = vector.broadcast %squeeze3A : f32 to vector<16xf32>
      %mul3A_249 = arith.mulf %gather3A, %mul3A_248 : vector<16xf32>
      %mul3A_250 = vector.broadcast %squeeze3A : f32 to vector<16xf32>
      %mul3A_251 = arith.mulf %gather3A_217, %mul3A_250 : vector<16xf32>
      %mul3A_252 = vector.broadcast %squeeze3A : f32 to vector<16xf32>
      %mul3A_253 = arith.mulf %gather3A_222, %mul3A_252 : vector<16xf32>
      %mul3A_254 = vector.broadcast %squeeze3A : f32 to vector<16xf32>
      %mul3A_255 = arith.mulf %gather3A_227, %mul3A_254 : vector<16xf32>
      %mul3A_256 = vector.broadcast %squeeze3A_188 : f32 to vector<16xf32>
      %mul3A_257 = arith.mulf %gather3A_232, %mul3A_256 : vector<16xf32>
      %mul3A_258 = vector.broadcast %squeeze3A_188 : f32 to vector<16xf32>
      %mul3A_259 = arith.mulf %gather3A_237, %mul3A_258 : vector<16xf32>
      %mul3A_260 = vector.broadcast %squeeze3A_188 : f32 to vector<16xf32>
      %mul3A_261 = arith.mulf %gather3A_242, %mul3A_260 : vector<16xf32>
      %mul3A_262 = vector.broadcast %squeeze3A_188 : f32 to vector<16xf32>
      %mul3A_263 = arith.mulf %gather3A_247, %mul3A_262 : vector<16xf32>
      %add3A_264 = arith.constant 0 : i32
      %add3A_265 = arith.addi %mul3A_202, %add3A_264 : i32
      %swap3A = arith.index_cast %add3A_265 : i32 to index
      %swap3A_266 = tpu.vector_load %arg8[%swap3A] {strides = array<i32>} : memref<16384xf32, #tpu.memory_space<vmem>>, vector<16xf32>,
      tpu.vector_store %arg8[%swap3A], %mul3A_249 {strides = array<i32>} : memref<16384xf32, #tpu.memory_space<vmem>>, vector<16xf32>,
      %add3A_267 = arith.constant 16 : i32
      %add3A_268 = arith.addi %mul3A_202, %add3A_267 : i32
      %swap3A_269 = arith.index_cast %add3A_268 : i32 to index
      %swap3A_270 = tpu.vector_load %arg8[%swap3A_269] {strides = array<i32>} : memref<16384xf32, #tpu.memory_space<vmem>>, vector<16xf32>,
      tpu.vector_store %arg8[%swap3A_269], %mul3A_251 {strides = array<i32>} : memref<16384xf32, #tpu.memory_space<vmem>>, vector<16xf32>,
      %add3A_271 = arith.constant 32 : i32
      %add3A_272 = arith.addi %mul3A_202, %add3A_271 : i32
      %swap3A_273 = arith.index_cast %add3A_272 : i32 to index
      %swap3A_274 = tpu.vector_load %arg8[%swap3A_273] {strides = array<i32>} : memref<16384xf32, #tpu.memory_space<vmem>>, vector<16xf32>,
      tpu.vector_store %arg8[%swap3A_273], %mul3A_253 {strides = array<i32>} : memref<16384xf32, #tpu.memory_space<vmem>>, vector<16xf32>,
      %add3A_275 = arith.constant 48 : i32
      %add3A_276 = arith.addi %mul3A_202, %add3A_275 : i32
      %swap3A_277 = arith.index_cast %add3A_276 : i32 to index
      %swap3A_278 = tpu.vector_load %arg8[%swap3A_277] {strides = array<i32>} : memref<16384xf32, #tpu.memory_space<vmem>>, vector<16xf32>,
      tpu.vector_store %arg8[%swap3A_277], %mul3A_255 {strides = array<i32>} : memref<16384xf32, #tpu.memory_space<vmem>>, vector<16xf32>,
      %add3A_279 = arith.constant 0 : i32
      %add3A_280 = arith.addi %mul3A_208, %add3A_279 : i32
      %swap3A_281 = arith.index_cast %add3A_280 : i32 to index
      %swap3A_282 = tpu.vector_load %arg8[%swap3A_281] {strides = array<i32>} : memref<16384xf32, #tpu.memory_space<vmem>>, vector<16xf32>,
      tpu.vector_store %arg8[%swap3A_281], %mul3A_257 {strides = array<i32>} : memref<16384xf32, #tpu.memory_space<vmem>>, vector<16xf32>,
      %add3A_283 = arith.constant 16 : i32
      %add3A_284 = arith.addi %mul3A_208, %add3A_283 : i32
      %swap3A_285 = arith.index_cast %add3A_284 : i32 to index
      %swap3A_286 = tpu.vector_load %arg8[%swap3A_285] {strides = array<i32>} : memref<16384xf32, #tpu.memory_space<vmem>>, vector<16xf32>,
      tpu.vector_store %arg8[%swap3A_285], %mul3A_259 {strides = array<i32>} : memref<16384xf32, #tpu.memory_space<vmem>>, vector<16xf32>,
      %add3A_287 = arith.constant 32 : i32
      %add3A_288 = arith.addi %mul3A_208, %add3A_287 : i32
      %swap3A_289 = arith.index_cast %add3A_288 : i32 to index
      %swap3A_290 = tpu.vector_load %arg8[%swap3A_289] {strides = array<i32>} : memref<16384xf32, #tpu.memory_space<vmem>>, vector<16xf32>,
      tpu.vector_store %arg8[%swap3A_289], %mul3A_261 {strides = array<i32>} : memref<16384xf32, #tpu.memory_space<vmem>>, vector<16xf32>,
      %add3A_291 = arith.constant 48 : i32
      %add3A_292 = arith.addi %mul3A_208, %add3A_291 : i32
      %swap3A_293 = arith.index_cast %add3A_292 : i32 to index
      %swap3A_294 = tpu.vector_load %arg8[%swap3A_293] {strides = array<i32>} : memref<16384xf32, #tpu.memory_space<vmem>>, vector<16xf32>,
      tpu.vector_store %arg8[%swap3A_293], %mul3A_263 {strides = array<i32>} : memref<16384xf32, #tpu.memory_space<vmem>>, vector<16xf32>,
      %slice3A_295 = vector.extract_strided_slice %get3A_186 {offsets = [2], sizes = [1], strides = [1]} : vector<16xf32> to vector<1xf32>
      %squeeze3A_296 = vector.extract %slice3A_295[0] : f32 from vector<1xf32>
      %slice3A_297 = vector.extract_strided_slice %get3A_186 {offsets = [3], sizes = [1], strides = [1]} : vector<16xf32> to vector<1xf32>
      %squeeze3A_298 = vector.extract %slice3A_297[0] : f32 from vector<1xf32>
      %add3A_299 = arith.constant 2 : i32
      %add3A_300 = arith.addi %mul3A_185, %add3A_299 : i32
      %mul3A_301 = arith.constant 65 : i32
      %mul3A_302 = arith.muli %add3A_300, %mul3A_301 : i32
      %add3A_303 = arith.constant 2 : i32
      %add3A_304 = arith.addi %mul3A_185, %add3A_303 : i32
      %add3A_305 = arith.constant 1 : i32
      %add3A_306 = arith.addi %add3A_304, %add3A_305 : i32
      %mul3A_307 = arith.constant 65 : i32
      %mul3A_308 = arith.muli %add3A_306, %mul3A_307 : i32
      %add3A_309 = arith.constant 2 : i32
      %add3A_310 = arith.addi %mul3A_185, %add3A_309 : i32
      %mul3A_311 = arith.constant 64 : i32
      %mul3A_312 = arith.muli %add3A_310, %mul3A_311 : i32
      %add3A_313 = arith.constant 2 : i32
      %add3A_314 = arith.addi %mul3A_185, %add3A_313 : i32
      %add3A_315 = arith.constant 1 : i32
      %add3A_316 = arith.addi %add3A_314, %add3A_315 : i32
      %mul3A_317 = arith.constant 64 : i32
      %mul3A_318 = arith.muli %add3A_316, %mul3A_317 : i32
      %add3A_319 = arith.constant 0 : i32
      %add3A_320 = arith.addi %mul3A_302, %add3A_319 : i32
      %add3A_321 = vector.broadcast %add3A_320 : i32 to vector<16xi32>
      %add3A_322 = arith.addi %iota3A, %add3A_321 : vector<16xi32>
      %gather3A_323 = tpu.vector_load_idx %arg7[%add3A_322] : memref<16640xf32, #tpu.memory_space<vmem>>[vector<16xi32>], vector<16xf32>,
      %add3A_324 = arith.constant 16 : i32
      %add3A_325 = arith.addi %mul3A_302, %add3A_324 : i32
      %add3A_326 = vector.broadcast %add3A_325 : i32 to vector<16xi32>
      %add3A_327 = arith.addi %iota3A, %add3A_326 : vector<16xi32>
      %gather3A_328 = tpu.vector_load_idx %arg7[%add3A_327] : memref<16640xf32, #tpu.memory_space<vmem>>[vector<16xi32>], vector<16xf32>,
      %add3A_329 = arith.constant 32 : i32
      %add3A_330 = arith.addi %mul3A_302, %add3A_329 : i32
      %add3A_331 = vector.broadcast %add3A_330 : i32 to vector<16xi32>
      %add3A_332 = arith.addi %iota3A, %add3A_331 : vector<16xi32>
      %gather3A_333 = tpu.vector_load_idx %arg7[%add3A_332] : memref<16640xf32, #tpu.memory_space<vmem>>[vector<16xi32>], vector<16xf32>,
      %add3A_334 = arith.constant 48 : i32
      %add3A_335 = arith.addi %mul3A_302, %add3A_334 : i32
      %add3A_336 = vector.broadcast %add3A_335 : i32 to vector<16xi32>
      %add3A_337 = arith.addi %iota3A, %add3A_336 : vector<16xi32>
      %gather3A_338 = tpu.vector_load_idx %arg7[%add3A_337] : memref<16640xf32, #tpu.memory_space<vmem>>[vector<16xi32>], vector<16xf32>,
      %add3A_339 = arith.constant 0 : i32
      %add3A_340 = arith.addi %mul3A_308, %add3A_339 : i32
      %add3A_341 = vector.broadcast %add3A_340 : i32 to vector<16xi32>
      %add3A_342 = arith.addi %iota3A, %add3A_341 : vector<16xi32>
      %gather3A_343 = tpu.vector_load_idx %arg7[%add3A_342] : memref<16640xf32, #tpu.memory_space<vmem>>[vector<16xi32>], vector<16xf32>,
      %add3A_344 = arith.constant 16 : i32
      %add3A_345 = arith.addi %mul3A_308, %add3A_344 : i32
      %add3A_346 = vector.broadcast %add3A_345 : i32 to vector<16xi32>
      %add3A_347 = arith.addi %iota3A, %add3A_346 : vector<16xi32>
      %gather3A_348 = tpu.vector_load_idx %arg7[%add3A_347] : memref<16640xf32, #tpu.memory_space<vmem>>[vector<16xi32>], vector<16xf32>,
      %add3A_349 = arith.constant 32 : i32
      %add3A_350 = arith.addi %mul3A_308, %add3A_349 : i32
      %add3A_351 = vector.broadcast %add3A_350 : i32 to vector<16xi32>
      %add3A_352 = arith.addi %iota3A, %add3A_351 : vector<16xi32>
      %gather3A_353 = tpu.vector_load_idx %arg7[%add3A_352] : memref<16640xf32, #tpu.memory_space<vmem>>[vector<16xi32>], vector<16xf32>,
      %add3A_354 = arith.constant 48 : i32
      %add3A_355 = arith.addi %mul3A_308, %add3A_354 : i32
      %add3A_356 = vector.broadcast %add3A_355 : i32 to vector<16xi32>
      %add3A_357 = arith.addi %iota3A, %add3A_356 : vector<16xi32>
      %gather3A_358 = tpu.vector_load_idx %arg7[%add3A_357] : memref<16640xf32, #tpu.memory_space<vmem>>[vector<16xi32>], vector<16xf32>,
      %mul3A_359 = vector.broadcast %squeeze3A_296 : f32 to vector<16xf32>
      %mul3A_360 = arith.mulf %gather3A_323, %mul3A_359 : vector<16xf32>
      %mul3A_361 = vector.broadcast %squeeze3A_296 : f32 to vector<16xf32>
      %mul3A_362 = arith.mulf %gather3A_328, %mul3A_361 : vector<16xf32>
      %mul3A_363 = vector.broadcast %squeeze3A_296 : f32 to vector<16xf32>
      %mul3A_364 = arith.mulf %gather3A_333, %mul3A_363 : vector<16xf32>
      %mul3A_365 = vector.broadcast %squeeze3A_296 : f32 to vector<16xf32>
      %mul3A_366 = arith.mulf %gather3A_338, %mul3A_365 : vector<16xf32>
      %mul3A_367 = vector.broadcast %squeeze3A_298 : f32 to vector<16xf32>
      %mul3A_368 = arith.mulf %gather3A_343, %mul3A_367 : vector<16xf32>
      %mul3A_369 = vector.broadcast %squeeze3A_298 : f32 to vector<16xf32>
      %mul3A_370 = arith.mulf %gather3A_348, %mul3A_369 : vector<16xf32>
      %mul3A_371 = vector.broadcast %squeeze3A_298 : f32 to vector<16xf32>
      %mul3A_372 = arith.mulf %gather3A_353, %mul3A_371 : vector<16xf32>
      %mul3A_373 = vector.broadcast %squeeze3A_298 : f32 to vector<16xf32>
      %mul3A_374 = arith.mulf %gather3A_358, %mul3A_373 : vector<16xf32>
      %add3A_375 = arith.constant 0 : i32
      %add3A_376 = arith.addi %mul3A_312, %add3A_375 : i32
      %swap3A_377 = arith.index_cast %add3A_376 : i32 to index
      %swap3A_378 = tpu.vector_load %arg8[%swap3A_377] {strides = array<i32>} : memref<16384xf32, #tpu.memory_space<vmem>>, vector<16xf32>,
      tpu.vector_store %arg8[%swap3A_377], %mul3A_360 {strides = array<i32>} : memref<16384xf32, #tpu.memory_space<vmem>>, vector<16xf32>,
      %add3A_379 = arith.constant 16 : i32
      %add3A_380 = arith.addi %mul3A_312, %add3A_379 : i32
      %swap3A_381 = arith.index_cast %add3A_380 : i32 to index
      %swap3A_382 = tpu.vector_load %arg8[%swap3A_381] {strides = array<i32>} : memref<16384xf32, #tpu.memory_space<vmem>>, vector<16xf32>,
      tpu.vector_store %arg8[%swap3A_381], %mul3A_362 {strides = array<i32>} : memref<16384xf32, #tpu.memory_space<vmem>>, vector<16xf32>,
      %add3A_383 = arith.constant 32 : i32
      %add3A_384 = arith.addi %mul3A_312, %add3A_383 : i32
      %swap3A_385 = arith.index_cast %add3A_384 : i32 to index
      %swap3A_386 = tpu.vector_load %arg8[%swap3A_385] {strides = array<i32>} : memref<16384xf32, #tpu.memory_space<vmem>>, vector<16xf32>,
      tpu.vector_store %arg8[%swap3A_385], %mul3A_364 {strides = array<i32>} : memref<16384xf32, #tpu.memory_space<vmem>>, vector<16xf32>,
      %add3A_387 = arith.constant 48 : i32
      %add3A_388 = arith.addi %mul3A_312, %add3A_387 : i32
      %swap3A_389 = arith.index_cast %add3A_388 : i32 to index
      %swap3A_390 = tpu.vector_load %arg8[%swap3A_389] {strides = array<i32>} : memref<16384xf32, #tpu.memory_space<vmem>>, vector<16xf32>,
      tpu.vector_store %arg8[%swap3A_389], %mul3A_366 {strides = array<i32>} : memref<16384xf32, #tpu.memory_space<vmem>>, vector<16xf32>,
      %add3A_391 = arith.constant 0 : i32
      %add3A_392 = arith.addi %mul3A_318, %add3A_391 : i32
      %swap3A_393 = arith.index_cast %add3A_392 : i32 to index
      %swap3A_394 = tpu.vector_load %arg8[%swap3A_393] {strides = array<i32>} : memref<16384xf32, #tpu.memory_space<vmem>>, vector<16xf32>,
      tpu.vector_store %arg8[%swap3A_393], %mul3A_368 {strides = array<i32>} : memref<16384xf32, #tpu.memory_space<vmem>>, vector<16xf32>,
      %add3A_395 = arith.constant 16 : i32
      %add3A_396 = arith.addi %mul3A_318, %add3A_395 : i32
      %swap3A_397 = arith.index_cast %add3A_396 : i32 to index
      %swap3A_398 = tpu.vector_load %arg8[%swap3A_397] {strides = array<i32>} : memref<16384xf32, #tpu.memory_space<vmem>>, vector<16xf32>,
      tpu.vector_store %arg8[%swap3A_397], %mul3A_370 {strides = array<i32>} : memref<16384xf32, #tpu.memory_space<vmem>>, vector<16xf32>,
      %add3A_399 = arith.constant 32 : i32
      %add3A_400 = arith.addi %mul3A_318, %add3A_399 : i32
      %swap3A_401 = arith.index_cast %add3A_400 : i32 to index
      %swap3A_402 = tpu.vector_load %arg8[%swap3A_401] {strides = array<i32>} : memref<16384xf32, #tpu.memory_space<vmem>>, vector<16xf32>,
      tpu.vector_store %arg8[%swap3A_401], %mul3A_372 {strides = array<i32>} : memref<16384xf32, #tpu.memory_space<vmem>>, vector<16xf32>,
      %add3A_403 = arith.constant 48 : i32
      %add3A_404 = arith.addi %mul3A_318, %add3A_403 : i32
      %swap3A_405 = arith.index_cast %add3A_404 : i32 to index
      %swap3A_406 = tpu.vector_load %arg8[%swap3A_405] {strides = array<i32>} : memref<16384xf32, #tpu.memory_space<vmem>>, vector<16xf32>,
      tpu.vector_store %arg8[%swap3A_405], %mul3A_374 {strides = array<i32>} : memref<16384xf32, #tpu.memory_space<vmem>>, vector<16xf32>,
      %slice3A_407 = vector.extract_strided_slice %get3A_186 {offsets = [4], sizes = [1], strides = [1]} : vector<16xf32> to vector<1xf32>
      %squeeze3A_408 = vector.extract %slice3A_407[0] : f32 from vector<1xf32>
      %slice3A_409 = vector.extract_strided_slice %get3A_186 {offsets = [5], sizes = [1], strides = [1]} : vector<16xf32> to vector<1xf32>
      %squeeze3A_410 = vector.extract %slice3A_409[0] : f32 from vector<1xf32>
      %add3A_411 = arith.constant 4 : i32
      %add3A_412 = arith.addi %mul3A_185, %add3A_411 : i32
      %mul3A_413 = arith.constant 65 : i32
      %mul3A_414 = arith.muli %add3A_412, %mul3A_413 : i32
      %add3A_415 = arith.constant 4 : i32
      %add3A_416 = arith.addi %mul3A_185, %add3A_415 : i32
      %add3A_417 = arith.constant 1 : i32
      %add3A_418 = arith.addi %add3A_416, %add3A_417 : i32
      %mul3A_419 = arith.constant 65 : i32
      %mul3A_420 = arith.muli %add3A_418, %mul3A_419 : i32
      %add3A_421 = arith.constant 4 : i32
      %add3A_422 = arith.addi %mul3A_185, %add3A_421 : i32
      %mul3A_423 = arith.constant 64 : i32
      %mul3A_424 = arith.muli %add3A_422, %mul3A_423 : i32
      %add3A_425 = arith.constant 4 : i32
      %add3A_426 = arith.addi %mul3A_185, %add3A_425 : i32
      %add3A_427 = arith.constant 1 : i32
      %add3A_428 = arith.addi %add3A_426, %add3A_427 : i32
      %mul3A_429 = arith.constant 64 : i32
      %mul3A_430 = arith.muli %add3A_428, %mul3A_429 : i32
      %add3A_431 = arith.constant 0 : i32
      %add3A_432 = arith.addi %mul3A_414, %add3A_431 : i32
      %add3A_433 = vector.broadcast %add3A_432 : i32 to vector<16xi32>
      %add3A_434 = arith.addi %iota3A, %add3A_433 : vector<16xi32>
      %gather3A_435 = tpu.vector_load_idx %arg7[%add3A_434] : memref<16640xf32, #tpu.memory_space<vmem>>[vector<16xi32>], vector<16xf32>,
      %add3A_436 = arith.constant 16 : i32
      %add3A_437 = arith.addi %mul3A_414, %add3A_436 : i32
      %add3A_438 = vector.broadcast %add3A_437 : i32 to vector<16xi32>
      %add3A_439 = arith.addi %iota3A, %add3A_438 : vector<16xi32>
      %gather3A_440 = tpu.vector_load_idx %arg7[%add3A_439] : memref<16640xf32, #tpu.memory_space<vmem>>[vector<16xi32>], vector<16xf32>,
      %add3A_441 = arith.constant 32 : i32
      %add3A_442 = arith.addi %mul3A_414, %add3A_441 : i32
      %add3A_443 = vector.broadcast %add3A_442 : i32 to vector<16xi32>
      %add3A_444 = arith.addi %iota3A, %add3A_443 : vector<16xi32>
      %gather3A_445 = tpu.vector_load_idx %arg7[%add3A_444] : memref<16640xf32, #tpu.memory_space<vmem>>[vector<16xi32>], vector<16xf32>,
      %add3A_446 = arith.constant 48 : i32
      %add3A_447 = arith.addi %mul3A_414, %add3A_446 : i32
      %add3A_448 = vector.broadcast %add3A_447 : i32 to vector<16xi32>
      %add3A_449 = arith.addi %iota3A, %add3A_448 : vector<16xi32>
      %gather3A_450 = tpu.vector_load_idx %arg7[%add3A_449] : memref<16640xf32, #tpu.memory_space<vmem>>[vector<16xi32>], vector<16xf32>,
      %add3A_451 = arith.constant 0 : i32
      %add3A_452 = arith.addi %mul3A_420, %add3A_451 : i32
      %add3A_453 = vector.broadcast %add3A_452 : i32 to vector<16xi32>
      %add3A_454 = arith.addi %iota3A, %add3A_453 : vector<16xi32>
      %gather3A_455 = tpu.vector_load_idx %arg7[%add3A_454] : memref<16640xf32, #tpu.memory_space<vmem>>[vector<16xi32>], vector<16xf32>,
      %add3A_456 = arith.constant 16 : i32
      %add3A_457 = arith.addi %mul3A_420, %add3A_456 : i32
      %add3A_458 = vector.broadcast %add3A_457 : i32 to vector<16xi32>
      %add3A_459 = arith.addi %iota3A, %add3A_458 : vector<16xi32>
      %gather3A_460 = tpu.vector_load_idx %arg7[%add3A_459] : memref<16640xf32, #tpu.memory_space<vmem>>[vector<16xi32>], vector<16xf32>,
      %add3A_461 = arith.constant 32 : i32
      %add3A_462 = arith.addi %mul3A_420, %add3A_461 : i32
      %add3A_463 = vector.broadcast %add3A_462 : i32 to vector<16xi32>
      %add3A_464 = arith.addi %iota3A, %add3A_463 : vector<16xi32>
      %gather3A_465 = tpu.vector_load_idx %arg7[%add3A_464] : memref<16640xf32, #tpu.memory_space<vmem>>[vector<16xi32>], vector<16xf32>,
      %add3A_466 = arith.constant 48 : i32
      %add3A_467 = arith.addi %mul3A_420, %add3A_466 : i32
      %add3A_468 = vector.broadcast %add3A_467 : i32 to vector<16xi32>
      %add3A_469 = arith.addi %iota3A, %add3A_468 : vector<16xi32>
      %gather3A_470 = tpu.vector_load_idx %arg7[%add3A_469] : memref<16640xf32, #tpu.memory_space<vmem>>[vector<16xi32>], vector<16xf32>,
      %mul3A_471 = vector.broadcast %squeeze3A_408 : f32 to vector<16xf32>
      %mul3A_472 = arith.mulf %gather3A_435, %mul3A_471 : vector<16xf32>
      %mul3A_473 = vector.broadcast %squeeze3A_408 : f32 to vector<16xf32>
      %mul3A_474 = arith.mulf %gather3A_440, %mul3A_473 : vector<16xf32>
      %mul3A_475 = vector.broadcast %squeeze3A_408 : f32 to vector<16xf32>
      %mul3A_476 = arith.mulf %gather3A_445, %mul3A_475 : vector<16xf32>
      %mul3A_477 = vector.broadcast %squeeze3A_408 : f32 to vector<16xf32>
      %mul3A_478 = arith.mulf %gather3A_450, %mul3A_477 : vector<16xf32>
      %mul3A_479 = vector.broadcast %squeeze3A_410 : f32 to vector<16xf32>
      %mul3A_480 = arith.mulf %gather3A_455, %mul3A_479 : vector<16xf32>
      %mul3A_481 = vector.broadcast %squeeze3A_410 : f32 to vector<16xf32>
      %mul3A_482 = arith.mulf %gather3A_460, %mul3A_481 : vector<16xf32>
      %mul3A_483 = vector.broadcast %squeeze3A_410 : f32 to vector<16xf32>
      %mul3A_484 = arith.mulf %gather3A_465, %mul3A_483 : vector<16xf32>
      %mul3A_485 = vector.broadcast %squeeze3A_410 : f32 to vector<16xf32>
      %mul3A_486 = arith.mulf %gather3A_470, %mul3A_485 : vector<16xf32>
      %add3A_487 = arith.constant 0 : i32
      %add3A_488 = arith.addi %mul3A_424, %add3A_487 : i32
      %swap3A_489 = arith.index_cast %add3A_488 : i32 to index
      %swap3A_490 = tpu.vector_load %arg8[%swap3A_489] {strides = array<i32>} : memref<16384xf32, #tpu.memory_space<vmem>>, vector<16xf32>,
      tpu.vector_store %arg8[%swap3A_489], %mul3A_472 {strides = array<i32>} : memref<16384xf32, #tpu.memory_space<vmem>>, vector<16xf32>,
      %add3A_491 = arith.constant 16 : i32
      %add3A_492 = arith.addi %mul3A_424, %add3A_491 : i32
      %swap3A_493 = arith.index_cast %add3A_492 : i32 to index
      %swap3A_494 = tpu.vector_load %arg8[%swap3A_493] {strides = array<i32>} : memref<16384xf32, #tpu.memory_space<vmem>>, vector<16xf32>,
      tpu.vector_store %arg8[%swap3A_493], %mul3A_474 {strides = array<i32>} : memref<16384xf32, #tpu.memory_space<vmem>>, vector<16xf32>,
      %add3A_495 = arith.constant 32 : i32
      %add3A_496 = arith.addi %mul3A_424, %add3A_495 : i32
      %swap3A_497 = arith.index_cast %add3A_496 : i32 to index
      %swap3A_498 = tpu.vector_load %arg8[%swap3A_497] {strides = array<i32>} : memref<16384xf32, #tpu.memory_space<vmem>>, vector<16xf32>,
      tpu.vector_store %arg8[%swap3A_497], %mul3A_476 {strides = array<i32>} : memref<16384xf32, #tpu.memory_space<vmem>>, vector<16xf32>,
      %add3A_499 = arith.constant 48 : i32
      %add3A_500 = arith.addi %mul3A_424, %add3A_499 : i32
      %swap3A_501 = arith.index_cast %add3A_500 : i32 to index
      %swap3A_502 = tpu.vector_load %arg8[%swap3A_501] {strides = array<i32>} : memref<16384xf32, #tpu.memory_space<vmem>>, vector<16xf32>,
      tpu.vector_store %arg8[%swap3A_501], %mul3A_478 {strides = array<i32>} : memref<16384xf32, #tpu.memory_space<vmem>>, vector<16xf32>,
      %add3A_503 = arith.constant 0 : i32
      %add3A_504 = arith.addi %mul3A_430, %add3A_503 : i32
      %swap3A_505 = arith.index_cast %add3A_504 : i32 to index
      %swap3A_506 = tpu.vector_load %arg8[%swap3A_505] {strides = array<i32>} : memref<16384xf32, #tpu.memory_space<vmem>>, vector<16xf32>,
      tpu.vector_store %arg8[%swap3A_505], %mul3A_480 {strides = array<i32>} : memref<16384xf32, #tpu.memory_space<vmem>>, vector<16xf32>,
      %add3A_507 = arith.constant 16 : i32
      %add3A_508 = arith.addi %mul3A_430, %add3A_507 : i32
      %swap3A_509 = arith.index_cast %add3A_508 : i32 to index
      %swap3A_510 = tpu.vector_load %arg8[%swap3A_509] {strides = array<i32>} : memref<16384xf32, #tpu.memory_space<vmem>>, vector<16xf32>,
      tpu.vector_store %arg8[%swap3A_509], %mul3A_482 {strides = array<i32>} : memref<16384xf32, #tpu.memory_space<vmem>>, vector<16xf32>,
      %add3A_511 = arith.constant 32 : i32
      %add3A_512 = arith.addi %mul3A_430, %add3A_511 : i32
      %swap3A_513 = arith.index_cast %add3A_512 : i32 to index
      %swap3A_514 = tpu.vector_load %arg8[%swap3A_513] {strides = array<i32>} : memref<16384xf32, #tpu.memory_space<vmem>>, vector<16xf32>,
      tpu.vector_store %arg8[%swap3A_513], %mul3A_484 {strides = array<i32>} : memref<16384xf32, #tpu.memory_space<vmem>>, vector<16xf32>,
      %add3A_515 = arith.constant 48 : i32
      %add3A_516 = arith.addi %mul3A_430, %add3A_515 : i32
      %swap3A_517 = arith.index_cast %add3A_516 : i32 to index
      %swap3A_518 = tpu.vector_load %arg8[%swap3A_517] {strides = array<i32>} : memref<16384xf32, #tpu.memory_space<vmem>>, vector<16xf32>,
      tpu.vector_store %arg8[%swap3A_517], %mul3A_486 {strides = array<i32>} : memref<16384xf32, #tpu.memory_space<vmem>>, vector<16xf32>,
      %slice3A_519 = vector.extract_strided_slice %get3A_186 {offsets = [6], sizes = [1], strides = [1]} : vector<16xf32> to vector<1xf32>
      %squeeze3A_520 = vector.extract %slice3A_519[0] : f32 from vector<1xf32>
      %slice3A_521 = vector.extract_strided_slice %get3A_186 {offsets = [7], sizes = [1], strides = [1]} : vector<16xf32> to vector<1xf32>
      %squeeze3A_522 = vector.extract %slice3A_521[0] : f32 from vector<1xf32>
      %add3A_523 = arith.constant 6 : i32
      %add3A_524 = arith.addi %mul3A_185, %add3A_523 : i32
      %mul3A_525 = arith.constant 65 : i32
      %mul3A_526 = arith.muli %add3A_524, %mul3A_525 : i32
      %add3A_527 = arith.constant 6 : i32
      %add3A_528 = arith.addi %mul3A_185, %add3A_527 : i32
      %add3A_529 = arith.constant 1 : i32
      %add3A_530 = arith.addi %add3A_528, %add3A_529 : i32
      %mul3A_531 = arith.constant 65 : i32
      %mul3A_532 = arith.muli %add3A_530, %mul3A_531 : i32
      %add3A_533 = arith.constant 6 : i32
      %add3A_534 = arith.addi %mul3A_185, %add3A_533 : i32
      %mul3A_535 = arith.constant 64 : i32
      %mul3A_536 = arith.muli %add3A_534, %mul3A_535 : i32
      %add3A_537 = arith.constant 6 : i32
      %add3A_538 = arith.addi %mul3A_185, %add3A_537 : i32
      %add3A_539 = arith.constant 1 : i32
      %add3A_540 = arith.addi %add3A_538, %add3A_539 : i32
      %mul3A_541 = arith.constant 64 : i32
      %mul3A_542 = arith.muli %add3A_540, %mul3A_541 : i32
      %add3A_543 = arith.constant 0 : i32
      %add3A_544 = arith.addi %mul3A_526, %add3A_543 : i32
      %add3A_545 = vector.broadcast %add3A_544 : i32 to vector<16xi32>
      %add3A_546 = arith.addi %iota3A, %add3A_545 : vector<16xi32>
      %gather3A_547 = tpu.vector_load_idx %arg7[%add3A_546] : memref<16640xf32, #tpu.memory_space<vmem>>[vector<16xi32>], vector<16xf32>,
      %add3A_548 = arith.constant 16 : i32
      %add3A_549 = arith.addi %mul3A_526, %add3A_548 : i32
      %add3A_550 = vector.broadcast %add3A_549 : i32 to vector<16xi32>
      %add3A_551 = arith.addi %iota3A, %add3A_550 : vector<16xi32>
      %gather3A_552 = tpu.vector_load_idx %arg7[%add3A_551] : memref<16640xf32, #tpu.memory_space<vmem>>[vector<16xi32>], vector<16xf32>,
      %add3A_553 = arith.constant 32 : i32
      %add3A_554 = arith.addi %mul3A_526, %add3A_553 : i32
      %add3A_555 = vector.broadcast %add3A_554 : i32 to vector<16xi32>
      %add3A_556 = arith.addi %iota3A, %add3A_555 : vector<16xi32>
      %gather3A_557 = tpu.vector_load_idx %arg7[%add3A_556] : memref<16640xf32, #tpu.memory_space<vmem>>[vector<16xi32>], vector<16xf32>,
      %add3A_558 = arith.constant 48 : i32
      %add3A_559 = arith.addi %mul3A_526, %add3A_558 : i32
      %add3A_560 = vector.broadcast %add3A_559 : i32 to vector<16xi32>
      %add3A_561 = arith.addi %iota3A, %add3A_560 : vector<16xi32>
      %gather3A_562 = tpu.vector_load_idx %arg7[%add3A_561] : memref<16640xf32, #tpu.memory_space<vmem>>[vector<16xi32>], vector<16xf32>,
      %add3A_563 = arith.constant 0 : i32
      %add3A_564 = arith.addi %mul3A_532, %add3A_563 : i32
      %add3A_565 = vector.broadcast %add3A_564 : i32 to vector<16xi32>
      %add3A_566 = arith.addi %iota3A, %add3A_565 : vector<16xi32>
      %gather3A_567 = tpu.vector_load_idx %arg7[%add3A_566] : memref<16640xf32, #tpu.memory_space<vmem>>[vector<16xi32>], vector<16xf32>,
      %add3A_568 = arith.constant 16 : i32
      %add3A_569 = arith.addi %mul3A_532, %add3A_568 : i32
      %add3A_570 = vector.broadcast %add3A_569 : i32 to vector<16xi32>
      %add3A_571 = arith.addi %iota3A, %add3A_570 : vector<16xi32>
      %gather3A_572 = tpu.vector_load_idx %arg7[%add3A_571] : memref<16640xf32, #tpu.memory_space<vmem>>[vector<16xi32>], vector<16xf32>,
      %add3A_573 = arith.constant 32 : i32
      %add3A_574 = arith.addi %mul3A_532, %add3A_573 : i32
      %add3A_575 = vector.broadcast %add3A_574 : i32 to vector<16xi32>
      %add3A_576 = arith.addi %iota3A, %add3A_575 : vector<16xi32>
      %gather3A_577 = tpu.vector_load_idx %arg7[%add3A_576] : memref<16640xf32, #tpu.memory_space<vmem>>[vector<16xi32>], vector<16xf32>,
      %add3A_578 = arith.constant 48 : i32
      %add3A_579 = arith.addi %mul3A_532, %add3A_578 : i32
      %add3A_580 = vector.broadcast %add3A_579 : i32 to vector<16xi32>
      %add3A_581 = arith.addi %iota3A, %add3A_580 : vector<16xi32>
      %gather3A_582 = tpu.vector_load_idx %arg7[%add3A_581] : memref<16640xf32, #tpu.memory_space<vmem>>[vector<16xi32>], vector<16xf32>,
      %mul3A_583 = vector.broadcast %squeeze3A_520 : f32 to vector<16xf32>
      %mul3A_584 = arith.mulf %gather3A_547, %mul3A_583 : vector<16xf32>
      %mul3A_585 = vector.broadcast %squeeze3A_520 : f32 to vector<16xf32>
      %mul3A_586 = arith.mulf %gather3A_552, %mul3A_585 : vector<16xf32>
      %mul3A_587 = vector.broadcast %squeeze3A_520 : f32 to vector<16xf32>
      %mul3A_588 = arith.mulf %gather3A_557, %mul3A_587 : vector<16xf32>
      %mul3A_589 = vector.broadcast %squeeze3A_520 : f32 to vector<16xf32>
      %mul3A_590 = arith.mulf %gather3A_562, %mul3A_589 : vector<16xf32>
      %mul3A_591 = vector.broadcast %squeeze3A_522 : f32 to vector<16xf32>
      %mul3A_592 = arith.mulf %gather3A_567, %mul3A_591 : vector<16xf32>
      %mul3A_593 = vector.broadcast %squeeze3A_522 : f32 to vector<16xf32>
      %mul3A_594 = arith.mulf %gather3A_572, %mul3A_593 : vector<16xf32>
      %mul3A_595 = vector.broadcast %squeeze3A_522 : f32 to vector<16xf32>
      %mul3A_596 = arith.mulf %gather3A_577, %mul3A_595 : vector<16xf32>
      %mul3A_597 = vector.broadcast %squeeze3A_522 : f32 to vector<16xf32>
      %mul3A_598 = arith.mulf %gather3A_582, %mul3A_597 : vector<16xf32>
      %add3A_599 = arith.constant 0 : i32
      %add3A_600 = arith.addi %mul3A_536, %add3A_599 : i32
      %swap3A_601 = arith.index_cast %add3A_600 : i32 to index
      %swap3A_602 = tpu.vector_load %arg8[%swap3A_601] {strides = array<i32>} : memref<16384xf32, #tpu.memory_space<vmem>>, vector<16xf32>,
      tpu.vector_store %arg8[%swap3A_601], %mul3A_584 {strides = array<i32>} : memref<16384xf32, #tpu.memory_space<vmem>>, vector<16xf32>,
      %add3A_603 = arith.constant 16 : i32
      %add3A_604 = arith.addi %mul3A_536, %add3A_603 : i32
      %swap3A_605 = arith.index_cast %add3A_604 : i32 to index
      %swap3A_606 = tpu.vector_load %arg8[%swap3A_605] {strides = array<i32>} : memref<16384xf32, #tpu.memory_space<vmem>>, vector<16xf32>,
      tpu.vector_store %arg8[%swap3A_605], %mul3A_586 {strides = array<i32>} : memref<16384xf32, #tpu.memory_space<vmem>>, vector<16xf32>,
      %add3A_607 = arith.constant 32 : i32
      %add3A_608 = arith.addi %mul3A_536, %add3A_607 : i32
      %swap3A_609 = arith.index_cast %add3A_608 : i32 to index
      %swap3A_610 = tpu.vector_load %arg8[%swap3A_609] {strides = array<i32>} : memref<16384xf32, #tpu.memory_space<vmem>>, vector<16xf32>,
      tpu.vector_store %arg8[%swap3A_609], %mul3A_588 {strides = array<i32>} : memref<16384xf32, #tpu.memory_space<vmem>>, vector<16xf32>,
      %add3A_611 = arith.constant 48 : i32
      %add3A_612 = arith.addi %mul3A_536, %add3A_611 : i32
      %swap3A_613 = arith.index_cast %add3A_612 : i32 to index
      %swap3A_614 = tpu.vector_load %arg8[%swap3A_613] {strides = array<i32>} : memref<16384xf32, #tpu.memory_space<vmem>>, vector<16xf32>,
      tpu.vector_store %arg8[%swap3A_613], %mul3A_590 {strides = array<i32>} : memref<16384xf32, #tpu.memory_space<vmem>>, vector<16xf32>,
      %add3A_615 = arith.constant 0 : i32
      %add3A_616 = arith.addi %mul3A_542, %add3A_615 : i32
      %swap3A_617 = arith.index_cast %add3A_616 : i32 to index
      %swap3A_618 = tpu.vector_load %arg8[%swap3A_617] {strides = array<i32>} : memref<16384xf32, #tpu.memory_space<vmem>>, vector<16xf32>,
      tpu.vector_store %arg8[%swap3A_617], %mul3A_592 {strides = array<i32>} : memref<16384xf32, #tpu.memory_space<vmem>>, vector<16xf32>,
      %add3A_619 = arith.constant 16 : i32
      %add3A_620 = arith.addi %mul3A_542, %add3A_619 : i32
      %swap3A_621 = arith.index_cast %add3A_620 : i32 to index
      %swap3A_622 = tpu.vector_load %arg8[%swap3A_621] {strides = array<i32>} : memref<16384xf32, #tpu.memory_space<vmem>>, vector<16xf32>,
      tpu.vector_store %arg8[%swap3A_621], %mul3A_594 {strides = array<i32>} : memref<16384xf32, #tpu.memory_space<vmem>>, vector<16xf32>,
      %add3A_623 = arith.constant 32 : i32
      %add3A_624 = arith.addi %mul3A_542, %add3A_623 : i32
      %swap3A_625 = arith.index_cast %add3A_624 : i32 to index
      %swap3A_626 = tpu.vector_load %arg8[%swap3A_625] {strides = array<i32>} : memref<16384xf32, #tpu.memory_space<vmem>>, vector<16xf32>,
      tpu.vector_store %arg8[%swap3A_625], %mul3A_596 {strides = array<i32>} : memref<16384xf32, #tpu.memory_space<vmem>>, vector<16xf32>,
      %add3A_627 = arith.constant 48 : i32
      %add3A_628 = arith.addi %mul3A_542, %add3A_627 : i32
      %swap3A_629 = arith.index_cast %add3A_628 : i32 to index
      %swap3A_630 = tpu.vector_load %arg8[%swap3A_629] {strides = array<i32>} : memref<16384xf32, #tpu.memory_space<vmem>>, vector<16xf32>,
      tpu.vector_store %arg8[%swap3A_629], %mul3A_598 {strides = array<i32>} : memref<16384xf32, #tpu.memory_space<vmem>>, vector<16xf32>,
      %slice3A_631 = vector.extract_strided_slice %get3A_186 {offsets = [8], sizes = [1], strides = [1]} : vector<16xf32> to vector<1xf32>
      %squeeze3A_632 = vector.extract %slice3A_631[0] : f32 from vector<1xf32>
      %slice3A_633 = vector.extract_strided_slice %get3A_186 {offsets = [9], sizes = [1], strides = [1]} : vector<16xf32> to vector<1xf32>
      %squeeze3A_634 = vector.extract %slice3A_633[0] : f32 from vector<1xf32>
      %add3A_635 = arith.constant 8 : i32
      %add3A_636 = arith.addi %mul3A_185, %add3A_635 : i32
      %mul3A_637 = arith.constant 65 : i32
      %mul3A_638 = arith.muli %add3A_636, %mul3A_637 : i32
      %add3A_639 = arith.constant 8 : i32
      %add3A_640 = arith.addi %mul3A_185, %add3A_639 : i32
      %add3A_641 = arith.constant 1 : i32
      %add3A_642 = arith.addi %add3A_640, %add3A_641 : i32
      %mul3A_643 = arith.constant 65 : i32
      %mul3A_644 = arith.muli %add3A_642, %mul3A_643 : i32
      %add3A_645 = arith.constant 8 : i32
      %add3A_646 = arith.addi %mul3A_185, %add3A_645 : i32
      %mul3A_647 = arith.constant 64 : i32
      %mul3A_648 = arith.muli %add3A_646, %mul3A_647 : i32
      %add3A_649 = arith.constant 8 : i32
      %add3A_650 = arith.addi %mul3A_185, %add3A_649 : i32
      %add3A_651 = arith.constant 1 : i32
      %add3A_652 = arith.addi %add3A_650, %add3A_651 : i32
      %mul3A_653 = arith.constant 64 : i32
      %mul3A_654 = arith.muli %add3A_652, %mul3A_653 : i32
      %add3A_655 = arith.constant 0 : i32
      %add3A_656 = arith.addi %mul3A_638, %add3A_655 : i32
      %add3A_657 = vector.broadcast %add3A_656 : i32 to vector<16xi32>
      %add3A_658 = arith.addi %iota3A, %add3A_657 : vector<16xi32>
      %gather3A_659 = tpu.vector_load_idx %arg7[%add3A_658] : memref<16640xf32, #tpu.memory_space<vmem>>[vector<16xi32>], vector<16xf32>,
      %add3A_660 = arith.constant 16 : i32
      %add3A_661 = arith.addi %mul3A_638, %add3A_660 : i32
      %add3A_662 = vector.broadcast %add3A_661 : i32 to vector<16xi32>
      %add3A_663 = arith.addi %iota3A, %add3A_662 : vector<16xi32>
      %gather3A_664 = tpu.vector_load_idx %arg7[%add3A_663] : memref<16640xf32, #tpu.memory_space<vmem>>[vector<16xi32>], vector<16xf32>,
      %add3A_665 = arith.constant 32 : i32
      %add3A_666 = arith.addi %mul3A_638, %add3A_665 : i32
      %add3A_667 = vector.broadcast %add3A_666 : i32 to vector<16xi32>
      %add3A_668 = arith.addi %iota3A, %add3A_667 : vector<16xi32>
      %gather3A_669 = tpu.vector_load_idx %arg7[%add3A_668] : memref<16640xf32, #tpu.memory_space<vmem>>[vector<16xi32>], vector<16xf32>,
      %add3A_670 = arith.constant 48 : i32
      %add3A_671 = arith.addi %mul3A_638, %add3A_670 : i32
      %add3A_672 = vector.broadcast %add3A_671 : i32 to vector<16xi32>
      %add3A_673 = arith.addi %iota3A, %add3A_672 : vector<16xi32>
      %gather3A_674 = tpu.vector_load_idx %arg7[%add3A_673] : memref<16640xf32, #tpu.memory_space<vmem>>[vector<16xi32>], vector<16xf32>,
      %add3A_675 = arith.constant 0 : i32
      %add3A_676 = arith.addi %mul3A_644, %add3A_675 : i32
      %add3A_677 = vector.broadcast %add3A_676 : i32 to vector<16xi32>
      %add3A_678 = arith.addi %iota3A, %add3A_677 : vector<16xi32>
      %gather3A_679 = tpu.vector_load_idx %arg7[%add3A_678] : memref<16640xf32, #tpu.memory_space<vmem>>[vector<16xi32>], vector<16xf32>,
      %add3A_680 = arith.constant 16 : i32
      %add3A_681 = arith.addi %mul3A_644, %add3A_680 : i32
      %add3A_682 = vector.broadcast %add3A_681 : i32 to vector<16xi32>
      %add3A_683 = arith.addi %iota3A, %add3A_682 : vector<16xi32>
      %gather3A_684 = tpu.vector_load_idx %arg7[%add3A_683] : memref<16640xf32, #tpu.memory_space<vmem>>[vector<16xi32>], vector<16xf32>,
      %add3A_685 = arith.constant 32 : i32
      %add3A_686 = arith.addi %mul3A_644, %add3A_685 : i32
      %add3A_687 = vector.broadcast %add3A_686 : i32 to vector<16xi32>
      %add3A_688 = arith.addi %iota3A, %add3A_687 : vector<16xi32>
      %gather3A_689 = tpu.vector_load_idx %arg7[%add3A_688] : memref<16640xf32, #tpu.memory_space<vmem>>[vector<16xi32>], vector<16xf32>,
      %add3A_690 = arith.constant 48 : i32
      %add3A_691 = arith.addi %mul3A_644, %add3A_690 : i32
      %add3A_692 = vector.broadcast %add3A_691 : i32 to vector<16xi32>
      %add3A_693 = arith.addi %iota3A, %add3A_692 : vector<16xi32>
      %gather3A_694 = tpu.vector_load_idx %arg7[%add3A_693] : memref<16640xf32, #tpu.memory_space<vmem>>[vector<16xi32>], vector<16xf32>,
      %mul3A_695 = vector.broadcast %squeeze3A_632 : f32 to vector<16xf32>
      %mul3A_696 = arith.mulf %gather3A_659, %mul3A_695 : vector<16xf32>
      %mul3A_697 = vector.broadcast %squeeze3A_632 : f32 to vector<16xf32>
      %mul3A_698 = arith.mulf %gather3A_664, %mul3A_697 : vector<16xf32>
      %mul3A_699 = vector.broadcast %squeeze3A_632 : f32 to vector<16xf32>
      %mul3A_700 = arith.mulf %gather3A_669, %mul3A_699 : vector<16xf32>
      %mul3A_701 = vector.broadcast %squeeze3A_632 : f32 to vector<16xf32>
      %mul3A_702 = arith.mulf %gather3A_674, %mul3A_701 : vector<16xf32>
      %mul3A_703 = vector.broadcast %squeeze3A_634 : f32 to vector<16xf32>
      %mul3A_704 = arith.mulf %gather3A_679, %mul3A_703 : vector<16xf32>
      %mul3A_705 = vector.broadcast %squeeze3A_634 : f32 to vector<16xf32>
      %mul3A_706 = arith.mulf %gather3A_684, %mul3A_705 : vector<16xf32>
      %mul3A_707 = vector.broadcast %squeeze3A_634 : f32 to vector<16xf32>
      %mul3A_708 = arith.mulf %gather3A_689, %mul3A_707 : vector<16xf32>
      %mul3A_709 = vector.broadcast %squeeze3A_634 : f32 to vector<16xf32>
      %mul3A_710 = arith.mulf %gather3A_694, %mul3A_709 : vector<16xf32>
      %add3A_711 = arith.constant 0 : i32
      %add3A_712 = arith.addi %mul3A_648, %add3A_711 : i32
      %swap3A_713 = arith.index_cast %add3A_712 : i32 to index
      %swap3A_714 = tpu.vector_load %arg8[%swap3A_713] {strides = array<i32>} : memref<16384xf32, #tpu.memory_space<vmem>>, vector<16xf32>,
      tpu.vector_store %arg8[%swap3A_713], %mul3A_696 {strides = array<i32>} : memref<16384xf32, #tpu.memory_space<vmem>>, vector<16xf32>,
      %add3A_715 = arith.constant 16 : i32
      %add3A_716 = arith.addi %mul3A_648, %add3A_715 : i32
      %swap3A_717 = arith.index_cast %add3A_716 : i32 to index
      %swap3A_718 = tpu.vector_load %arg8[%swap3A_717] {strides = array<i32>} : memref<16384xf32, #tpu.memory_space<vmem>>, vector<16xf32>,
      tpu.vector_store %arg8[%swap3A_717], %mul3A_698 {strides = array<i32>} : memref<16384xf32, #tpu.memory_space<vmem>>, vector<16xf32>,
      %add3A_719 = arith.constant 32 : i32
      %add3A_720 = arith.addi %mul3A_648, %add3A_719 : i32
      %swap3A_721 = arith.index_cast %add3A_720 : i32 to index
      %swap3A_722 = tpu.vector_load %arg8[%swap3A_721] {strides = array<i32>} : memref<16384xf32, #tpu.memory_space<vmem>>, vector<16xf32>,
      tpu.vector_store %arg8[%swap3A_721], %mul3A_700 {strides = array<i32>} : memref<16384xf32, #tpu.memory_space<vmem>>, vector<16xf32>,
      %add3A_723 = arith.constant 48 : i32
      %add3A_724 = arith.addi %mul3A_648, %add3A_723 : i32
      %swap3A_725 = arith.index_cast %add3A_724 : i32 to index
      %swap3A_726 = tpu.vector_load %arg8[%swap3A_725] {strides = array<i32>} : memref<16384xf32, #tpu.memory_space<vmem>>, vector<16xf32>,
      tpu.vector_store %arg8[%swap3A_725], %mul3A_702 {strides = array<i32>} : memref<16384xf32, #tpu.memory_space<vmem>>, vector<16xf32>,
      %add3A_727 = arith.constant 0 : i32
      %add3A_728 = arith.addi %mul3A_654, %add3A_727 : i32
      %swap3A_729 = arith.index_cast %add3A_728 : i32 to index
      %swap3A_730 = tpu.vector_load %arg8[%swap3A_729] {strides = array<i32>} : memref<16384xf32, #tpu.memory_space<vmem>>, vector<16xf32>,
      tpu.vector_store %arg8[%swap3A_729], %mul3A_704 {strides = array<i32>} : memref<16384xf32, #tpu.memory_space<vmem>>, vector<16xf32>,
      %add3A_731 = arith.constant 16 : i32
      %add3A_732 = arith.addi %mul3A_654, %add3A_731 : i32
      %swap3A_733 = arith.index_cast %add3A_732 : i32 to index
      %swap3A_734 = tpu.vector_load %arg8[%swap3A_733] {strides = array<i32>} : memref<16384xf32, #tpu.memory_space<vmem>>, vector<16xf32>,
      tpu.vector_store %arg8[%swap3A_733], %mul3A_706 {strides = array<i32>} : memref<16384xf32, #tpu.memory_space<vmem>>, vector<16xf32>,
      %add3A_735 = arith.constant 32 : i32
      %add3A_736 = arith.addi %mul3A_654, %add3A_735 : i32
      %swap3A_737 = arith.index_cast %add3A_736 : i32 to index
      %swap3A_738 = tpu.vector_load %arg8[%swap3A_737] {strides = array<i32>} : memref<16384xf32, #tpu.memory_space<vmem>>, vector<16xf32>,
      tpu.vector_store %arg8[%swap3A_737], %mul3A_708 {strides = array<i32>} : memref<16384xf32, #tpu.memory_space<vmem>>, vector<16xf32>,
      %add3A_739 = arith.constant 48 : i32
      %add3A_740 = arith.addi %mul3A_654, %add3A_739 : i32
      %swap3A_741 = arith.index_cast %add3A_740 : i32 to index
      %swap3A_742 = tpu.vector_load %arg8[%swap3A_741] {strides = array<i32>} : memref<16384xf32, #tpu.memory_space<vmem>>, vector<16xf32>,
      tpu.vector_store %arg8[%swap3A_741], %mul3A_710 {strides = array<i32>} : memref<16384xf32, #tpu.memory_space<vmem>>, vector<16xf32>,
      %slice3A_743 = vector.extract_strided_slice %get3A_186 {offsets = [10], sizes = [1], strides = [1]} : vector<16xf32> to vector<1xf32>
      %squeeze3A_744 = vector.extract %slice3A_743[0] : f32 from vector<1xf32>
      %slice3A_745 = vector.extract_strided_slice %get3A_186 {offsets = [11], sizes = [1], strides = [1]} : vector<16xf32> to vector<1xf32>
      %squeeze3A_746 = vector.extract %slice3A_745[0] : f32 from vector<1xf32>
      %add3A_747 = arith.constant 10 : i32
      %add3A_748 = arith.addi %mul3A_185, %add3A_747 : i32
      %mul3A_749 = arith.constant 65 : i32
      %mul3A_750 = arith.muli %add3A_748, %mul3A_749 : i32
      %add3A_751 = arith.constant 10 : i32
      %add3A_752 = arith.addi %mul3A_185, %add3A_751 : i32
      %add3A_753 = arith.constant 1 : i32
      %add3A_754 = arith.addi %add3A_752, %add3A_753 : i32
      %mul3A_755 = arith.constant 65 : i32
      %mul3A_756 = arith.muli %add3A_754, %mul3A_755 : i32
      %add3A_757 = arith.constant 10 : i32
      %add3A_758 = arith.addi %mul3A_185, %add3A_757 : i32
      %mul3A_759 = arith.constant 64 : i32
      %mul3A_760 = arith.muli %add3A_758, %mul3A_759 : i32
      %add3A_761 = arith.constant 10 : i32
      %add3A_762 = arith.addi %mul3A_185, %add3A_761 : i32
      %add3A_763 = arith.constant 1 : i32
      %add3A_764 = arith.addi %add3A_762, %add3A_763 : i32
      %mul3A_765 = arith.constant 64 : i32
      %mul3A_766 = arith.muli %add3A_764, %mul3A_765 : i32
      %add3A_767 = arith.constant 0 : i32
      %add3A_768 = arith.addi %mul3A_750, %add3A_767 : i32
      %add3A_769 = vector.broadcast %add3A_768 : i32 to vector<16xi32>
      %add3A_770 = arith.addi %iota3A, %add3A_769 : vector<16xi32>
      %gather3A_771 = tpu.vector_load_idx %arg7[%add3A_770] : memref<16640xf32, #tpu.memory_space<vmem>>[vector<16xi32>], vector<16xf32>,
      %add3A_772 = arith.constant 16 : i32
      %add3A_773 = arith.addi %mul3A_750, %add3A_772 : i32
      %add3A_774 = vector.broadcast %add3A_773 : i32 to vector<16xi32>
      %add3A_775 = arith.addi %iota3A, %add3A_774 : vector<16xi32>
      %gather3A_776 = tpu.vector_load_idx %arg7[%add3A_775] : memref<16640xf32, #tpu.memory_space<vmem>>[vector<16xi32>], vector<16xf32>,
      %add3A_777 = arith.constant 32 : i32
      %add3A_778 = arith.addi %mul3A_750, %add3A_777 : i32
      %add3A_779 = vector.broadcast %add3A_778 : i32 to vector<16xi32>
      %add3A_780 = arith.addi %iota3A, %add3A_779 : vector<16xi32>
      %gather3A_781 = tpu.vector_load_idx %arg7[%add3A_780] : memref<16640xf32, #tpu.memory_space<vmem>>[vector<16xi32>], vector<16xf32>,
      %add3A_782 = arith.constant 48 : i32
      %add3A_783 = arith.addi %mul3A_750, %add3A_782 : i32
      %add3A_784 = vector.broadcast %add3A_783 : i32 to vector<16xi32>
      %add3A_785 = arith.addi %iota3A, %add3A_784 : vector<16xi32>
      %gather3A_786 = tpu.vector_load_idx %arg7[%add3A_785] : memref<16640xf32, #tpu.memory_space<vmem>>[vector<16xi32>], vector<16xf32>,
      %add3A_787 = arith.constant 0 : i32
      %add3A_788 = arith.addi %mul3A_756, %add3A_787 : i32
      %add3A_789 = vector.broadcast %add3A_788 : i32 to vector<16xi32>
      %add3A_790 = arith.addi %iota3A, %add3A_789 : vector<16xi32>
      %gather3A_791 = tpu.vector_load_idx %arg7[%add3A_790] : memref<16640xf32, #tpu.memory_space<vmem>>[vector<16xi32>], vector<16xf32>,
      %add3A_792 = arith.constant 16 : i32
      %add3A_793 = arith.addi %mul3A_756, %add3A_792 : i32
      %add3A_794 = vector.broadcast %add3A_793 : i32 to vector<16xi32>
      %add3A_795 = arith.addi %iota3A, %add3A_794 : vector<16xi32>
      %gather3A_796 = tpu.vector_load_idx %arg7[%add3A_795] : memref<16640xf32, #tpu.memory_space<vmem>>[vector<16xi32>], vector<16xf32>,
      %add3A_797 = arith.constant 32 : i32
      %add3A_798 = arith.addi %mul3A_756, %add3A_797 : i32
      %add3A_799 = vector.broadcast %add3A_798 : i32 to vector<16xi32>
      %add3A_800 = arith.addi %iota3A, %add3A_799 : vector<16xi32>
      %gather3A_801 = tpu.vector_load_idx %arg7[%add3A_800] : memref<16640xf32, #tpu.memory_space<vmem>>[vector<16xi32>], vector<16xf32>,
      %add3A_802 = arith.constant 48 : i32
      %add3A_803 = arith.addi %mul3A_756, %add3A_802 : i32
      %add3A_804 = vector.broadcast %add3A_803 : i32 to vector<16xi32>
      %add3A_805 = arith.addi %iota3A, %add3A_804 : vector<16xi32>
      %gather3A_806 = tpu.vector_load_idx %arg7[%add3A_805] : memref<16640xf32, #tpu.memory_space<vmem>>[vector<16xi32>], vector<16xf32>,
      %mul3A_807 = vector.broadcast %squeeze3A_744 : f32 to vector<16xf32>
      %mul3A_808 = arith.mulf %gather3A_771, %mul3A_807 : vector<16xf32>
      %mul3A_809 = vector.broadcast %squeeze3A_744 : f32 to vector<16xf32>
      %mul3A_810 = arith.mulf %gather3A_776, %mul3A_809 : vector<16xf32>
      %mul3A_811 = vector.broadcast %squeeze3A_744 : f32 to vector<16xf32>
      %mul3A_812 = arith.mulf %gather3A_781, %mul3A_811 : vector<16xf32>
      %mul3A_813 = vector.broadcast %squeeze3A_744 : f32 to vector<16xf32>
      %mul3A_814 = arith.mulf %gather3A_786, %mul3A_813 : vector<16xf32>
      %mul3A_815 = vector.broadcast %squeeze3A_746 : f32 to vector<16xf32>
      %mul3A_816 = arith.mulf %gather3A_791, %mul3A_815 : vector<16xf32>
      %mul3A_817 = vector.broadcast %squeeze3A_746 : f32 to vector<16xf32>
      %mul3A_818 = arith.mulf %gather3A_796, %mul3A_817 : vector<16xf32>
      %mul3A_819 = vector.broadcast %squeeze3A_746 : f32 to vector<16xf32>
      %mul3A_820 = arith.mulf %gather3A_801, %mul3A_819 : vector<16xf32>
      %mul3A_821 = vector.broadcast %squeeze3A_746 : f32 to vector<16xf32>
      %mul3A_822 = arith.mulf %gather3A_806, %mul3A_821 : vector<16xf32>
      %add3A_823 = arith.constant 0 : i32
      %add3A_824 = arith.addi %mul3A_760, %add3A_823 : i32
      %swap3A_825 = arith.index_cast %add3A_824 : i32 to index
      %swap3A_826 = tpu.vector_load %arg8[%swap3A_825] {strides = array<i32>} : memref<16384xf32, #tpu.memory_space<vmem>>, vector<16xf32>,
      tpu.vector_store %arg8[%swap3A_825], %mul3A_808 {strides = array<i32>} : memref<16384xf32, #tpu.memory_space<vmem>>, vector<16xf32>,
      %add3A_827 = arith.constant 16 : i32
      %add3A_828 = arith.addi %mul3A_760, %add3A_827 : i32
      %swap3A_829 = arith.index_cast %add3A_828 : i32 to index
      %swap3A_830 = tpu.vector_load %arg8[%swap3A_829] {strides = array<i32>} : memref<16384xf32, #tpu.memory_space<vmem>>, vector<16xf32>,
      tpu.vector_store %arg8[%swap3A_829], %mul3A_810 {strides = array<i32>} : memref<16384xf32, #tpu.memory_space<vmem>>, vector<16xf32>,
      %add3A_831 = arith.constant 32 : i32
      %add3A_832 = arith.addi %mul3A_760, %add3A_831 : i32
      %swap3A_833 = arith.index_cast %add3A_832 : i32 to index
      %swap3A_834 = tpu.vector_load %arg8[%swap3A_833] {strides = array<i32>} : memref<16384xf32, #tpu.memory_space<vmem>>, vector<16xf32>,
      tpu.vector_store %arg8[%swap3A_833], %mul3A_812 {strides = array<i32>} : memref<16384xf32, #tpu.memory_space<vmem>>, vector<16xf32>,
      %add3A_835 = arith.constant 48 : i32
      %add3A_836 = arith.addi %mul3A_760, %add3A_835 : i32
      %swap3A_837 = arith.index_cast %add3A_836 : i32 to index
      %swap3A_838 = tpu.vector_load %arg8[%swap3A_837] {strides = array<i32>} : memref<16384xf32, #tpu.memory_space<vmem>>, vector<16xf32>,
      tpu.vector_store %arg8[%swap3A_837], %mul3A_814 {strides = array<i32>} : memref<16384xf32, #tpu.memory_space<vmem>>, vector<16xf32>,
      %add3A_839 = arith.constant 0 : i32
      %add3A_840 = arith.addi %mul3A_766, %add3A_839 : i32
      %swap3A_841 = arith.index_cast %add3A_840 : i32 to index
      %swap3A_842 = tpu.vector_load %arg8[%swap3A_841] {strides = array<i32>} : memref<16384xf32, #tpu.memory_space<vmem>>, vector<16xf32>,
      tpu.vector_store %arg8[%swap3A_841], %mul3A_816 {strides = array<i32>} : memref<16384xf32, #tpu.memory_space<vmem>>, vector<16xf32>,
      %add3A_843 = arith.constant 16 : i32
      %add3A_844 = arith.addi %mul3A_766, %add3A_843 : i32
      %swap3A_845 = arith.index_cast %add3A_844 : i32 to index
      %swap3A_846 = tpu.vector_load %arg8[%swap3A_845] {strides = array<i32>} : memref<16384xf32, #tpu.memory_space<vmem>>, vector<16xf32>,
      tpu.vector_store %arg8[%swap3A_845], %mul3A_818 {strides = array<i32>} : memref<16384xf32, #tpu.memory_space<vmem>>, vector<16xf32>,
      %add3A_847 = arith.constant 32 : i32
      %add3A_848 = arith.addi %mul3A_766, %add3A_847 : i32
      %swap3A_849 = arith.index_cast %add3A_848 : i32 to index
      %swap3A_850 = tpu.vector_load %arg8[%swap3A_849] {strides = array<i32>} : memref<16384xf32, #tpu.memory_space<vmem>>, vector<16xf32>,
      tpu.vector_store %arg8[%swap3A_849], %mul3A_820 {strides = array<i32>} : memref<16384xf32, #tpu.memory_space<vmem>>, vector<16xf32>,
      %add3A_851 = arith.constant 48 : i32
      %add3A_852 = arith.addi %mul3A_766, %add3A_851 : i32
      %swap3A_853 = arith.index_cast %add3A_852 : i32 to index
      %swap3A_854 = tpu.vector_load %arg8[%swap3A_853] {strides = array<i32>} : memref<16384xf32, #tpu.memory_space<vmem>>, vector<16xf32>,
      tpu.vector_store %arg8[%swap3A_853], %mul3A_822 {strides = array<i32>} : memref<16384xf32, #tpu.memory_space<vmem>>, vector<16xf32>,
      %slice3A_855 = vector.extract_strided_slice %get3A_186 {offsets = [12], sizes = [1], strides = [1]} : vector<16xf32> to vector<1xf32>
      %squeeze3A_856 = vector.extract %slice3A_855[0] : f32 from vector<1xf32>
      %slice3A_857 = vector.extract_strided_slice %get3A_186 {offsets = [13], sizes = [1], strides = [1]} : vector<16xf32> to vector<1xf32>
      %squeeze3A_858 = vector.extract %slice3A_857[0] : f32 from vector<1xf32>
      %add3A_859 = arith.constant 12 : i32
      %add3A_860 = arith.addi %mul3A_185, %add3A_859 : i32
      %mul3A_861 = arith.constant 65 : i32
      %mul3A_862 = arith.muli %add3A_860, %mul3A_861 : i32
      %add3A_863 = arith.constant 12 : i32
      %add3A_864 = arith.addi %mul3A_185, %add3A_863 : i32
      %add3A_865 = arith.constant 1 : i32
      %add3A_866 = arith.addi %add3A_864, %add3A_865 : i32
      %mul3A_867 = arith.constant 65 : i32
      %mul3A_868 = arith.muli %add3A_866, %mul3A_867 : i32
      %add3A_869 = arith.constant 12 : i32
      %add3A_870 = arith.addi %mul3A_185, %add3A_869 : i32
      %mul3A_871 = arith.constant 64 : i32
      %mul3A_872 = arith.muli %add3A_870, %mul3A_871 : i32
      %add3A_873 = arith.constant 12 : i32
      %add3A_874 = arith.addi %mul3A_185, %add3A_873 : i32
      %add3A_875 = arith.constant 1 : i32
      %add3A_876 = arith.addi %add3A_874, %add3A_875 : i32
      %mul3A_877 = arith.constant 64 : i32
      %mul3A_878 = arith.muli %add3A_876, %mul3A_877 : i32
      %add3A_879 = arith.constant 0 : i32
      %add3A_880 = arith.addi %mul3A_862, %add3A_879 : i32
      %add3A_881 = vector.broadcast %add3A_880 : i32 to vector<16xi32>
      %add3A_882 = arith.addi %iota3A, %add3A_881 : vector<16xi32>
      %gather3A_883 = tpu.vector_load_idx %arg7[%add3A_882] : memref<16640xf32, #tpu.memory_space<vmem>>[vector<16xi32>], vector<16xf32>,
      %add3A_884 = arith.constant 16 : i32
      %add3A_885 = arith.addi %mul3A_862, %add3A_884 : i32
      %add3A_886 = vector.broadcast %add3A_885 : i32 to vector<16xi32>
      %add3A_887 = arith.addi %iota3A, %add3A_886 : vector<16xi32>
      %gather3A_888 = tpu.vector_load_idx %arg7[%add3A_887] : memref<16640xf32, #tpu.memory_space<vmem>>[vector<16xi32>], vector<16xf32>,
      %add3A_889 = arith.constant 32 : i32
      %add3A_890 = arith.addi %mul3A_862, %add3A_889 : i32
      %add3A_891 = vector.broadcast %add3A_890 : i32 to vector<16xi32>
      %add3A_892 = arith.addi %iota3A, %add3A_891 : vector<16xi32>
      %gather3A_893 = tpu.vector_load_idx %arg7[%add3A_892] : memref<16640xf32, #tpu.memory_space<vmem>>[vector<16xi32>], vector<16xf32>,
      %add3A_894 = arith.constant 48 : i32
      %add3A_895 = arith.addi %mul3A_862, %add3A_894 : i32
      %add3A_896 = vector.broadcast %add3A_895 : i32 to vector<16xi32>
      %add3A_897 = arith.addi %iota3A, %add3A_896 : vector<16xi32>
      %gather3A_898 = tpu.vector_load_idx %arg7[%add3A_897] : memref<16640xf32, #tpu.memory_space<vmem>>[vector<16xi32>], vector<16xf32>,
      %add3A_899 = arith.constant 0 : i32
      %add3A_900 = arith.addi %mul3A_868, %add3A_899 : i32
      %add3A_901 = vector.broadcast %add3A_900 : i32 to vector<16xi32>
      %add3A_902 = arith.addi %iota3A, %add3A_901 : vector<16xi32>
      %gather3A_903 = tpu.vector_load_idx %arg7[%add3A_902] : memref<16640xf32, #tpu.memory_space<vmem>>[vector<16xi32>], vector<16xf32>,
      %add3A_904 = arith.constant 16 : i32
      %add3A_905 = arith.addi %mul3A_868, %add3A_904 : i32
      %add3A_906 = vector.broadcast %add3A_905 : i32 to vector<16xi32>
      %add3A_907 = arith.addi %iota3A, %add3A_906 : vector<16xi32>
      %gather3A_908 = tpu.vector_load_idx %arg7[%add3A_907] : memref<16640xf32, #tpu.memory_space<vmem>>[vector<16xi32>], vector<16xf32>,
      %add3A_909 = arith.constant 32 : i32
      %add3A_910 = arith.addi %mul3A_868, %add3A_909 : i32
      %add3A_911 = vector.broadcast %add3A_910 : i32 to vector<16xi32>
      %add3A_912 = arith.addi %iota3A, %add3A_911 : vector<16xi32>
      %gather3A_913 = tpu.vector_load_idx %arg7[%add3A_912] : memref<16640xf32, #tpu.memory_space<vmem>>[vector<16xi32>], vector<16xf32>,
      %add3A_914 = arith.constant 48 : i32
      %add3A_915 = arith.addi %mul3A_868, %add3A_914 : i32
      %add3A_916 = vector.broadcast %add3A_915 : i32 to vector<16xi32>
      %add3A_917 = arith.addi %iota3A, %add3A_916 : vector<16xi32>
      %gather3A_918 = tpu.vector_load_idx %arg7[%add3A_917] : memref<16640xf32, #tpu.memory_space<vmem>>[vector<16xi32>], vector<16xf32>,
      %mul3A_919 = vector.broadcast %squeeze3A_856 : f32 to vector<16xf32>
      %mul3A_920 = arith.mulf %gather3A_883, %mul3A_919 : vector<16xf32>
      %mul3A_921 = vector.broadcast %squeeze3A_856 : f32 to vector<16xf32>
      %mul3A_922 = arith.mulf %gather3A_888, %mul3A_921 : vector<16xf32>
      %mul3A_923 = vector.broadcast %squeeze3A_856 : f32 to vector<16xf32>
      %mul3A_924 = arith.mulf %gather3A_893, %mul3A_923 : vector<16xf32>
      %mul3A_925 = vector.broadcast %squeeze3A_856 : f32 to vector<16xf32>
      %mul3A_926 = arith.mulf %gather3A_898, %mul3A_925 : vector<16xf32>
      %mul3A_927 = vector.broadcast %squeeze3A_858 : f32 to vector<16xf32>
      %mul3A_928 = arith.mulf %gather3A_903, %mul3A_927 : vector<16xf32>
      %mul3A_929 = vector.broadcast %squeeze3A_858 : f32 to vector<16xf32>
      %mul3A_930 = arith.mulf %gather3A_908, %mul3A_929 : vector<16xf32>
      %mul3A_931 = vector.broadcast %squeeze3A_858 : f32 to vector<16xf32>
      %mul3A_932 = arith.mulf %gather3A_913, %mul3A_931 : vector<16xf32>
      %mul3A_933 = vector.broadcast %squeeze3A_858 : f32 to vector<16xf32>
      %mul3A_934 = arith.mulf %gather3A_918, %mul3A_933 : vector<16xf32>
      %add3A_935 = arith.constant 0 : i32
      %add3A_936 = arith.addi %mul3A_872, %add3A_935 : i32
      %swap3A_937 = arith.index_cast %add3A_936 : i32 to index
      %swap3A_938 = tpu.vector_load %arg8[%swap3A_937] {strides = array<i32>} : memref<16384xf32, #tpu.memory_space<vmem>>, vector<16xf32>,
      tpu.vector_store %arg8[%swap3A_937], %mul3A_920 {strides = array<i32>} : memref<16384xf32, #tpu.memory_space<vmem>>, vector<16xf32>,
      %add3A_939 = arith.constant 16 : i32
      %add3A_940 = arith.addi %mul3A_872, %add3A_939 : i32
      %swap3A_941 = arith.index_cast %add3A_940 : i32 to index
      %swap3A_942 = tpu.vector_load %arg8[%swap3A_941] {strides = array<i32>} : memref<16384xf32, #tpu.memory_space<vmem>>, vector<16xf32>,
      tpu.vector_store %arg8[%swap3A_941], %mul3A_922 {strides = array<i32>} : memref<16384xf32, #tpu.memory_space<vmem>>, vector<16xf32>,
      %add3A_943 = arith.constant 32 : i32
      %add3A_944 = arith.addi %mul3A_872, %add3A_943 : i32
      %swap3A_945 = arith.index_cast %add3A_944 : i32 to index
      %swap3A_946 = tpu.vector_load %arg8[%swap3A_945] {strides = array<i32>} : memref<16384xf32, #tpu.memory_space<vmem>>, vector<16xf32>,
      tpu.vector_store %arg8[%swap3A_945], %mul3A_924 {strides = array<i32>} : memref<16384xf32, #tpu.memory_space<vmem>>, vector<16xf32>,
      %add3A_947 = arith.constant 48 : i32
      %add3A_948 = arith.addi %mul3A_872, %add3A_947 : i32
      %swap3A_949 = arith.index_cast %add3A_948 : i32 to index
      %swap3A_950 = tpu.vector_load %arg8[%swap3A_949] {strides = array<i32>} : memref<16384xf32, #tpu.memory_space<vmem>>, vector<16xf32>,
      tpu.vector_store %arg8[%swap3A_949], %mul3A_926 {strides = array<i32>} : memref<16384xf32, #tpu.memory_space<vmem>>, vector<16xf32>,
      %add3A_951 = arith.constant 0 : i32
      %add3A_952 = arith.addi %mul3A_878, %add3A_951 : i32
      %swap3A_953 = arith.index_cast %add3A_952 : i32 to index
      %swap3A_954 = tpu.vector_load %arg8[%swap3A_953] {strides = array<i32>} : memref<16384xf32, #tpu.memory_space<vmem>>, vector<16xf32>,
      tpu.vector_store %arg8[%swap3A_953], %mul3A_928 {strides = array<i32>} : memref<16384xf32, #tpu.memory_space<vmem>>, vector<16xf32>,
      %add3A_955 = arith.constant 16 : i32
      %add3A_956 = arith.addi %mul3A_878, %add3A_955 : i32
      %swap3A_957 = arith.index_cast %add3A_956 : i32 to index
      %swap3A_958 = tpu.vector_load %arg8[%swap3A_957] {strides = array<i32>} : memref<16384xf32, #tpu.memory_space<vmem>>, vector<16xf32>,
      tpu.vector_store %arg8[%swap3A_957], %mul3A_930 {strides = array<i32>} : memref<16384xf32, #tpu.memory_space<vmem>>, vector<16xf32>,
      %add3A_959 = arith.constant 32 : i32
      %add3A_960 = arith.addi %mul3A_878, %add3A_959 : i32
      %swap3A_961 = arith.index_cast %add3A_960 : i32 to index
      %swap3A_962 = tpu.vector_load %arg8[%swap3A_961] {strides = array<i32>} : memref<16384xf32, #tpu.memory_space<vmem>>, vector<16xf32>,
      tpu.vector_store %arg8[%swap3A_961], %mul3A_932 {strides = array<i32>} : memref<16384xf32, #tpu.memory_space<vmem>>, vector<16xf32>,
      %add3A_963 = arith.constant 48 : i32
      %add3A_964 = arith.addi %mul3A_878, %add3A_963 : i32
      %swap3A_965 = arith.index_cast %add3A_964 : i32 to index
      %swap3A_966 = tpu.vector_load %arg8[%swap3A_965] {strides = array<i32>} : memref<16384xf32, #tpu.memory_space<vmem>>, vector<16xf32>,
      tpu.vector_store %arg8[%swap3A_965], %mul3A_934 {strides = array<i32>} : memref<16384xf32, #tpu.memory_space<vmem>>, vector<16xf32>,
      %slice3A_967 = vector.extract_strided_slice %get3A_186 {offsets = [14], sizes = [1], strides = [1]} : vector<16xf32> to vector<1xf32>
      %squeeze3A_968 = vector.extract %slice3A_967[0] : f32 from vector<1xf32>
      %slice3A_969 = vector.extract_strided_slice %get3A_186 {offsets = [15], sizes = [1], strides = [1]} : vector<16xf32> to vector<1xf32>
      %squeeze3A_970 = vector.extract %slice3A_969[0] : f32 from vector<1xf32>
      %add3A_971 = arith.constant 14 : i32
      %add3A_972 = arith.addi %mul3A_185, %add3A_971 : i32
      %mul3A_973 = arith.constant 65 : i32
      %mul3A_974 = arith.muli %add3A_972, %mul3A_973 : i32
      %add3A_975 = arith.constant 14 : i32
      %add3A_976 = arith.addi %mul3A_185, %add3A_975 : i32
      %add3A_977 = arith.constant 1 : i32
      %add3A_978 = arith.addi %add3A_976, %add3A_977 : i32
      %mul3A_979 = arith.constant 65 : i32
      %mul3A_980 = arith.muli %add3A_978, %mul3A_979 : i32
      %add3A_981 = arith.constant 14 : i32
      %add3A_982 = arith.addi %mul3A_185, %add3A_981 : i32
      %mul3A_983 = arith.constant 64 : i32
      %mul3A_984 = arith.muli %add3A_982, %mul3A_983 : i32
      %add3A_985 = arith.constant 14 : i32
      %add3A_986 = arith.addi %mul3A_185, %add3A_985 : i32
      %add3A_987 = arith.constant 1 : i32
      %add3A_988 = arith.addi %add3A_986, %add3A_987 : i32
      %mul3A_989 = arith.constant 64 : i32
      %mul3A_990 = arith.muli %add3A_988, %mul3A_989 : i32
      %add3A_991 = arith.constant 0 : i32
      %add3A_992 = arith.addi %mul3A_974, %add3A_991 : i32
      %add3A_993 = vector.broadcast %add3A_992 : i32 to vector<16xi32>
      %add3A_994 = arith.addi %iota3A, %add3A_993 : vector<16xi32>
      %gather3A_995 = tpu.vector_load_idx %arg7[%add3A_994] : memref<16640xf32, #tpu.memory_space<vmem>>[vector<16xi32>], vector<16xf32>,
      %add3A_996 = arith.constant 16 : i32
      %add3A_997 = arith.addi %mul3A_974, %add3A_996 : i32
      %add3A_998 = vector.broadcast %add3A_997 : i32 to vector<16xi32>
      %add3A_999 = arith.addi %iota3A, %add3A_998 : vector<16xi32>
      %gather3A_1000 = tpu.vector_load_idx %arg7[%add3A_999] : memref<16640xf32, #tpu.memory_space<vmem>>[vector<16xi32>], vector<16xf32>,
      %add3A_1001 = arith.constant 32 : i32
      %add3A_1002 = arith.addi %mul3A_974, %add3A_1001 : i32
      %add3A_1003 = vector.broadcast %add3A_1002 : i32 to vector<16xi32>
      %add3A_1004 = arith.addi %iota3A, %add3A_1003 : vector<16xi32>
      %gather3A_1005 = tpu.vector_load_idx %arg7[%add3A_1004] : memref<16640xf32, #tpu.memory_space<vmem>>[vector<16xi32>], vector<16xf32>,
      %add3A_1006 = arith.constant 48 : i32
      %add3A_1007 = arith.addi %mul3A_974, %add3A_1006 : i32
      %add3A_1008 = vector.broadcast %add3A_1007 : i32 to vector<16xi32>
      %add3A_1009 = arith.addi %iota3A, %add3A_1008 : vector<16xi32>
      %gather3A_1010 = tpu.vector_load_idx %arg7[%add3A_1009] : memref<16640xf32, #tpu.memory_space<vmem>>[vector<16xi32>], vector<16xf32>,
      %add3A_1011 = arith.constant 0 : i32
      %add3A_1012 = arith.addi %mul3A_980, %add3A_1011 : i32
      %add3A_1013 = vector.broadcast %add3A_1012 : i32 to vector<16xi32>
      %add3A_1014 = arith.addi %iota3A, %add3A_1013 : vector<16xi32>
      %gather3A_1015 = tpu.vector_load_idx %arg7[%add3A_1014] : memref<16640xf32, #tpu.memory_space<vmem>>[vector<16xi32>], vector<16xf32>,
      %add3A_1016 = arith.constant 16 : i32
      %add3A_1017 = arith.addi %mul3A_980, %add3A_1016 : i32
      %add3A_1018 = vector.broadcast %add3A_1017 : i32 to vector<16xi32>
      %add3A_1019 = arith.addi %iota3A, %add3A_1018 : vector<16xi32>
      %gather3A_1020 = tpu.vector_load_idx %arg7[%add3A_1019] : memref<16640xf32, #tpu.memory_space<vmem>>[vector<16xi32>], vector<16xf32>,
      %add3A_1021 = arith.constant 32 : i32
      %add3A_1022 = arith.addi %mul3A_980, %add3A_1021 : i32
      %add3A_1023 = vector.broadcast %add3A_1022 : i32 to vector<16xi32>
      %add3A_1024 = arith.addi %iota3A, %add3A_1023 : vector<16xi32>
      %gather3A_1025 = tpu.vector_load_idx %arg7[%add3A_1024] : memref<16640xf32, #tpu.memory_space<vmem>>[vector<16xi32>], vector<16xf32>,
      %add3A_1026 = arith.constant 48 : i32
      %add3A_1027 = arith.addi %mul3A_980, %add3A_1026 : i32
      %add3A_1028 = vector.broadcast %add3A_1027 : i32 to vector<16xi32>
      %add3A_1029 = arith.addi %iota3A, %add3A_1028 : vector<16xi32>
      %gather3A_1030 = tpu.vector_load_idx %arg7[%add3A_1029] : memref<16640xf32, #tpu.memory_space<vmem>>[vector<16xi32>], vector<16xf32>,
      %mul3A_1031 = vector.broadcast %squeeze3A_968 : f32 to vector<16xf32>
      %mul3A_1032 = arith.mulf %gather3A_995, %mul3A_1031 : vector<16xf32>
      %mul3A_1033 = vector.broadcast %squeeze3A_968 : f32 to vector<16xf32>
      %mul3A_1034 = arith.mulf %gather3A_1000, %mul3A_1033 : vector<16xf32>
      %mul3A_1035 = vector.broadcast %squeeze3A_968 : f32 to vector<16xf32>
      %mul3A_1036 = arith.mulf %gather3A_1005, %mul3A_1035 : vector<16xf32>
      %mul3A_1037 = vector.broadcast %squeeze3A_968 : f32 to vector<16xf32>
      %mul3A_1038 = arith.mulf %gather3A_1010, %mul3A_1037 : vector<16xf32>
      %mul3A_1039 = vector.broadcast %squeeze3A_970 : f32 to vector<16xf32>
      %mul3A_1040 = arith.mulf %gather3A_1015, %mul3A_1039 : vector<16xf32>
      %mul3A_1041 = vector.broadcast %squeeze3A_970 : f32 to vector<16xf32>
      %mul3A_1042 = arith.mulf %gather3A_1020, %mul3A_1041 : vector<16xf32>
      %mul3A_1043 = vector.broadcast %squeeze3A_970 : f32 to vector<16xf32>
      %mul3A_1044 = arith.mulf %gather3A_1025, %mul3A_1043 : vector<16xf32>
      %mul3A_1045 = vector.broadcast %squeeze3A_970 : f32 to vector<16xf32>
      %mul3A_1046 = arith.mulf %gather3A_1030, %mul3A_1045 : vector<16xf32>
      %add3A_1047 = arith.constant 0 : i32
      %add3A_1048 = arith.addi %mul3A_984, %add3A_1047 : i32
      %swap3A_1049 = arith.index_cast %add3A_1048 : i32 to index
      %swap3A_1050 = tpu.vector_load %arg8[%swap3A_1049] {strides = array<i32>} : memref<16384xf32, #tpu.memory_space<vmem>>, vector<16xf32>,
      tpu.vector_store %arg8[%swap3A_1049], %mul3A_1032 {strides = array<i32>} : memref<16384xf32, #tpu.memory_space<vmem>>, vector<16xf32>,
      %add3A_1051 = arith.constant 16 : i32
      %add3A_1052 = arith.addi %mul3A_984, %add3A_1051 : i32
      %swap3A_1053 = arith.index_cast %add3A_1052 : i32 to index
      %swap3A_1054 = tpu.vector_load %arg8[%swap3A_1053] {strides = array<i32>} : memref<16384xf32, #tpu.memory_space<vmem>>, vector<16xf32>,
      tpu.vector_store %arg8[%swap3A_1053], %mul3A_1034 {strides = array<i32>} : memref<16384xf32, #tpu.memory_space<vmem>>, vector<16xf32>,
      %add3A_1055 = arith.constant 32 : i32
      %add3A_1056 = arith.addi %mul3A_984, %add3A_1055 : i32
      %swap3A_1057 = arith.index_cast %add3A_1056 : i32 to index
      %swap3A_1058 = tpu.vector_load %arg8[%swap3A_1057] {strides = array<i32>} : memref<16384xf32, #tpu.memory_space<vmem>>, vector<16xf32>,
      tpu.vector_store %arg8[%swap3A_1057], %mul3A_1036 {strides = array<i32>} : memref<16384xf32, #tpu.memory_space<vmem>>, vector<16xf32>,
      %add3A_1059 = arith.constant 48 : i32
      %add3A_1060 = arith.addi %mul3A_984, %add3A_1059 : i32
      %swap3A_1061 = arith.index_cast %add3A_1060 : i32 to index
      %swap3A_1062 = tpu.vector_load %arg8[%swap3A_1061] {strides = array<i32>} : memref<16384xf32, #tpu.memory_space<vmem>>, vector<16xf32>,
      tpu.vector_store %arg8[%swap3A_1061], %mul3A_1038 {strides = array<i32>} : memref<16384xf32, #tpu.memory_space<vmem>>, vector<16xf32>,
      %add3A_1063 = arith.constant 0 : i32
      %add3A_1064 = arith.addi %mul3A_990, %add3A_1063 : i32
      %swap3A_1065 = arith.index_cast %add3A_1064 : i32 to index
      %swap3A_1066 = tpu.vector_load %arg8[%swap3A_1065] {strides = array<i32>} : memref<16384xf32, #tpu.memory_space<vmem>>, vector<16xf32>,
      tpu.vector_store %arg8[%swap3A_1065], %mul3A_1040 {strides = array<i32>} : memref<16384xf32, #tpu.memory_space<vmem>>, vector<16xf32>,
      %add3A_1067 = arith.constant 16 : i32
      %add3A_1068 = arith.addi %mul3A_990, %add3A_1067 : i32
      %swap3A_1069 = arith.index_cast %add3A_1068 : i32 to index
      %swap3A_1070 = tpu.vector_load %arg8[%swap3A_1069] {strides = array<i32>} : memref<16384xf32, #tpu.memory_space<vmem>>, vector<16xf32>,
      tpu.vector_store %arg8[%swap3A_1069], %mul3A_1042 {strides = array<i32>} : memref<16384xf32, #tpu.memory_space<vmem>>, vector<16xf32>,
      %add3A_1071 = arith.constant 32 : i32
      %add3A_1072 = arith.addi %mul3A_990, %add3A_1071 : i32
      %swap3A_1073 = arith.index_cast %add3A_1072 : i32 to index
      %swap3A_1074 = tpu.vector_load %arg8[%swap3A_1073] {strides = array<i32>} : memref<16384xf32, #tpu.memory_space<vmem>>, vector<16xf32>,
      tpu.vector_store %arg8[%swap3A_1073], %mul3A_1044 {strides = array<i32>} : memref<16384xf32, #tpu.memory_space<vmem>>, vector<16xf32>,
      %add3A_1075 = arith.constant 48 : i32
      %add3A_1076 = arith.addi %mul3A_990, %add3A_1075 : i32
      %swap3A_1077 = arith.index_cast %add3A_1076 : i32 to index
      %swap3A_1078 = tpu.vector_load %arg8[%swap3A_1077] {strides = array<i32>} : memref<16384xf32, #tpu.memory_space<vmem>>, vector<16xf32>,
      tpu.vector_store %arg8[%swap3A_1077], %mul3A_1046 {strides = array<i32>} : memref<16384xf32, #tpu.memory_space<vmem>>, vector<16xf32>,
      %scan3A_1079 = arith.constant 0 : i32
      scf.yield %scan3A_1079 : i32
    }
    %scan3A_118 = arith.constant 4 : i32
    %mul3A_119 = arith.constant 16384 : i32
    %mul3A_120 = arith.muli %select_n3A_30, %mul3A_119 : i32
    %add3A_121 = arith.constant 8192 : i32
    %add3A_122 = arith.addi %mul3A_120, %add3A_121 : i32
    %dma_start3A_123 = arith.constant 8192 : i32
    %dma_start3A_124 = tpu.memref_slice %arg8[%dma_start3A_123] : memref<16384xf32, #tpu.memory_space<vmem>> -> memref<4096xf32, #tpu.memory_space<vmem>>
    %dma_start3A_125 = tpu.memref_slice %arg4[%select_n3A, %add3A_122] : memref<16x32768xf32, #tpu.memory_space<hbm>> -> memref<1x4096xf32, #tpu.memory_space<hbm>>
    %dma_start3A_126 = tpu.memref_squeeze %dma_start3A_125 : memref<1x4096xf32, #tpu.memory_space<hbm>> -> memref<4096xf32, #tpu.memory_space<hbm>>
    %dma_start3A_127 = tpu.memref_slice %arg4[%select_n3A, %add3A_122] : memref<16x32768xf32, #tpu.memory_space<hbm>> -> memref<1x4096xf32, #tpu.memory_space<hbm>>
    %dma_start3A_128 = tpu.memref_squeeze %dma_start3A_127 : memref<1x4096xf32, #tpu.memory_space<hbm>> -> memref<4096xf32, #tpu.memory_space<hbm>>
    %dma_start3A_129 = arith.constant 8192 : i32
    %dma_start3A_130 = tpu.memref_slice %arg8[%dma_start3A_129] : memref<16384xf32, #tpu.memory_space<vmem>> -> memref<4096xf32, #tpu.memory_space<vmem>>
    tpu.enqueue_dma source(%dma_start3A_130 : memref<4096xf32, #tpu.memory_space<vmem>>) target(%dma_start3A_128 : memref<4096xf32, #tpu.memory_space<hbm>>) target_semaphore(%arg12 : memref<!tpu.dma_semaphore, #tpu.memory_space<semaphore_mem>>)
    %scan3A_131 = arith.constant 0 : i32
    %scan3A_132 = arith.constant 12 : i32
    %scan3A_133 = arith.constant 4 : i32
    %scan3A_134 = arith.addi %scan3A_132, %scan3A_133 : i32
    %scan3A_135 = arith.constant 1 : i32
    %scan3A_136 = scf.for %scan3A_182 = %scan3A_132 to %scan3A_134 step %scan3A_135 iter_args(%scan3A_183 = %scan3A_131) -> (i32)  : i32 {
      %mul3A_184 = arith.constant 16 : i32
      %mul3A_185 = arith.muli %scan3A_182, %mul3A_184 : i32
      %get3A = arith.index_cast %mul3A_185 : i32 to index
      %get3A_186 = tpu.vector_load %arg10[%get3A] {strides = array<i32>} : memref<256xf32, #tpu.memory_space<vmem>>, vector<16xf32>,
      %slice3A = vector.extract_strided_slice %get3A_186 {offsets = [0], sizes = [1], strides = [1]} : vector<16xf32> to vector<1xf32>
      %squeeze3A = vector.extract %slice3A[0] : f32 from vector<1xf32>
      %slice3A_187 = vector.extract_strided_slice %get3A_186 {offsets = [1], sizes = [1], strides = [1]} : vector<16xf32> to vector<1xf32>
      %squeeze3A_188 = vector.extract %slice3A_187[0] : f32 from vector<1xf32>
      %add3A_189 = arith.constant 0 : i32
      %add3A_190 = arith.addi %mul3A_185, %add3A_189 : i32
      %mul3A_191 = arith.constant 65 : i32
      %mul3A_192 = arith.muli %add3A_190, %mul3A_191 : i32
      %add3A_193 = arith.constant 0 : i32
      %add3A_194 = arith.addi %mul3A_185, %add3A_193 : i32
      %add3A_195 = arith.constant 1 : i32
      %add3A_196 = arith.addi %add3A_194, %add3A_195 : i32
      %mul3A_197 = arith.constant 65 : i32
      %mul3A_198 = arith.muli %add3A_196, %mul3A_197 : i32
      %add3A_199 = arith.constant 0 : i32
      %add3A_200 = arith.addi %mul3A_185, %add3A_199 : i32
      %mul3A_201 = arith.constant 64 : i32
      %mul3A_202 = arith.muli %add3A_200, %mul3A_201 : i32
      %add3A_203 = arith.constant 0 : i32
      %add3A_204 = arith.addi %mul3A_185, %add3A_203 : i32
      %add3A_205 = arith.constant 1 : i32
      %add3A_206 = arith.addi %add3A_204, %add3A_205 : i32
      %mul3A_207 = arith.constant 64 : i32
      %mul3A_208 = arith.muli %add3A_206, %mul3A_207 : i32
      %add3A_209 = arith.constant 0 : i32
      %add3A_210 = arith.addi %mul3A_192, %add3A_209 : i32
      %add3A_211 = vector.broadcast %add3A_210 : i32 to vector<16xi32>
      %add3A_212 = arith.addi %iota3A, %add3A_211 : vector<16xi32>
      %gather3A = tpu.vector_load_idx %arg7[%add3A_212] : memref<16640xf32, #tpu.memory_space<vmem>>[vector<16xi32>], vector<16xf32>,
      %add3A_213 = arith.constant 16 : i32
      %add3A_214 = arith.addi %mul3A_192, %add3A_213 : i32
      %add3A_215 = vector.broadcast %add3A_214 : i32 to vector<16xi32>
      %add3A_216 = arith.addi %iota3A, %add3A_215 : vector<16xi32>
      %gather3A_217 = tpu.vector_load_idx %arg7[%add3A_216] : memref<16640xf32, #tpu.memory_space<vmem>>[vector<16xi32>], vector<16xf32>,
      %add3A_218 = arith.constant 32 : i32
      %add3A_219 = arith.addi %mul3A_192, %add3A_218 : i32
      %add3A_220 = vector.broadcast %add3A_219 : i32 to vector<16xi32>
      %add3A_221 = arith.addi %iota3A, %add3A_220 : vector<16xi32>
      %gather3A_222 = tpu.vector_load_idx %arg7[%add3A_221] : memref<16640xf32, #tpu.memory_space<vmem>>[vector<16xi32>], vector<16xf32>,
      %add3A_223 = arith.constant 48 : i32
      %add3A_224 = arith.addi %mul3A_192, %add3A_223 : i32
      %add3A_225 = vector.broadcast %add3A_224 : i32 to vector<16xi32>
      %add3A_226 = arith.addi %iota3A, %add3A_225 : vector<16xi32>
      %gather3A_227 = tpu.vector_load_idx %arg7[%add3A_226] : memref<16640xf32, #tpu.memory_space<vmem>>[vector<16xi32>], vector<16xf32>,
      %add3A_228 = arith.constant 0 : i32
      %add3A_229 = arith.addi %mul3A_198, %add3A_228 : i32
      %add3A_230 = vector.broadcast %add3A_229 : i32 to vector<16xi32>
      %add3A_231 = arith.addi %iota3A, %add3A_230 : vector<16xi32>
      %gather3A_232 = tpu.vector_load_idx %arg7[%add3A_231] : memref<16640xf32, #tpu.memory_space<vmem>>[vector<16xi32>], vector<16xf32>,
      %add3A_233 = arith.constant 16 : i32
      %add3A_234 = arith.addi %mul3A_198, %add3A_233 : i32
      %add3A_235 = vector.broadcast %add3A_234 : i32 to vector<16xi32>
      %add3A_236 = arith.addi %iota3A, %add3A_235 : vector<16xi32>
      %gather3A_237 = tpu.vector_load_idx %arg7[%add3A_236] : memref<16640xf32, #tpu.memory_space<vmem>>[vector<16xi32>], vector<16xf32>,
      %add3A_238 = arith.constant 32 : i32
      %add3A_239 = arith.addi %mul3A_198, %add3A_238 : i32
      %add3A_240 = vector.broadcast %add3A_239 : i32 to vector<16xi32>
      %add3A_241 = arith.addi %iota3A, %add3A_240 : vector<16xi32>
      %gather3A_242 = tpu.vector_load_idx %arg7[%add3A_241] : memref<16640xf32, #tpu.memory_space<vmem>>[vector<16xi32>], vector<16xf32>,
      %add3A_243 = arith.constant 48 : i32
      %add3A_244 = arith.addi %mul3A_198, %add3A_243 : i32
      %add3A_245 = vector.broadcast %add3A_244 : i32 to vector<16xi32>
      %add3A_246 = arith.addi %iota3A, %add3A_245 : vector<16xi32>
      %gather3A_247 = tpu.vector_load_idx %arg7[%add3A_246] : memref<16640xf32, #tpu.memory_space<vmem>>[vector<16xi32>], vector<16xf32>,
      %mul3A_248 = vector.broadcast %squeeze3A : f32 to vector<16xf32>
      %mul3A_249 = arith.mulf %gather3A, %mul3A_248 : vector<16xf32>
      %mul3A_250 = vector.broadcast %squeeze3A : f32 to vector<16xf32>
      %mul3A_251 = arith.mulf %gather3A_217, %mul3A_250 : vector<16xf32>
      %mul3A_252 = vector.broadcast %squeeze3A : f32 to vector<16xf32>
      %mul3A_253 = arith.mulf %gather3A_222, %mul3A_252 : vector<16xf32>
      %mul3A_254 = vector.broadcast %squeeze3A : f32 to vector<16xf32>
      %mul3A_255 = arith.mulf %gather3A_227, %mul3A_254 : vector<16xf32>
      %mul3A_256 = vector.broadcast %squeeze3A_188 : f32 to vector<16xf32>
      %mul3A_257 = arith.mulf %gather3A_232, %mul3A_256 : vector<16xf32>
      %mul3A_258 = vector.broadcast %squeeze3A_188 : f32 to vector<16xf32>
      %mul3A_259 = arith.mulf %gather3A_237, %mul3A_258 : vector<16xf32>
      %mul3A_260 = vector.broadcast %squeeze3A_188 : f32 to vector<16xf32>
      %mul3A_261 = arith.mulf %gather3A_242, %mul3A_260 : vector<16xf32>
      %mul3A_262 = vector.broadcast %squeeze3A_188 : f32 to vector<16xf32>
      %mul3A_263 = arith.mulf %gather3A_247, %mul3A_262 : vector<16xf32>
      %add3A_264 = arith.constant 0 : i32
      %add3A_265 = arith.addi %mul3A_202, %add3A_264 : i32
      %swap3A = arith.index_cast %add3A_265 : i32 to index
      %swap3A_266 = tpu.vector_load %arg8[%swap3A] {strides = array<i32>} : memref<16384xf32, #tpu.memory_space<vmem>>, vector<16xf32>,
      tpu.vector_store %arg8[%swap3A], %mul3A_249 {strides = array<i32>} : memref<16384xf32, #tpu.memory_space<vmem>>, vector<16xf32>,
      %add3A_267 = arith.constant 16 : i32
      %add3A_268 = arith.addi %mul3A_202, %add3A_267 : i32
      %swap3A_269 = arith.index_cast %add3A_268 : i32 to index
      %swap3A_270 = tpu.vector_load %arg8[%swap3A_269] {strides = array<i32>} : memref<16384xf32, #tpu.memory_space<vmem>>, vector<16xf32>,
      tpu.vector_store %arg8[%swap3A_269], %mul3A_251 {strides = array<i32>} : memref<16384xf32, #tpu.memory_space<vmem>>, vector<16xf32>,
      %add3A_271 = arith.constant 32 : i32
      %add3A_272 = arith.addi %mul3A_202, %add3A_271 : i32
      %swap3A_273 = arith.index_cast %add3A_272 : i32 to index
      %swap3A_274 = tpu.vector_load %arg8[%swap3A_273] {strides = array<i32>} : memref<16384xf32, #tpu.memory_space<vmem>>, vector<16xf32>,
      tpu.vector_store %arg8[%swap3A_273], %mul3A_253 {strides = array<i32>} : memref<16384xf32, #tpu.memory_space<vmem>>, vector<16xf32>,
      %add3A_275 = arith.constant 48 : i32
      %add3A_276 = arith.addi %mul3A_202, %add3A_275 : i32
      %swap3A_277 = arith.index_cast %add3A_276 : i32 to index
      %swap3A_278 = tpu.vector_load %arg8[%swap3A_277] {strides = array<i32>} : memref<16384xf32, #tpu.memory_space<vmem>>, vector<16xf32>,
      tpu.vector_store %arg8[%swap3A_277], %mul3A_255 {strides = array<i32>} : memref<16384xf32, #tpu.memory_space<vmem>>, vector<16xf32>,
      %add3A_279 = arith.constant 0 : i32
      %add3A_280 = arith.addi %mul3A_208, %add3A_279 : i32
      %swap3A_281 = arith.index_cast %add3A_280 : i32 to index
      %swap3A_282 = tpu.vector_load %arg8[%swap3A_281] {strides = array<i32>} : memref<16384xf32, #tpu.memory_space<vmem>>, vector<16xf32>,
      tpu.vector_store %arg8[%swap3A_281], %mul3A_257 {strides = array<i32>} : memref<16384xf32, #tpu.memory_space<vmem>>, vector<16xf32>,
      %add3A_283 = arith.constant 16 : i32
      %add3A_284 = arith.addi %mul3A_208, %add3A_283 : i32
      %swap3A_285 = arith.index_cast %add3A_284 : i32 to index
      %swap3A_286 = tpu.vector_load %arg8[%swap3A_285] {strides = array<i32>} : memref<16384xf32, #tpu.memory_space<vmem>>, vector<16xf32>,
      tpu.vector_store %arg8[%swap3A_285], %mul3A_259 {strides = array<i32>} : memref<16384xf32, #tpu.memory_space<vmem>>, vector<16xf32>,
      %add3A_287 = arith.constant 32 : i32
      %add3A_288 = arith.addi %mul3A_208, %add3A_287 : i32
      %swap3A_289 = arith.index_cast %add3A_288 : i32 to index
      %swap3A_290 = tpu.vector_load %arg8[%swap3A_289] {strides = array<i32>} : memref<16384xf32, #tpu.memory_space<vmem>>, vector<16xf32>,
      tpu.vector_store %arg8[%swap3A_289], %mul3A_261 {strides = array<i32>} : memref<16384xf32, #tpu.memory_space<vmem>>, vector<16xf32>,
      %add3A_291 = arith.constant 48 : i32
      %add3A_292 = arith.addi %mul3A_208, %add3A_291 : i32
      %swap3A_293 = arith.index_cast %add3A_292 : i32 to index
      %swap3A_294 = tpu.vector_load %arg8[%swap3A_293] {strides = array<i32>} : memref<16384xf32, #tpu.memory_space<vmem>>, vector<16xf32>,
      tpu.vector_store %arg8[%swap3A_293], %mul3A_263 {strides = array<i32>} : memref<16384xf32, #tpu.memory_space<vmem>>, vector<16xf32>,
      %slice3A_295 = vector.extract_strided_slice %get3A_186 {offsets = [2], sizes = [1], strides = [1]} : vector<16xf32> to vector<1xf32>
      %squeeze3A_296 = vector.extract %slice3A_295[0] : f32 from vector<1xf32>
      %slice3A_297 = vector.extract_strided_slice %get3A_186 {offsets = [3], sizes = [1], strides = [1]} : vector<16xf32> to vector<1xf32>
      %squeeze3A_298 = vector.extract %slice3A_297[0] : f32 from vector<1xf32>
      %add3A_299 = arith.constant 2 : i32
      %add3A_300 = arith.addi %mul3A_185, %add3A_299 : i32
      %mul3A_301 = arith.constant 65 : i32
      %mul3A_302 = arith.muli %add3A_300, %mul3A_301 : i32
      %add3A_303 = arith.constant 2 : i32
      %add3A_304 = arith.addi %mul3A_185, %add3A_303 : i32
      %add3A_305 = arith.constant 1 : i32
      %add3A_306 = arith.addi %add3A_304, %add3A_305 : i32
      %mul3A_307 = arith.constant 65 : i32
      %mul3A_308 = arith.muli %add3A_306, %mul3A_307 : i32
      %add3A_309 = arith.constant 2 : i32
      %add3A_310 = arith.addi %mul3A_185, %add3A_309 : i32
      %mul3A_311 = arith.constant 64 : i32
      %mul3A_312 = arith.muli %add3A_310, %mul3A_311 : i32
      %add3A_313 = arith.constant 2 : i32
      %add3A_314 = arith.addi %mul3A_185, %add3A_313 : i32
      %add3A_315 = arith.constant 1 : i32
      %add3A_316 = arith.addi %add3A_314, %add3A_315 : i32
      %mul3A_317 = arith.constant 64 : i32
      %mul3A_318 = arith.muli %add3A_316, %mul3A_317 : i32
      %add3A_319 = arith.constant 0 : i32
      %add3A_320 = arith.addi %mul3A_302, %add3A_319 : i32
      %add3A_321 = vector.broadcast %add3A_320 : i32 to vector<16xi32>
      %add3A_322 = arith.addi %iota3A, %add3A_321 : vector<16xi32>
      %gather3A_323 = tpu.vector_load_idx %arg7[%add3A_322] : memref<16640xf32, #tpu.memory_space<vmem>>[vector<16xi32>], vector<16xf32>,
      %add3A_324 = arith.constant 16 : i32
      %add3A_325 = arith.addi %mul3A_302, %add3A_324 : i32
      %add3A_326 = vector.broadcast %add3A_325 : i32 to vector<16xi32>
      %add3A_327 = arith.addi %iota3A, %add3A_326 : vector<16xi32>
      %gather3A_328 = tpu.vector_load_idx %arg7[%add3A_327] : memref<16640xf32, #tpu.memory_space<vmem>>[vector<16xi32>], vector<16xf32>,
      %add3A_329 = arith.constant 32 : i32
      %add3A_330 = arith.addi %mul3A_302, %add3A_329 : i32
      %add3A_331 = vector.broadcast %add3A_330 : i32 to vector<16xi32>
      %add3A_332 = arith.addi %iota3A, %add3A_331 : vector<16xi32>
      %gather3A_333 = tpu.vector_load_idx %arg7[%add3A_332] : memref<16640xf32, #tpu.memory_space<vmem>>[vector<16xi32>], vector<16xf32>,
      %add3A_334 = arith.constant 48 : i32
      %add3A_335 = arith.addi %mul3A_302, %add3A_334 : i32
      %add3A_336 = vector.broadcast %add3A_335 : i32 to vector<16xi32>
      %add3A_337 = arith.addi %iota3A, %add3A_336 : vector<16xi32>
      %gather3A_338 = tpu.vector_load_idx %arg7[%add3A_337] : memref<16640xf32, #tpu.memory_space<vmem>>[vector<16xi32>], vector<16xf32>,
      %add3A_339 = arith.constant 0 : i32
      %add3A_340 = arith.addi %mul3A_308, %add3A_339 : i32
      %add3A_341 = vector.broadcast %add3A_340 : i32 to vector<16xi32>
      %add3A_342 = arith.addi %iota3A, %add3A_341 : vector<16xi32>
      %gather3A_343 = tpu.vector_load_idx %arg7[%add3A_342] : memref<16640xf32, #tpu.memory_space<vmem>>[vector<16xi32>], vector<16xf32>,
      %add3A_344 = arith.constant 16 : i32
      %add3A_345 = arith.addi %mul3A_308, %add3A_344 : i32
      %add3A_346 = vector.broadcast %add3A_345 : i32 to vector<16xi32>
      %add3A_347 = arith.addi %iota3A, %add3A_346 : vector<16xi32>
      %gather3A_348 = tpu.vector_load_idx %arg7[%add3A_347] : memref<16640xf32, #tpu.memory_space<vmem>>[vector<16xi32>], vector<16xf32>,
      %add3A_349 = arith.constant 32 : i32
      %add3A_350 = arith.addi %mul3A_308, %add3A_349 : i32
      %add3A_351 = vector.broadcast %add3A_350 : i32 to vector<16xi32>
      %add3A_352 = arith.addi %iota3A, %add3A_351 : vector<16xi32>
      %gather3A_353 = tpu.vector_load_idx %arg7[%add3A_352] : memref<16640xf32, #tpu.memory_space<vmem>>[vector<16xi32>], vector<16xf32>,
      %add3A_354 = arith.constant 48 : i32
      %add3A_355 = arith.addi %mul3A_308, %add3A_354 : i32
      %add3A_356 = vector.broadcast %add3A_355 : i32 to vector<16xi32>
      %add3A_357 = arith.addi %iota3A, %add3A_356 : vector<16xi32>
      %gather3A_358 = tpu.vector_load_idx %arg7[%add3A_357] : memref<16640xf32, #tpu.memory_space<vmem>>[vector<16xi32>], vector<16xf32>,
      %mul3A_359 = vector.broadcast %squeeze3A_296 : f32 to vector<16xf32>
      %mul3A_360 = arith.mulf %gather3A_323, %mul3A_359 : vector<16xf32>
      %mul3A_361 = vector.broadcast %squeeze3A_296 : f32 to vector<16xf32>
      %mul3A_362 = arith.mulf %gather3A_328, %mul3A_361 : vector<16xf32>
      %mul3A_363 = vector.broadcast %squeeze3A_296 : f32 to vector<16xf32>
      %mul3A_364 = arith.mulf %gather3A_333, %mul3A_363 : vector<16xf32>
      %mul3A_365 = vector.broadcast %squeeze3A_296 : f32 to vector<16xf32>
      %mul3A_366 = arith.mulf %gather3A_338, %mul3A_365 : vector<16xf32>
      %mul3A_367 = vector.broadcast %squeeze3A_298 : f32 to vector<16xf32>
      %mul3A_368 = arith.mulf %gather3A_343, %mul3A_367 : vector<16xf32>
      %mul3A_369 = vector.broadcast %squeeze3A_298 : f32 to vector<16xf32>
      %mul3A_370 = arith.mulf %gather3A_348, %mul3A_369 : vector<16xf32>
      %mul3A_371 = vector.broadcast %squeeze3A_298 : f32 to vector<16xf32>
      %mul3A_372 = arith.mulf %gather3A_353, %mul3A_371 : vector<16xf32>
      %mul3A_373 = vector.broadcast %squeeze3A_298 : f32 to vector<16xf32>
      %mul3A_374 = arith.mulf %gather3A_358, %mul3A_373 : vector<16xf32>
      %add3A_375 = arith.constant 0 : i32
      %add3A_376 = arith.addi %mul3A_312, %add3A_375 : i32
      %swap3A_377 = arith.index_cast %add3A_376 : i32 to index
      %swap3A_378 = tpu.vector_load %arg8[%swap3A_377] {strides = array<i32>} : memref<16384xf32, #tpu.memory_space<vmem>>, vector<16xf32>,
      tpu.vector_store %arg8[%swap3A_377], %mul3A_360 {strides = array<i32>} : memref<16384xf32, #tpu.memory_space<vmem>>, vector<16xf32>,
      %add3A_379 = arith.constant 16 : i32
      %add3A_380 = arith.addi %mul3A_312, %add3A_379 : i32
      %swap3A_381 = arith.index_cast %add3A_380 : i32 to index
      %swap3A_382 = tpu.vector_load %arg8[%swap3A_381] {strides = array<i32>} : memref<16384xf32, #tpu.memory_space<vmem>>, vector<16xf32>,
      tpu.vector_store %arg8[%swap3A_381], %mul3A_362 {strides = array<i32>} : memref<16384xf32, #tpu.memory_space<vmem>>, vector<16xf32>,
      %add3A_383 = arith.constant 32 : i32
      %add3A_384 = arith.addi %mul3A_312, %add3A_383 : i32
      %swap3A_385 = arith.index_cast %add3A_384 : i32 to index
      %swap3A_386 = tpu.vector_load %arg8[%swap3A_385] {strides = array<i32>} : memref<16384xf32, #tpu.memory_space<vmem>>, vector<16xf32>,
      tpu.vector_store %arg8[%swap3A_385], %mul3A_364 {strides = array<i32>} : memref<16384xf32, #tpu.memory_space<vmem>>, vector<16xf32>,
      %add3A_387 = arith.constant 48 : i32
      %add3A_388 = arith.addi %mul3A_312, %add3A_387 : i32
      %swap3A_389 = arith.index_cast %add3A_388 : i32 to index
      %swap3A_390 = tpu.vector_load %arg8[%swap3A_389] {strides = array<i32>} : memref<16384xf32, #tpu.memory_space<vmem>>, vector<16xf32>,
      tpu.vector_store %arg8[%swap3A_389], %mul3A_366 {strides = array<i32>} : memref<16384xf32, #tpu.memory_space<vmem>>, vector<16xf32>,
      %add3A_391 = arith.constant 0 : i32
      %add3A_392 = arith.addi %mul3A_318, %add3A_391 : i32
      %swap3A_393 = arith.index_cast %add3A_392 : i32 to index
      %swap3A_394 = tpu.vector_load %arg8[%swap3A_393] {strides = array<i32>} : memref<16384xf32, #tpu.memory_space<vmem>>, vector<16xf32>,
      tpu.vector_store %arg8[%swap3A_393], %mul3A_368 {strides = array<i32>} : memref<16384xf32, #tpu.memory_space<vmem>>, vector<16xf32>,
      %add3A_395 = arith.constant 16 : i32
      %add3A_396 = arith.addi %mul3A_318, %add3A_395 : i32
      %swap3A_397 = arith.index_cast %add3A_396 : i32 to index
      %swap3A_398 = tpu.vector_load %arg8[%swap3A_397] {strides = array<i32>} : memref<16384xf32, #tpu.memory_space<vmem>>, vector<16xf32>,
      tpu.vector_store %arg8[%swap3A_397], %mul3A_370 {strides = array<i32>} : memref<16384xf32, #tpu.memory_space<vmem>>, vector<16xf32>,
      %add3A_399 = arith.constant 32 : i32
      %add3A_400 = arith.addi %mul3A_318, %add3A_399 : i32
      %swap3A_401 = arith.index_cast %add3A_400 : i32 to index
      %swap3A_402 = tpu.vector_load %arg8[%swap3A_401] {strides = array<i32>} : memref<16384xf32, #tpu.memory_space<vmem>>, vector<16xf32>,
      tpu.vector_store %arg8[%swap3A_401], %mul3A_372 {strides = array<i32>} : memref<16384xf32, #tpu.memory_space<vmem>>, vector<16xf32>,
      %add3A_403 = arith.constant 48 : i32
      %add3A_404 = arith.addi %mul3A_318, %add3A_403 : i32
      %swap3A_405 = arith.index_cast %add3A_404 : i32 to index
      %swap3A_406 = tpu.vector_load %arg8[%swap3A_405] {strides = array<i32>} : memref<16384xf32, #tpu.memory_space<vmem>>, vector<16xf32>,
      tpu.vector_store %arg8[%swap3A_405], %mul3A_374 {strides = array<i32>} : memref<16384xf32, #tpu.memory_space<vmem>>, vector<16xf32>,
      %slice3A_407 = vector.extract_strided_slice %get3A_186 {offsets = [4], sizes = [1], strides = [1]} : vector<16xf32> to vector<1xf32>
      %squeeze3A_408 = vector.extract %slice3A_407[0] : f32 from vector<1xf32>
      %slice3A_409 = vector.extract_strided_slice %get3A_186 {offsets = [5], sizes = [1], strides = [1]} : vector<16xf32> to vector<1xf32>
      %squeeze3A_410 = vector.extract %slice3A_409[0] : f32 from vector<1xf32>
      %add3A_411 = arith.constant 4 : i32
      %add3A_412 = arith.addi %mul3A_185, %add3A_411 : i32
      %mul3A_413 = arith.constant 65 : i32
      %mul3A_414 = arith.muli %add3A_412, %mul3A_413 : i32
      %add3A_415 = arith.constant 4 : i32
      %add3A_416 = arith.addi %mul3A_185, %add3A_415 : i32
      %add3A_417 = arith.constant 1 : i32
      %add3A_418 = arith.addi %add3A_416, %add3A_417 : i32
      %mul3A_419 = arith.constant 65 : i32
      %mul3A_420 = arith.muli %add3A_418, %mul3A_419 : i32
      %add3A_421 = arith.constant 4 : i32
      %add3A_422 = arith.addi %mul3A_185, %add3A_421 : i32
      %mul3A_423 = arith.constant 64 : i32
      %mul3A_424 = arith.muli %add3A_422, %mul3A_423 : i32
      %add3A_425 = arith.constant 4 : i32
      %add3A_426 = arith.addi %mul3A_185, %add3A_425 : i32
      %add3A_427 = arith.constant 1 : i32
      %add3A_428 = arith.addi %add3A_426, %add3A_427 : i32
      %mul3A_429 = arith.constant 64 : i32
      %mul3A_430 = arith.muli %add3A_428, %mul3A_429 : i32
      %add3A_431 = arith.constant 0 : i32
      %add3A_432 = arith.addi %mul3A_414, %add3A_431 : i32
      %add3A_433 = vector.broadcast %add3A_432 : i32 to vector<16xi32>
      %add3A_434 = arith.addi %iota3A, %add3A_433 : vector<16xi32>
      %gather3A_435 = tpu.vector_load_idx %arg7[%add3A_434] : memref<16640xf32, #tpu.memory_space<vmem>>[vector<16xi32>], vector<16xf32>,
      %add3A_436 = arith.constant 16 : i32
      %add3A_437 = arith.addi %mul3A_414, %add3A_436 : i32
      %add3A_438 = vector.broadcast %add3A_437 : i32 to vector<16xi32>
      %add3A_439 = arith.addi %iota3A, %add3A_438 : vector<16xi32>
      %gather3A_440 = tpu.vector_load_idx %arg7[%add3A_439] : memref<16640xf32, #tpu.memory_space<vmem>>[vector<16xi32>], vector<16xf32>,
      %add3A_441 = arith.constant 32 : i32
      %add3A_442 = arith.addi %mul3A_414, %add3A_441 : i32
      %add3A_443 = vector.broadcast %add3A_442 : i32 to vector<16xi32>
      %add3A_444 = arith.addi %iota3A, %add3A_443 : vector<16xi32>
      %gather3A_445 = tpu.vector_load_idx %arg7[%add3A_444] : memref<16640xf32, #tpu.memory_space<vmem>>[vector<16xi32>], vector<16xf32>,
      %add3A_446 = arith.constant 48 : i32
      %add3A_447 = arith.addi %mul3A_414, %add3A_446 : i32
      %add3A_448 = vector.broadcast %add3A_447 : i32 to vector<16xi32>
      %add3A_449 = arith.addi %iota3A, %add3A_448 : vector<16xi32>
      %gather3A_450 = tpu.vector_load_idx %arg7[%add3A_449] : memref<16640xf32, #tpu.memory_space<vmem>>[vector<16xi32>], vector<16xf32>,
      %add3A_451 = arith.constant 0 : i32
      %add3A_452 = arith.addi %mul3A_420, %add3A_451 : i32
      %add3A_453 = vector.broadcast %add3A_452 : i32 to vector<16xi32>
      %add3A_454 = arith.addi %iota3A, %add3A_453 : vector<16xi32>
      %gather3A_455 = tpu.vector_load_idx %arg7[%add3A_454] : memref<16640xf32, #tpu.memory_space<vmem>>[vector<16xi32>], vector<16xf32>,
      %add3A_456 = arith.constant 16 : i32
      %add3A_457 = arith.addi %mul3A_420, %add3A_456 : i32
      %add3A_458 = vector.broadcast %add3A_457 : i32 to vector<16xi32>
      %add3A_459 = arith.addi %iota3A, %add3A_458 : vector<16xi32>
      %gather3A_460 = tpu.vector_load_idx %arg7[%add3A_459] : memref<16640xf32, #tpu.memory_space<vmem>>[vector<16xi32>], vector<16xf32>,
      %add3A_461 = arith.constant 32 : i32
      %add3A_462 = arith.addi %mul3A_420, %add3A_461 : i32
      %add3A_463 = vector.broadcast %add3A_462 : i32 to vector<16xi32>
      %add3A_464 = arith.addi %iota3A, %add3A_463 : vector<16xi32>
      %gather3A_465 = tpu.vector_load_idx %arg7[%add3A_464] : memref<16640xf32, #tpu.memory_space<vmem>>[vector<16xi32>], vector<16xf32>,
      %add3A_466 = arith.constant 48 : i32
      %add3A_467 = arith.addi %mul3A_420, %add3A_466 : i32
      %add3A_468 = vector.broadcast %add3A_467 : i32 to vector<16xi32>
      %add3A_469 = arith.addi %iota3A, %add3A_468 : vector<16xi32>
      %gather3A_470 = tpu.vector_load_idx %arg7[%add3A_469] : memref<16640xf32, #tpu.memory_space<vmem>>[vector<16xi32>], vector<16xf32>,
      %mul3A_471 = vector.broadcast %squeeze3A_408 : f32 to vector<16xf32>
      %mul3A_472 = arith.mulf %gather3A_435, %mul3A_471 : vector<16xf32>
      %mul3A_473 = vector.broadcast %squeeze3A_408 : f32 to vector<16xf32>
      %mul3A_474 = arith.mulf %gather3A_440, %mul3A_473 : vector<16xf32>
      %mul3A_475 = vector.broadcast %squeeze3A_408 : f32 to vector<16xf32>
      %mul3A_476 = arith.mulf %gather3A_445, %mul3A_475 : vector<16xf32>
      %mul3A_477 = vector.broadcast %squeeze3A_408 : f32 to vector<16xf32>
      %mul3A_478 = arith.mulf %gather3A_450, %mul3A_477 : vector<16xf32>
      %mul3A_479 = vector.broadcast %squeeze3A_410 : f32 to vector<16xf32>
      %mul3A_480 = arith.mulf %gather3A_455, %mul3A_479 : vector<16xf32>
      %mul3A_481 = vector.broadcast %squeeze3A_410 : f32 to vector<16xf32>
      %mul3A_482 = arith.mulf %gather3A_460, %mul3A_481 : vector<16xf32>
      %mul3A_483 = vector.broadcast %squeeze3A_410 : f32 to vector<16xf32>
      %mul3A_484 = arith.mulf %gather3A_465, %mul3A_483 : vector<16xf32>
      %mul3A_485 = vector.broadcast %squeeze3A_410 : f32 to vector<16xf32>
      %mul3A_486 = arith.mulf %gather3A_470, %mul3A_485 : vector<16xf32>
      %add3A_487 = arith.constant 0 : i32
      %add3A_488 = arith.addi %mul3A_424, %add3A_487 : i32
      %swap3A_489 = arith.index_cast %add3A_488 : i32 to index
      %swap3A_490 = tpu.vector_load %arg8[%swap3A_489] {strides = array<i32>} : memref<16384xf32, #tpu.memory_space<vmem>>, vector<16xf32>,
      tpu.vector_store %arg8[%swap3A_489], %mul3A_472 {strides = array<i32>} : memref<16384xf32, #tpu.memory_space<vmem>>, vector<16xf32>,
      %add3A_491 = arith.constant 16 : i32
      %add3A_492 = arith.addi %mul3A_424, %add3A_491 : i32
      %swap3A_493 = arith.index_cast %add3A_492 : i32 to index
      %swap3A_494 = tpu.vector_load %arg8[%swap3A_493] {strides = array<i32>} : memref<16384xf32, #tpu.memory_space<vmem>>, vector<16xf32>,
      tpu.vector_store %arg8[%swap3A_493], %mul3A_474 {strides = array<i32>} : memref<16384xf32, #tpu.memory_space<vmem>>, vector<16xf32>,
      %add3A_495 = arith.constant 32 : i32
      %add3A_496 = arith.addi %mul3A_424, %add3A_495 : i32
      %swap3A_497 = arith.index_cast %add3A_496 : i32 to index
      %swap3A_498 = tpu.vector_load %arg8[%swap3A_497] {strides = array<i32>} : memref<16384xf32, #tpu.memory_space<vmem>>, vector<16xf32>,
      tpu.vector_store %arg8[%swap3A_497], %mul3A_476 {strides = array<i32>} : memref<16384xf32, #tpu.memory_space<vmem>>, vector<16xf32>,
      %add3A_499 = arith.constant 48 : i32
      %add3A_500 = arith.addi %mul3A_424, %add3A_499 : i32
      %swap3A_501 = arith.index_cast %add3A_500 : i32 to index
      %swap3A_502 = tpu.vector_load %arg8[%swap3A_501] {strides = array<i32>} : memref<16384xf32, #tpu.memory_space<vmem>>, vector<16xf32>,
      tpu.vector_store %arg8[%swap3A_501], %mul3A_478 {strides = array<i32>} : memref<16384xf32, #tpu.memory_space<vmem>>, vector<16xf32>,
      %add3A_503 = arith.constant 0 : i32
      %add3A_504 = arith.addi %mul3A_430, %add3A_503 : i32
      %swap3A_505 = arith.index_cast %add3A_504 : i32 to index
      %swap3A_506 = tpu.vector_load %arg8[%swap3A_505] {strides = array<i32>} : memref<16384xf32, #tpu.memory_space<vmem>>, vector<16xf32>,
      tpu.vector_store %arg8[%swap3A_505], %mul3A_480 {strides = array<i32>} : memref<16384xf32, #tpu.memory_space<vmem>>, vector<16xf32>,
      %add3A_507 = arith.constant 16 : i32
      %add3A_508 = arith.addi %mul3A_430, %add3A_507 : i32
      %swap3A_509 = arith.index_cast %add3A_508 : i32 to index
      %swap3A_510 = tpu.vector_load %arg8[%swap3A_509] {strides = array<i32>} : memref<16384xf32, #tpu.memory_space<vmem>>, vector<16xf32>,
      tpu.vector_store %arg8[%swap3A_509], %mul3A_482 {strides = array<i32>} : memref<16384xf32, #tpu.memory_space<vmem>>, vector<16xf32>,
      %add3A_511 = arith.constant 32 : i32
      %add3A_512 = arith.addi %mul3A_430, %add3A_511 : i32
      %swap3A_513 = arith.index_cast %add3A_512 : i32 to index
      %swap3A_514 = tpu.vector_load %arg8[%swap3A_513] {strides = array<i32>} : memref<16384xf32, #tpu.memory_space<vmem>>, vector<16xf32>,
      tpu.vector_store %arg8[%swap3A_513], %mul3A_484 {strides = array<i32>} : memref<16384xf32, #tpu.memory_space<vmem>>, vector<16xf32>,
      %add3A_515 = arith.constant 48 : i32
      %add3A_516 = arith.addi %mul3A_430, %add3A_515 : i32
      %swap3A_517 = arith.index_cast %add3A_516 : i32 to index
      %swap3A_518 = tpu.vector_load %arg8[%swap3A_517] {strides = array<i32>} : memref<16384xf32, #tpu.memory_space<vmem>>, vector<16xf32>,
      tpu.vector_store %arg8[%swap3A_517], %mul3A_486 {strides = array<i32>} : memref<16384xf32, #tpu.memory_space<vmem>>, vector<16xf32>,
      %slice3A_519 = vector.extract_strided_slice %get3A_186 {offsets = [6], sizes = [1], strides = [1]} : vector<16xf32> to vector<1xf32>
      %squeeze3A_520 = vector.extract %slice3A_519[0] : f32 from vector<1xf32>
      %slice3A_521 = vector.extract_strided_slice %get3A_186 {offsets = [7], sizes = [1], strides = [1]} : vector<16xf32> to vector<1xf32>
      %squeeze3A_522 = vector.extract %slice3A_521[0] : f32 from vector<1xf32>
      %add3A_523 = arith.constant 6 : i32
      %add3A_524 = arith.addi %mul3A_185, %add3A_523 : i32
      %mul3A_525 = arith.constant 65 : i32
      %mul3A_526 = arith.muli %add3A_524, %mul3A_525 : i32
      %add3A_527 = arith.constant 6 : i32
      %add3A_528 = arith.addi %mul3A_185, %add3A_527 : i32
      %add3A_529 = arith.constant 1 : i32
      %add3A_530 = arith.addi %add3A_528, %add3A_529 : i32
      %mul3A_531 = arith.constant 65 : i32
      %mul3A_532 = arith.muli %add3A_530, %mul3A_531 : i32
      %add3A_533 = arith.constant 6 : i32
      %add3A_534 = arith.addi %mul3A_185, %add3A_533 : i32
      %mul3A_535 = arith.constant 64 : i32
      %mul3A_536 = arith.muli %add3A_534, %mul3A_535 : i32
      %add3A_537 = arith.constant 6 : i32
      %add3A_538 = arith.addi %mul3A_185, %add3A_537 : i32
      %add3A_539 = arith.constant 1 : i32
      %add3A_540 = arith.addi %add3A_538, %add3A_539 : i32
      %mul3A_541 = arith.constant 64 : i32
      %mul3A_542 = arith.muli %add3A_540, %mul3A_541 : i32
      %add3A_543 = arith.constant 0 : i32
      %add3A_544 = arith.addi %mul3A_526, %add3A_543 : i32
      %add3A_545 = vector.broadcast %add3A_544 : i32 to vector<16xi32>
      %add3A_546 = arith.addi %iota3A, %add3A_545 : vector<16xi32>
      %gather3A_547 = tpu.vector_load_idx %arg7[%add3A_546] : memref<16640xf32, #tpu.memory_space<vmem>>[vector<16xi32>], vector<16xf32>,
      %add3A_548 = arith.constant 16 : i32
      %add3A_549 = arith.addi %mul3A_526, %add3A_548 : i32
      %add3A_550 = vector.broadcast %add3A_549 : i32 to vector<16xi32>
      %add3A_551 = arith.addi %iota3A, %add3A_550 : vector<16xi32>
      %gather3A_552 = tpu.vector_load_idx %arg7[%add3A_551] : memref<16640xf32, #tpu.memory_space<vmem>>[vector<16xi32>], vector<16xf32>,
      %add3A_553 = arith.constant 32 : i32
      %add3A_554 = arith.addi %mul3A_526, %add3A_553 : i32
      %add3A_555 = vector.broadcast %add3A_554 : i32 to vector<16xi32>
      %add3A_556 = arith.addi %iota3A, %add3A_555 : vector<16xi32>
      %gather3A_557 = tpu.vector_load_idx %arg7[%add3A_556] : memref<16640xf32, #tpu.memory_space<vmem>>[vector<16xi32>], vector<16xf32>,
      %add3A_558 = arith.constant 48 : i32
      %add3A_559 = arith.addi %mul3A_526, %add3A_558 : i32
      %add3A_560 = vector.broadcast %add3A_559 : i32 to vector<16xi32>
      %add3A_561 = arith.addi %iota3A, %add3A_560 : vector<16xi32>
      %gather3A_562 = tpu.vector_load_idx %arg7[%add3A_561] : memref<16640xf32, #tpu.memory_space<vmem>>[vector<16xi32>], vector<16xf32>,
      %add3A_563 = arith.constant 0 : i32
      %add3A_564 = arith.addi %mul3A_532, %add3A_563 : i32
      %add3A_565 = vector.broadcast %add3A_564 : i32 to vector<16xi32>
      %add3A_566 = arith.addi %iota3A, %add3A_565 : vector<16xi32>
      %gather3A_567 = tpu.vector_load_idx %arg7[%add3A_566] : memref<16640xf32, #tpu.memory_space<vmem>>[vector<16xi32>], vector<16xf32>,
      %add3A_568 = arith.constant 16 : i32
      %add3A_569 = arith.addi %mul3A_532, %add3A_568 : i32
      %add3A_570 = vector.broadcast %add3A_569 : i32 to vector<16xi32>
      %add3A_571 = arith.addi %iota3A, %add3A_570 : vector<16xi32>
      %gather3A_572 = tpu.vector_load_idx %arg7[%add3A_571] : memref<16640xf32, #tpu.memory_space<vmem>>[vector<16xi32>], vector<16xf32>,
      %add3A_573 = arith.constant 32 : i32
      %add3A_574 = arith.addi %mul3A_532, %add3A_573 : i32
      %add3A_575 = vector.broadcast %add3A_574 : i32 to vector<16xi32>
      %add3A_576 = arith.addi %iota3A, %add3A_575 : vector<16xi32>
      %gather3A_577 = tpu.vector_load_idx %arg7[%add3A_576] : memref<16640xf32, #tpu.memory_space<vmem>>[vector<16xi32>], vector<16xf32>,
      %add3A_578 = arith.constant 48 : i32
      %add3A_579 = arith.addi %mul3A_532, %add3A_578 : i32
      %add3A_580 = vector.broadcast %add3A_579 : i32 to vector<16xi32>
      %add3A_581 = arith.addi %iota3A, %add3A_580 : vector<16xi32>
      %gather3A_582 = tpu.vector_load_idx %arg7[%add3A_581] : memref<16640xf32, #tpu.memory_space<vmem>>[vector<16xi32>], vector<16xf32>,
      %mul3A_583 = vector.broadcast %squeeze3A_520 : f32 to vector<16xf32>
      %mul3A_584 = arith.mulf %gather3A_547, %mul3A_583 : vector<16xf32>
      %mul3A_585 = vector.broadcast %squeeze3A_520 : f32 to vector<16xf32>
      %mul3A_586 = arith.mulf %gather3A_552, %mul3A_585 : vector<16xf32>
      %mul3A_587 = vector.broadcast %squeeze3A_520 : f32 to vector<16xf32>
      %mul3A_588 = arith.mulf %gather3A_557, %mul3A_587 : vector<16xf32>
      %mul3A_589 = vector.broadcast %squeeze3A_520 : f32 to vector<16xf32>
      %mul3A_590 = arith.mulf %gather3A_562, %mul3A_589 : vector<16xf32>
      %mul3A_591 = vector.broadcast %squeeze3A_522 : f32 to vector<16xf32>
      %mul3A_592 = arith.mulf %gather3A_567, %mul3A_591 : vector<16xf32>
      %mul3A_593 = vector.broadcast %squeeze3A_522 : f32 to vector<16xf32>
      %mul3A_594 = arith.mulf %gather3A_572, %mul3A_593 : vector<16xf32>
      %mul3A_595 = vector.broadcast %squeeze3A_522 : f32 to vector<16xf32>
      %mul3A_596 = arith.mulf %gather3A_577, %mul3A_595 : vector<16xf32>
      %mul3A_597 = vector.broadcast %squeeze3A_522 : f32 to vector<16xf32>
      %mul3A_598 = arith.mulf %gather3A_582, %mul3A_597 : vector<16xf32>
      %add3A_599 = arith.constant 0 : i32
      %add3A_600 = arith.addi %mul3A_536, %add3A_599 : i32
      %swap3A_601 = arith.index_cast %add3A_600 : i32 to index
      %swap3A_602 = tpu.vector_load %arg8[%swap3A_601] {strides = array<i32>} : memref<16384xf32, #tpu.memory_space<vmem>>, vector<16xf32>,
      tpu.vector_store %arg8[%swap3A_601], %mul3A_584 {strides = array<i32>} : memref<16384xf32, #tpu.memory_space<vmem>>, vector<16xf32>,
      %add3A_603 = arith.constant 16 : i32
      %add3A_604 = arith.addi %mul3A_536, %add3A_603 : i32
      %swap3A_605 = arith.index_cast %add3A_604 : i32 to index
      %swap3A_606 = tpu.vector_load %arg8[%swap3A_605] {strides = array<i32>} : memref<16384xf32, #tpu.memory_space<vmem>>, vector<16xf32>,
      tpu.vector_store %arg8[%swap3A_605], %mul3A_586 {strides = array<i32>} : memref<16384xf32, #tpu.memory_space<vmem>>, vector<16xf32>,
      %add3A_607 = arith.constant 32 : i32
      %add3A_608 = arith.addi %mul3A_536, %add3A_607 : i32
      %swap3A_609 = arith.index_cast %add3A_608 : i32 to index
      %swap3A_610 = tpu.vector_load %arg8[%swap3A_609] {strides = array<i32>} : memref<16384xf32, #tpu.memory_space<vmem>>, vector<16xf32>,
      tpu.vector_store %arg8[%swap3A_609], %mul3A_588 {strides = array<i32>} : memref<16384xf32, #tpu.memory_space<vmem>>, vector<16xf32>,
      %add3A_611 = arith.constant 48 : i32
      %add3A_612 = arith.addi %mul3A_536, %add3A_611 : i32
      %swap3A_613 = arith.index_cast %add3A_612 : i32 to index
      %swap3A_614 = tpu.vector_load %arg8[%swap3A_613] {strides = array<i32>} : memref<16384xf32, #tpu.memory_space<vmem>>, vector<16xf32>,
      tpu.vector_store %arg8[%swap3A_613], %mul3A_590 {strides = array<i32>} : memref<16384xf32, #tpu.memory_space<vmem>>, vector<16xf32>,
      %add3A_615 = arith.constant 0 : i32
      %add3A_616 = arith.addi %mul3A_542, %add3A_615 : i32
      %swap3A_617 = arith.index_cast %add3A_616 : i32 to index
      %swap3A_618 = tpu.vector_load %arg8[%swap3A_617] {strides = array<i32>} : memref<16384xf32, #tpu.memory_space<vmem>>, vector<16xf32>,
      tpu.vector_store %arg8[%swap3A_617], %mul3A_592 {strides = array<i32>} : memref<16384xf32, #tpu.memory_space<vmem>>, vector<16xf32>,
      %add3A_619 = arith.constant 16 : i32
      %add3A_620 = arith.addi %mul3A_542, %add3A_619 : i32
      %swap3A_621 = arith.index_cast %add3A_620 : i32 to index
      %swap3A_622 = tpu.vector_load %arg8[%swap3A_621] {strides = array<i32>} : memref<16384xf32, #tpu.memory_space<vmem>>, vector<16xf32>,
      tpu.vector_store %arg8[%swap3A_621], %mul3A_594 {strides = array<i32>} : memref<16384xf32, #tpu.memory_space<vmem>>, vector<16xf32>,
      %add3A_623 = arith.constant 32 : i32
      %add3A_624 = arith.addi %mul3A_542, %add3A_623 : i32
      %swap3A_625 = arith.index_cast %add3A_624 : i32 to index
      %swap3A_626 = tpu.vector_load %arg8[%swap3A_625] {strides = array<i32>} : memref<16384xf32, #tpu.memory_space<vmem>>, vector<16xf32>,
      tpu.vector_store %arg8[%swap3A_625], %mul3A_596 {strides = array<i32>} : memref<16384xf32, #tpu.memory_space<vmem>>, vector<16xf32>,
      %add3A_627 = arith.constant 48 : i32
      %add3A_628 = arith.addi %mul3A_542, %add3A_627 : i32
      %swap3A_629 = arith.index_cast %add3A_628 : i32 to index
      %swap3A_630 = tpu.vector_load %arg8[%swap3A_629] {strides = array<i32>} : memref<16384xf32, #tpu.memory_space<vmem>>, vector<16xf32>,
      tpu.vector_store %arg8[%swap3A_629], %mul3A_598 {strides = array<i32>} : memref<16384xf32, #tpu.memory_space<vmem>>, vector<16xf32>,
      %slice3A_631 = vector.extract_strided_slice %get3A_186 {offsets = [8], sizes = [1], strides = [1]} : vector<16xf32> to vector<1xf32>
      %squeeze3A_632 = vector.extract %slice3A_631[0] : f32 from vector<1xf32>
      %slice3A_633 = vector.extract_strided_slice %get3A_186 {offsets = [9], sizes = [1], strides = [1]} : vector<16xf32> to vector<1xf32>
      %squeeze3A_634 = vector.extract %slice3A_633[0] : f32 from vector<1xf32>
      %add3A_635 = arith.constant 8 : i32
      %add3A_636 = arith.addi %mul3A_185, %add3A_635 : i32
      %mul3A_637 = arith.constant 65 : i32
      %mul3A_638 = arith.muli %add3A_636, %mul3A_637 : i32
      %add3A_639 = arith.constant 8 : i32
      %add3A_640 = arith.addi %mul3A_185, %add3A_639 : i32
      %add3A_641 = arith.constant 1 : i32
      %add3A_642 = arith.addi %add3A_640, %add3A_641 : i32
      %mul3A_643 = arith.constant 65 : i32
      %mul3A_644 = arith.muli %add3A_642, %mul3A_643 : i32
      %add3A_645 = arith.constant 8 : i32
      %add3A_646 = arith.addi %mul3A_185, %add3A_645 : i32
      %mul3A_647 = arith.constant 64 : i32
      %mul3A_648 = arith.muli %add3A_646, %mul3A_647 : i32
      %add3A_649 = arith.constant 8 : i32
      %add3A_650 = arith.addi %mul3A_185, %add3A_649 : i32
      %add3A_651 = arith.constant 1 : i32
      %add3A_652 = arith.addi %add3A_650, %add3A_651 : i32
      %mul3A_653 = arith.constant 64 : i32
      %mul3A_654 = arith.muli %add3A_652, %mul3A_653 : i32
      %add3A_655 = arith.constant 0 : i32
      %add3A_656 = arith.addi %mul3A_638, %add3A_655 : i32
      %add3A_657 = vector.broadcast %add3A_656 : i32 to vector<16xi32>
      %add3A_658 = arith.addi %iota3A, %add3A_657 : vector<16xi32>
      %gather3A_659 = tpu.vector_load_idx %arg7[%add3A_658] : memref<16640xf32, #tpu.memory_space<vmem>>[vector<16xi32>], vector<16xf32>,
      %add3A_660 = arith.constant 16 : i32
      %add3A_661 = arith.addi %mul3A_638, %add3A_660 : i32
      %add3A_662 = vector.broadcast %add3A_661 : i32 to vector<16xi32>
      %add3A_663 = arith.addi %iota3A, %add3A_662 : vector<16xi32>
      %gather3A_664 = tpu.vector_load_idx %arg7[%add3A_663] : memref<16640xf32, #tpu.memory_space<vmem>>[vector<16xi32>], vector<16xf32>,
      %add3A_665 = arith.constant 32 : i32
      %add3A_666 = arith.addi %mul3A_638, %add3A_665 : i32
      %add3A_667 = vector.broadcast %add3A_666 : i32 to vector<16xi32>
      %add3A_668 = arith.addi %iota3A, %add3A_667 : vector<16xi32>
      %gather3A_669 = tpu.vector_load_idx %arg7[%add3A_668] : memref<16640xf32, #tpu.memory_space<vmem>>[vector<16xi32>], vector<16xf32>,
      %add3A_670 = arith.constant 48 : i32
      %add3A_671 = arith.addi %mul3A_638, %add3A_670 : i32
      %add3A_672 = vector.broadcast %add3A_671 : i32 to vector<16xi32>
      %add3A_673 = arith.addi %iota3A, %add3A_672 : vector<16xi32>
      %gather3A_674 = tpu.vector_load_idx %arg7[%add3A_673] : memref<16640xf32, #tpu.memory_space<vmem>>[vector<16xi32>], vector<16xf32>,
      %add3A_675 = arith.constant 0 : i32
      %add3A_676 = arith.addi %mul3A_644, %add3A_675 : i32
      %add3A_677 = vector.broadcast %add3A_676 : i32 to vector<16xi32>
      %add3A_678 = arith.addi %iota3A, %add3A_677 : vector<16xi32>
      %gather3A_679 = tpu.vector_load_idx %arg7[%add3A_678] : memref<16640xf32, #tpu.memory_space<vmem>>[vector<16xi32>], vector<16xf32>,
      %add3A_680 = arith.constant 16 : i32
      %add3A_681 = arith.addi %mul3A_644, %add3A_680 : i32
      %add3A_682 = vector.broadcast %add3A_681 : i32 to vector<16xi32>
      %add3A_683 = arith.addi %iota3A, %add3A_682 : vector<16xi32>
      %gather3A_684 = tpu.vector_load_idx %arg7[%add3A_683] : memref<16640xf32, #tpu.memory_space<vmem>>[vector<16xi32>], vector<16xf32>,
      %add3A_685 = arith.constant 32 : i32
      %add3A_686 = arith.addi %mul3A_644, %add3A_685 : i32
      %add3A_687 = vector.broadcast %add3A_686 : i32 to vector<16xi32>
      %add3A_688 = arith.addi %iota3A, %add3A_687 : vector<16xi32>
      %gather3A_689 = tpu.vector_load_idx %arg7[%add3A_688] : memref<16640xf32, #tpu.memory_space<vmem>>[vector<16xi32>], vector<16xf32>,
      %add3A_690 = arith.constant 48 : i32
      %add3A_691 = arith.addi %mul3A_644, %add3A_690 : i32
      %add3A_692 = vector.broadcast %add3A_691 : i32 to vector<16xi32>
      %add3A_693 = arith.addi %iota3A, %add3A_692 : vector<16xi32>
      %gather3A_694 = tpu.vector_load_idx %arg7[%add3A_693] : memref<16640xf32, #tpu.memory_space<vmem>>[vector<16xi32>], vector<16xf32>,
      %mul3A_695 = vector.broadcast %squeeze3A_632 : f32 to vector<16xf32>
      %mul3A_696 = arith.mulf %gather3A_659, %mul3A_695 : vector<16xf32>
      %mul3A_697 = vector.broadcast %squeeze3A_632 : f32 to vector<16xf32>
      %mul3A_698 = arith.mulf %gather3A_664, %mul3A_697 : vector<16xf32>
      %mul3A_699 = vector.broadcast %squeeze3A_632 : f32 to vector<16xf32>
      %mul3A_700 = arith.mulf %gather3A_669, %mul3A_699 : vector<16xf32>
      %mul3A_701 = vector.broadcast %squeeze3A_632 : f32 to vector<16xf32>
      %mul3A_702 = arith.mulf %gather3A_674, %mul3A_701 : vector<16xf32>
      %mul3A_703 = vector.broadcast %squeeze3A_634 : f32 to vector<16xf32>
      %mul3A_704 = arith.mulf %gather3A_679, %mul3A_703 : vector<16xf32>
      %mul3A_705 = vector.broadcast %squeeze3A_634 : f32 to vector<16xf32>
      %mul3A_706 = arith.mulf %gather3A_684, %mul3A_705 : vector<16xf32>
      %mul3A_707 = vector.broadcast %squeeze3A_634 : f32 to vector<16xf32>
      %mul3A_708 = arith.mulf %gather3A_689, %mul3A_707 : vector<16xf32>
      %mul3A_709 = vector.broadcast %squeeze3A_634 : f32 to vector<16xf32>
      %mul3A_710 = arith.mulf %gather3A_694, %mul3A_709 : vector<16xf32>
      %add3A_711 = arith.constant 0 : i32
      %add3A_712 = arith.addi %mul3A_648, %add3A_711 : i32
      %swap3A_713 = arith.index_cast %add3A_712 : i32 to index
      %swap3A_714 = tpu.vector_load %arg8[%swap3A_713] {strides = array<i32>} : memref<16384xf32, #tpu.memory_space<vmem>>, vector<16xf32>,
      tpu.vector_store %arg8[%swap3A_713], %mul3A_696 {strides = array<i32>} : memref<16384xf32, #tpu.memory_space<vmem>>, vector<16xf32>,
      %add3A_715 = arith.constant 16 : i32
      %add3A_716 = arith.addi %mul3A_648, %add3A_715 : i32
      %swap3A_717 = arith.index_cast %add3A_716 : i32 to index
      %swap3A_718 = tpu.vector_load %arg8[%swap3A_717] {strides = array<i32>} : memref<16384xf32, #tpu.memory_space<vmem>>, vector<16xf32>,
      tpu.vector_store %arg8[%swap3A_717], %mul3A_698 {strides = array<i32>} : memref<16384xf32, #tpu.memory_space<vmem>>, vector<16xf32>,
      %add3A_719 = arith.constant 32 : i32
      %add3A_720 = arith.addi %mul3A_648, %add3A_719 : i32
      %swap3A_721 = arith.index_cast %add3A_720 : i32 to index
      %swap3A_722 = tpu.vector_load %arg8[%swap3A_721] {strides = array<i32>} : memref<16384xf32, #tpu.memory_space<vmem>>, vector<16xf32>,
      tpu.vector_store %arg8[%swap3A_721], %mul3A_700 {strides = array<i32>} : memref<16384xf32, #tpu.memory_space<vmem>>, vector<16xf32>,
      %add3A_723 = arith.constant 48 : i32
      %add3A_724 = arith.addi %mul3A_648, %add3A_723 : i32
      %swap3A_725 = arith.index_cast %add3A_724 : i32 to index
      %swap3A_726 = tpu.vector_load %arg8[%swap3A_725] {strides = array<i32>} : memref<16384xf32, #tpu.memory_space<vmem>>, vector<16xf32>,
      tpu.vector_store %arg8[%swap3A_725], %mul3A_702 {strides = array<i32>} : memref<16384xf32, #tpu.memory_space<vmem>>, vector<16xf32>,
      %add3A_727 = arith.constant 0 : i32
      %add3A_728 = arith.addi %mul3A_654, %add3A_727 : i32
      %swap3A_729 = arith.index_cast %add3A_728 : i32 to index
      %swap3A_730 = tpu.vector_load %arg8[%swap3A_729] {strides = array<i32>} : memref<16384xf32, #tpu.memory_space<vmem>>, vector<16xf32>,
      tpu.vector_store %arg8[%swap3A_729], %mul3A_704 {strides = array<i32>} : memref<16384xf32, #tpu.memory_space<vmem>>, vector<16xf32>,
      %add3A_731 = arith.constant 16 : i32
      %add3A_732 = arith.addi %mul3A_654, %add3A_731 : i32
      %swap3A_733 = arith.index_cast %add3A_732 : i32 to index
      %swap3A_734 = tpu.vector_load %arg8[%swap3A_733] {strides = array<i32>} : memref<16384xf32, #tpu.memory_space<vmem>>, vector<16xf32>,
      tpu.vector_store %arg8[%swap3A_733], %mul3A_706 {strides = array<i32>} : memref<16384xf32, #tpu.memory_space<vmem>>, vector<16xf32>,
      %add3A_735 = arith.constant 32 : i32
      %add3A_736 = arith.addi %mul3A_654, %add3A_735 : i32
      %swap3A_737 = arith.index_cast %add3A_736 : i32 to index
      %swap3A_738 = tpu.vector_load %arg8[%swap3A_737] {strides = array<i32>} : memref<16384xf32, #tpu.memory_space<vmem>>, vector<16xf32>,
      tpu.vector_store %arg8[%swap3A_737], %mul3A_708 {strides = array<i32>} : memref<16384xf32, #tpu.memory_space<vmem>>, vector<16xf32>,
      %add3A_739 = arith.constant 48 : i32
      %add3A_740 = arith.addi %mul3A_654, %add3A_739 : i32
      %swap3A_741 = arith.index_cast %add3A_740 : i32 to index
      %swap3A_742 = tpu.vector_load %arg8[%swap3A_741] {strides = array<i32>} : memref<16384xf32, #tpu.memory_space<vmem>>, vector<16xf32>,
      tpu.vector_store %arg8[%swap3A_741], %mul3A_710 {strides = array<i32>} : memref<16384xf32, #tpu.memory_space<vmem>>, vector<16xf32>,
      %slice3A_743 = vector.extract_strided_slice %get3A_186 {offsets = [10], sizes = [1], strides = [1]} : vector<16xf32> to vector<1xf32>
      %squeeze3A_744 = vector.extract %slice3A_743[0] : f32 from vector<1xf32>
      %slice3A_745 = vector.extract_strided_slice %get3A_186 {offsets = [11], sizes = [1], strides = [1]} : vector<16xf32> to vector<1xf32>
      %squeeze3A_746 = vector.extract %slice3A_745[0] : f32 from vector<1xf32>
      %add3A_747 = arith.constant 10 : i32
      %add3A_748 = arith.addi %mul3A_185, %add3A_747 : i32
      %mul3A_749 = arith.constant 65 : i32
      %mul3A_750 = arith.muli %add3A_748, %mul3A_749 : i32
      %add3A_751 = arith.constant 10 : i32
      %add3A_752 = arith.addi %mul3A_185, %add3A_751 : i32
      %add3A_753 = arith.constant 1 : i32
      %add3A_754 = arith.addi %add3A_752, %add3A_753 : i32
      %mul3A_755 = arith.constant 65 : i32
      %mul3A_756 = arith.muli %add3A_754, %mul3A_755 : i32
      %add3A_757 = arith.constant 10 : i32
      %add3A_758 = arith.addi %mul3A_185, %add3A_757 : i32
      %mul3A_759 = arith.constant 64 : i32
      %mul3A_760 = arith.muli %add3A_758, %mul3A_759 : i32
      %add3A_761 = arith.constant 10 : i32
      %add3A_762 = arith.addi %mul3A_185, %add3A_761 : i32
      %add3A_763 = arith.constant 1 : i32
      %add3A_764 = arith.addi %add3A_762, %add3A_763 : i32
      %mul3A_765 = arith.constant 64 : i32
      %mul3A_766 = arith.muli %add3A_764, %mul3A_765 : i32
      %add3A_767 = arith.constant 0 : i32
      %add3A_768 = arith.addi %mul3A_750, %add3A_767 : i32
      %add3A_769 = vector.broadcast %add3A_768 : i32 to vector<16xi32>
      %add3A_770 = arith.addi %iota3A, %add3A_769 : vector<16xi32>
      %gather3A_771 = tpu.vector_load_idx %arg7[%add3A_770] : memref<16640xf32, #tpu.memory_space<vmem>>[vector<16xi32>], vector<16xf32>,
      %add3A_772 = arith.constant 16 : i32
      %add3A_773 = arith.addi %mul3A_750, %add3A_772 : i32
      %add3A_774 = vector.broadcast %add3A_773 : i32 to vector<16xi32>
      %add3A_775 = arith.addi %iota3A, %add3A_774 : vector<16xi32>
      %gather3A_776 = tpu.vector_load_idx %arg7[%add3A_775] : memref<16640xf32, #tpu.memory_space<vmem>>[vector<16xi32>], vector<16xf32>,
      %add3A_777 = arith.constant 32 : i32
      %add3A_778 = arith.addi %mul3A_750, %add3A_777 : i32
      %add3A_779 = vector.broadcast %add3A_778 : i32 to vector<16xi32>
      %add3A_780 = arith.addi %iota3A, %add3A_779 : vector<16xi32>
      %gather3A_781 = tpu.vector_load_idx %arg7[%add3A_780] : memref<16640xf32, #tpu.memory_space<vmem>>[vector<16xi32>], vector<16xf32>,
      %add3A_782 = arith.constant 48 : i32
      %add3A_783 = arith.addi %mul3A_750, %add3A_782 : i32
      %add3A_784 = vector.broadcast %add3A_783 : i32 to vector<16xi32>
      %add3A_785 = arith.addi %iota3A, %add3A_784 : vector<16xi32>
      %gather3A_786 = tpu.vector_load_idx %arg7[%add3A_785] : memref<16640xf32, #tpu.memory_space<vmem>>[vector<16xi32>], vector<16xf32>,
      %add3A_787 = arith.constant 0 : i32
      %add3A_788 = arith.addi %mul3A_756, %add3A_787 : i32
      %add3A_789 = vector.broadcast %add3A_788 : i32 to vector<16xi32>
      %add3A_790 = arith.addi %iota3A, %add3A_789 : vector<16xi32>
      %gather3A_791 = tpu.vector_load_idx %arg7[%add3A_790] : memref<16640xf32, #tpu.memory_space<vmem>>[vector<16xi32>], vector<16xf32>,
      %add3A_792 = arith.constant 16 : i32
      %add3A_793 = arith.addi %mul3A_756, %add3A_792 : i32
      %add3A_794 = vector.broadcast %add3A_793 : i32 to vector<16xi32>
      %add3A_795 = arith.addi %iota3A, %add3A_794 : vector<16xi32>
      %gather3A_796 = tpu.vector_load_idx %arg7[%add3A_795] : memref<16640xf32, #tpu.memory_space<vmem>>[vector<16xi32>], vector<16xf32>,
      %add3A_797 = arith.constant 32 : i32
      %add3A_798 = arith.addi %mul3A_756, %add3A_797 : i32
      %add3A_799 = vector.broadcast %add3A_798 : i32 to vector<16xi32>
      %add3A_800 = arith.addi %iota3A, %add3A_799 : vector<16xi32>
      %gather3A_801 = tpu.vector_load_idx %arg7[%add3A_800] : memref<16640xf32, #tpu.memory_space<vmem>>[vector<16xi32>], vector<16xf32>,
      %add3A_802 = arith.constant 48 : i32
      %add3A_803 = arith.addi %mul3A_756, %add3A_802 : i32
      %add3A_804 = vector.broadcast %add3A_803 : i32 to vector<16xi32>
      %add3A_805 = arith.addi %iota3A, %add3A_804 : vector<16xi32>
      %gather3A_806 = tpu.vector_load_idx %arg7[%add3A_805] : memref<16640xf32, #tpu.memory_space<vmem>>[vector<16xi32>], vector<16xf32>,
      %mul3A_807 = vector.broadcast %squeeze3A_744 : f32 to vector<16xf32>
      %mul3A_808 = arith.mulf %gather3A_771, %mul3A_807 : vector<16xf32>
      %mul3A_809 = vector.broadcast %squeeze3A_744 : f32 to vector<16xf32>
      %mul3A_810 = arith.mulf %gather3A_776, %mul3A_809 : vector<16xf32>
      %mul3A_811 = vector.broadcast %squeeze3A_744 : f32 to vector<16xf32>
      %mul3A_812 = arith.mulf %gather3A_781, %mul3A_811 : vector<16xf32>
      %mul3A_813 = vector.broadcast %squeeze3A_744 : f32 to vector<16xf32>
      %mul3A_814 = arith.mulf %gather3A_786, %mul3A_813 : vector<16xf32>
      %mul3A_815 = vector.broadcast %squeeze3A_746 : f32 to vector<16xf32>
      %mul3A_816 = arith.mulf %gather3A_791, %mul3A_815 : vector<16xf32>
      %mul3A_817 = vector.broadcast %squeeze3A_746 : f32 to vector<16xf32>
      %mul3A_818 = arith.mulf %gather3A_796, %mul3A_817 : vector<16xf32>
      %mul3A_819 = vector.broadcast %squeeze3A_746 : f32 to vector<16xf32>
      %mul3A_820 = arith.mulf %gather3A_801, %mul3A_819 : vector<16xf32>
      %mul3A_821 = vector.broadcast %squeeze3A_746 : f32 to vector<16xf32>
      %mul3A_822 = arith.mulf %gather3A_806, %mul3A_821 : vector<16xf32>
      %add3A_823 = arith.constant 0 : i32
      %add3A_824 = arith.addi %mul3A_760, %add3A_823 : i32
      %swap3A_825 = arith.index_cast %add3A_824 : i32 to index
      %swap3A_826 = tpu.vector_load %arg8[%swap3A_825] {strides = array<i32>} : memref<16384xf32, #tpu.memory_space<vmem>>, vector<16xf32>,
      tpu.vector_store %arg8[%swap3A_825], %mul3A_808 {strides = array<i32>} : memref<16384xf32, #tpu.memory_space<vmem>>, vector<16xf32>,
      %add3A_827 = arith.constant 16 : i32
      %add3A_828 = arith.addi %mul3A_760, %add3A_827 : i32
      %swap3A_829 = arith.index_cast %add3A_828 : i32 to index
      %swap3A_830 = tpu.vector_load %arg8[%swap3A_829] {strides = array<i32>} : memref<16384xf32, #tpu.memory_space<vmem>>, vector<16xf32>,
      tpu.vector_store %arg8[%swap3A_829], %mul3A_810 {strides = array<i32>} : memref<16384xf32, #tpu.memory_space<vmem>>, vector<16xf32>,
      %add3A_831 = arith.constant 32 : i32
      %add3A_832 = arith.addi %mul3A_760, %add3A_831 : i32
      %swap3A_833 = arith.index_cast %add3A_832 : i32 to index
      %swap3A_834 = tpu.vector_load %arg8[%swap3A_833] {strides = array<i32>} : memref<16384xf32, #tpu.memory_space<vmem>>, vector<16xf32>,
      tpu.vector_store %arg8[%swap3A_833], %mul3A_812 {strides = array<i32>} : memref<16384xf32, #tpu.memory_space<vmem>>, vector<16xf32>,
      %add3A_835 = arith.constant 48 : i32
      %add3A_836 = arith.addi %mul3A_760, %add3A_835 : i32
      %swap3A_837 = arith.index_cast %add3A_836 : i32 to index
      %swap3A_838 = tpu.vector_load %arg8[%swap3A_837] {strides = array<i32>} : memref<16384xf32, #tpu.memory_space<vmem>>, vector<16xf32>,
      tpu.vector_store %arg8[%swap3A_837], %mul3A_814 {strides = array<i32>} : memref<16384xf32, #tpu.memory_space<vmem>>, vector<16xf32>,
      %add3A_839 = arith.constant 0 : i32
      %add3A_840 = arith.addi %mul3A_766, %add3A_839 : i32
      %swap3A_841 = arith.index_cast %add3A_840 : i32 to index
      %swap3A_842 = tpu.vector_load %arg8[%swap3A_841] {strides = array<i32>} : memref<16384xf32, #tpu.memory_space<vmem>>, vector<16xf32>,
      tpu.vector_store %arg8[%swap3A_841], %mul3A_816 {strides = array<i32>} : memref<16384xf32, #tpu.memory_space<vmem>>, vector<16xf32>,
      %add3A_843 = arith.constant 16 : i32
      %add3A_844 = arith.addi %mul3A_766, %add3A_843 : i32
      %swap3A_845 = arith.index_cast %add3A_844 : i32 to index
      %swap3A_846 = tpu.vector_load %arg8[%swap3A_845] {strides = array<i32>} : memref<16384xf32, #tpu.memory_space<vmem>>, vector<16xf32>,
      tpu.vector_store %arg8[%swap3A_845], %mul3A_818 {strides = array<i32>} : memref<16384xf32, #tpu.memory_space<vmem>>, vector<16xf32>,
      %add3A_847 = arith.constant 32 : i32
      %add3A_848 = arith.addi %mul3A_766, %add3A_847 : i32
      %swap3A_849 = arith.index_cast %add3A_848 : i32 to index
      %swap3A_850 = tpu.vector_load %arg8[%swap3A_849] {strides = array<i32>} : memref<16384xf32, #tpu.memory_space<vmem>>, vector<16xf32>,
      tpu.vector_store %arg8[%swap3A_849], %mul3A_820 {strides = array<i32>} : memref<16384xf32, #tpu.memory_space<vmem>>, vector<16xf32>,
      %add3A_851 = arith.constant 48 : i32
      %add3A_852 = arith.addi %mul3A_766, %add3A_851 : i32
      %swap3A_853 = arith.index_cast %add3A_852 : i32 to index
      %swap3A_854 = tpu.vector_load %arg8[%swap3A_853] {strides = array<i32>} : memref<16384xf32, #tpu.memory_space<vmem>>, vector<16xf32>,
      tpu.vector_store %arg8[%swap3A_853], %mul3A_822 {strides = array<i32>} : memref<16384xf32, #tpu.memory_space<vmem>>, vector<16xf32>,
      %slice3A_855 = vector.extract_strided_slice %get3A_186 {offsets = [12], sizes = [1], strides = [1]} : vector<16xf32> to vector<1xf32>
      %squeeze3A_856 = vector.extract %slice3A_855[0] : f32 from vector<1xf32>
      %slice3A_857 = vector.extract_strided_slice %get3A_186 {offsets = [13], sizes = [1], strides = [1]} : vector<16xf32> to vector<1xf32>
      %squeeze3A_858 = vector.extract %slice3A_857[0] : f32 from vector<1xf32>
      %add3A_859 = arith.constant 12 : i32
      %add3A_860 = arith.addi %mul3A_185, %add3A_859 : i32
      %mul3A_861 = arith.constant 65 : i32
      %mul3A_862 = arith.muli %add3A_860, %mul3A_861 : i32
      %add3A_863 = arith.constant 12 : i32
      %add3A_864 = arith.addi %mul3A_185, %add3A_863 : i32
      %add3A_865 = arith.constant 1 : i32
      %add3A_866 = arith.addi %add3A_864, %add3A_865 : i32
      %mul3A_867 = arith.constant 65 : i32
      %mul3A_868 = arith.muli %add3A_866, %mul3A_867 : i32
      %add3A_869 = arith.constant 12 : i32
      %add3A_870 = arith.addi %mul3A_185, %add3A_869 : i32
      %mul3A_871 = arith.constant 64 : i32
      %mul3A_872 = arith.muli %add3A_870, %mul3A_871 : i32
      %add3A_873 = arith.constant 12 : i32
      %add3A_874 = arith.addi %mul3A_185, %add3A_873 : i32
      %add3A_875 = arith.constant 1 : i32
      %add3A_876 = arith.addi %add3A_874, %add3A_875 : i32
      %mul3A_877 = arith.constant 64 : i32
      %mul3A_878 = arith.muli %add3A_876, %mul3A_877 : i32
      %add3A_879 = arith.constant 0 : i32
      %add3A_880 = arith.addi %mul3A_862, %add3A_879 : i32
      %add3A_881 = vector.broadcast %add3A_880 : i32 to vector<16xi32>
      %add3A_882 = arith.addi %iota3A, %add3A_881 : vector<16xi32>
      %gather3A_883 = tpu.vector_load_idx %arg7[%add3A_882] : memref<16640xf32, #tpu.memory_space<vmem>>[vector<16xi32>], vector<16xf32>,
      %add3A_884 = arith.constant 16 : i32
      %add3A_885 = arith.addi %mul3A_862, %add3A_884 : i32
      %add3A_886 = vector.broadcast %add3A_885 : i32 to vector<16xi32>
      %add3A_887 = arith.addi %iota3A, %add3A_886 : vector<16xi32>
      %gather3A_888 = tpu.vector_load_idx %arg7[%add3A_887] : memref<16640xf32, #tpu.memory_space<vmem>>[vector<16xi32>], vector<16xf32>,
      %add3A_889 = arith.constant 32 : i32
      %add3A_890 = arith.addi %mul3A_862, %add3A_889 : i32
      %add3A_891 = vector.broadcast %add3A_890 : i32 to vector<16xi32>
      %add3A_892 = arith.addi %iota3A, %add3A_891 : vector<16xi32>
      %gather3A_893 = tpu.vector_load_idx %arg7[%add3A_892] : memref<16640xf32, #tpu.memory_space<vmem>>[vector<16xi32>], vector<16xf32>,
      %add3A_894 = arith.constant 48 : i32
      %add3A_895 = arith.addi %mul3A_862, %add3A_894 : i32
      %add3A_896 = vector.broadcast %add3A_895 : i32 to vector<16xi32>
      %add3A_897 = arith.addi %iota3A, %add3A_896 : vector<16xi32>
      %gather3A_898 = tpu.vector_load_idx %arg7[%add3A_897] : memref<16640xf32, #tpu.memory_space<vmem>>[vector<16xi32>], vector<16xf32>,
      %add3A_899 = arith.constant 0 : i32
      %add3A_900 = arith.addi %mul3A_868, %add3A_899 : i32
      %add3A_901 = vector.broadcast %add3A_900 : i32 to vector<16xi32>
      %add3A_902 = arith.addi %iota3A, %add3A_901 : vector<16xi32>
      %gather3A_903 = tpu.vector_load_idx %arg7[%add3A_902] : memref<16640xf32, #tpu.memory_space<vmem>>[vector<16xi32>], vector<16xf32>,
      %add3A_904 = arith.constant 16 : i32
      %add3A_905 = arith.addi %mul3A_868, %add3A_904 : i32
      %add3A_906 = vector.broadcast %add3A_905 : i32 to vector<16xi32>
      %add3A_907 = arith.addi %iota3A, %add3A_906 : vector<16xi32>
      %gather3A_908 = tpu.vector_load_idx %arg7[%add3A_907] : memref<16640xf32, #tpu.memory_space<vmem>>[vector<16xi32>], vector<16xf32>,
      %add3A_909 = arith.constant 32 : i32
      %add3A_910 = arith.addi %mul3A_868, %add3A_909 : i32
      %add3A_911 = vector.broadcast %add3A_910 : i32 to vector<16xi32>
      %add3A_912 = arith.addi %iota3A, %add3A_911 : vector<16xi32>
      %gather3A_913 = tpu.vector_load_idx %arg7[%add3A_912] : memref<16640xf32, #tpu.memory_space<vmem>>[vector<16xi32>], vector<16xf32>,
      %add3A_914 = arith.constant 48 : i32
      %add3A_915 = arith.addi %mul3A_868, %add3A_914 : i32
      %add3A_916 = vector.broadcast %add3A_915 : i32 to vector<16xi32>
      %add3A_917 = arith.addi %iota3A, %add3A_916 : vector<16xi32>
      %gather3A_918 = tpu.vector_load_idx %arg7[%add3A_917] : memref<16640xf32, #tpu.memory_space<vmem>>[vector<16xi32>], vector<16xf32>,
      %mul3A_919 = vector.broadcast %squeeze3A_856 : f32 to vector<16xf32>
      %mul3A_920 = arith.mulf %gather3A_883, %mul3A_919 : vector<16xf32>
      %mul3A_921 = vector.broadcast %squeeze3A_856 : f32 to vector<16xf32>
      %mul3A_922 = arith.mulf %gather3A_888, %mul3A_921 : vector<16xf32>
      %mul3A_923 = vector.broadcast %squeeze3A_856 : f32 to vector<16xf32>
      %mul3A_924 = arith.mulf %gather3A_893, %mul3A_923 : vector<16xf32>
      %mul3A_925 = vector.broadcast %squeeze3A_856 : f32 to vector<16xf32>
      %mul3A_926 = arith.mulf %gather3A_898, %mul3A_925 : vector<16xf32>
      %mul3A_927 = vector.broadcast %squeeze3A_858 : f32 to vector<16xf32>
      %mul3A_928 = arith.mulf %gather3A_903, %mul3A_927 : vector<16xf32>
      %mul3A_929 = vector.broadcast %squeeze3A_858 : f32 to vector<16xf32>
      %mul3A_930 = arith.mulf %gather3A_908, %mul3A_929 : vector<16xf32>
      %mul3A_931 = vector.broadcast %squeeze3A_858 : f32 to vector<16xf32>
      %mul3A_932 = arith.mulf %gather3A_913, %mul3A_931 : vector<16xf32>
      %mul3A_933 = vector.broadcast %squeeze3A_858 : f32 to vector<16xf32>
      %mul3A_934 = arith.mulf %gather3A_918, %mul3A_933 : vector<16xf32>
      %add3A_935 = arith.constant 0 : i32
      %add3A_936 = arith.addi %mul3A_872, %add3A_935 : i32
      %swap3A_937 = arith.index_cast %add3A_936 : i32 to index
      %swap3A_938 = tpu.vector_load %arg8[%swap3A_937] {strides = array<i32>} : memref<16384xf32, #tpu.memory_space<vmem>>, vector<16xf32>,
      tpu.vector_store %arg8[%swap3A_937], %mul3A_920 {strides = array<i32>} : memref<16384xf32, #tpu.memory_space<vmem>>, vector<16xf32>,
      %add3A_939 = arith.constant 16 : i32
      %add3A_940 = arith.addi %mul3A_872, %add3A_939 : i32
      %swap3A_941 = arith.index_cast %add3A_940 : i32 to index
      %swap3A_942 = tpu.vector_load %arg8[%swap3A_941] {strides = array<i32>} : memref<16384xf32, #tpu.memory_space<vmem>>, vector<16xf32>,
      tpu.vector_store %arg8[%swap3A_941], %mul3A_922 {strides = array<i32>} : memref<16384xf32, #tpu.memory_space<vmem>>, vector<16xf32>,
      %add3A_943 = arith.constant 32 : i32
      %add3A_944 = arith.addi %mul3A_872, %add3A_943 : i32
      %swap3A_945 = arith.index_cast %add3A_944 : i32 to index
      %swap3A_946 = tpu.vector_load %arg8[%swap3A_945] {strides = array<i32>} : memref<16384xf32, #tpu.memory_space<vmem>>, vector<16xf32>,
      tpu.vector_store %arg8[%swap3A_945], %mul3A_924 {strides = array<i32>} : memref<16384xf32, #tpu.memory_space<vmem>>, vector<16xf32>,
      %add3A_947 = arith.constant 48 : i32
      %add3A_948 = arith.addi %mul3A_872, %add3A_947 : i32
      %swap3A_949 = arith.index_cast %add3A_948 : i32 to index
      %swap3A_950 = tpu.vector_load %arg8[%swap3A_949] {strides = array<i32>} : memref<16384xf32, #tpu.memory_space<vmem>>, vector<16xf32>,
      tpu.vector_store %arg8[%swap3A_949], %mul3A_926 {strides = array<i32>} : memref<16384xf32, #tpu.memory_space<vmem>>, vector<16xf32>,
      %add3A_951 = arith.constant 0 : i32
      %add3A_952 = arith.addi %mul3A_878, %add3A_951 : i32
      %swap3A_953 = arith.index_cast %add3A_952 : i32 to index
      %swap3A_954 = tpu.vector_load %arg8[%swap3A_953] {strides = array<i32>} : memref<16384xf32, #tpu.memory_space<vmem>>, vector<16xf32>,
      tpu.vector_store %arg8[%swap3A_953], %mul3A_928 {strides = array<i32>} : memref<16384xf32, #tpu.memory_space<vmem>>, vector<16xf32>,
      %add3A_955 = arith.constant 16 : i32
      %add3A_956 = arith.addi %mul3A_878, %add3A_955 : i32
      %swap3A_957 = arith.index_cast %add3A_956 : i32 to index
      %swap3A_958 = tpu.vector_load %arg8[%swap3A_957] {strides = array<i32>} : memref<16384xf32, #tpu.memory_space<vmem>>, vector<16xf32>,
      tpu.vector_store %arg8[%swap3A_957], %mul3A_930 {strides = array<i32>} : memref<16384xf32, #tpu.memory_space<vmem>>, vector<16xf32>,
      %add3A_959 = arith.constant 32 : i32
      %add3A_960 = arith.addi %mul3A_878, %add3A_959 : i32
      %swap3A_961 = arith.index_cast %add3A_960 : i32 to index
      %swap3A_962 = tpu.vector_load %arg8[%swap3A_961] {strides = array<i32>} : memref<16384xf32, #tpu.memory_space<vmem>>, vector<16xf32>,
      tpu.vector_store %arg8[%swap3A_961], %mul3A_932 {strides = array<i32>} : memref<16384xf32, #tpu.memory_space<vmem>>, vector<16xf32>,
      %add3A_963 = arith.constant 48 : i32
      %add3A_964 = arith.addi %mul3A_878, %add3A_963 : i32
      %swap3A_965 = arith.index_cast %add3A_964 : i32 to index
      %swap3A_966 = tpu.vector_load %arg8[%swap3A_965] {strides = array<i32>} : memref<16384xf32, #tpu.memory_space<vmem>>, vector<16xf32>,
      tpu.vector_store %arg8[%swap3A_965], %mul3A_934 {strides = array<i32>} : memref<16384xf32, #tpu.memory_space<vmem>>, vector<16xf32>,
      %slice3A_967 = vector.extract_strided_slice %get3A_186 {offsets = [14], sizes = [1], strides = [1]} : vector<16xf32> to vector<1xf32>
      %squeeze3A_968 = vector.extract %slice3A_967[0] : f32 from vector<1xf32>
      %slice3A_969 = vector.extract_strided_slice %get3A_186 {offsets = [15], sizes = [1], strides = [1]} : vector<16xf32> to vector<1xf32>
      %squeeze3A_970 = vector.extract %slice3A_969[0] : f32 from vector<1xf32>
      %add3A_971 = arith.constant 14 : i32
      %add3A_972 = arith.addi %mul3A_185, %add3A_971 : i32
      %mul3A_973 = arith.constant 65 : i32
      %mul3A_974 = arith.muli %add3A_972, %mul3A_973 : i32
      %add3A_975 = arith.constant 14 : i32
      %add3A_976 = arith.addi %mul3A_185, %add3A_975 : i32
      %add3A_977 = arith.constant 1 : i32
      %add3A_978 = arith.addi %add3A_976, %add3A_977 : i32
      %mul3A_979 = arith.constant 65 : i32
      %mul3A_980 = arith.muli %add3A_978, %mul3A_979 : i32
      %add3A_981 = arith.constant 14 : i32
      %add3A_982 = arith.addi %mul3A_185, %add3A_981 : i32
      %mul3A_983 = arith.constant 64 : i32
      %mul3A_984 = arith.muli %add3A_982, %mul3A_983 : i32
      %add3A_985 = arith.constant 14 : i32
      %add3A_986 = arith.addi %mul3A_185, %add3A_985 : i32
      %add3A_987 = arith.constant 1 : i32
      %add3A_988 = arith.addi %add3A_986, %add3A_987 : i32
      %mul3A_989 = arith.constant 64 : i32
      %mul3A_990 = arith.muli %add3A_988, %mul3A_989 : i32
      %add3A_991 = arith.constant 0 : i32
      %add3A_992 = arith.addi %mul3A_974, %add3A_991 : i32
      %add3A_993 = vector.broadcast %add3A_992 : i32 to vector<16xi32>
      %add3A_994 = arith.addi %iota3A, %add3A_993 : vector<16xi32>
      %gather3A_995 = tpu.vector_load_idx %arg7[%add3A_994] : memref<16640xf32, #tpu.memory_space<vmem>>[vector<16xi32>], vector<16xf32>,
      %add3A_996 = arith.constant 16 : i32
      %add3A_997 = arith.addi %mul3A_974, %add3A_996 : i32
      %add3A_998 = vector.broadcast %add3A_997 : i32 to vector<16xi32>
      %add3A_999 = arith.addi %iota3A, %add3A_998 : vector<16xi32>
      %gather3A_1000 = tpu.vector_load_idx %arg7[%add3A_999] : memref<16640xf32, #tpu.memory_space<vmem>>[vector<16xi32>], vector<16xf32>,
      %add3A_1001 = arith.constant 32 : i32
      %add3A_1002 = arith.addi %mul3A_974, %add3A_1001 : i32
      %add3A_1003 = vector.broadcast %add3A_1002 : i32 to vector<16xi32>
      %add3A_1004 = arith.addi %iota3A, %add3A_1003 : vector<16xi32>
      %gather3A_1005 = tpu.vector_load_idx %arg7[%add3A_1004] : memref<16640xf32, #tpu.memory_space<vmem>>[vector<16xi32>], vector<16xf32>,
      %add3A_1006 = arith.constant 48 : i32
      %add3A_1007 = arith.addi %mul3A_974, %add3A_1006 : i32
      %add3A_1008 = vector.broadcast %add3A_1007 : i32 to vector<16xi32>
      %add3A_1009 = arith.addi %iota3A, %add3A_1008 : vector<16xi32>
      %gather3A_1010 = tpu.vector_load_idx %arg7[%add3A_1009] : memref<16640xf32, #tpu.memory_space<vmem>>[vector<16xi32>], vector<16xf32>,
      %add3A_1011 = arith.constant 0 : i32
      %add3A_1012 = arith.addi %mul3A_980, %add3A_1011 : i32
      %add3A_1013 = vector.broadcast %add3A_1012 : i32 to vector<16xi32>
      %add3A_1014 = arith.addi %iota3A, %add3A_1013 : vector<16xi32>
      %gather3A_1015 = tpu.vector_load_idx %arg7[%add3A_1014] : memref<16640xf32, #tpu.memory_space<vmem>>[vector<16xi32>], vector<16xf32>,
      %add3A_1016 = arith.constant 16 : i32
      %add3A_1017 = arith.addi %mul3A_980, %add3A_1016 : i32
      %add3A_1018 = vector.broadcast %add3A_1017 : i32 to vector<16xi32>
      %add3A_1019 = arith.addi %iota3A, %add3A_1018 : vector<16xi32>
      %gather3A_1020 = tpu.vector_load_idx %arg7[%add3A_1019] : memref<16640xf32, #tpu.memory_space<vmem>>[vector<16xi32>], vector<16xf32>,
      %add3A_1021 = arith.constant 32 : i32
      %add3A_1022 = arith.addi %mul3A_980, %add3A_1021 : i32
      %add3A_1023 = vector.broadcast %add3A_1022 : i32 to vector<16xi32>
      %add3A_1024 = arith.addi %iota3A, %add3A_1023 : vector<16xi32>
      %gather3A_1025 = tpu.vector_load_idx %arg7[%add3A_1024] : memref<16640xf32, #tpu.memory_space<vmem>>[vector<16xi32>], vector<16xf32>,
      %add3A_1026 = arith.constant 48 : i32
      %add3A_1027 = arith.addi %mul3A_980, %add3A_1026 : i32
      %add3A_1028 = vector.broadcast %add3A_1027 : i32 to vector<16xi32>
      %add3A_1029 = arith.addi %iota3A, %add3A_1028 : vector<16xi32>
      %gather3A_1030 = tpu.vector_load_idx %arg7[%add3A_1029] : memref<16640xf32, #tpu.memory_space<vmem>>[vector<16xi32>], vector<16xf32>,
      %mul3A_1031 = vector.broadcast %squeeze3A_968 : f32 to vector<16xf32>
      %mul3A_1032 = arith.mulf %gather3A_995, %mul3A_1031 : vector<16xf32>
      %mul3A_1033 = vector.broadcast %squeeze3A_968 : f32 to vector<16xf32>
      %mul3A_1034 = arith.mulf %gather3A_1000, %mul3A_1033 : vector<16xf32>
      %mul3A_1035 = vector.broadcast %squeeze3A_968 : f32 to vector<16xf32>
      %mul3A_1036 = arith.mulf %gather3A_1005, %mul3A_1035 : vector<16xf32>
      %mul3A_1037 = vector.broadcast %squeeze3A_968 : f32 to vector<16xf32>
      %mul3A_1038 = arith.mulf %gather3A_1010, %mul3A_1037 : vector<16xf32>
      %mul3A_1039 = vector.broadcast %squeeze3A_970 : f32 to vector<16xf32>
      %mul3A_1040 = arith.mulf %gather3A_1015, %mul3A_1039 : vector<16xf32>
      %mul3A_1041 = vector.broadcast %squeeze3A_970 : f32 to vector<16xf32>
      %mul3A_1042 = arith.mulf %gather3A_1020, %mul3A_1041 : vector<16xf32>
      %mul3A_1043 = vector.broadcast %squeeze3A_970 : f32 to vector<16xf32>
      %mul3A_1044 = arith.mulf %gather3A_1025, %mul3A_1043 : vector<16xf32>
      %mul3A_1045 = vector.broadcast %squeeze3A_970 : f32 to vector<16xf32>
      %mul3A_1046 = arith.mulf %gather3A_1030, %mul3A_1045 : vector<16xf32>
      %add3A_1047 = arith.constant 0 : i32
      %add3A_1048 = arith.addi %mul3A_984, %add3A_1047 : i32
      %swap3A_1049 = arith.index_cast %add3A_1048 : i32 to index
      %swap3A_1050 = tpu.vector_load %arg8[%swap3A_1049] {strides = array<i32>} : memref<16384xf32, #tpu.memory_space<vmem>>, vector<16xf32>,
      tpu.vector_store %arg8[%swap3A_1049], %mul3A_1032 {strides = array<i32>} : memref<16384xf32, #tpu.memory_space<vmem>>, vector<16xf32>,
      %add3A_1051 = arith.constant 16 : i32
      %add3A_1052 = arith.addi %mul3A_984, %add3A_1051 : i32
      %swap3A_1053 = arith.index_cast %add3A_1052 : i32 to index
      %swap3A_1054 = tpu.vector_load %arg8[%swap3A_1053] {strides = array<i32>} : memref<16384xf32, #tpu.memory_space<vmem>>, vector<16xf32>,
      tpu.vector_store %arg8[%swap3A_1053], %mul3A_1034 {strides = array<i32>} : memref<16384xf32, #tpu.memory_space<vmem>>, vector<16xf32>,
      %add3A_1055 = arith.constant 32 : i32
      %add3A_1056 = arith.addi %mul3A_984, %add3A_1055 : i32
      %swap3A_1057 = arith.index_cast %add3A_1056 : i32 to index
      %swap3A_1058 = tpu.vector_load %arg8[%swap3A_1057] {strides = array<i32>} : memref<16384xf32, #tpu.memory_space<vmem>>, vector<16xf32>,
      tpu.vector_store %arg8[%swap3A_1057], %mul3A_1036 {strides = array<i32>} : memref<16384xf32, #tpu.memory_space<vmem>>, vector<16xf32>,
      %add3A_1059 = arith.constant 48 : i32
      %add3A_1060 = arith.addi %mul3A_984, %add3A_1059 : i32
      %swap3A_1061 = arith.index_cast %add3A_1060 : i32 to index
      %swap3A_1062 = tpu.vector_load %arg8[%swap3A_1061] {strides = array<i32>} : memref<16384xf32, #tpu.memory_space<vmem>>, vector<16xf32>,
      tpu.vector_store %arg8[%swap3A_1061], %mul3A_1038 {strides = array<i32>} : memref<16384xf32, #tpu.memory_space<vmem>>, vector<16xf32>,
      %add3A_1063 = arith.constant 0 : i32
      %add3A_1064 = arith.addi %mul3A_990, %add3A_1063 : i32
      %swap3A_1065 = arith.index_cast %add3A_1064 : i32 to index
      %swap3A_1066 = tpu.vector_load %arg8[%swap3A_1065] {strides = array<i32>} : memref<16384xf32, #tpu.memory_space<vmem>>, vector<16xf32>,
      tpu.vector_store %arg8[%swap3A_1065], %mul3A_1040 {strides = array<i32>} : memref<16384xf32, #tpu.memory_space<vmem>>, vector<16xf32>,
      %add3A_1067 = arith.constant 16 : i32
      %add3A_1068 = arith.addi %mul3A_990, %add3A_1067 : i32
      %swap3A_1069 = arith.index_cast %add3A_1068 : i32 to index
      %swap3A_1070 = tpu.vector_load %arg8[%swap3A_1069] {strides = array<i32>} : memref<16384xf32, #tpu.memory_space<vmem>>, vector<16xf32>,
      tpu.vector_store %arg8[%swap3A_1069], %mul3A_1042 {strides = array<i32>} : memref<16384xf32, #tpu.memory_space<vmem>>, vector<16xf32>,
      %add3A_1071 = arith.constant 32 : i32
      %add3A_1072 = arith.addi %mul3A_990, %add3A_1071 : i32
      %swap3A_1073 = arith.index_cast %add3A_1072 : i32 to index
      %swap3A_1074 = tpu.vector_load %arg8[%swap3A_1073] {strides = array<i32>} : memref<16384xf32, #tpu.memory_space<vmem>>, vector<16xf32>,
      tpu.vector_store %arg8[%swap3A_1073], %mul3A_1044 {strides = array<i32>} : memref<16384xf32, #tpu.memory_space<vmem>>, vector<16xf32>,
      %add3A_1075 = arith.constant 48 : i32
      %add3A_1076 = arith.addi %mul3A_990, %add3A_1075 : i32
      %swap3A_1077 = arith.index_cast %add3A_1076 : i32 to index
      %swap3A_1078 = tpu.vector_load %arg8[%swap3A_1077] {strides = array<i32>} : memref<16384xf32, #tpu.memory_space<vmem>>, vector<16xf32>,
      tpu.vector_store %arg8[%swap3A_1077], %mul3A_1046 {strides = array<i32>} : memref<16384xf32, #tpu.memory_space<vmem>>, vector<16xf32>,
      %scan3A_1079 = arith.constant 0 : i32
      scf.yield %scan3A_1079 : i32
    }
    %scan3A_137 = arith.constant 4 : i32
    %mul3A_138 = arith.constant 16384 : i32
    %mul3A_139 = arith.muli %select_n3A_30, %mul3A_138 : i32
    %add3A_140 = arith.constant 12288 : i32
    %add3A_141 = arith.addi %mul3A_139, %add3A_140 : i32
    %dma_start3A_142 = arith.constant 12288 : i32
    %dma_start3A_143 = tpu.memref_slice %arg8[%dma_start3A_142] : memref<16384xf32, #tpu.memory_space<vmem>> -> memref<4096xf32, #tpu.memory_space<vmem>>
    %dma_start3A_144 = tpu.memref_slice %arg4[%select_n3A, %add3A_141] : memref<16x32768xf32, #tpu.memory_space<hbm>> -> memref<1x4096xf32, #tpu.memory_space<hbm>>
    %dma_start3A_145 = tpu.memref_squeeze %dma_start3A_144 : memref<1x4096xf32, #tpu.memory_space<hbm>> -> memref<4096xf32, #tpu.memory_space<hbm>>
    %dma_start3A_146 = tpu.memref_slice %arg4[%select_n3A, %add3A_141] : memref<16x32768xf32, #tpu.memory_space<hbm>> -> memref<1x4096xf32, #tpu.memory_space<hbm>>
    %dma_start3A_147 = tpu.memref_squeeze %dma_start3A_146 : memref<1x4096xf32, #tpu.memory_space<hbm>> -> memref<4096xf32, #tpu.memory_space<hbm>>
    %dma_start3A_148 = arith.constant 12288 : i32
    %dma_start3A_149 = tpu.memref_slice %arg8[%dma_start3A_148] : memref<16384xf32, #tpu.memory_space<vmem>> -> memref<4096xf32, #tpu.memory_space<vmem>>
    tpu.enqueue_dma source(%dma_start3A_149 : memref<4096xf32, #tpu.memory_space<vmem>>) target(%dma_start3A_147 : memref<4096xf32, #tpu.memory_space<hbm>>) target_semaphore(%arg12 : memref<!tpu.dma_semaphore, #tpu.memory_space<semaphore_mem>>)
    %dma_wait3A_150 = arith.constant 0 : i32
    %dma_wait3A_151 = tpu.memref_slice %arg8[%dma_wait3A_150] : memref<16384xf32, #tpu.memory_space<vmem>> -> memref<4096xf32, #tpu.memory_space<vmem>>
    %dma_wait3A_152 = tpu.memref_slice %arg4[%select_n3A, %add3A_84] : memref<16x32768xf32, #tpu.memory_space<hbm>> -> memref<1x4096xf32, #tpu.memory_space<hbm>>
    %dma_wait3A_153 = tpu.memref_squeeze %dma_wait3A_152 : memref<1x4096xf32, #tpu.memory_space<hbm>> -> memref<4096xf32, #tpu.memory_space<hbm>>
    %dma_wait3A_154 = tpu.memref_slice %arg4[%select_n3A, %add3A_84] : memref<16x32768xf32, #tpu.memory_space<hbm>> -> memref<1x4096xf32, #tpu.memory_space<hbm>>
    %dma_wait3A_155 = tpu.memref_squeeze %dma_wait3A_154 : memref<1x4096xf32, #tpu.memory_space<hbm>> -> memref<4096xf32, #tpu.memory_space<hbm>>
    %dma_wait3A_156 = arith.constant 0 : i32
    %dma_wait3A_157 = tpu.memref_slice %arg8[%dma_wait3A_156] : memref<16384xf32, #tpu.memory_space<vmem>> -> memref<4096xf32, #tpu.memory_space<vmem>>
    tpu.wait_dma2 semaphore(%arg12 : memref<!tpu.dma_semaphore, #tpu.memory_space<semaphore_mem>>) src(%dma_wait3A_157 : memref<4096xf32, #tpu.memory_space<vmem>>) dst(%dma_wait3A_155 : memref<4096xf32, #tpu.memory_space<hbm>>)
    %dma_wait3A_158 = arith.constant 4096 : i32
    %dma_wait3A_159 = tpu.memref_slice %arg8[%dma_wait3A_158] : memref<16384xf32, #tpu.memory_space<vmem>> -> memref<4096xf32, #tpu.memory_space<vmem>>
    %dma_wait3A_160 = tpu.memref_slice %arg4[%select_n3A, %add3A_103] : memref<16x32768xf32, #tpu.memory_space<hbm>> -> memref<1x4096xf32, #tpu.memory_space<hbm>>
    %dma_wait3A_161 = tpu.memref_squeeze %dma_wait3A_160 : memref<1x4096xf32, #tpu.memory_space<hbm>> -> memref<4096xf32, #tpu.memory_space<hbm>>
    %dma_wait3A_162 = tpu.memref_slice %arg4[%select_n3A, %add3A_103] : memref<16x32768xf32, #tpu.memory_space<hbm>> -> memref<1x4096xf32, #tpu.memory_space<hbm>>
    %dma_wait3A_163 = tpu.memref_squeeze %dma_wait3A_162 : memref<1x4096xf32, #tpu.memory_space<hbm>> -> memref<4096xf32, #tpu.memory_space<hbm>>
    %dma_wait3A_164 = arith.constant 4096 : i32
    %dma_wait3A_165 = tpu.memref_slice %arg8[%dma_wait3A_164] : memref<16384xf32, #tpu.memory_space<vmem>> -> memref<4096xf32, #tpu.memory_space<vmem>>
    tpu.wait_dma2 semaphore(%arg12 : memref<!tpu.dma_semaphore, #tpu.memory_space<semaphore_mem>>) src(%dma_wait3A_165 : memref<4096xf32, #tpu.memory_space<vmem>>) dst(%dma_wait3A_163 : memref<4096xf32, #tpu.memory_space<hbm>>)
    %dma_wait3A_166 = arith.constant 8192 : i32
    %dma_wait3A_167 = tpu.memref_slice %arg8[%dma_wait3A_166] : memref<16384xf32, #tpu.memory_space<vmem>> -> memref<4096xf32, #tpu.memory_space<vmem>>
    %dma_wait3A_168 = tpu.memref_slice %arg4[%select_n3A, %add3A_122] : memref<16x32768xf32, #tpu.memory_space<hbm>> -> memref<1x4096xf32, #tpu.memory_space<hbm>>
    %dma_wait3A_169 = tpu.memref_squeeze %dma_wait3A_168 : memref<1x4096xf32, #tpu.memory_space<hbm>> -> memref<4096xf32, #tpu.memory_space<hbm>>
    %dma_wait3A_170 = tpu.memref_slice %arg4[%select_n3A, %add3A_122] : memref<16x32768xf32, #tpu.memory_space<hbm>> -> memref<1x4096xf32, #tpu.memory_space<hbm>>
    %dma_wait3A_171 = tpu.memref_squeeze %dma_wait3A_170 : memref<1x4096xf32, #tpu.memory_space<hbm>> -> memref<4096xf32, #tpu.memory_space<hbm>>
    %dma_wait3A_172 = arith.constant 8192 : i32
    %dma_wait3A_173 = tpu.memref_slice %arg8[%dma_wait3A_172] : memref<16384xf32, #tpu.memory_space<vmem>> -> memref<4096xf32, #tpu.memory_space<vmem>>
    tpu.wait_dma2 semaphore(%arg12 : memref<!tpu.dma_semaphore, #tpu.memory_space<semaphore_mem>>) src(%dma_wait3A_173 : memref<4096xf32, #tpu.memory_space<vmem>>) dst(%dma_wait3A_171 : memref<4096xf32, #tpu.memory_space<hbm>>)
    %dma_wait3A_174 = arith.constant 12288 : i32
    %dma_wait3A_175 = tpu.memref_slice %arg8[%dma_wait3A_174] : memref<16384xf32, #tpu.memory_space<vmem>> -> memref<4096xf32, #tpu.memory_space<vmem>>
    %dma_wait3A_176 = tpu.memref_slice %arg4[%select_n3A, %add3A_141] : memref<16x32768xf32, #tpu.memory_space<hbm>> -> memref<1x4096xf32, #tpu.memory_space<hbm>>
    %dma_wait3A_177 = tpu.memref_squeeze %dma_wait3A_176 : memref<1x4096xf32, #tpu.memory_space<hbm>> -> memref<4096xf32, #tpu.memory_space<hbm>>
    %dma_wait3A_178 = tpu.memref_slice %arg4[%select_n3A, %add3A_141] : memref<16x32768xf32, #tpu.memory_space<hbm>> -> memref<1x4096xf32, #tpu.memory_space<hbm>>
    %dma_wait3A_179 = tpu.memref_squeeze %dma_wait3A_178 : memref<1x4096xf32, #tpu.memory_space<hbm>> -> memref<4096xf32, #tpu.memory_space<hbm>>
    %dma_wait3A_180 = arith.constant 12288 : i32
    %dma_wait3A_181 = tpu.memref_slice %arg8[%dma_wait3A_180] : memref<16384xf32, #tpu.memory_space<vmem>> -> memref<4096xf32, #tpu.memory_space<vmem>>
    tpu.wait_dma2 semaphore(%arg12 : memref<!tpu.dma_semaphore, #tpu.memory_space<semaphore_mem>>) src(%dma_wait3A_181 : memref<4096xf32, #tpu.memory_space<vmem>>) dst(%dma_wait3A_179 : memref<4096xf32, #tpu.memory_space<hbm>>)
    return
  }
}

</mosaic_0001>

<sc_bundles>
// kernel: kernel.3.cloned.1.call-start
scs
__scs_entry_jumppad:
0x0: {  	(pc) =	sbr.rel $0x88, $3  }
0x1: {  	(tag) =	ssettag $0x0;
	lr =	simm.s32 $0x1  }
0x2: {  	[smem:$0x3F9F] =	sst lr;
	_ =	strace $0xD0000000  }
0x3: {  	_ = 	snop  }
0x4: {  	_ = 	snop  }
0x5: {  	_ = 	snop  }
0x6: {  	_ = 	snop  }
0x7: {  	_ = 	snop  }
__scs_overlays_trampoline_lowered:
0x8: {  	[smem:$0x3FAE] =	sst s0  }
0x9: {  	[smem:$0x3FAF] =	sst s1  }
0xa: {  	[smem:$0x3FB0] =	sst s2  }
0xb: {  	[smem:$0x3FB1] =	sst s3  }
0xc: {  	[smem:$0x3FB2] =	sst s4  }
0xd: {  	[smem:$0x3FB3] =	sst s5  }
0xe: {  	[smem:$0x3FB4] =	sst s6  }
0xf: {  	[smem:$0x3FB5] =	sst s7  }
0x10: {  	[smem:$0x3FB6] =	sst s8  }
0x11: {  	[smem:$0x3FB7] =	sst s9;
	s0 =	simm.s32 @!p0 $0x0  }
0x12: {  	s1 =	sld [smem:$0x3F9D];
	s0 =	simm.s32 @p0 $0x1  }
0x13: {  	[smem:$0x3FB8] =	sst s0;
	s0 =	simm.s32 @!p1 $0x0  }
0x14: {  	s2 =	sld [smem:$0x3F9C];
	s0 =	simm.s32 @p1 $0x1  }
0x15: {  	[smem:$0x3FB9] =	sst s0;
	s0 =	simm.s32 @!p2 $0x0  }
0x16: {  	s3 =	sld [smem:$0x3FDB];
	s0 =	simm.s32 @p2 $0x1  }
0x17: {  	s4 =	simm.s32 $0x1BF5;
	[smem:$0x3FBB] =	sst s0  }
0x18: {  	s0 =	sld [smem:$0x3F9E];
	_ =	swait.ge [sflag:s4], $0x0  }
0x19: {  	s7 =	sld [smem:$0x3F9F]  }
0x1a: {  	s8 =	sadd.s32 $0xFFFFE003, lr  }
0x1b: {  	s9 =	sadd.s32 $0xFFFFFEF7, lr;
	s5 =	simm.s32 $0xFFFFFFFF;
	p2 =	slt.u32 s8, $0xFFFFF086  }
0x1c: {  	p1 =	slt.u32 s9, $0xF7A;
	s5 =	simm.s32 @!p2 $0x0  }
0x1d: {  	s5 =	simm.s32 @p1 $0x1;
	p0 =	seq.s32 s7, s2  }
0x1e: {  	s7 =	smul.u32 @!p0 $0xF7A, s2;
	p2 =	seq.s32 @!p0 s5, $0x0  }
0x1f: {  	s9 =	smul.u32 $0xF7A, s1;
	s8 =	simm.s32 @!p0 $0x1BF5;
	p2 =	por !p2, p0  }
0x20: {  	[sflag:s8] =	ssyncset.s32 @!p0 $0xFFFFF086;
	s6 =	sadd.s32 @!p0 s3, s7;
	s7 =	simm.s32 @!p0 $0x108  }
0x21: {  	s3 =	sadd.s32 s3, s9;
	s6 =	sadd.s32 @!p0 $0x88, s6;
	s7 =	simm.s32 @p2 $0x1082  }
0x22: {  	[simem:s7], [sflag:s8] =	dma.local @!p0 [hbm:s6], $0xF7A  }
0x23: {  	s9 =	sor.u32 $0xD0000000, s2;
	s6 =	simm.s32 $0x108;
	_ =	swait.ge @!p0 [sflag:s8], $0x0  }
0x24: {  	s3 =	sadd.s32 $0x88, s3;
	s6 =	simm.s32 @!p1 $0x1082;
	[sflag:s4] =	ssyncset.s32 $0xFFFFF086  }
0x25: {  	[simem:s6], [sflag:s4] =	dma.local [hbm:s3], $0xF7A  }
0x26: {  	[smem:$0x3F9F] =	sst s1;
	(tag) =	ssettag s2;
	_ =	strace s9  }
0x27: {  	s1 =	sld [smem:$0x3FAF]  }
0x28: {  	s2 =	sld [smem:$0x3FB0]  }
0x29: {  	s4 =	sld [smem:$0x3FB2]  }
0x2a: {  	p0 =	seq.s32 s5, $0x0;
	s5 =	sld [smem:$0x3FB3]  }
0x2b: {  	s6 =	sld [smem:$0x3FB4]  }
0x2c: {  	s7 =	sld [smem:$0x3FB5]  }
0x2d: {  	s3 =	simm.s32 $0x108;
	s8 =	sld [smem:$0x3FB6]  }
0x2e: {  	s3 =	simm.s32 @!p0 $0x1082;
	s9 =	sld [smem:$0x3FB7]  }
0x2f: {  	lr =	sadd.s32 s0, s3;
	s0 =	sld [smem:$0x3FAE]  }
0x30: {  	s3 =	sld [smem:$0x3FB1]  }
0x31: {  	[smem:$0x3FBA] =	sst s10  }
0x32: {  	s10 =	sld [smem:$0x3FB8];
	_ =	sdelay $0x3  }
0x33: {  	p0 =	seq.s32 s10, $0x1;
	s10 =	sld [smem:$0x3FBA];
	_ =	sdelay $0x3  }
0x34: {  	[smem:$0x3FBA] =	sst s10  }
0x35: {  	s10 =	sld [smem:$0x3FB9];
	_ =	sdelay $0x3  }
0x36: {  	p1 =	seq.s32 s10, $0x1;
	s10 =	sld [smem:$0x3FBA];
	_ =	sdelay $0x3  }
0x37: {  	[smem:$0x3FBA] =	sst s10  }
0x38: {  	s10 =	sld [smem:$0x3FBB]  }
0x39: {  	_ = 	snop;
	(pc) =	sbr.ind lr, $3  }
0x3a: {  	_ = 	snop  }
0x3b: {  	_ = 	snop  }
0x3c: {  	p2 =	seq.s32 s10, $0x1;
	s10 =	sld [smem:$0x3FBA]  }
0x3d: {  	_ =	shalt  }
0x3e: {  	_ =	shalt  }
0x3f: {  	_ =	shalt  }
0x40: {  	_ =	shalt  }
0x41: {  	_ =	shalt  }
0x42: {  	_ =	shalt  }
0x43: {  	_ =	shalt  }
0x44: {  	_ =	shalt  }
0x45: {  	_ =	shalt  }
0x46: {  	_ =	shalt  }
0x47: {  	_ =	shalt  }
0x48: {  	_ =	shalt  }
0x49: {  	_ =	shalt  }
0x4a: {  	_ =	shalt  }
0x4b: {  	_ =	shalt  }
0x4c: {  	_ =	shalt  }
0x4d: {  	_ =	shalt  }
0x4e: {  	_ =	shalt  }
0x4f: {  	_ =	shalt  }
0x50: {  	_ =	shalt  }
0x51: {  	_ =	shalt  }
0x52: {  	_ =	shalt  }
0x53: {  	_ =	shalt  }
0x54: {  	_ =	shalt  }
0x55: {  	_ =	shalt  }
0x56: {  	_ =	shalt  }
0x57: {  	_ =	shalt  }
0x58: {  	_ =	shalt  }
0x59: {  	_ =	shalt  }
0x5a: {  	_ =	shalt  }
0x5b: {  	_ =	shalt  }
0x5c: {  	_ =	shalt  }
0x5d: {  	_ =	shalt  }
0x5e: {  	_ =	shalt  }
0x5f: {  	_ =	shalt  }
0x60: {  	_ =	shalt  }
0x61: {  	_ =	shalt  }
0x62: {  	_ =	shalt  }
0x63: {  	_ =	shalt  }
0x64: {  	_ =	shalt  }
0x65: {  	_ =	shalt  }
0x66: {  	_ =	shalt  }
0x67: {  	_ =	shalt  }
0x68: {  	_ =	shalt  }
0x69: {  	_ =	shalt  }
0x6a: {  	_ =	shalt  }
0x6b: {  	_ =	shalt  }
0x6c: {  	_ =	shalt  }
0x6d: {  	_ =	shalt  }
0x6e: {  	_ =	shalt  }
0x6f: {  	_ =	shalt  }
0x70: {  	_ =	shalt  }
0x71: {  	_ =	shalt  }
0x72: {  	_ =	shalt  }
0x73: {  	_ =	shalt  }
0x74: {  	_ =	shalt  }
0x75: {  	_ =	shalt  }
0x76: {  	_ =	shalt  }
0x77: {  	_ =	shalt  }
0x78: {  	_ =	shalt  }
0x79: {  	_ =	shalt  }
0x7a: {  	_ =	shalt  }
0x7b: {  	_ =	shalt  }
0x7c: {  	_ =	shalt  }
0x7d: {  	_ =	shalt  }
0x7e: {  	_ =	shalt  }
0x7f: {  	_ =	shalt  }
0x80: {  	_ =	shalt  }
0x81: {  	_ =	shalt  }
0x82: {  	_ =	shalt  }
0x83: {  	_ =	shalt  }
0x84: {  	_ =	shalt  }
0x85: {  	_ =	shalt  }
0x86: {  	_ =	shalt  }
0x87: {  	_ =	shalt  }
.Lfunc_end0:
.L_simem_size_0:
called_computation_lowered:
.L_overlay_start_0:
0x88: {  	s2 =	sld [smem:$0x3FD9]  }
0x89: {  	s3 =	sld [smem:$0x3FFE];
	_ =	sdelay $0x1  }
0x8a: {  	s1 =	srdreg.scid  }
0x8b: {  	s0 =	sand.u32 $0x1, s1  }
0x8c: {  	s17 =	sshll.u32 s0, $0xA;
	s2 =	sadd.s32 s3, s2  }
0x8d: {  	s2 =	sadd.s32 s2, s17  }
0x8e: {  	[smem:$0x3FC6] =	sst s2  }
0x8f: {  	_ = 	snop  }
0x90: {  	s2 =	sld [smem:$0x3FD0];
	(tm) =	ssettm $0x1  }
0x91: {  	s18 =	sld [smem:$0x3FFB];
	_ =	sdelay $0x3  }
0x92: {  	_ =	strace s18  }
0x93: {  	s3 =	sld [smem:$0x3FFC];
	_ =	sdelay $0x3  }
0x94: {  	_ =	strace s3  }
0x95: {  	s3 =	sld [smem:$0x3FFD];
	_ =	sdelay $0x3  }
0x96: {  	_ =	strace s3  }
0x97: {  	_ =	strace $0x8FFFFFFF  }
0x98: {  	s19 =	sld [smem:$0x3FDB];
	_ =	sdelay $0x1  }
0x99: {  	s4 =	simm.s32 $_scs_section_size  }
0x9a: {  	s5 =	simm.s32 $_size__tile_overlayer_lowered;
	s6 =	simm.s32 $_tile_overlayer_lowered  }
0x9b: {  	s22 =	simm.s32 $0x1BFF;
	s21 =	sshll.u32 s6, $0x1;
	s3 =	sadd.s32 s4, s19  }
0x9c: {  	s7 =	simm.s32 $0x0;
	s20 =	sshll.u32 s5, $0x1;
	s5 =	sadd.s32 s21, s3  }
0x9d: {  	[timem:s7], [sflag:s22] =	dma.local [hbm:s5], s20  }
0x9e: {  	_ =	swait.ge [sflag:s22], s20  }
0x9f: {  	s4 =	ssub.s32 $0x0, s20;
	[sflag:s22] =	ssyncset.done $0x0  }
0xa0: {  	[sflag:s22] =	ssyncadd.s32 s4;
	_ =	sdelay $0x1  }
0xa1: {  	s23 =	simm.s32 $0x1B8B  }
0xa2: {  	_ =	swait.ge [sflag:s23], $0x1  }
0xa3: {  	[sflag:s23] =	ssyncset.done $0x0  }
0xa4: {  	s25 =	simm.s32 $0x1B8E;
	s24 =	sld [smem:$0x3FFE];
	[sflag:s23] =	ssyncadd.s32 $0xFFFFFFFF  }
0xa5: {  	s26 =	simm.s32 $execute0_lowered;
	[smem:$0x3FD2] =	sst s25  }
0xa6: {  	s5 =	sshll.u32 s26, $0x1;
	_ =	strace $0x80000046;
	[dreg:$0x1] =	wrdreg $0xFFFFFFFF  }
0xa7: {  	s28 =	simm.s32 $_size_execute0_lowered;
	s3 =	sadd.s32 s3, s5;
	[dreg:$0x0] =	wrdreg $0x0  }
0xa8: {  	s5 =	sshll.u32 s28, $0x1;
	[dreg:$0x2] =	wrdreg s3  }
0xa9: {  	[dreg:$0x3] =	wrdreg s5  }
0xaa: {  	[dreg:$0x4] =	wrdreg $0xC0  }
0xab: {  	_ =	task [dreg:s7], $0x5FFFF  }
0xac: {  	[dreg:$0x1] =	wrdreg $0xFFFFFFFF  }
0xad: {  	[dreg:$0x0] =	wrdreg $0x60  }
0xae: {  	[dreg:$0x2] =	wrdreg s24  }
0xaf: {  	[dreg:$0x3] =	wrdreg s2  }
0xb0: {  	[dreg:$0x4] =	wrdreg $0x9  }
0xb1: {  	_ =	task.clear_ibuf [dreg:s7], $0x5FFFF;
	_ =	strace $0x90000046  }
0xb2: {  	s29 =	simm.s32 $0x9;
	_ =	strace $0x80000048  }
0xb3: {  	_ =	swait.ge [sflag:s29], $0x1  }
0xb4: {  	[sflag:s29] =	ssyncadd.s32 $0xFFFFFFFF  }
0xb5: {  	_ =	strace $0x90000048  }
0xb6: {  	_ =	sfence  }
0xb7: {  	s30 =	sld [smem:$0x0];
	_ =	sdelay $0x2  }
0xb8: {  	s31 =	sshll.u32 s1, $0xD;
	s1 =	sshrl.u32 s1, $0x2  }
0xb9: {  	s3 =	sand.u32 $0x4000, s31;
	s1 =	sadd.s32 s1, s30  }
0xba: {  	s0 =	sor.u32 s3, s0;
	s1 =	sshll.u32 s1, $0x11  }
0xbb: {  	s0 =	sor.u32 s1, s0  }
0xbc: {  	s0 =	sadd.s32 $0x8F2B, s0  }
0xbd: {  	[sflag:s0] =	ssyncadd.remote.s32 $0x1  }
0xbe: {  	_ =	sfence.sel $0xFFFF  }
0xbf: {  	[dreg:$0x0] =	wrdreg $0xFFFFFFFF;
	(pc) =	sbr.abs _section_cstart, $3  }
0xc0: {  	[dreg:$0x1] =	wrdreg $0xFFFFFFFF  }
0xc1: {  	_ =	task.clear_ibuf [dreg:s7], $0x2FFFF;
	_ =	strace $0x9FFFFFFF  }
0xc2: {  	(tm) =	ssettm $0x7FFFFFFF  }
0xc3: {  	_ =	shalt  }
tec
execute0_lowered:
.L_overlay_start_1:
0x0: {  	(tag) =	ssettag $0x1  }
0x1: {  	s1 =	srdreg.scid  }
0x2: {  	s0 =	stileid.u32;
	s5 =	rddreg [dreg:$0x0]  }
0x3: {  	s6 =	rddreg [dreg:$0x1];
	s3 =	simm.s32 $0x1;
	s2 =	simm.s32 $0x0  }
0x4: {  	s12 =	simm.s32 $0x400;
	s13 =	simm.s32 $0x14180;
	s14 =	simm.s32 $0x4000  }
0x5: {  	s15 =	simm.s32 $0xC080;
	s16 =	simm.s32 $0x10180;
	s4 =	sand.u32 $0x1, s1  }
0x6: {  	s17 =	simm.s32 $0x11180;
	s18 =	simm.s32 $0x12180;
	s1 =	sor.u32 s4, s0  }
0x7: {  	s19 =	simm.s32 $0x13180;
	p1 =	seq.s32 s4, $0x1;
	p0 =	seq.s32 s1, $0x0  }
0x8: {  	s20 =	simm.s32 $0x2;
	s21 =	simm.s32 $0x0;
	p0 =	por !p0, !p1  }
0x9: {  	[smem:$0x7FF] =	sst s2;
	s9 =	sshll.u32 s4, $0x11;
	p0 =	por !p0, !p0  }
0xa: {  	s11 =	sshll.u32 s4, $0xD;
	s4 =	ssub.s32 $0x2, s4;
	s3 =	simm.s32 @!p0 $0x0  }
0xb: {  	s1 =	rddreg [dreg:$0x2];
	s29 =	sshrl.u32 s4, $0x1;
	s7 =	ssub.s32 s0, s3  }
0xc: {  	_ =	strace $0x80000047;
	s31 =	ssub.s32 s4, s29;
	s8 =	sshrl.u32 s7, $0x3  }
0xd: {  	s7 =	sshll.u32 s7, $0x7;
	s10 =	sshll.u32 s8, $0x12;
	s8 =	sshll.u32 s8, $0xE  }
0xe: {  	s7 =	sand.u32 $0x380, s7;
	s9 =	sor.u32 s9, s10;
	s8 =	sor.u32 s11, s8  }
0xf: {  	s3 =	simm.s32 $0x1;
	s9 =	sor.u32 s7, s9;
	s7 =	sor.u32 s7, s8  }
0x10: {  	s10 =	smax.u32 s31, $0x1;
	s28 =	sshrl.u32 s9, $0x3;
	s7 =	sshrl.u32 s7, $0x3  }
0x11: {  	s11 =	simm.s32 $0x80;
	s30 =	sadd.s32 s28, s5;
	s5 =	sadd.s32 s7, s5  }
0x12: {  	v0 =	vlaneseq.u32;
	s6 =	sadd.s32 s6, s28;
	s4 =	sadd.s32 $0x600, s30;
	s5 =	sadd.s32 $0x10600, s5  }
0x13: {  	v1 =	vimm.f32 $0.0e+00;
	v2 =	vmul.u32 $0x101, v0;
	s7 =	sadd.s32 $0x1000, s6;
	s8 =	sadd.s32 $0x2000, s6;
	s9 =	sadd.s32 $0x3000, s6  }
.LBB2_1:
0x14: {  	[tilespmem:s2], [sflag:$0x1] =	stream.strided.gather [hbm4b:s4+s11], $0x4000, s12, s11, $0x38;
	[tilespmem:$0x14680] =	vst v63  }
0x15: {  	s22 =	simm.s32 $0x0;
	s23 =	simm.s32 $0x200  }
0x16: {  	[tilespmem:s13], [sflag:$0x1] =	stream.strided.gather [hbm4b:s5+s11], $0x400, s12, s11, $0x38;
	[tilespmem:$0x14680] =	vst v63  }
.LBB2_2:
0x17: {  	p0 =	sne.s32 s23, $0x10000;
	[tilespmem:s22+$0x4070] =	vst v1  }
0x18: {  	[tilespmem:s22+$0x4000] =	vst v1  }
0x19: {  	[tilespmem:s22+$0x4010] =	vst v1  }
.Ltmp0:
0x1a: {  	[tilespmem:s22+$0x4020] =	vst v1;
	(pc) =	sbr.rel @p0 .LBB2_2-.Ltmp0, $4  }
0x1b: {  	[tilespmem:s22+$0x4030] =	vst v1  }
0x1c: {  	[tilespmem:s22+$0x4040] =	vst v1  }
0x1d: {  	[tilespmem:s22+$0x4050] =	vst v1  }
0x1e: {  	[tilespmem:s22+$0x4060] =	vst v1;
	s22 =	sshra.s32 s23, $0x2;
	s23 =	sadd.s32 $0x200, s23  }
0x1f: {  	[tilespmem:s22+$0x4070] =	vst v1  }
0x20: {  	[tilespmem:s22+$0x4000] =	vst v1  }
0x21: {  	[tilespmem:s22+$0x4010] =	vst v1  }
0x22: {  	[tilespmem:s22+$0x4020] =	vst v1  }
0x23: {  	[tilespmem:s22+$0x4030] =	vst v1  }
0x24: {  	[tilespmem:s22+$0x4040] =	vst v1  }
0x25: {  	[tilespmem:s22+$0x4050] =	vst v1  }
0x26: {  	[tilespmem:s22+$0x4060] =	vst v1  }
0x27: {  	_ =	swait.ge [sflag:s3], $0x4000  }
0x28: {  	[sflag:s3] =	ssyncset.done $0x0  }
0x29: {  	[sflag:s3] =	ssyncadd.s32 $0xFFFFC000  }
0x2a: {  	_ =	swait.ge [sflag:s3], $0x400  }
0x2b: {  	[sflag:s3] =	ssyncset.done $0x0  }
0x2c: {  	s24 =	simm.s32 $0x40;
	[sflag:s3] =	ssyncadd.s32 $0xFFFFFC00  }
0x2d: {  	v4 =	vld [tilespmem:s24+$0xFFFFFFC0]  }
0x2e: {  	s23 =	simm.s32 $0x4040;
	v3 =	vld [tilespmem:s24+$0x30]  }
0x2f: {  	s25 =	simm.s32 $0x5050;
	v7 =	vadd.s32 s23, v2;
	v5 =	vld [tilespmem:s24+$0x20]  }
0x30: {  	s26 =	simm.s32 $0x6060;
	v9 =	vadd.s32 s25, v2;
	v8 =	vld [tilespmem:s24+$0xFFFFFFD0]  }
0x31: {  	s28 =	simm.s32 $0x7070;
	v11 =	vadd.s32 s26, v2;
	v10 =	vld [tilespmem:s24+$0xFFFFFFE0]  }
0x32: {  	v13 =	vadd.s32 s28, v2;
	s23 =	simm.s32 $0x4041;
	v12 =	vld [tilespmem:s24+$0xFFFFFFF0]  }
0x33: {  	s22 =	simm.s32 $0x4000;
	s29 =	simm.s32 $0x5051;
	v15 =	vadd.s32 s23, v2;
	v14 =	vld [tilespmem:s24+$0x0]  }
0x34: {  	v6 =	vld [tilespmem:s24+$0x10];
	[tilespmem:v7+s22+$0x0] =	vst.idx.msk $0xffff, v4;
	v4 =	vadd.s32 s29, v2  }
0x35: {  	[tilespmem:v9+s22+$0x0] =	vst.idx.msk $0xffff, v8  }
0x36: {  	s30 =	simm.s32 $0x6061;
	[tilespmem:v11+s22+$0x0] =	vst.idx.msk $0xffff, v10  }
0x37: {  	v7 =	vadd.s32 s30, v2;
	[tilespmem:v13+s22+$0x0] =	vst.idx.msk $0xffff, v12  }
0x38: {  	s31 =	simm.s32 $0x7071;
	[tilespmem:v15+s22+$0x0] =	vst.idx.msk $0xffff, v14  }
0x39: {  	[tilespmem:v4+s22+$0x0] =	vst.idx.msk $0xffff, v6;
	v4 =	vadd.s32 s31, v2;
	_ =	sdelay $0x2  }
0x3a: {  	s25 =	simm.s32 $0x4042;
	[tilespmem:v7+s22+$0x0] =	vst.idx.msk $0xffff, v5  }
.LBB2_4:
0x3b: {  	p0 =	sne.s32 s25, $0x413E  }
0x3c: {  	[tilespmem:v4+s22+$0x0] =	vst.idx.msk $0xffff, v3;
	s24 =	sadd.s32 $0x80, s24;
	s23 =	smov.u32 s25;
	s25 =	sadd.s32 $0x2, s25  }
0x3d: {  	v4 =	vld [tilespmem:s24+$0xFFFFFFC0]  }
0x3e: {  	v3 =	vld [tilespmem:s24+$0x30]  }
0x3f: {  	v5 =	vld [tilespmem:s24+$0x20]  }
0x40: {  	v7 =	vadd.s32 s23, v2;
	s26 =	sadd.s32 $0x1010, s23;
	v6 =	vld [tilespmem:s24+$0x10]  }
0x41: {  	v9 =	vadd.s32 s26, v2;
	s26 =	sadd.s32 $0x2020, s23;
	v8 =	vld [tilespmem:s24+$0xFFFFFFD0]  }
0x42: {  	v11 =	vadd.s32 s26, v2;
	s26 =	sadd.s32 $0x3030, s23;
	v10 =	vld [tilespmem:s24+$0xFFFFFFE0]  }
0x43: {  	v13 =	vadd.s32 s26, v2;
	s26 =	sadd.s32 $0x1, s23;
	v12 =	vld [tilespmem:s24+$0xFFFFFFF0]  }
0x44: {  	v15 =	vadd.s32 s26, v2;
	s26 =	sadd.s32 $0x1011, s23;
	v14 =	vld [tilespmem:s24+$0x0]  }
0x45: {  	[tilespmem:v7+s22+$0x0] =	vst.idx.msk $0xffff, v4;
	v7 =	vadd.s32 s26, v2;
	s26 =	sadd.s32 $0x2021, s23  }
0x46: {  	s23 =	sadd.s32 $0x3031, s23;
	[tilespmem:v9+s22+$0x0] =	vst.idx.msk $0xffff, v8;
	v8 =	vadd.s32 s26, v2  }
.Ltmp1:
0x47: {  	v4 =	vadd.s32 s23, v2;
	[tilespmem:v11+s22+$0x0] =	vst.idx.msk $0xffff, v10;
	(pc) =	sbr.rel @p0 .LBB2_4-.Ltmp1, $4  }
0x48: {  	[tilespmem:v13+s22+$0x0] =	vst.idx.msk $0xffff, v12  }
0x49: {  	[tilespmem:v15+s22+$0x0] =	vst.idx.msk $0xffff, v14  }
0x4a: {  	[tilespmem:v7+s22+$0x0] =	vst.idx.msk $0xffff, v6  }
0x4b: {  	s23 =	simm.s32 $0x0;
	[tilespmem:v8+s22+$0x0] =	vst.idx.msk $0xffff, v5  }
0x4c: {  	_ =	sdelay $0x3  }
0x4d: {  	[tilespmem:v4+s22+$0x0] =	vst.idx.msk $0xffff, v3  }
.LBB2_6:
0x4e: {  	s24 =	sshll.u32 s23, $0x4  }
0x4f: {  	v3 =	vor.u32 s24, v0  }
0x50: {  	v4 =	vshll.u32 v3, $0x2  }
0x51: {  	v5 =	vor.u32 $0x3, v4;
	_ =	sdelay $0x3  }
0x52: {  	v6 =	vld.idx.msk [tilespmem:v4+s13+$0x0], $0xffff  }
0x53: {  	v5 =	vld.idx.msk [tilespmem:v5+s13+$0x0], $0xffff;
	_ =	sdelay $0x4  }
0x54: {  	v6 =	vmul.f32 $4.949999970e-02, v6;
	v5 =	vmul.f32 $9.499999880e-01, v5;
	_ =	sdelay $0x1  }
0x55: {  	v6 =	vadd.f32 $5.000000240e-04, v6;
	v5 =	vadd.f32 $5.000000070e-02, v5;
	_ =	sdelay $0x1  }
0x56: {  	v6 =	vmul.f32 $1.600000000e+04, v6;
	v5 =	vmul.f32 $5.000000000e-01, v5;
	_ =	sdelay $0x1  }
0x57: {  	v6 =	vmax.f32 v6, $1.000000000e+00;
	v5 =	vadd.f32 $5.000000000e-01, v5  }
0x58: {  	(erf) = vrcp.f32 v6  }
0x59: {  	v5 =	vmul.f32 $6.400000000e+01, v5;
	_ =	sdelay $0x1  }
0x5a: {  	v5 =	vtrunc.f32 v5  }
0x5b: {  	v5 =	vcvt.f32.s32 v5;
	_ =	sdelay $0x1  }
0x5c: {  	vm0 =	vgt.s32 v5, $0x1  }
0x5d: {  	v5 =	vnsel vm0, $0x1, v5  }
0x5e: {  	v5 =	vmin.u32 v5, $0x1E0  }
0x5f: {  	v6 =	vpop (erf);
	v8 =	vcvt.s32.f32 v5  }
0x60: {  	v7 =	vmul.f32 $-1.442695020e+00, v6  }
0x61: {  	v6 =	vmul.f32 v8, v6  }
0x62: {  	v5 =	vsub.s32 $0x40, v5;
	(erf) = vpow2.f32 v7  }
0x63: {  	v5 =	vmul.u32 $0x101, v5;
	v7 =	vor.u32 $0x2, v4;
	v6 =	vmul.f32 $1.442695020e+00, v6  }
0x64: {  	v4 =	vor.u32 $0x1, v4  }
0x65: {  	(erf) = vpow2.f32 v6;
	v6 =	vadd.s32 v3, v5;
	v5 =	vmov s22;
	_ =	sdelay $0x2  }
0x66: {  	v7 =	vld.idx.msk [tilespmem:v7+s13+$0x0], $0xffff  }
0x67: {  	s25 =	simm.s32 $0x0;
	v9 =	vadd.s32 $0x404, v6;
	v11 =	vld.idx.msk [tilespmem:v4+s13+$0x0], $0xffff  }
0x68: {  	v12 =	vadd.s32 $0x505, v6;
	v15 =	vld.idx.msk [tilespmem:v5+s25+$0x4242 ss:$0x1], $0xffff  }
0x69: {  	v17 =	vadd.s32 $0x707, v6;
	v10 =	vpop (erf);
	v21 =	vld.idx.msk [tilespmem:v5+s25+$0x4141 ss:$0x1], $0xffff  }
0x6a: {  	v19 =	vld.idx.msk [tilespmem:v5+s25+$0x4646 ss:$0x1], $0xffff;
	v8 =	vmul.f32 v10, v10  }
0x6b: {  	v16 =	vadd.s32 $0x606, v6;
	v27 =	vld.idx.msk [tilespmem:v6+s14+$0x0], $0xffff;
	v4 =	vadd.f32 v7, v7  }
0x6c: {  	v23 =	vadd.s32 $0x303, v6;
	v22 =	vld.idx.msk [tilespmem:v9+s14+$0x0], $0xffff;
	v7 =	vmul.f32 v8, v8  }
0x6d: {  	v14 =	vmul.u32 $0x41, v3;
	v20 =	vadd.s32 $0x101, v6;
	v24 =	vld.idx.msk [tilespmem:v12+s14+$0x0], $0xffff;
	v4 =	vadd.f32 $-1.000000000e+00, v4  }
0x6e: {  	v18 =	vadd.s32 $0x202, v6;
	v26 =	vld.idx.msk [tilespmem:v17+s14+$0x0], $0xffff;
	v17 =	vadd.s32 $0x808, v6;
	v9 =	vpop (erf);
	v13 =	vmul.f32 v7, v7  }
0x6f: {  	s26 =	simm.s32 $0x2020;
	v3 =	vmovc v14;
	v25 =	vld.idx.msk [tilespmem:v5+s25+$0x4040 ss:$0x1], $0xffff;
	v12 =	vmovc v11;
	v6 =	vimm.f32 $0.0e+00;
	v9 =	vmul.f32 v9, v4;
	v4 =	vimm.f32 $0.0e+00  }
.LBB2_7:
0x70: {  	v28 =	vadd.s32 $0x404, v17;
	p0 =	sne.s32 s26, $0xE0E0;
	v29 =	vld.idx.msk [tilespmem:v16+s14+$0x0], $0xffff;
	v11 =	vmul.f32 v11, v13;
	v14 =	vadd.s32 $0x8, v14;
	s28 =	smov.u32 s26;
	s26 =	sadd.s32 $0x2020, s26  }
0x71: {  	v30 =	vadd.s32 $0x505, v17;
	v31 =	vmul.f32 v12, v8;
	v23 =	vld.idx.msk [tilespmem:v23+s14+$0x0], $0xffff  }
0x72: {  	v16 =	vadd.s32 $0x606, v17;
	v32 =	vmul.f32 v12, v10;
	v24 =	vmul.f32 v24, v9;
	v33 =	vld.idx.msk [tilespmem:v20+s14+$0x0], $0xffff  }
0x73: {  	v34 =	vadd.s32 $0x707, v17;
	v35 =	vld.idx.msk [tilespmem:v18+s14+$0x0], $0xffff;
	v18 =	vmul.f32 v27, v9;
	v27 =	vadd.s32 $0x5, v3  }
0x74: {  	v36 =	vmul.f32 v12, v7;
	v39 =	vadd.s32 $0x4, v3;
	v37 =	vmul.f32 v31, v7;
	v38 =	vld.idx.msk [tilespmem:v5+s25+$0x4444 ss:$0x1], $0xffff  }
0x75: {  	v40 =	vmul.f32 v32, v7;
	v26 =	vmul.f32 v26, v9;
	v41 =	vld.idx.msk [tilespmem:v5+s25+$0x4343 ss:$0x1], $0xffff;
	v25 =	vadd.f32 v18, v25  }
0x76: {  	s28 =	sshra.s32 s28, $0x2;
	v20 =	vadd.s32 $0x101, v17;
	v42 =	vmul.f32 v32, v8;
	v18 =	vadd.s32 $0x202, v17;
	v43 =	vld.idx.msk [tilespmem:v5+s25+$0x4545 ss:$0x1], $0xffff  }
0x77: {  	v46 =	vadd.s32 $0x3, v3;
	v45 =	vmul.f32 v23, v9;
	v44 =	vld.idx.msk [tilespmem:v5+s25+$0x4747 ss:$0x1], $0xffff;
	v25 =	vmul.f32 v25, v12;
	v12 =	vmovc v11;
	s25 =	smov.u32 s28  }
0x78: {  	v22 =	vmul.f32 v22, v9;
	v23 =	vadd.s32 $0x303, v17;
	v33 =	vmul.f32 v33, v9  }
0x79: {  	v47 =	vadd.s32 $0x1, v3;
	v48 =	vadd.s32 $0x2, v3;
	v35 =	vmul.f32 v35, v9;
	[tilespmem:v3+s15+$0x0] =	vst.idx.msk $0xffff, v25  }
0x7a: {  	v29 =	vmul.f32 v29, v9;
	v21 =	vadd.f32 v33, v21;
	v22 =	vadd.f32 v22, v38  }
0x7b: {  	v33 =	vmul.f32 v42, v7;
	v15 =	vadd.f32 v35, v15;
	v35 =	vadd.f32 v45, v41  }
0x7c: {  	v19 =	vadd.f32 v29, v19;
	v21 =	vmul.f32 v21, v32;
	v24 =	vadd.f32 v24, v43  }
0x7d: {  	v15 =	vmul.f32 v15, v31;
	v29 =	vmul.f32 v35, v42;
	v26 =	vadd.f32 v26, v44  }
0x7e: {  	v19 =	vmul.f32 v19, v37;
	v31 =	vadd.s32 $0x6, v3;
	v24 =	vmul.f32 v24, v40;
	[tilespmem:v47+s15+$0x0] =	vst.idx.msk $0xffff, v21  }
0x7f: {  	v22 =	vmul.f32 v22, v36;
	v32 =	vadd.s32 $0x7, v3;
	[tilespmem:v48+s15+$0x0] =	vst.idx.msk $0xffff, v15;
	v15 =	vmul.f32 v15, v15  }
0x80: {  	v3 =	vmov v14;
	v21 =	vmul.f32 v21, v21;
	[tilespmem:v46+s15+$0x0] =	vst.idx.msk $0xffff, v29;
	v29 =	vmul.f32 v29, v29  }
0x81: {  	v25 =	vmul.f32 v25, v25;
	v35 =	vmul.f32 v19, v19;
	[tilespmem:v39+s15+$0x0] =	vst.idx.msk $0xffff, v22  }
0x82: {  	v26 =	vmul.f32 v26, v33;
	[tilespmem:v27+s15+$0x0] =	vst.idx.msk $0xffff, v24;
	v27 =	vadd.f32 v29, v15  }
0x83: {  	v21 =	vadd.f32 v21, v25;
	[tilespmem:v31+s15+$0x0] =	vst.idx.msk $0xffff, v19;
	v19 =	vmul.f32 v22, v22  }
0x84: {  	v25 =	vmul.f32 v26, v26;
	v24 =	vmul.f32 v24, v24;
	[tilespmem:v32+s15+$0x0] =	vst.idx.msk $0xffff, v26  }
0x85: {  	v26 =	vadd.f32 v27, v21;
	v15 =	vld.idx.msk [tilespmem:v5+s25+$0x4242 ss:$0x1], $0xffff  }
0x86: {  	v25 =	vadd.f32 v25, v35;
	v19 =	vadd.f32 v24, v19;
	v22 =	vld.idx.msk [tilespmem:v28+s14+$0x0], $0xffff  }
0x87: {  	v4 =	vadd.f32 v26, v4;
	v21 =	vld.idx.msk [tilespmem:v5+s25+$0x4141 ss:$0x1], $0xffff  }
.Ltmp2:
0x88: {  	v25 =	vadd.f32 v25, v19;
	v24 =	vld.idx.msk [tilespmem:v30+s14+$0x0], $0xffff;
	(pc) =	sbr.rel @p0 .LBB2_7-.Ltmp2, $4  }
0x89: {  	v19 =	vld.idx.msk [tilespmem:v5+s25+$0x4646 ss:$0x1], $0xffff  }
0x8a: {  	v6 =	vadd.f32 v25, v6;
	v27 =	vld.idx.msk [tilespmem:v17+s14+$0x0], $0xffff  }
0x8b: {  	v25 =	vld.idx.msk [tilespmem:v5+s25+$0x4040 ss:$0x1], $0xffff  }
0x8c: {  	v17 =	vadd.s32 $0x808, v17;
	v26 =	vld.idx.msk [tilespmem:v34+s14+$0x0], $0xffff  }
0x8d: {  	_ =	sdelay $0x3  }
0x8e: {  	v11 =	vld.idx.msk [tilespmem:v23+s14+$0x0], $0xffff  }
0x8f: {  	v14 =	vld.idx.msk [tilespmem:v20+s14+$0x0], $0xffff  }
0x90: {  	v17 =	vld.idx.msk [tilespmem:v18+s14+$0x0], $0xffff  }
0x91: {  	v13 =	vmul.f32 v12, v8;
	v16 =	vld.idx.msk [tilespmem:v16+s14+$0x0], $0xffff  }
0x92: {  	v10 =	vmul.f32 v12, v10;
	v32 =	vmul.f32 v24, v9;
	v38 =	vld.idx.msk [tilespmem:v5+s25+$0x4545 ss:$0x1], $0xffff  }
0x93: {  	v33 =	vmul.f32 v12, v7;
	v29 =	vld.idx.msk [tilespmem:v5+s25+$0x4444 ss:$0x1], $0xffff;
	v41 =	vmul.f32 v22, v9  }
0x94: {  	v40 =	vld.idx.msk [tilespmem:v5+s25+$0x4747 ss:$0x1], $0xffff;
	v63 =	vmul.f32 v27, v9;
	v37 =	vmul.f32 v10, v8  }
0x95: {  	v34 =	vmul.f32 v13, v7;
	v35 =	vmul.f32 v10, v7  }
0x96: {  	v28 =	vld.idx.msk [tilespmem:v5+s25+$0x4343 ss:$0x1], $0xffff;
	v36 =	vmul.f32 v26, v9;
	v43 =	vmul.f32 v37, v7  }
0x97: {  	v18 =	vadd.f32 v63, v25;
	v14 =	vmul.f32 v14, v9;
	v11 =	vmul.f32 v11, v9  }
0x98: {  	v17 =	vmul.f32 v17, v9;
	v42 =	vmul.f32 v16, v9;
	v44 =	vadd.f32 v32, v38  }
0x99: {  	v45 =	vadd.f32 v41, v29;
	v39 =	vmul.f32 v18, v12;
	v5 =	vadd.f32 v36, v40  }
0x9a: {  	v14 =	vadd.f32 v14, v21;
	v15 =	vadd.f32 v17, v15;
	v46 =	vmul.f32 v44, v35  }
0x9b: {  	v11 =	vadd.f32 v11, v28;
	v47 =	vmul.f32 v45, v33;
	v50 =	vmul.f32 v39, v39  }
0x9c: {  	v9 =	vadd.f32 v42, v19;
	v5 =	vmul.f32 v5, v43;
	v10 =	vmul.f32 v14, v10  }
0x9d: {  	v13 =	vmul.f32 v15, v13;
	v8 =	vmul.f32 v11, v37  }
0x9e: {  	v9 =	vmul.f32 v9, v34;
	v52 =	vmul.f32 v47, v47  }
0x9f: {  	v53 =	vmul.f32 v46, v46;
	v54 =	vmul.f32 v5, v5  }
0xa0: {  	v15 =	vmul.f32 v13, v13;
	v49 =	vmul.f32 v8, v8  }
0xa1: {  	v48 =	vmul.f32 v10, v10;
	v51 =	vmul.f32 v9, v9  }
0xa2: {  	v55 =	vadd.f32 v53, v52;
	v15 =	vadd.f32 v49, v15  }
0xa3: {  	v16 =	vadd.f32 v48, v50;
	v7 =	vadd.f32 v54, v51;
	_ =	sdelay $0x1  }
0xa4: {  	v15 =	vadd.f32 v15, v16;
	v7 =	vadd.f32 v7, v55;
	_ =	sdelay $0x1  }
0xa5: {  	v4 =	vadd.f32 v15, v4;
	v6 =	vadd.f32 v7, v6;
	_ =	sdelay $0x1  }
0xa6: {  	v4 =	vadd.f32 v6, v4;
	_ =	sdelay $0x1  }
0xa7: {  	v4 =	vmul.f32 $1.562500000e-02, v4;
	_ =	sdelay $0x1  }
0xa8: {  	v4 =	vadd.f32 $9.999999740e-06, v4;
	_ =	sdelay $0x1  }
0xa9: {  	v56 =	vshra.s32 v4, $0x1;
	v4 =	vmul.f32 $5.000000000e-01, v4  }
0xaa: {  	v6 =	vsub.s32 $0x5F3759DF, v56  }
0xab: {  	v57 =	vmul.f32 v6, v4;
	_ =	sdelay $0x1  }
0xac: {  	v7 =	vmul.f32 v6, v57;
	_ =	sdelay $0x1  }
0xad: {  	v7 =	vsub.f32 $1.500000000e+00, v7;
	_ =	sdelay $0x1  }
0xae: {  	v6 =	vmul.f32 v6, v7;
	_ =	sdelay $0x1  }
0xaf: {  	v7 =	vmul.f32 v6, v4;
	_ =	sdelay $0x1  }
0xb0: {  	v7 =	vmul.f32 v7, v6;
	_ =	sdelay $0x1  }
0xb1: {  	v7 =	vsub.f32 $1.500000000e+00, v7;
	_ =	sdelay $0x1  }
0xb2: {  	v6 =	vmul.f32 v7, v6;
	_ =	sdelay $0x1  }
0xb3: {  	v7 =	vmul.f32 v6, v4;
	_ =	sdelay $0x1  }
0xb4: {  	v7 =	vmul.f32 v7, v6;
	_ =	sdelay $0x1  }
0xb5: {  	v58 =	vadd.s32 $0x1, v3;
	v7 =	vsub.f32 $1.500000000e+00, v7  }
0xb6: {  	v59 =	vadd.s32 $0x2, v3  }
0xb7: {  	v60 =	vadd.s32 $0x3, v3;
	v6 =	vmul.f32 v7, v6  }
0xb8: {  	v61 =	vadd.s32 $0x4, v3  }
0xb9: {  	v62 =	vadd.s32 $0x5, v3;
	[tilespmem:v3+s15+$0x0] =	vst.idx.msk $0xffff, v39;
	v4 =	vmul.f32 v6, v4  }
0xba: {  	v63 =	vadd.s32 $0x6, v3;
	[tilespmem:v58+s15+$0x0] =	vst.idx.msk $0xffff, v10  }
0xbb: {  	s23 =	sadd.s32 $0x1, s23;
	v3 =	vadd.s32 $0x7, v3;
	[tilespmem:v59+s15+$0x0] =	vst.idx.msk $0xffff, v13;
	v4 =	vmul.f32 v4, v6  }
0xbc: {  	p0 =	sne.s32 s23, $0x10;
	[tilespmem:v60+s15+$0x0] =	vst.idx.msk $0xffff, v8  }
.Ltmp3:
0xbd: {  	[tilespmem:v61+s15+$0x0] =	vst.idx.msk $0xffff, v47;
	v4 =	vsub.f32 $1.500000000e+00, v4;
	(pc) =	sbr.rel @p0 .LBB2_6-.Ltmp3, $4  }
0xbe: {  	[tilespmem:v62+s15+$0x0] =	vst.idx.msk $0xffff, v46  }
0xbf: {  	[tilespmem:v63+s15+$0x0] =	vst.idx.msk $0xffff, v9;
	v4 =	vmul.f32 v4, v6  }
0xc0: {  	[tilespmem:v3+s15+$0x0] =	vst.idx.msk $0xffff, v5  }
0xc1: {  	s22 =	sadd.s32 $0x10, s22;
	[tilespmem:s24+$0x14580] =	vst v4  }
0xc2: {  	s22 =	simm.s32 $0x0  }
0xc3: {  	s23 =	simm.s32 $0x3C0;
	s24 =	simm.s32 $0x14580;
	s25 =	simm.s32 $0x10380  }
.LBB2_10:
0xc4: {  	v4 =	vor.u32 s22, v0;
	s26 =	sadd.s32 $0x10, s22  }
0xc5: {  	s29 =	sadd.s32 $0x20, s22;
	v5 =	vor.u32 s26, v0  }
0xc6: {  	s30 =	sadd.s32 $0x30, s22;
	v6 =	vor.u32 s29, v0  }
0xc7: {  	s28 =	sadd.s32 $0x41, s22;
	v3 =	vld [tilespmem:s24+$0x0];
	v7 =	vor.u32 s30, v0  }
0xc8: {  	s31 =	sadd.s32 $0x51, s22;
	v8 =	vadd.s32 s28, v0  }
0xc9: {  	v9 =	vadd.s32 s31, v0;
	s28 =	sadd.s32 $0x61, s22;
	v4 =	vld.idx.msk [tilespmem:v4+s15+$0x0], $0xffff  }
0xca: {  	s29 =	sadd.s32 $0x71, s22;
	v10 =	vadd.s32 s28, v0;
	v5 =	vld.idx.msk [tilespmem:v5+s15+$0x0], $0xffff  }
0xcb: {  	v11 =	vadd.s32 s29, v0;
	v6 =	vld.idx.msk [tilespmem:v6+s15+$0x0], $0xffff  }
0xcc: {  	v12 =	vbroadcast v3, $0x0;
	v7 =	vld.idx.msk [tilespmem:v7+s15+$0x0], $0xffff  }
0xcd: {  	v8 =	vld.idx.msk [tilespmem:v8+s15+$0x0], $0xffff  }
0xce: {  	v9 =	vld.idx.msk [tilespmem:v9+s15+$0x0], $0xffff;
	v4 =	vmul.f32 v12, v4  }
0xcf: {  	v10 =	vld.idx.msk [tilespmem:v10+s15+$0x0], $0xffff;
	v5 =	vmul.f32 v5, v12  }
0xd0: {  	v22 =	vbroadcast v3, $0x1;
	v11 =	vld.idx.msk [tilespmem:v11+s15+$0x0], $0xffff;
	v6 =	vmul.f32 v6, v12;
	[tilespmem:s25+$0xFFFFFE00] =	vst v4  }
0xd1: {  	v7 =	vmul.f32 v7, v12;
	[tilespmem:s25+$0xFFFFFE10] =	vst v5  }
0xd2: {  	s30 =	sadd.s32 $0x82, s22;
	v23 =	vmul.f32 v8, v22;
	[tilespmem:s25+$0xFFFFFE20] =	vst v6  }
0xd3: {  	s31 =	sadd.s32 $0x92, s22;
	s28 =	sadd.s32 $0xFFFFFC80, s23;
	v25 =	vadd.s32 s30, v0;
	v24 =	vmul.f32 v9, v22;
	[tilespmem:s25+$0xFFFFFE30] =	vst v7  }
0xd4: {  	v27 =	vadd.s32 s31, v0;
	s30 =	sadd.s32 $0xA2, s22;
	s29 =	sor.u32 $0x50, s28;
	v26 =	vmul.f32 v10, v22;
	[tilespmem:s25+$0xFFFFFE40] =	vst v23  }
0xd5: {  	s31 =	sor.u32 $0x60, s28;
	v28 =	vadd.s32 s30, v0;
	s30 =	sadd.s32 $0xB2, s22;
	v4 =	vmul.f32 v11, v22;
	[tilespmem:s29+$0x10180] =	vst v24  }
0xd6: {  	s28 =	sor.u32 $0x70, s28;
	v29 =	vadd.s32 s30, v0;
	[tilespmem:s31+$0x10180] =	vst v26;
	s31 =	sadd.s32 $0xC3, s22  }
0xd7: {  	s30 =	sadd.s32 $0xD3, s22;
	[tilespmem:s28+$0x10180] =	vst v4;
	v30 =	vadd.s32 s31, v0  }
0xd8: {  	v31 =	vadd.s32 s30, v0;
	s31 =	sadd.s32 $0xE3, s22;
	v7 =	vld.idx.msk [tilespmem:v25+s15+$0x0], $0xffff  }
0xd9: {  	s28 =	sadd.s32 $0xF3, s22;
	v5 =	vld.idx.msk [tilespmem:v27+s15+$0x0], $0xffff;
	v32 =	vadd.s32 s31, v0  }
0xda: {  	v6 =	vld.idx.msk [tilespmem:v28+s15+$0x0], $0xffff;
	v33 =	vadd.s32 s28, v0  }
0xdb: {  	v34 =	vbroadcast v3, $0x2;
	v8 =	vld.idx.msk [tilespmem:v29+s15+$0x0], $0xffff  }
0xdc: {  	v4 =	vld.idx.msk [tilespmem:v30+s15+$0x0], $0xffff  }
0xdd: {  	v9 =	vld.idx.msk [tilespmem:v31+s15+$0x0], $0xffff;
	v7 =	vmul.f32 v7, v34  }
0xde: {  	v10 =	vld.idx.msk [tilespmem:v32+s15+$0x0], $0xffff;
	v5 =	vmul.f32 v5, v34  }
0xdf: {  	v35 =	vbroadcast v3, $0x3;
	v11 =	vld.idx.msk [tilespmem:v33+s15+$0x0], $0xffff;
	v6 =	vmul.f32 v6, v34;
	[tilespmem:s25+$0xFFFFFE80] =	vst v7  }
0xe0: {  	v8 =	vmul.f32 v8, v34;
	[tilespmem:s25+$0xFFFFFE90] =	vst v5  }
0xe1: {  	s29 =	sadd.s32 $0x104, s22;
	[tilespmem:s25+$0xFFFFFEA0] =	vst v6;
	v4 =	vmul.f32 v4, v35  }
0xe2: {  	s30 =	sadd.s32 $0x114, s22;
	v37 =	vadd.s32 s29, v0;
	s28 =	sadd.s32 $0xFFFFFD00, s23;
	v36 =	vmul.f32 v9, v35;
	[tilespmem:s25+$0xFFFFFEB0] =	vst v8  }
0xe3: {  	v39 =	vadd.s32 s30, v0;
	s30 =	sadd.s32 $0x124, s22;
	s31 =	sor.u32 $0x50, s28;
	v38 =	vmul.f32 v10, v35;
	[tilespmem:s25+$0xFFFFFEC0] =	vst v4  }
0xe4: {  	v40 =	vadd.s32 s30, v0;
	s30 =	sadd.s32 $0x134, s22;
	v7 =	vmul.f32 v11, v35;
	[tilespmem:s31+$0x10180] =	vst v36;
	s31 =	sor.u32 $0x60, s28  }
0xe5: {  	v41 =	vadd.s32 s30, v0;
	s28 =	sor.u32 $0x70, s28;
	[tilespmem:s31+$0x10180] =	vst v38;
	s31 =	sadd.s32 $0x145, s22  }
0xe6: {  	s30 =	sadd.s32 $0x155, s22;
	[tilespmem:s28+$0x10180] =	vst v7;
	v42 =	vadd.s32 s31, v0  }
0xe7: {  	v43 =	vadd.s32 s30, v0;
	s31 =	sadd.s32 $0x165, s22;
	v6 =	vld.idx.msk [tilespmem:v37+s15+$0x0], $0xffff  }
0xe8: {  	s28 =	sadd.s32 $0x175, s22;
	v4 =	vld.idx.msk [tilespmem:v39+s15+$0x0], $0xffff;
	v44 =	vadd.s32 s31, v0  }
0xe9: {  	v5 =	vld.idx.msk [tilespmem:v40+s15+$0x0], $0xffff;
	v45 =	vadd.s32 s28, v0  }
0xea: {  	v46 =	vbroadcast v3, $0x4;
	v8 =	vld.idx.msk [tilespmem:v41+s15+$0x0], $0xffff  }
0xeb: {  	v7 =	vld.idx.msk [tilespmem:v42+s15+$0x0], $0xffff  }
0xec: {  	v9 =	vld.idx.msk [tilespmem:v43+s15+$0x0], $0xffff;
	v6 =	vmul.f32 v6, v46  }
0xed: {  	v10 =	vld.idx.msk [tilespmem:v44+s15+$0x0], $0xffff;
	v4 =	vmul.f32 v4, v46  }
0xee: {  	v47 =	vbroadcast v3, $0x5;
	v11 =	vld.idx.msk [tilespmem:v45+s15+$0x0], $0xffff;
	v5 =	vmul.f32 v5, v46;
	[tilespmem:s25+$0xFFFFFF00] =	vst v6  }
0xef: {  	v8 =	vmul.f32 v8, v46;
	[tilespmem:s25+$0xFFFFFF10] =	vst v4  }
0xf0: {  	s29 =	sadd.s32 $0x186, s22;
	[tilespmem:s25+$0xFFFFFF20] =	vst v5;
	v48 =	vmul.f32 v7, v47  }
0xf1: {  	s30 =	sadd.s32 $0x196, s22;
	v50 =	vadd.s32 s29, v0;
	s28 =	sadd.s32 $0xFFFFFD80, s23;
	v49 =	vmul.f32 v9, v47;
	[tilespmem:s25+$0xFFFFFF30] =	vst v8  }
0xf2: {  	v52 =	vadd.s32 s30, v0;
	s30 =	sadd.s32 $0x1A6, s22;
	s31 =	sor.u32 $0x50, s28;
	v51 =	vmul.f32 v10, v47;
	[tilespmem:s25+$0xFFFFFF40] =	vst v48  }
0xf3: {  	v53 =	vadd.s32 s30, v0;
	s30 =	sadd.s32 $0x1B6, s22;
	v6 =	vmul.f32 v11, v47;
	[tilespmem:s31+$0x10180] =	vst v49;
	s31 =	sor.u32 $0x60, s28  }
0xf4: {  	v54 =	vadd.s32 s30, v0;
	s28 =	sor.u32 $0x70, s28;
	[tilespmem:s31+$0x10180] =	vst v51;
	s31 =	sadd.s32 $0x1C7, s22  }
0xf5: {  	s30 =	sadd.s32 $0x1D7, s22;
	[tilespmem:s28+$0x10180] =	vst v6;
	v55 =	vadd.s32 s31, v0  }
0xf6: {  	v56 =	vadd.s32 s30, v0;
	s31 =	sadd.s32 $0x1E7, s22;
	v7 =	vld.idx.msk [tilespmem:v50+s15+$0x0], $0xffff  }
0xf7: {  	s28 =	sadd.s32 $0x1F7, s22;
	v4 =	vld.idx.msk [tilespmem:v52+s15+$0x0], $0xffff;
	v57 =	vadd.s32 s31, v0  }
0xf8: {  	v5 =	vld.idx.msk [tilespmem:v53+s15+$0x0], $0xffff;
	v58 =	vadd.s32 s28, v0  }
0xf9: {  	v59 =	vbroadcast v3, $0x6;
	v8 =	vld.idx.msk [tilespmem:v54+s15+$0x0], $0xffff  }
0xfa: {  	v6 =	vld.idx.msk [tilespmem:v55+s15+$0x0], $0xffff  }
0xfb: {  	v9 =	vld.idx.msk [tilespmem:v56+s15+$0x0], $0xffff;
	v7 =	vmul.f32 v7, v59  }
0xfc: {  	v10 =	vld.idx.msk [tilespmem:v57+s15+$0x0], $0xffff;
	v4 =	vmul.f32 v4, v59  }
0xfd: {  	v60 =	vbroadcast v3, $0x7;
	v11 =	vld.idx.msk [tilespmem:v58+s15+$0x0], $0xffff;
	v5 =	vmul.f32 v5, v59;
	[tilespmem:s25+$0xFFFFFF80] =	vst v7  }
0xfe: {  	v8 =	vmul.f32 v8, v59;
	[tilespmem:s25+$0xFFFFFF90] =	vst v4  }
0xff: {  	s29 =	sadd.s32 $0x208, s22;
	[tilespmem:s25+$0xFFFFFFA0] =	vst v5;
	v61 =	vmul.f32 v6, v60  }
0x100: {  	s30 =	sadd.s32 $0x218, s22;
	v63 =	vadd.s32 s29, v0;
	s28 =	sadd.s32 $0xFFFFFE00, s23;
	v62 =	vmul.f32 v9, v60;
	[tilespmem:s25+$0xFFFFFFB0] =	vst v8  }
0x101: {  	v13 =	vadd.s32 s30, v0;
	s30 =	sadd.s32 $0x228, s22;
	s31 =	sor.u32 $0x50, s28;
	v12 =	vmul.f32 v10, v60;
	[tilespmem:s25+$0xFFFFFFC0] =	vst v61  }
0x102: {  	v14 =	vadd.s32 s30, v0;
	s30 =	sadd.s32 $0x238, s22;
	v7 =	vmul.f32 v11, v60;
	[tilespmem:s31+$0x10180] =	vst v62;
	s31 =	sor.u32 $0x60, s28  }
0x103: {  	v15 =	vadd.s32 s30, v0;
	s28 =	sor.u32 $0x70, s28;
	[tilespmem:s31+$0x10180] =	vst v12;
	s31 =	sadd.s32 $0x249, s22  }
0x104: {  	s30 =	sadd.s32 $0x259, s22;
	[tilespmem:s28+$0x10180] =	vst v7;
	v16 =	vadd.s32 s31, v0  }
0x105: {  	v17 =	vadd.s32 s30, v0;
	s31 =	sadd.s32 $0x269, s22;
	v6 =	vld.idx.msk [tilespmem:v63+s15+$0x0], $0xffff  }
0x106: {  	s28 =	sadd.s32 $0x279, s22;
	v4 =	vld.idx.msk [tilespmem:v13+s15+$0x0], $0xffff;
	v18 =	vadd.s32 s31, v0  }
0x107: {  	v5 =	vld.idx.msk [tilespmem:v14+s15+$0x0], $0xffff;
	v19 =	vadd.s32 s28, v0  }
0x108: {  	v20 =	vbroadcast v3, $0x8;
	v8 =	vld.idx.msk [tilespmem:v15+s15+$0x0], $0xffff  }
0x109: {  	v7 =	vld.idx.msk [tilespmem:v16+s15+$0x0], $0xffff  }
0x10a: {  	v9 =	vld.idx.msk [tilespmem:v17+s15+$0x0], $0xffff;
	v6 =	vmul.f32 v6, v20  }
0x10b: {  	v10 =	vld.idx.msk [tilespmem:v18+s15+$0x0], $0xffff;
	v4 =	vmul.f32 v4, v20  }
0x10c: {  	v21 =	vbroadcast v3, $0x9;
	v11 =	vld.idx.msk [tilespmem:v19+s15+$0x0], $0xffff;
	v5 =	vmul.f32 v5, v20;
	[tilespmem:s25+$0x0] =	vst v6  }
0x10d: {  	v8 =	vmul.f32 v8, v20;
	[tilespmem:s25+$0x10] =	vst v4  }
0x10e: {  	s29 =	sadd.s32 $0x28A, s22;
	[tilespmem:s25+$0x20] =	vst v5;
	v22 =	vmul.f32 v7, v21  }
0x10f: {  	s30 =	sadd.s32 $0x29A, s22;
	v24 =	vadd.s32 s29, v0;
	s28 =	sadd.s32 $0xFFFFFE80, s23;
	v23 =	vmul.f32 v9, v21;
	[tilespmem:s25+$0x30] =	vst v8  }
0x110: {  	v26 =	vadd.s32 s30, v0;
	s30 =	sadd.s32 $0x2AA, s22;
	s31 =	sor.u32 $0x50, s28;
	v25 =	vmul.f32 v10, v21;
	[tilespmem:s25+$0x40] =	vst v22  }
0x111: {  	v27 =	vadd.s32 s30, v0;
	s30 =	sadd.s32 $0x2BA, s22;
	v6 =	vmul.f32 v11, v21;
	[tilespmem:s31+$0x10180] =	vst v23;
	s31 =	sor.u32 $0x60, s28  }
0x112: {  	v28 =	vadd.s32 s30, v0;
	s28 =	sor.u32 $0x70, s28;
	[tilespmem:s31+$0x10180] =	vst v25;
	s31 =	sadd.s32 $0x2CB, s22  }
0x113: {  	s30 =	sadd.s32 $0x2DB, s22;
	[tilespmem:s28+$0x10180] =	vst v6;
	v29 =	vadd.s32 s31, v0  }
0x114: {  	v30 =	vadd.s32 s30, v0;
	s31 =	sadd.s32 $0x2EB, s22;
	v7 =	vld.idx.msk [tilespmem:v24+s15+$0x0], $0xffff  }
0x115: {  	s28 =	sadd.s32 $0x2FB, s22;
	v4 =	vld.idx.msk [tilespmem:v26+s15+$0x0], $0xffff;
	v31 =	vadd.s32 s31, v0  }
0x116: {  	v5 =	vld.idx.msk [tilespmem:v27+s15+$0x0], $0xffff;
	v32 =	vadd.s32 s28, v0  }
0x117: {  	v33 =	vbroadcast v3, $0xA;
	v8 =	vld.idx.msk [tilespmem:v28+s15+$0x0], $0xffff  }
0x118: {  	v6 =	vld.idx.msk [tilespmem:v29+s15+$0x0], $0xffff  }
0x119: {  	v9 =	vld.idx.msk [tilespmem:v30+s15+$0x0], $0xffff;
	v7 =	vmul.f32 v7, v33  }
0x11a: {  	v10 =	vld.idx.msk [tilespmem:v31+s15+$0x0], $0xffff;
	v4 =	vmul.f32 v4, v33  }
0x11b: {  	v34 =	vbroadcast v3, $0xB;
	v11 =	vld.idx.msk [tilespmem:v32+s15+$0x0], $0xffff;
	v5 =	vmul.f32 v5, v33;
	[tilespmem:s25+$0x80] =	vst v7  }
0x11c: {  	v8 =	vmul.f32 v8, v33;
	[tilespmem:s25+$0x90] =	vst v4  }
0x11d: {  	s29 =	sadd.s32 $0x30C, s22;
	[tilespmem:s25+$0xA0] =	vst v5;
	v35 =	vmul.f32 v6, v34  }
0x11e: {  	s30 =	sadd.s32 $0x31C, s22;
	v37 =	vadd.s32 s29, v0;
	s28 =	sadd.s32 $0xFFFFFF00, s23;
	v36 =	vmul.f32 v9, v34;
	[tilespmem:s25+$0xB0] =	vst v8  }
0x11f: {  	v39 =	vadd.s32 s30, v0;
	s30 =	sadd.s32 $0x32C, s22;
	s31 =	sor.u32 $0x50, s28;
	v38 =	vmul.f32 v10, v34;
	[tilespmem:s25+$0xC0] =	vst v35  }
0x120: {  	v40 =	vadd.s32 s30, v0;
	s30 =	sadd.s32 $0x33C, s22;
	v7 =	vmul.f32 v11, v34;
	[tilespmem:s31+$0x10180] =	vst v36;
	s31 =	sor.u32 $0x60, s28  }
0x121: {  	v41 =	vadd.s32 s30, v0;
	s28 =	sor.u32 $0x70, s28;
	[tilespmem:s31+$0x10180] =	vst v38;
	s31 =	sadd.s32 $0x34D, s22  }
0x122: {  	s30 =	sadd.s32 $0x35D, s22;
	[tilespmem:s28+$0x10180] =	vst v7;
	v42 =	vadd.s32 s31, v0  }
0x123: {  	v43 =	vadd.s32 s30, v0;
	s31 =	sadd.s32 $0x36D, s22;
	v6 =	vld.idx.msk [tilespmem:v37+s15+$0x0], $0xffff  }
0x124: {  	s28 =	sadd.s32 $0x37D, s22;
	v4 =	vld.idx.msk [tilespmem:v39+s15+$0x0], $0xffff;
	v44 =	vadd.s32 s31, v0  }
0x125: {  	v5 =	vld.idx.msk [tilespmem:v40+s15+$0x0], $0xffff;
	v45 =	vadd.s32 s28, v0  }
0x126: {  	v46 =	vbroadcast v3, $0xC;
	v8 =	vld.idx.msk [tilespmem:v41+s15+$0x0], $0xffff  }
0x127: {  	v7 =	vld.idx.msk [tilespmem:v42+s15+$0x0], $0xffff  }
0x128: {  	v9 =	vld.idx.msk [tilespmem:v43+s15+$0x0], $0xffff;
	v6 =	vmul.f32 v6, v46  }
0x129: {  	v10 =	vld.idx.msk [tilespmem:v44+s15+$0x0], $0xffff;
	v4 =	vmul.f32 v4, v46  }
0x12a: {  	v47 =	vbroadcast v3, $0xD;
	v11 =	vld.idx.msk [tilespmem:v45+s15+$0x0], $0xffff;
	v5 =	vmul.f32 v5, v46;
	[tilespmem:s25+$0x100] =	vst v6  }
0x12b: {  	v8 =	vmul.f32 v8, v46;
	[tilespmem:s25+$0x110] =	vst v4  }
0x12c: {  	s29 =	sadd.s32 $0x38E, s22;
	[tilespmem:s25+$0x120] =	vst v5;
	v48 =	vmul.f32 v7, v47  }
0x12d: {  	s30 =	sadd.s32 $0x39E, s22;
	v50 =	vadd.s32 s29, v0;
	s28 =	sadd.s32 $0xFFFFFF80, s23;
	v49 =	vmul.f32 v9, v47;
	[tilespmem:s25+$0x130] =	vst v8  }
0x12e: {  	v52 =	vadd.s32 s30, v0;
	s30 =	sadd.s32 $0x3AE, s22;
	s31 =	sor.u32 $0x50, s28;
	v51 =	vmul.f32 v10, v47;
	[tilespmem:s25+$0x140] =	vst v48  }
0x12f: {  	v53 =	vadd.s32 s30, v0;
	s30 =	sadd.s32 $0x3BE, s22;
	v6 =	vmul.f32 v11, v47;
	[tilespmem:s31+$0x10180] =	vst v49;
	s31 =	sor.u32 $0x60, s28  }
0x130: {  	v54 =	vadd.s32 s30, v0;
	s28 =	sor.u32 $0x70, s28;
	[tilespmem:s31+$0x10180] =	vst v51;
	s31 =	sadd.s32 $0x3CF, s22  }
0x131: {  	s30 =	sadd.s32 $0x3DF, s22;
	[tilespmem:s28+$0x10180] =	vst v6;
	v55 =	vadd.s32 s31, v0  }
0x132: {  	v56 =	vadd.s32 s30, v0;
	s31 =	sadd.s32 $0x3EF, s22;
	v7 =	vld.idx.msk [tilespmem:v50+s15+$0x0], $0xffff  }
0x133: {  	s28 =	sadd.s32 $0x3FF, s22;
	v4 =	vld.idx.msk [tilespmem:v52+s15+$0x0], $0xffff;
	v57 =	vadd.s32 s31, v0  }
0x134: {  	v5 =	vld.idx.msk [tilespmem:v53+s15+$0x0], $0xffff;
	v58 =	vadd.s32 s28, v0  }
0x135: {  	v59 =	vbroadcast v3, $0xE;
	v8 =	vld.idx.msk [tilespmem:v54+s15+$0x0], $0xffff  }
0x136: {  	v6 =	vld.idx.msk [tilespmem:v55+s15+$0x0], $0xffff  }
0x137: {  	v9 =	vld.idx.msk [tilespmem:v56+s15+$0x0], $0xffff;
	v7 =	vmul.f32 v7, v59  }
0x138: {  	v10 =	vld.idx.msk [tilespmem:v57+s15+$0x0], $0xffff;
	v4 =	vmul.f32 v4, v59  }
0x139: {  	v3 =	vbroadcast v3, $0xF;
	v11 =	vld.idx.msk [tilespmem:v58+s15+$0x0], $0xffff;
	v5 =	vmul.f32 v5, v59;
	[tilespmem:s25+$0x180] =	vst v7  }
0x13a: {  	v60 =	vmul.f32 v8, v59;
	[tilespmem:s25+$0x190] =	vst v4  }
0x13b: {  	p0 =	sne.s32 s22, $0xC30;
	[tilespmem:s25+$0x1A0] =	vst v5;
	v61 =	vmul.f32 v6, v3  }
.Ltmp4:
0x13c: {  	v62 =	vmul.f32 v9, v3;
	[tilespmem:s25+$0x1B0] =	vst v60;
	(pc) =	sbr.rel @p0 .LBB2_10-.Ltmp4, $4  }
0x13d: {  	s29 =	sor.u32 $0x50, s23;
	v63 =	vmul.f32 v10, v3;
	[tilespmem:s25+$0x1C0] =	vst v61  }
0x13e: {  	s30 =	sor.u32 $0x60, s23;
	v3 =	vmul.f32 v11, v3;
	[tilespmem:s29+$0x10180] =	vst v62  }
0x13f: {  	s24 =	sadd.s32 $0x10, s24;
	s31 =	sor.u32 $0x70, s23;
	[tilespmem:s30+$0x10180] =	vst v63  }
0x140: {  	s22 =	sadd.s32 $0x410, s22;
	s23 =	sadd.s32 $0x400, s23;
	s25 =	sadd.s32 $0x400, s25;
	[tilespmem:s31+$0x10180] =	vst v3  }
0x141: {  	[hbm4b:s6+s11] =	stream.strided.scatter [tilespmem:s16], [sflag:$0x2], $0x1000, s12, s11, $0x38;
	[tilespmem:$0x14680] =	vst v63  }
0x142: {  	s22 =	simm.s32 $0x1040  }
0x143: {  	s23 =	simm.s32 $0x13C0;
	s24 =	simm.s32 $0x11540;
	s25 =	simm.s32 $0x145C0  }
.LBB2_12:
0x144: {  	v4 =	vor.u32 s22, v0;
	s26 =	sadd.s32 $0x10, s22  }
0x145: {  	s29 =	sadd.s32 $0x20, s22;
	v5 =	vor.u32 s26, v0  }
0x146: {  	s30 =	sadd.s32 $0x30, s22;
	v6 =	vor.u32 s29, v0  }
0x147: {  	s28 =	sadd.s32 $0x41, s22;
	v3 =	vld [tilespmem:s25+$0x0];
	v7 =	vor.u32 s30, v0  }
0x148: {  	s31 =	sadd.s32 $0x51, s22;
	v8 =	vadd.s32 s28, v0  }
0x149: {  	v9 =	vadd.s32 s31, v0;
	s28 =	sadd.s32 $0x61, s22;
	v4 =	vld.idx.msk [tilespmem:v4+s15+$0x0], $0xffff  }
0x14a: {  	s29 =	sadd.s32 $0x71, s22;
	v10 =	vadd.s32 s28, v0;
	v5 =	vld.idx.msk [tilespmem:v5+s15+$0x0], $0xffff  }
0x14b: {  	v11 =	vadd.s32 s29, v0;
	v6 =	vld.idx.msk [tilespmem:v6+s15+$0x0], $0xffff  }
0x14c: {  	v12 =	vbroadcast v3, $0x0;
	v7 =	vld.idx.msk [tilespmem:v7+s15+$0x0], $0xffff  }
0x14d: {  	v8 =	vld.idx.msk [tilespmem:v8+s15+$0x0], $0xffff  }
0x14e: {  	v9 =	vld.idx.msk [tilespmem:v9+s15+$0x0], $0xffff;
	v4 =	vmul.f32 v12, v4  }
0x14f: {  	v10 =	vld.idx.msk [tilespmem:v10+s15+$0x0], $0xffff;
	v5 =	vmul.f32 v5, v12  }
0x150: {  	v22 =	vbroadcast v3, $0x1;
	v11 =	vld.idx.msk [tilespmem:v11+s15+$0x0], $0xffff;
	v6 =	vmul.f32 v6, v12;
	[tilespmem:s24+$0xFFFFFC40] =	vst v4  }
0x151: {  	v7 =	vmul.f32 v7, v12;
	[tilespmem:s24+$0xFFFFFC50] =	vst v5  }
0x152: {  	s30 =	sadd.s32 $0x82, s22;
	v23 =	vmul.f32 v8, v22;
	[tilespmem:s24+$0xFFFFFC60] =	vst v6  }
0x153: {  	s31 =	sadd.s32 $0x92, s22;
	s28 =	sadd.s32 $0xFFFFFC80, s23;
	v25 =	vadd.s32 s30, v0;
	v24 =	vmul.f32 v9, v22;
	[tilespmem:s24+$0xFFFFFC70] =	vst v7  }
0x154: {  	v27 =	vadd.s32 s31, v0;
	s30 =	sadd.s32 $0xA2, s22;
	s29 =	sor.u32 $0x50, s28;
	v26 =	vmul.f32 v10, v22;
	[tilespmem:s24+$0xFFFFFC80] =	vst v23  }
0x155: {  	s31 =	sor.u32 $0x60, s28;
	v28 =	vadd.s32 s30, v0;
	s30 =	sadd.s32 $0xB2, s22;
	v4 =	vmul.f32 v11, v22;
	[tilespmem:s29+$0x10180] =	vst v24  }
0x156: {  	s28 =	sor.u32 $0x70, s28;
	v29 =	vadd.s32 s30, v0;
	[tilespmem:s31+$0x10180] =	vst v26;
	s31 =	sadd.s32 $0xC3, s22  }
0x157: {  	s30 =	sadd.s32 $0xD3, s22;
	[tilespmem:s28+$0x10180] =	vst v4;
	v30 =	vadd.s32 s31, v0  }
0x158: {  	v31 =	vadd.s32 s30, v0;
	s31 =	sadd.s32 $0xE3, s22;
	v7 =	vld.idx.msk [tilespmem:v25+s15+$0x0], $0xffff  }
0x159: {  	s28 =	sadd.s32 $0xF3, s22;
	v5 =	vld.idx.msk [tilespmem:v27+s15+$0x0], $0xffff;
	v32 =	vadd.s32 s31, v0  }
0x15a: {  	v6 =	vld.idx.msk [tilespmem:v28+s15+$0x0], $0xffff;
	v33 =	vadd.s32 s28, v0  }
0x15b: {  	v34 =	vbroadcast v3, $0x2;
	v8 =	vld.idx.msk [tilespmem:v29+s15+$0x0], $0xffff  }
0x15c: {  	v4 =	vld.idx.msk [tilespmem:v30+s15+$0x0], $0xffff  }
0x15d: {  	v9 =	vld.idx.msk [tilespmem:v31+s15+$0x0], $0xffff;
	v7 =	vmul.f32 v7, v34  }
0x15e: {  	v10 =	vld.idx.msk [tilespmem:v32+s15+$0x0], $0xffff;
	v5 =	vmul.f32 v5, v34  }
0x15f: {  	v35 =	vbroadcast v3, $0x3;
	v11 =	vld.idx.msk [tilespmem:v33+s15+$0x0], $0xffff;
	v6 =	vmul.f32 v6, v34;
	[tilespmem:s24+$0xFFFFFCC0] =	vst v7  }
0x160: {  	v8 =	vmul.f32 v8, v34;
	[tilespmem:s24+$0xFFFFFCD0] =	vst v5  }
0x161: {  	s29 =	sadd.s32 $0x104, s22;
	[tilespmem:s24+$0xFFFFFCE0] =	vst v6;
	v4 =	vmul.f32 v4, v35  }
0x162: {  	s30 =	sadd.s32 $0x114, s22;
	v37 =	vadd.s32 s29, v0;
	s28 =	sadd.s32 $0xFFFFFD00, s23;
	v36 =	vmul.f32 v9, v35;
	[tilespmem:s24+$0xFFFFFCF0] =	vst v8  }
0x163: {  	v39 =	vadd.s32 s30, v0;
	s30 =	sadd.s32 $0x124, s22;
	s31 =	sor.u32 $0x50, s28;
	v38 =	vmul.f32 v10, v35;
	[tilespmem:s24+$0xFFFFFD00] =	vst v4  }
0x164: {  	v40 =	vadd.s32 s30, v0;
	s30 =	sadd.s32 $0x134, s22;
	v7 =	vmul.f32 v11, v35;
	[tilespmem:s31+$0x10180] =	vst v36;
	s31 =	sor.u32 $0x60, s28  }
0x165: {  	v41 =	vadd.s32 s30, v0;
	s28 =	sor.u32 $0x70, s28;
	[tilespmem:s31+$0x10180] =	vst v38;
	s31 =	sadd.s32 $0x145, s22  }
0x166: {  	s30 =	sadd.s32 $0x155, s22;
	[tilespmem:s28+$0x10180] =	vst v7;
	v42 =	vadd.s32 s31, v0  }
0x167: {  	v43 =	vadd.s32 s30, v0;
	s31 =	sadd.s32 $0x165, s22;
	v6 =	vld.idx.msk [tilespmem:v37+s15+$0x0], $0xffff  }
0x168: {  	s28 =	sadd.s32 $0x175, s22;
	v4 =	vld.idx.msk [tilespmem:v39+s15+$0x0], $0xffff;
	v44 =	vadd.s32 s31, v0  }
0x169: {  	v5 =	vld.idx.msk [tilespmem:v40+s15+$0x0], $0xffff;
	v45 =	vadd.s32 s28, v0  }
0x16a: {  	v46 =	vbroadcast v3, $0x4;
	v8 =	vld.idx.msk [tilespmem:v41+s15+$0x0], $0xffff  }
0x16b: {  	v7 =	vld.idx.msk [tilespmem:v42+s15+$0x0], $0xffff  }
0x16c: {  	v9 =	vld.idx.msk [tilespmem:v43+s15+$0x0], $0xffff;
	v6 =	vmul.f32 v6, v46  }
0x16d: {  	v10 =	vld.idx.msk [tilespmem:v44+s15+$0x0], $0xffff;
	v4 =	vmul.f32 v4, v46  }
0x16e: {  	v47 =	vbroadcast v3, $0x5;
	v11 =	vld.idx.msk [tilespmem:v45+s15+$0x0], $0xffff;
	v5 =	vmul.f32 v5, v46;
	[tilespmem:s24+$0xFFFFFD40] =	vst v6  }
0x16f: {  	v8 =	vmul.f32 v8, v46;
	[tilespmem:s24+$0xFFFFFD50] =	vst v4  }
0x170: {  	s29 =	sadd.s32 $0x186, s22;
	[tilespmem:s24+$0xFFFFFD60] =	vst v5;
	v48 =	vmul.f32 v7, v47  }
0x171: {  	s30 =	sadd.s32 $0x196, s22;
	v50 =	vadd.s32 s29, v0;
	s28 =	sadd.s32 $0xFFFFFD80, s23;
	v49 =	vmul.f32 v9, v47;
	[tilespmem:s24+$0xFFFFFD70] =	vst v8  }
0x172: {  	v52 =	vadd.s32 s30, v0;
	s30 =	sadd.s32 $0x1A6, s22;
	s31 =	sor.u32 $0x50, s28;
	v51 =	vmul.f32 v10, v47;
	[tilespmem:s24+$0xFFFFFD80] =	vst v48  }
0x173: {  	v53 =	vadd.s32 s30, v0;
	s30 =	sadd.s32 $0x1B6, s22;
	v6 =	vmul.f32 v11, v47;
	[tilespmem:s31+$0x10180] =	vst v49;
	s31 =	sor.u32 $0x60, s28  }
0x174: {  	v54 =	vadd.s32 s30, v0;
	s28 =	sor.u32 $0x70, s28;
	[tilespmem:s31+$0x10180] =	vst v51;
	s31 =	sadd.s32 $0x1C7, s22  }
0x175: {  	s30 =	sadd.s32 $0x1D7, s22;
	[tilespmem:s28+$0x10180] =	vst v6;
	v55 =	vadd.s32 s31, v0  }
0x176: {  	v56 =	vadd.s32 s30, v0;
	s31 =	sadd.s32 $0x1E7, s22;
	v7 =	vld.idx.msk [tilespmem:v50+s15+$0x0], $0xffff  }
0x177: {  	s28 =	sadd.s32 $0x1F7, s22;
	v4 =	vld.idx.msk [tilespmem:v52+s15+$0x0], $0xffff;
	v57 =	vadd.s32 s31, v0  }
0x178: {  	v5 =	vld.idx.msk [tilespmem:v53+s15+$0x0], $0xffff;
	v58 =	vadd.s32 s28, v0  }
0x179: {  	v59 =	vbroadcast v3, $0x6;
	v8 =	vld.idx.msk [tilespmem:v54+s15+$0x0], $0xffff  }
0x17a: {  	v6 =	vld.idx.msk [tilespmem:v55+s15+$0x0], $0xffff  }
0x17b: {  	v9 =	vld.idx.msk [tilespmem:v56+s15+$0x0], $0xffff;
	v7 =	vmul.f32 v7, v59  }
0x17c: {  	v10 =	vld.idx.msk [tilespmem:v57+s15+$0x0], $0xffff;
	v4 =	vmul.f32 v4, v59  }
0x17d: {  	v60 =	vbroadcast v3, $0x7;
	v11 =	vld.idx.msk [tilespmem:v58+s15+$0x0], $0xffff;
	v5 =	vmul.f32 v5, v59;
	[tilespmem:s24+$0xFFFFFDC0] =	vst v7  }
0x17e: {  	v8 =	vmul.f32 v8, v59;
	[tilespmem:s24+$0xFFFFFDD0] =	vst v4  }
0x17f: {  	s29 =	sadd.s32 $0x208, s22;
	[tilespmem:s24+$0xFFFFFDE0] =	vst v5;
	v61 =	vmul.f32 v6, v60  }
0x180: {  	s30 =	sadd.s32 $0x218, s22;
	v63 =	vadd.s32 s29, v0;
	s28 =	sadd.s32 $0xFFFFFE00, s23;
	v62 =	vmul.f32 v9, v60;
	[tilespmem:s24+$0xFFFFFDF0] =	vst v8  }
0x181: {  	v13 =	vadd.s32 s30, v0;
	s30 =	sadd.s32 $0x228, s22;
	s31 =	sor.u32 $0x50, s28;
	v12 =	vmul.f32 v10, v60;
	[tilespmem:s24+$0xFFFFFE00] =	vst v61  }
0x182: {  	v14 =	vadd.s32 s30, v0;
	s30 =	sadd.s32 $0x238, s22;
	v7 =	vmul.f32 v11, v60;
	[tilespmem:s31+$0x10180] =	vst v62;
	s31 =	sor.u32 $0x60, s28  }
0x183: {  	v15 =	vadd.s32 s30, v0;
	s28 =	sor.u32 $0x70, s28;
	[tilespmem:s31+$0x10180] =	vst v12;
	s31 =	sadd.s32 $0x249, s22  }
0x184: {  	s30 =	sadd.s32 $0x259, s22;
	[tilespmem:s28+$0x10180] =	vst v7;
	v16 =	vadd.s32 s31, v0  }
0x185: {  	v17 =	vadd.s32 s30, v0;
	s31 =	sadd.s32 $0x269, s22;
	v6 =	vld.idx.msk [tilespmem:v63+s15+$0x0], $0xffff  }
0x186: {  	s28 =	sadd.s32 $0x279, s22;
	v4 =	vld.idx.msk [tilespmem:v13+s15+$0x0], $0xffff;
	v18 =	vadd.s32 s31, v0  }
0x187: {  	v5 =	vld.idx.msk [tilespmem:v14+s15+$0x0], $0xffff;
	v19 =	vadd.s32 s28, v0  }
0x188: {  	v20 =	vbroadcast v3, $0x8;
	v8 =	vld.idx.msk [tilespmem:v15+s15+$0x0], $0xffff  }
0x189: {  	v7 =	vld.idx.msk [tilespmem:v16+s15+$0x0], $0xffff  }
0x18a: {  	v9 =	vld.idx.msk [tilespmem:v17+s15+$0x0], $0xffff;
	v6 =	vmul.f32 v6, v20  }
0x18b: {  	v10 =	vld.idx.msk [tilespmem:v18+s15+$0x0], $0xffff;
	v4 =	vmul.f32 v4, v20  }
0x18c: {  	v21 =	vbroadcast v3, $0x9;
	v11 =	vld.idx.msk [tilespmem:v19+s15+$0x0], $0xffff;
	v5 =	vmul.f32 v5, v20;
	[tilespmem:s24+$0xFFFFFE40] =	vst v6  }
0x18d: {  	v8 =	vmul.f32 v8, v20;
	[tilespmem:s24+$0xFFFFFE50] =	vst v4  }
0x18e: {  	s29 =	sadd.s32 $0x28A, s22;
	[tilespmem:s24+$0xFFFFFE60] =	vst v5;
	v22 =	vmul.f32 v7, v21  }
0x18f: {  	s30 =	sadd.s32 $0x29A, s22;
	v24 =	vadd.s32 s29, v0;
	s28 =	sadd.s32 $0xFFFFFE80, s23;
	v23 =	vmul.f32 v9, v21;
	[tilespmem:s24+$0xFFFFFE70] =	vst v8  }
0x190: {  	v26 =	vadd.s32 s30, v0;
	s30 =	sadd.s32 $0x2AA, s22;
	s31 =	sor.u32 $0x50, s28;
	v25 =	vmul.f32 v10, v21;
	[tilespmem:s24+$0xFFFFFE80] =	vst v22  }
0x191: {  	v27 =	vadd.s32 s30, v0;
	s30 =	sadd.s32 $0x2BA, s22;
	v6 =	vmul.f32 v11, v21;
	[tilespmem:s31+$0x10180] =	vst v23;
	s31 =	sor.u32 $0x60, s28  }
0x192: {  	v28 =	vadd.s32 s30, v0;
	s28 =	sor.u32 $0x70, s28;
	[tilespmem:s31+$0x10180] =	vst v25;
	s31 =	sadd.s32 $0x2CB, s22  }
0x193: {  	s30 =	sadd.s32 $0x2DB, s22;
	[tilespmem:s28+$0x10180] =	vst v6;
	v29 =	vadd.s32 s31, v0  }
0x194: {  	v30 =	vadd.s32 s30, v0;
	s31 =	sadd.s32 $0x2EB, s22;
	v7 =	vld.idx.msk [tilespmem:v24+s15+$0x0], $0xffff  }
0x195: {  	s28 =	sadd.s32 $0x2FB, s22;
	v4 =	vld.idx.msk [tilespmem:v26+s15+$0x0], $0xffff;
	v31 =	vadd.s32 s31, v0  }
0x196: {  	v5 =	vld.idx.msk [tilespmem:v27+s15+$0x0], $0xffff;
	v32 =	vadd.s32 s28, v0  }
0x197: {  	v33 =	vbroadcast v3, $0xA;
	v8 =	vld.idx.msk [tilespmem:v28+s15+$0x0], $0xffff  }
0x198: {  	v6 =	vld.idx.msk [tilespmem:v29+s15+$0x0], $0xffff  }
0x199: {  	v9 =	vld.idx.msk [tilespmem:v30+s15+$0x0], $0xffff;
	v7 =	vmul.f32 v7, v33  }
0x19a: {  	v10 =	vld.idx.msk [tilespmem:v31+s15+$0x0], $0xffff;
	v4 =	vmul.f32 v4, v33  }
0x19b: {  	v34 =	vbroadcast v3, $0xB;
	v11 =	vld.idx.msk [tilespmem:v32+s15+$0x0], $0xffff;
	v5 =	vmul.f32 v5, v33;
	[tilespmem:s24+$0xFFFFFEC0] =	vst v7  }
0x19c: {  	v8 =	vmul.f32 v8, v33;
	[tilespmem:s24+$0xFFFFFED0] =	vst v4  }
0x19d: {  	s29 =	sadd.s32 $0x30C, s22;
	[tilespmem:s24+$0xFFFFFEE0] =	vst v5;
	v35 =	vmul.f32 v6, v34  }
0x19e: {  	s30 =	sadd.s32 $0x31C, s22;
	v37 =	vadd.s32 s29, v0;
	s28 =	sadd.s32 $0xFFFFFF00, s23;
	v36 =	vmul.f32 v9, v34;
	[tilespmem:s24+$0xFFFFFEF0] =	vst v8  }
0x19f: {  	v39 =	vadd.s32 s30, v0;
	s30 =	sadd.s32 $0x32C, s22;
	s31 =	sor.u32 $0x50, s28;
	v38 =	vmul.f32 v10, v34;
	[tilespmem:s24+$0xFFFFFF00] =	vst v35  }
0x1a0: {  	v40 =	vadd.s32 s30, v0;
	s30 =	sadd.s32 $0x33C, s22;
	v7 =	vmul.f32 v11, v34;
	[tilespmem:s31+$0x10180] =	vst v36;
	s31 =	sor.u32 $0x60, s28  }
0x1a1: {  	v41 =	vadd.s32 s30, v0;
	s28 =	sor.u32 $0x70, s28;
	[tilespmem:s31+$0x10180] =	vst v38;
	s31 =	sadd.s32 $0x34D, s22  }
0x1a2: {  	s30 =	sadd.s32 $0x35D, s22;
	[tilespmem:s28+$0x10180] =	vst v7;
	v42 =	vadd.s32 s31, v0  }
0x1a3: {  	v43 =	vadd.s32 s30, v0;
	s31 =	sadd.s32 $0x36D, s22;
	v6 =	vld.idx.msk [tilespmem:v37+s15+$0x0], $0xffff  }
0x1a4: {  	s28 =	sadd.s32 $0x37D, s22;
	v4 =	vld.idx.msk [tilespmem:v39+s15+$0x0], $0xffff;
	v44 =	vadd.s32 s31, v0  }
0x1a5: {  	v5 =	vld.idx.msk [tilespmem:v40+s15+$0x0], $0xffff;
	v45 =	vadd.s32 s28, v0  }
0x1a6: {  	v46 =	vbroadcast v3, $0xC;
	v8 =	vld.idx.msk [tilespmem:v41+s15+$0x0], $0xffff  }
0x1a7: {  	v7 =	vld.idx.msk [tilespmem:v42+s15+$0x0], $0xffff  }
0x1a8: {  	v9 =	vld.idx.msk [tilespmem:v43+s15+$0x0], $0xffff;
	v6 =	vmul.f32 v6, v46  }
0x1a9: {  	v10 =	vld.idx.msk [tilespmem:v44+s15+$0x0], $0xffff;
	v4 =	vmul.f32 v4, v46  }
0x1aa: {  	v47 =	vbroadcast v3, $0xD;
	v11 =	vld.idx.msk [tilespmem:v45+s15+$0x0], $0xffff;
	v5 =	vmul.f32 v5, v46;
	[tilespmem:s24+$0xFFFFFF40] =	vst v6  }
0x1ab: {  	v8 =	vmul.f32 v8, v46;
	[tilespmem:s24+$0xFFFFFF50] =	vst v4  }
0x1ac: {  	s29 =	sadd.s32 $0x38E, s22;
	[tilespmem:s24+$0xFFFFFF60] =	vst v5;
	v48 =	vmul.f32 v7, v47  }
0x1ad: {  	s30 =	sadd.s32 $0x39E, s22;
	v50 =	vadd.s32 s29, v0;
	s28 =	sadd.s32 $0xFFFFFF80, s23;
	v49 =	vmul.f32 v9, v47;
	[tilespmem:s24+$0xFFFFFF70] =	vst v8  }
0x1ae: {  	v52 =	vadd.s32 s30, v0;
	s30 =	sadd.s32 $0x3AE, s22;
	s31 =	sor.u32 $0x50, s28;
	v51 =	vmul.f32 v10, v47;
	[tilespmem:s24+$0xFFFFFF80] =	vst v48  }
0x1af: {  	v53 =	vadd.s32 s30, v0;
	s30 =	sadd.s32 $0x3BE, s22;
	v6 =	vmul.f32 v11, v47;
	[tilespmem:s31+$0x10180] =	vst v49;
	s31 =	sor.u32 $0x60, s28  }
0x1b0: {  	v54 =	vadd.s32 s30, v0;
	s28 =	sor.u32 $0x70, s28;
	[tilespmem:s31+$0x10180] =	vst v51;
	s31 =	sadd.s32 $0x3CF, s22  }
0x1b1: {  	s30 =	sadd.s32 $0x3DF, s22;
	[tilespmem:s28+$0x10180] =	vst v6;
	v55 =	vadd.s32 s31, v0  }
0x1b2: {  	v56 =	vadd.s32 s30, v0;
	s31 =	sadd.s32 $0x3EF, s22;
	v7 =	vld.idx.msk [tilespmem:v50+s15+$0x0], $0xffff  }
0x1b3: {  	s28 =	sadd.s32 $0x3FF, s22;
	v4 =	vld.idx.msk [tilespmem:v52+s15+$0x0], $0xffff;
	v57 =	vadd.s32 s31, v0  }
0x1b4: {  	v5 =	vld.idx.msk [tilespmem:v53+s15+$0x0], $0xffff;
	v58 =	vadd.s32 s28, v0  }
0x1b5: {  	v59 =	vbroadcast v3, $0xE;
	v8 =	vld.idx.msk [tilespmem:v54+s15+$0x0], $0xffff  }
0x1b6: {  	v6 =	vld.idx.msk [tilespmem:v55+s15+$0x0], $0xffff  }
0x1b7: {  	v9 =	vld.idx.msk [tilespmem:v56+s15+$0x0], $0xffff;
	v7 =	vmul.f32 v7, v59  }
0x1b8: {  	v10 =	vld.idx.msk [tilespmem:v57+s15+$0x0], $0xffff;
	v4 =	vmul.f32 v4, v59  }
0x1b9: {  	v3 =	vbroadcast v3, $0xF;
	v11 =	vld.idx.msk [tilespmem:v58+s15+$0x0], $0xffff;
	v5 =	vmul.f32 v5, v59;
	[tilespmem:s24+$0xFFFFFFC0] =	vst v7  }
0x1ba: {  	v60 =	vmul.f32 v8, v59;
	[tilespmem:s24+$0xFFFFFFD0] =	vst v4  }
0x1bb: {  	p0 =	sne.s32 s22, $0x1C70;
	[tilespmem:s24+$0xFFFFFFE0] =	vst v5;
	v61 =	vmul.f32 v6, v3  }
.Ltmp5:
0x1bc: {  	v62 =	vmul.f32 v9, v3;
	[tilespmem:s24+$0xFFFFFFF0] =	vst v60;
	(pc) =	sbr.rel @p0 .LBB2_12-.Ltmp5, $4  }
0x1bd: {  	s29 =	sor.u32 $0x50, s23;
	v63 =	vmul.f32 v10, v3;
	[tilespmem:s24+$0x0] =	vst v61  }
0x1be: {  	s30 =	sor.u32 $0x60, s23;
	v3 =	vmul.f32 v11, v3;
	[tilespmem:s29+$0x10180] =	vst v62  }
0x1bf: {  	s25 =	sadd.s32 $0x10, s25;
	s31 =	sor.u32 $0x70, s23;
	[tilespmem:s30+$0x10180] =	vst v63  }
0x1c0: {  	s22 =	sadd.s32 $0x410, s22;
	s23 =	sadd.s32 $0x400, s23;
	s24 =	sadd.s32 $0x400, s24;
	[tilespmem:s31+$0x10180] =	vst v3  }
0x1c1: {  	[hbm4b:s7+s11] =	stream.strided.scatter [tilespmem:s17], [sflag:$0x2], $0x1000, s12, s11, $0x38;
	[tilespmem:$0x14680] =	vst v63  }
0x1c2: {  	s22 =	simm.s32 $0x2080  }
0x1c3: {  	s23 =	simm.s32 $0x23C0;
	s24 =	simm.s32 $0x12540;
	s25 =	simm.s32 $0x14600  }
.LBB2_14:
0x1c4: {  	v4 =	vor.u32 s22, v0;
	s26 =	sadd.s32 $0x10, s22  }
0x1c5: {  	s29 =	sadd.s32 $0x20, s22;
	v5 =	vor.u32 s26, v0  }
0x1c6: {  	s30 =	sadd.s32 $0x30, s22;
	v6 =	vor.u32 s29, v0  }
0x1c7: {  	s28 =	sadd.s32 $0x41, s22;
	v3 =	vld [tilespmem:s25+$0x0];
	v7 =	vor.u32 s30, v0  }
0x1c8: {  	s31 =	sadd.s32 $0x51, s22;
	v8 =	vadd.s32 s28, v0  }
0x1c9: {  	v9 =	vadd.s32 s31, v0;
	s28 =	sadd.s32 $0x61, s22;
	v4 =	vld.idx.msk [tilespmem:v4+s15+$0x0], $0xffff  }
0x1ca: {  	s29 =	sadd.s32 $0x71, s22;
	v10 =	vadd.s32 s28, v0;
	v5 =	vld.idx.msk [tilespmem:v5+s15+$0x0], $0xffff  }
0x1cb: {  	v11 =	vadd.s32 s29, v0;
	v6 =	vld.idx.msk [tilespmem:v6+s15+$0x0], $0xffff  }
0x1cc: {  	v12 =	vbroadcast v3, $0x0;
	v7 =	vld.idx.msk [tilespmem:v7+s15+$0x0], $0xffff  }
0x1cd: {  	v8 =	vld.idx.msk [tilespmem:v8+s15+$0x0], $0xffff  }
0x1ce: {  	v9 =	vld.idx.msk [tilespmem:v9+s15+$0x0], $0xffff;
	v4 =	vmul.f32 v12, v4  }
0x1cf: {  	v10 =	vld.idx.msk [tilespmem:v10+s15+$0x0], $0xffff;
	v5 =	vmul.f32 v5, v12  }
0x1d0: {  	v22 =	vbroadcast v3, $0x1;
	v11 =	vld.idx.msk [tilespmem:v11+s15+$0x0], $0xffff;
	v6 =	vmul.f32 v6, v12;
	[tilespmem:s24+$0xFFFFFC40] =	vst v4  }
0x1d1: {  	v7 =	vmul.f32 v7, v12;
	[tilespmem:s24+$0xFFFFFC50] =	vst v5  }
0x1d2: {  	s30 =	sadd.s32 $0x82, s22;
	v23 =	vmul.f32 v8, v22;
	[tilespmem:s24+$0xFFFFFC60] =	vst v6  }
0x1d3: {  	s31 =	sadd.s32 $0x92, s22;
	s28 =	sadd.s32 $0xFFFFFC80, s23;
	v25 =	vadd.s32 s30, v0;
	v24 =	vmul.f32 v9, v22;
	[tilespmem:s24+$0xFFFFFC70] =	vst v7  }
0x1d4: {  	v27 =	vadd.s32 s31, v0;
	s30 =	sadd.s32 $0xA2, s22;
	s29 =	sor.u32 $0x50, s28;
	v26 =	vmul.f32 v10, v22;
	[tilespmem:s24+$0xFFFFFC80] =	vst v23  }
0x1d5: {  	s31 =	sor.u32 $0x60, s28;
	v28 =	vadd.s32 s30, v0;
	s30 =	sadd.s32 $0xB2, s22;
	v4 =	vmul.f32 v11, v22;
	[tilespmem:s29+$0x10180] =	vst v24  }
0x1d6: {  	s28 =	sor.u32 $0x70, s28;
	v29 =	vadd.s32 s30, v0;
	[tilespmem:s31+$0x10180] =	vst v26;
	s31 =	sadd.s32 $0xC3, s22  }
0x1d7: {  	s30 =	sadd.s32 $0xD3, s22;
	[tilespmem:s28+$0x10180] =	vst v4;
	v30 =	vadd.s32 s31, v0  }
0x1d8: {  	v31 =	vadd.s32 s30, v0;
	s31 =	sadd.s32 $0xE3, s22;
	v7 =	vld.idx.msk [tilespmem:v25+s15+$0x0], $0xffff  }
0x1d9: {  	s28 =	sadd.s32 $0xF3, s22;
	v5 =	vld.idx.msk [tilespmem:v27+s15+$0x0], $0xffff;
	v32 =	vadd.s32 s31, v0  }
0x1da: {  	v6 =	vld.idx.msk [tilespmem:v28+s15+$0x0], $0xffff;
	v33 =	vadd.s32 s28, v0  }
0x1db: {  	v34 =	vbroadcast v3, $0x2;
	v8 =	vld.idx.msk [tilespmem:v29+s15+$0x0], $0xffff  }
0x1dc: {  	v4 =	vld.idx.msk [tilespmem:v30+s15+$0x0], $0xffff  }
0x1dd: {  	v9 =	vld.idx.msk [tilespmem:v31+s15+$0x0], $0xffff;
	v7 =	vmul.f32 v7, v34  }
0x1de: {  	v10 =	vld.idx.msk [tilespmem:v32+s15+$0x0], $0xffff;
	v5 =	vmul.f32 v5, v34  }
0x1df: {  	v35 =	vbroadcast v3, $0x3;
	v11 =	vld.idx.msk [tilespmem:v33+s15+$0x0], $0xffff;
	v6 =	vmul.f32 v6, v34;
	[tilespmem:s24+$0xFFFFFCC0] =	vst v7  }
0x1e0: {  	v8 =	vmul.f32 v8, v34;
	[tilespmem:s24+$0xFFFFFCD0] =	vst v5  }
0x1e1: {  	s29 =	sadd.s32 $0x104, s22;
	[tilespmem:s24+$0xFFFFFCE0] =	vst v6;
	v4 =	vmul.f32 v4, v35  }
0x1e2: {  	s30 =	sadd.s32 $0x114, s22;
	v37 =	vadd.s32 s29, v0;
	s28 =	sadd.s32 $0xFFFFFD00, s23;
	v36 =	vmul.f32 v9, v35;
	[tilespmem:s24+$0xFFFFFCF0] =	vst v8  }
0x1e3: {  	v39 =	vadd.s32 s30, v0;
	s30 =	sadd.s32 $0x124, s22;
	s31 =	sor.u32 $0x50, s28;
	v38 =	vmul.f32 v10, v35;
	[tilespmem:s24+$0xFFFFFD00] =	vst v4  }
0x1e4: {  	v40 =	vadd.s32 s30, v0;
	s30 =	sadd.s32 $0x134, s22;
	v7 =	vmul.f32 v11, v35;
	[tilespmem:s31+$0x10180] =	vst v36;
	s31 =	sor.u32 $0x60, s28  }
0x1e5: {  	v41 =	vadd.s32 s30, v0;
	s28 =	sor.u32 $0x70, s28;
	[tilespmem:s31+$0x10180] =	vst v38;
	s31 =	sadd.s32 $0x145, s22  }
0x1e6: {  	s30 =	sadd.s32 $0x155, s22;
	[tilespmem:s28+$0x10180] =	vst v7;
	v42 =	vadd.s32 s31, v0  }
0x1e7: {  	v43 =	vadd.s32 s30, v0;
	s31 =	sadd.s32 $0x165, s22;
	v6 =	vld.idx.msk [tilespmem:v37+s15+$0x0], $0xffff  }
0x1e8: {  	s28 =	sadd.s32 $0x175, s22;
	v4 =	vld.idx.msk [tilespmem:v39+s15+$0x0], $0xffff;
	v44 =	vadd.s32 s31, v0  }
0x1e9: {  	v5 =	vld.idx.msk [tilespmem:v40+s15+$0x0], $0xffff;
	v45 =	vadd.s32 s28, v0  }
0x1ea: {  	v46 =	vbroadcast v3, $0x4;
	v8 =	vld.idx.msk [tilespmem:v41+s15+$0x0], $0xffff  }
0x1eb: {  	v7 =	vld.idx.msk [tilespmem:v42+s15+$0x0], $0xffff  }
0x1ec: {  	v9 =	vld.idx.msk [tilespmem:v43+s15+$0x0], $0xffff;
	v6 =	vmul.f32 v6, v46  }
0x1ed: {  	v10 =	vld.idx.msk [tilespmem:v44+s15+$0x0], $0xffff;
	v4 =	vmul.f32 v4, v46  }
0x1ee: {  	v47 =	vbroadcast v3, $0x5;
	v11 =	vld.idx.msk [tilespmem:v45+s15+$0x0], $0xffff;
	v5 =	vmul.f32 v5, v46;
	[tilespmem:s24+$0xFFFFFD40] =	vst v6  }
0x1ef: {  	v8 =	vmul.f32 v8, v46;
	[tilespmem:s24+$0xFFFFFD50] =	vst v4  }
0x1f0: {  	s29 =	sadd.s32 $0x186, s22;
	[tilespmem:s24+$0xFFFFFD60] =	vst v5;
	v48 =	vmul.f32 v7, v47  }
0x1f1: {  	s30 =	sadd.s32 $0x196, s22;
	v50 =	vadd.s32 s29, v0;
	s28 =	sadd.s32 $0xFFFFFD80, s23;
	v49 =	vmul.f32 v9, v47;
	[tilespmem:s24+$0xFFFFFD70] =	vst v8  }
0x1f2: {  	v52 =	vadd.s32 s30, v0;
	s30 =	sadd.s32 $0x1A6, s22;
	s31 =	sor.u32 $0x50, s28;
	v51 =	vmul.f32 v10, v47;
	[tilespmem:s24+$0xFFFFFD80] =	vst v48  }
0x1f3: {  	v53 =	vadd.s32 s30, v0;
	s30 =	sadd.s32 $0x1B6, s22;
	v6 =	vmul.f32 v11, v47;
	[tilespmem:s31+$0x10180] =	vst v49;
	s31 =	sor.u32 $0x60, s28  }
0x1f4: {  	v54 =	vadd.s32 s30, v0;
	s28 =	sor.u32 $0x70, s28;
	[tilespmem:s31+$0x10180] =	vst v51;
	s31 =	sadd.s32 $0x1C7, s22  }
0x1f5: {  	s30 =	sadd.s32 $0x1D7, s22;
	[tilespmem:s28+$0x10180] =	vst v6;
	v55 =	vadd.s32 s31, v0  }
0x1f6: {  	v56 =	vadd.s32 s30, v0;
	s31 =	sadd.s32 $0x1E7, s22;
	v7 =	vld.idx.msk [tilespmem:v50+s15+$0x0], $0xffff  }
0x1f7: {  	s28 =	sadd.s32 $0x1F7, s22;
	v4 =	vld.idx.msk [tilespmem:v52+s15+$0x0], $0xffff;
	v57 =	vadd.s32 s31, v0  }
0x1f8: {  	v5 =	vld.idx.msk [tilespmem:v53+s15+$0x0], $0xffff;
	v58 =	vadd.s32 s28, v0  }
0x1f9: {  	v59 =	vbroadcast v3, $0x6;
	v8 =	vld.idx.msk [tilespmem:v54+s15+$0x0], $0xffff  }
0x1fa: {  	v6 =	vld.idx.msk [tilespmem:v55+s15+$0x0], $0xffff  }
0x1fb: {  	v9 =	vld.idx.msk [tilespmem:v56+s15+$0x0], $0xffff;
	v7 =	vmul.f32 v7, v59  }
0x1fc: {  	v10 =	vld.idx.msk [tilespmem:v57+s15+$0x0], $0xffff;
	v4 =	vmul.f32 v4, v59  }
0x1fd: {  	v60 =	vbroadcast v3, $0x7;
	v11 =	vld.idx.msk [tilespmem:v58+s15+$0x0], $0xffff;
	v5 =	vmul.f32 v5, v59;
	[tilespmem:s24+$0xFFFFFDC0] =	vst v7  }
0x1fe: {  	v8 =	vmul.f32 v8, v59;
	[tilespmem:s24+$0xFFFFFDD0] =	vst v4  }
0x1ff: {  	s29 =	sadd.s32 $0x208, s22;
	[tilespmem:s24+$0xFFFFFDE0] =	vst v5;
	v61 =	vmul.f32 v6, v60  }
0x200: {  	s30 =	sadd.s32 $0x218, s22;
	v63 =	vadd.s32 s29, v0;
	s28 =	sadd.s32 $0xFFFFFE00, s23;
	v62 =	vmul.f32 v9, v60;
	[tilespmem:s24+$0xFFFFFDF0] =	vst v8  }
0x201: {  	v13 =	vadd.s32 s30, v0;
	s30 =	sadd.s32 $0x228, s22;
	s31 =	sor.u32 $0x50, s28;
	v12 =	vmul.f32 v10, v60;
	[tilespmem:s24+$0xFFFFFE00] =	vst v61  }
0x202: {  	v14 =	vadd.s32 s30, v0;
	s30 =	sadd.s32 $0x238, s22;
	v7 =	vmul.f32 v11, v60;
	[tilespmem:s31+$0x10180] =	vst v62;
	s31 =	sor.u32 $0x60, s28  }
0x203: {  	v15 =	vadd.s32 s30, v0;
	s28 =	sor.u32 $0x70, s28;
	[tilespmem:s31+$0x10180] =	vst v12;
	s31 =	sadd.s32 $0x249, s22  }
0x204: {  	s30 =	sadd.s32 $0x259, s22;
	[tilespmem:s28+$0x10180] =	vst v7;
	v16 =	vadd.s32 s31, v0  }
0x205: {  	v17 =	vadd.s32 s30, v0;
	s31 =	sadd.s32 $0x269, s22;
	v6 =	vld.idx.msk [tilespmem:v63+s15+$0x0], $0xffff  }
0x206: {  	s28 =	sadd.s32 $0x279, s22;
	v4 =	vld.idx.msk [tilespmem:v13+s15+$0x0], $0xffff;
	v18 =	vadd.s32 s31, v0  }
0x207: {  	v5 =	vld.idx.msk [tilespmem:v14+s15+$0x0], $0xffff;
	v19 =	vadd.s32 s28, v0  }
0x208: {  	v20 =	vbroadcast v3, $0x8;
	v8 =	vld.idx.msk [tilespmem:v15+s15+$0x0], $0xffff  }
0x209: {  	v7 =	vld.idx.msk [tilespmem:v16+s15+$0x0], $0xffff  }
0x20a: {  	v9 =	vld.idx.msk [tilespmem:v17+s15+$0x0], $0xffff;
	v6 =	vmul.f32 v6, v20  }
0x20b: {  	v10 =	vld.idx.msk [tilespmem:v18+s15+$0x0], $0xffff;
	v4 =	vmul.f32 v4, v20  }
0x20c: {  	v21 =	vbroadcast v3, $0x9;
	v11 =	vld.idx.msk [tilespmem:v19+s15+$0x0], $0xffff;
	v5 =	vmul.f32 v5, v20;
	[tilespmem:s24+$0xFFFFFE40] =	vst v6  }
0x20d: {  	v8 =	vmul.f32 v8, v20;
	[tilespmem:s24+$0xFFFFFE50] =	vst v4  }
0x20e: {  	s29 =	sadd.s32 $0x28A, s22;
	[tilespmem:s24+$0xFFFFFE60] =	vst v5;
	v22 =	vmul.f32 v7, v21  }
0x20f: {  	s30 =	sadd.s32 $0x29A, s22;
	v24 =	vadd.s32 s29, v0;
	s28 =	sadd.s32 $0xFFFFFE80, s23;
	v23 =	vmul.f32 v9, v21;
	[tilespmem:s24+$0xFFFFFE70] =	vst v8  }
0x210: {  	v26 =	vadd.s32 s30, v0;
	s30 =	sadd.s32 $0x2AA, s22;
	s31 =	sor.u32 $0x50, s28;
	v25 =	vmul.f32 v10, v21;
	[tilespmem:s24+$0xFFFFFE80] =	vst v22  }
0x211: {  	v27 =	vadd.s32 s30, v0;
	s30 =	sadd.s32 $0x2BA, s22;
	v6 =	vmul.f32 v11, v21;
	[tilespmem:s31+$0x10180] =	vst v23;
	s31 =	sor.u32 $0x60, s28  }
0x212: {  	v28 =	vadd.s32 s30, v0;
	s28 =	sor.u32 $0x70, s28;
	[tilespmem:s31+$0x10180] =	vst v25;
	s31 =	sadd.s32 $0x2CB, s22  }
0x213: {  	s30 =	sadd.s32 $0x2DB, s22;
	[tilespmem:s28+$0x10180] =	vst v6;
	v29 =	vadd.s32 s31, v0  }
0x214: {  	v30 =	vadd.s32 s30, v0;
	s31 =	sadd.s32 $0x2EB, s22;
	v7 =	vld.idx.msk [tilespmem:v24+s15+$0x0], $0xffff  }
0x215: {  	s28 =	sadd.s32 $0x2FB, s22;
	v4 =	vld.idx.msk [tilespmem:v26+s15+$0x0], $0xffff;
	v31 =	vadd.s32 s31, v0  }
0x216: {  	v5 =	vld.idx.msk [tilespmem:v27+s15+$0x0], $0xffff;
	v32 =	vadd.s32 s28, v0  }
0x217: {  	v33 =	vbroadcast v3, $0xA;
	v8 =	vld.idx.msk [tilespmem:v28+s15+$0x0], $0xffff  }
0x218: {  	v6 =	vld.idx.msk [tilespmem:v29+s15+$0x0], $0xffff  }
0x219: {  	v9 =	vld.idx.msk [tilespmem:v30+s15+$0x0], $0xffff;
	v7 =	vmul.f32 v7, v33  }
0x21a: {  	v10 =	vld.idx.msk [tilespmem:v31+s15+$0x0], $0xffff;
	v4 =	vmul.f32 v4, v33  }
0x21b: {  	v34 =	vbroadcast v3, $0xB;
	v11 =	vld.idx.msk [tilespmem:v32+s15+$0x0], $0xffff;
	v5 =	vmul.f32 v5, v33;
	[tilespmem:s24+$0xFFFFFEC0] =	vst v7  }
0x21c: {  	v8 =	vmul.f32 v8, v33;
	[tilespmem:s24+$0xFFFFFED0] =	vst v4  }
0x21d: {  	s29 =	sadd.s32 $0x30C, s22;
	[tilespmem:s24+$0xFFFFFEE0] =	vst v5;
	v35 =	vmul.f32 v6, v34  }
0x21e: {  	s30 =	sadd.s32 $0x31C, s22;
	v37 =	vadd.s32 s29, v0;
	s28 =	sadd.s32 $0xFFFFFF00, s23;
	v36 =	vmul.f32 v9, v34;
	[tilespmem:s24+$0xFFFFFEF0] =	vst v8  }
0x21f: {  	v39 =	vadd.s32 s30, v0;
	s30 =	sadd.s32 $0x32C, s22;
	s31 =	sor.u32 $0x50, s28;
	v38 =	vmul.f32 v10, v34;
	[tilespmem:s24+$0xFFFFFF00] =	vst v35  }
0x220: {  	v40 =	vadd.s32 s30, v0;
	s30 =	sadd.s32 $0x33C, s22;
	v7 =	vmul.f32 v11, v34;
	[tilespmem:s31+$0x10180] =	vst v36;
	s31 =	sor.u32 $0x60, s28  }
0x221: {  	v41 =	vadd.s32 s30, v0;
	s28 =	sor.u32 $0x70, s28;
	[tilespmem:s31+$0x10180] =	vst v38;
	s31 =	sadd.s32 $0x34D, s22  }
0x222: {  	s30 =	sadd.s32 $0x35D, s22;
	[tilespmem:s28+$0x10180] =	vst v7;
	v42 =	vadd.s32 s31, v0  }
0x223: {  	v43 =	vadd.s32 s30, v0;
	s31 =	sadd.s32 $0x36D, s22;
	v6 =	vld.idx.msk [tilespmem:v37+s15+$0x0], $0xffff  }
0x224: {  	s28 =	sadd.s32 $0x37D, s22;
	v4 =	vld.idx.msk [tilespmem:v39+s15+$0x0], $0xffff;
	v44 =	vadd.s32 s31, v0  }
0x225: {  	v5 =	vld.idx.msk [tilespmem:v40+s15+$0x0], $0xffff;
	v45 =	vadd.s32 s28, v0  }
0x226: {  	v46 =	vbroadcast v3, $0xC;
	v8 =	vld.idx.msk [tilespmem:v41+s15+$0x0], $0xffff  }
0x227: {  	v7 =	vld.idx.msk [tilespmem:v42+s15+$0x0], $0xffff  }
0x228: {  	v9 =	vld.idx.msk [tilespmem:v43+s15+$0x0], $0xffff;
	v6 =	vmul.f32 v6, v46  }
0x229: {  	v10 =	vld.idx.msk [tilespmem:v44+s15+$0x0], $0xffff;
	v4 =	vmul.f32 v4, v46  }
0x22a: {  	v47 =	vbroadcast v3, $0xD;
	v11 =	vld.idx.msk [tilespmem:v45+s15+$0x0], $0xffff;
	v5 =	vmul.f32 v5, v46;
	[tilespmem:s24+$0xFFFFFF40] =	vst v6  }
0x22b: {  	v8 =	vmul.f32 v8, v46;
	[tilespmem:s24+$0xFFFFFF50] =	vst v4  }
0x22c: {  	s29 =	sadd.s32 $0x38E, s22;
	[tilespmem:s24+$0xFFFFFF60] =	vst v5;
	v48 =	vmul.f32 v7, v47  }
0x22d: {  	s30 =	sadd.s32 $0x39E, s22;
	v50 =	vadd.s32 s29, v0;
	s28 =	sadd.s32 $0xFFFFFF80, s23;
	v49 =	vmul.f32 v9, v47;
	[tilespmem:s24+$0xFFFFFF70] =	vst v8  }
0x22e: {  	v52 =	vadd.s32 s30, v0;
	s30 =	sadd.s32 $0x3AE, s22;
	s31 =	sor.u32 $0x50, s28;
	v51 =	vmul.f32 v10, v47;
	[tilespmem:s24+$0xFFFFFF80] =	vst v48  }
0x22f: {  	v53 =	vadd.s32 s30, v0;
	s30 =	sadd.s32 $0x3BE, s22;
	v6 =	vmul.f32 v11, v47;
	[tilespmem:s31+$0x10180] =	vst v49;
	s31 =	sor.u32 $0x60, s28  }
0x230: {  	v54 =	vadd.s32 s30, v0;
	s28 =	sor.u32 $0x70, s28;
	[tilespmem:s31+$0x10180] =	vst v51;
	s31 =	sadd.s32 $0x3CF, s22  }
0x231: {  	s30 =	sadd.s32 $0x3DF, s22;
	[tilespmem:s28+$0x10180] =	vst v6;
	v55 =	vadd.s32 s31, v0  }
0x232: {  	v56 =	vadd.s32 s30, v0;
	s31 =	sadd.s32 $0x3EF, s22;
	v7 =	vld.idx.msk [tilespmem:v50+s15+$0x0], $0xffff  }
0x233: {  	s28 =	sadd.s32 $0x3FF, s22;
	v4 =	vld.idx.msk [tilespmem:v52+s15+$0x0], $0xffff;
	v57 =	vadd.s32 s31, v0  }
0x234: {  	v5 =	vld.idx.msk [tilespmem:v53+s15+$0x0], $0xffff;
	v58 =	vadd.s32 s28, v0  }
0x235: {  	v59 =	vbroadcast v3, $0xE;
	v8 =	vld.idx.msk [tilespmem:v54+s15+$0x0], $0xffff  }
0x236: {  	v6 =	vld.idx.msk [tilespmem:v55+s15+$0x0], $0xffff  }
0x237: {  	v9 =	vld.idx.msk [tilespmem:v56+s15+$0x0], $0xffff;
	v7 =	vmul.f32 v7, v59  }
0x238: {  	v10 =	vld.idx.msk [tilespmem:v57+s15+$0x0], $0xffff;
	v4 =	vmul.f32 v4, v59  }
0x239: {  	v3 =	vbroadcast v3, $0xF;
	v11 =	vld.idx.msk [tilespmem:v58+s15+$0x0], $0xffff;
	v5 =	vmul.f32 v5, v59;
	[tilespmem:s24+$0xFFFFFFC0] =	vst v7  }
0x23a: {  	v60 =	vmul.f32 v8, v59;
	[tilespmem:s24+$0xFFFFFFD0] =	vst v4  }
0x23b: {  	p0 =	sne.s32 s22, $0x2CB0;
	[tilespmem:s24+$0xFFFFFFE0] =	vst v5;
	v61 =	vmul.f32 v6, v3  }
.Ltmp6:
0x23c: {  	v62 =	vmul.f32 v9, v3;
	[tilespmem:s24+$0xFFFFFFF0] =	vst v60;
	(pc) =	sbr.rel @p0 .LBB2_14-.Ltmp6, $4  }
0x23d: {  	s29 =	sor.u32 $0x50, s23;
	v63 =	vmul.f32 v10, v3;
	[tilespmem:s24+$0x0] =	vst v61  }
0x23e: {  	s30 =	sor.u32 $0x60, s23;
	v3 =	vmul.f32 v11, v3;
	[tilespmem:s29+$0x10180] =	vst v62  }
0x23f: {  	s25 =	sadd.s32 $0x10, s25;
	s31 =	sor.u32 $0x70, s23;
	[tilespmem:s30+$0x10180] =	vst v63  }
0x240: {  	s22 =	sadd.s32 $0x410, s22;
	s23 =	sadd.s32 $0x400, s23;
	s24 =	sadd.s32 $0x400, s24;
	[tilespmem:s31+$0x10180] =	vst v3  }
0x241: {  	[hbm4b:s8+s11] =	stream.strided.scatter [tilespmem:s18], [sflag:$0x2], $0x1000, s12, s11, $0x38;
	[tilespmem:$0x14680] =	vst v63  }
0x242: {  	s22 =	simm.s32 $0x30C0  }
0x243: {  	s23 =	simm.s32 $0x33C0;
	s24 =	simm.s32 $0x13540;
	s25 =	simm.s32 $0x14640  }
.LBB2_16:
0x244: {  	v4 =	vor.u32 s22, v0;
	s26 =	sadd.s32 $0x10, s22  }
0x245: {  	s29 =	sadd.s32 $0x20, s22;
	v5 =	vor.u32 s26, v0  }
0x246: {  	s30 =	sadd.s32 $0x30, s22;
	v6 =	vor.u32 s29, v0  }
0x247: {  	s28 =	sadd.s32 $0x41, s22;
	v3 =	vld [tilespmem:s25+$0x0];
	v7 =	vor.u32 s30, v0  }
0x248: {  	s31 =	sadd.s32 $0x51, s22;
	v8 =	vadd.s32 s28, v0  }
0x249: {  	v9 =	vadd.s32 s31, v0;
	s28 =	sadd.s32 $0x61, s22;
	v4 =	vld.idx.msk [tilespmem:v4+s15+$0x0], $0xffff  }
0x24a: {  	s29 =	sadd.s32 $0x71, s22;
	v10 =	vadd.s32 s28, v0;
	v5 =	vld.idx.msk [tilespmem:v5+s15+$0x0], $0xffff  }
0x24b: {  	v11 =	vadd.s32 s29, v0;
	v6 =	vld.idx.msk [tilespmem:v6+s15+$0x0], $0xffff  }
0x24c: {  	v12 =	vbroadcast v3, $0x0;
	v7 =	vld.idx.msk [tilespmem:v7+s15+$0x0], $0xffff  }
0x24d: {  	v8 =	vld.idx.msk [tilespmem:v8+s15+$0x0], $0xffff  }
0x24e: {  	v9 =	vld.idx.msk [tilespmem:v9+s15+$0x0], $0xffff;
	v4 =	vmul.f32 v12, v4  }
0x24f: {  	v10 =	vld.idx.msk [tilespmem:v10+s15+$0x0], $0xffff;
	v5 =	vmul.f32 v5, v12  }
0x250: {  	v22 =	vbroadcast v3, $0x1;
	v11 =	vld.idx.msk [tilespmem:v11+s15+$0x0], $0xffff;
	v6 =	vmul.f32 v6, v12;
	[tilespmem:s24+$0xFFFFFC40] =	vst v4  }
0x251: {  	v7 =	vmul.f32 v7, v12;
	[tilespmem:s24+$0xFFFFFC50] =	vst v5  }
0x252: {  	s30 =	sadd.s32 $0x82, s22;
	v23 =	vmul.f32 v8, v22;
	[tilespmem:s24+$0xFFFFFC60] =	vst v6  }
0x253: {  	s31 =	sadd.s32 $0x92, s22;
	s28 =	sadd.s32 $0xFFFFFC80, s23;
	v25 =	vadd.s32 s30, v0;
	v24 =	vmul.f32 v9, v22;
	[tilespmem:s24+$0xFFFFFC70] =	vst v7  }
0x254: {  	v27 =	vadd.s32 s31, v0;
	s30 =	sadd.s32 $0xA2, s22;
	s29 =	sor.u32 $0x50, s28;
	v26 =	vmul.f32 v10, v22;
	[tilespmem:s24+$0xFFFFFC80] =	vst v23  }
0x255: {  	s31 =	sor.u32 $0x60, s28;
	v28 =	vadd.s32 s30, v0;
	s30 =	sadd.s32 $0xB2, s22;
	v4 =	vmul.f32 v11, v22;
	[tilespmem:s29+$0x10180] =	vst v24  }
0x256: {  	s28 =	sor.u32 $0x70, s28;
	v29 =	vadd.s32 s30, v0;
	[tilespmem:s31+$0x10180] =	vst v26;
	s31 =	sadd.s32 $0xC3, s22  }
0x257: {  	s30 =	sadd.s32 $0xD3, s22;
	[tilespmem:s28+$0x10180] =	vst v4;
	v30 =	vadd.s32 s31, v0  }
0x258: {  	v31 =	vadd.s32 s30, v0;
	s31 =	sadd.s32 $0xE3, s22;
	v7 =	vld.idx.msk [tilespmem:v25+s15+$0x0], $0xffff  }
0x259: {  	s28 =	sadd.s32 $0xF3, s22;
	v5 =	vld.idx.msk [tilespmem:v27+s15+$0x0], $0xffff;
	v32 =	vadd.s32 s31, v0  }
0x25a: {  	v6 =	vld.idx.msk [tilespmem:v28+s15+$0x0], $0xffff;
	v33 =	vadd.s32 s28, v0  }
0x25b: {  	v34 =	vbroadcast v3, $0x2;
	v8 =	vld.idx.msk [tilespmem:v29+s15+$0x0], $0xffff  }
0x25c: {  	v4 =	vld.idx.msk [tilespmem:v30+s15+$0x0], $0xffff  }
0x25d: {  	v9 =	vld.idx.msk [tilespmem:v31+s15+$0x0], $0xffff;
	v7 =	vmul.f32 v7, v34  }
0x25e: {  	v10 =	vld.idx.msk [tilespmem:v32+s15+$0x0], $0xffff;
	v5 =	vmul.f32 v5, v34  }
0x25f: {  	v35 =	vbroadcast v3, $0x3;
	v11 =	vld.idx.msk [tilespmem:v33+s15+$0x0], $0xffff;
	v6 =	vmul.f32 v6, v34;
	[tilespmem:s24+$0xFFFFFCC0] =	vst v7  }
0x260: {  	v8 =	vmul.f32 v8, v34;
	[tilespmem:s24+$0xFFFFFCD0] =	vst v5  }
0x261: {  	s29 =	sadd.s32 $0x104, s22;
	[tilespmem:s24+$0xFFFFFCE0] =	vst v6;
	v4 =	vmul.f32 v4, v35  }
0x262: {  	s30 =	sadd.s32 $0x114, s22;
	v37 =	vadd.s32 s29, v0;
	s28 =	sadd.s32 $0xFFFFFD00, s23;
	v36 =	vmul.f32 v9, v35;
	[tilespmem:s24+$0xFFFFFCF0] =	vst v8  }
0x263: {  	v39 =	vadd.s32 s30, v0;
	s30 =	sadd.s32 $0x124, s22;
	s31 =	sor.u32 $0x50, s28;
	v38 =	vmul.f32 v10, v35;
	[tilespmem:s24+$0xFFFFFD00] =	vst v4  }
0x264: {  	v40 =	vadd.s32 s30, v0;
	s30 =	sadd.s32 $0x134, s22;
	v7 =	vmul.f32 v11, v35;
	[tilespmem:s31+$0x10180] =	vst v36;
	s31 =	sor.u32 $0x60, s28  }
0x265: {  	v41 =	vadd.s32 s30, v0;
	s28 =	sor.u32 $0x70, s28;
	[tilespmem:s31+$0x10180] =	vst v38;
	s31 =	sadd.s32 $0x145, s22  }
0x266: {  	s30 =	sadd.s32 $0x155, s22;
	[tilespmem:s28+$0x10180] =	vst v7;
	v42 =	vadd.s32 s31, v0  }
0x267: {  	v43 =	vadd.s32 s30, v0;
	s31 =	sadd.s32 $0x165, s22;
	v6 =	vld.idx.msk [tilespmem:v37+s15+$0x0], $0xffff  }
0x268: {  	s28 =	sadd.s32 $0x175, s22;
	v4 =	vld.idx.msk [tilespmem:v39+s15+$0x0], $0xffff;
	v44 =	vadd.s32 s31, v0  }
0x269: {  	v5 =	vld.idx.msk [tilespmem:v40+s15+$0x0], $0xffff;
	v45 =	vadd.s32 s28, v0  }
0x26a: {  	v46 =	vbroadcast v3, $0x4;
	v8 =	vld.idx.msk [tilespmem:v41+s15+$0x0], $0xffff  }
0x26b: {  	v7 =	vld.idx.msk [tilespmem:v42+s15+$0x0], $0xffff  }
0x26c: {  	v9 =	vld.idx.msk [tilespmem:v43+s15+$0x0], $0xffff;
	v6 =	vmul.f32 v6, v46  }
0x26d: {  	v10 =	vld.idx.msk [tilespmem:v44+s15+$0x0], $0xffff;
	v4 =	vmul.f32 v4, v46  }
0x26e: {  	v47 =	vbroadcast v3, $0x5;
	v11 =	vld.idx.msk [tilespmem:v45+s15+$0x0], $0xffff;
	v5 =	vmul.f32 v5, v46;
	[tilespmem:s24+$0xFFFFFD40] =	vst v6  }
0x26f: {  	v8 =	vmul.f32 v8, v46;
	[tilespmem:s24+$0xFFFFFD50] =	vst v4  }
0x270: {  	s29 =	sadd.s32 $0x186, s22;
	[tilespmem:s24+$0xFFFFFD60] =	vst v5;
	v48 =	vmul.f32 v7, v47  }
0x271: {  	s30 =	sadd.s32 $0x196, s22;
	v50 =	vadd.s32 s29, v0;
	s28 =	sadd.s32 $0xFFFFFD80, s23;
	v49 =	vmul.f32 v9, v47;
	[tilespmem:s24+$0xFFFFFD70] =	vst v8  }
0x272: {  	v52 =	vadd.s32 s30, v0;
	s30 =	sadd.s32 $0x1A6, s22;
	s31 =	sor.u32 $0x50, s28;
	v51 =	vmul.f32 v10, v47;
	[tilespmem:s24+$0xFFFFFD80] =	vst v48  }
0x273: {  	v53 =	vadd.s32 s30, v0;
	s30 =	sadd.s32 $0x1B6, s22;
	v6 =	vmul.f32 v11, v47;
	[tilespmem:s31+$0x10180] =	vst v49;
	s31 =	sor.u32 $0x60, s28  }
0x274: {  	v54 =	vadd.s32 s30, v0;
	s28 =	sor.u32 $0x70, s28;
	[tilespmem:s31+$0x10180] =	vst v51;
	s31 =	sadd.s32 $0x1C7, s22  }
0x275: {  	s30 =	sadd.s32 $0x1D7, s22;
	[tilespmem:s28+$0x10180] =	vst v6;
	v55 =	vadd.s32 s31, v0  }
0x276: {  	v56 =	vadd.s32 s30, v0;
	s31 =	sadd.s32 $0x1E7, s22;
	v7 =	vld.idx.msk [tilespmem:v50+s15+$0x0], $0xffff  }
0x277: {  	s28 =	sadd.s32 $0x1F7, s22;
	v4 =	vld.idx.msk [tilespmem:v52+s15+$0x0], $0xffff;
	v57 =	vadd.s32 s31, v0  }
0x278: {  	v5 =	vld.idx.msk [tilespmem:v53+s15+$0x0], $0xffff;
	v58 =	vadd.s32 s28, v0  }
0x279: {  	v59 =	vbroadcast v3, $0x6;
	v8 =	vld.idx.msk [tilespmem:v54+s15+$0x0], $0xffff  }
0x27a: {  	v6 =	vld.idx.msk [tilespmem:v55+s15+$0x0], $0xffff  }
0x27b: {  	v9 =	vld.idx.msk [tilespmem:v56+s15+$0x0], $0xffff;
	v7 =	vmul.f32 v7, v59  }
0x27c: {  	v10 =	vld.idx.msk [tilespmem:v57+s15+$0x0], $0xffff;
	v4 =	vmul.f32 v4, v59  }
0x27d: {  	v60 =	vbroadcast v3, $0x7;
	v11 =	vld.idx.msk [tilespmem:v58+s15+$0x0], $0xffff;
	v5 =	vmul.f32 v5, v59;
	[tilespmem:s24+$0xFFFFFDC0] =	vst v7  }
0x27e: {  	v8 =	vmul.f32 v8, v59;
	[tilespmem:s24+$0xFFFFFDD0] =	vst v4  }
0x27f: {  	s29 =	sadd.s32 $0x208, s22;
	[tilespmem:s24+$0xFFFFFDE0] =	vst v5;
	v61 =	vmul.f32 v6, v60  }
0x280: {  	s30 =	sadd.s32 $0x218, s22;
	v63 =	vadd.s32 s29, v0;
	s28 =	sadd.s32 $0xFFFFFE00, s23;
	v62 =	vmul.f32 v9, v60;
	[tilespmem:s24+$0xFFFFFDF0] =	vst v8  }
0x281: {  	v13 =	vadd.s32 s30, v0;
	s30 =	sadd.s32 $0x228, s22;
	s31 =	sor.u32 $0x50, s28;
	v12 =	vmul.f32 v10, v60;
	[tilespmem:s24+$0xFFFFFE00] =	vst v61  }
0x282: {  	v14 =	vadd.s32 s30, v0;
	s30 =	sadd.s32 $0x238, s22;
	v7 =	vmul.f32 v11, v60;
	[tilespmem:s31+$0x10180] =	vst v62;
	s31 =	sor.u32 $0x60, s28  }
0x283: {  	v15 =	vadd.s32 s30, v0;
	s28 =	sor.u32 $0x70, s28;
	[tilespmem:s31+$0x10180] =	vst v12;
	s31 =	sadd.s32 $0x249, s22  }
0x284: {  	s30 =	sadd.s32 $0x259, s22;
	[tilespmem:s28+$0x10180] =	vst v7;
	v16 =	vadd.s32 s31, v0  }
0x285: {  	v17 =	vadd.s32 s30, v0;
	s31 =	sadd.s32 $0x269, s22;
	v6 =	vld.idx.msk [tilespmem:v63+s15+$0x0], $0xffff  }
0x286: {  	s28 =	sadd.s32 $0x279, s22;
	v4 =	vld.idx.msk [tilespmem:v13+s15+$0x0], $0xffff;
	v18 =	vadd.s32 s31, v0  }
0x287: {  	v5 =	vld.idx.msk [tilespmem:v14+s15+$0x0], $0xffff;
	v19 =	vadd.s32 s28, v0  }
0x288: {  	v20 =	vbroadcast v3, $0x8;
	v8 =	vld.idx.msk [tilespmem:v15+s15+$0x0], $0xffff  }
0x289: {  	v7 =	vld.idx.msk [tilespmem:v16+s15+$0x0], $0xffff  }
0x28a: {  	v9 =	vld.idx.msk [tilespmem:v17+s15+$0x0], $0xffff;
	v6 =	vmul.f32 v6, v20  }
0x28b: {  	v10 =	vld.idx.msk [tilespmem:v18+s15+$0x0], $0xffff;
	v4 =	vmul.f32 v4, v20  }
0x28c: {  	v21 =	vbroadcast v3, $0x9;
	v11 =	vld.idx.msk [tilespmem:v19+s15+$0x0], $0xffff;
	v5 =	vmul.f32 v5, v20;
	[tilespmem:s24+$0xFFFFFE40] =	vst v6  }
0x28d: {  	v8 =	vmul.f32 v8, v20;
	[tilespmem:s24+$0xFFFFFE50] =	vst v4  }
0x28e: {  	s29 =	sadd.s32 $0x28A, s22;
	[tilespmem:s24+$0xFFFFFE60] =	vst v5;
	v22 =	vmul.f32 v7, v21  }
0x28f: {  	s30 =	sadd.s32 $0x29A, s22;
	v24 =	vadd.s32 s29, v0;
	s28 =	sadd.s32 $0xFFFFFE80, s23;
	v23 =	vmul.f32 v9, v21;
	[tilespmem:s24+$0xFFFFFE70] =	vst v8  }
0x290: {  	v26 =	vadd.s32 s30, v0;
	s30 =	sadd.s32 $0x2AA, s22;
	s31 =	sor.u32 $0x50, s28;
	v25 =	vmul.f32 v10, v21;
	[tilespmem:s24+$0xFFFFFE80] =	vst v22  }
0x291: {  	v27 =	vadd.s32 s30, v0;
	s30 =	sadd.s32 $0x2BA, s22;
	v6 =	vmul.f32 v11, v21;
	[tilespmem:s31+$0x10180] =	vst v23;
	s31 =	sor.u32 $0x60, s28  }
0x292: {  	v28 =	vadd.s32 s30, v0;
	s28 =	sor.u32 $0x70, s28;
	[tilespmem:s31+$0x10180] =	vst v25;
	s31 =	sadd.s32 $0x2CB, s22  }
0x293: {  	s30 =	sadd.s32 $0x2DB, s22;
	[tilespmem:s28+$0x10180] =	vst v6;
	v29 =	vadd.s32 s31, v0  }
0x294: {  	v30 =	vadd.s32 s30, v0;
	s31 =	sadd.s32 $0x2EB, s22;
	v7 =	vld.idx.msk [tilespmem:v24+s15+$0x0], $0xffff  }
0x295: {  	s28 =	sadd.s32 $0x2FB, s22;
	v4 =	vld.idx.msk [tilespmem:v26+s15+$0x0], $0xffff;
	v31 =	vadd.s32 s31, v0  }
0x296: {  	v5 =	vld.idx.msk [tilespmem:v27+s15+$0x0], $0xffff;
	v32 =	vadd.s32 s28, v0  }
0x297: {  	v33 =	vbroadcast v3, $0xA;
	v8 =	vld.idx.msk [tilespmem:v28+s15+$0x0], $0xffff  }
0x298: {  	v6 =	vld.idx.msk [tilespmem:v29+s15+$0x0], $0xffff  }
0x299: {  	v9 =	vld.idx.msk [tilespmem:v30+s15+$0x0], $0xffff;
	v7 =	vmul.f32 v7, v33  }
0x29a: {  	v10 =	vld.idx.msk [tilespmem:v31+s15+$0x0], $0xffff;
	v4 =	vmul.f32 v4, v33  }
0x29b: {  	v34 =	vbroadcast v3, $0xB;
	v11 =	vld.idx.msk [tilespmem:v32+s15+$0x0], $0xffff;
	v5 =	vmul.f32 v5, v33;
	[tilespmem:s24+$0xFFFFFEC0] =	vst v7  }
0x29c: {  	v8 =	vmul.f32 v8, v33;
	[tilespmem:s24+$0xFFFFFED0] =	vst v4  }
0x29d: {  	s29 =	sadd.s32 $0x30C, s22;
	[tilespmem:s24+$0xFFFFFEE0] =	vst v5;
	v35 =	vmul.f32 v6, v34  }
0x29e: {  	s30 =	sadd.s32 $0x31C, s22;
	v37 =	vadd.s32 s29, v0;
	s28 =	sadd.s32 $0xFFFFFF00, s23;
	v36 =	vmul.f32 v9, v34;
	[tilespmem:s24+$0xFFFFFEF0] =	vst v8  }
0x29f: {  	v39 =	vadd.s32 s30, v0;
	s30 =	sadd.s32 $0x32C, s22;
	s31 =	sor.u32 $0x50, s28;
	v38 =	vmul.f32 v10, v34;
	[tilespmem:s24+$0xFFFFFF00] =	vst v35  }
0x2a0: {  	v40 =	vadd.s32 s30, v0;
	s30 =	sadd.s32 $0x33C, s22;
	v7 =	vmul.f32 v11, v34;
	[tilespmem:s31+$0x10180] =	vst v36;
	s31 =	sor.u32 $0x60, s28  }
0x2a1: {  	v41 =	vadd.s32 s30, v0;
	s28 =	sor.u32 $0x70, s28;
	[tilespmem:s31+$0x10180] =	vst v38;
	s31 =	sadd.s32 $0x34D, s22  }
0x2a2: {  	s30 =	sadd.s32 $0x35D, s22;
	[tilespmem:s28+$0x10180] =	vst v7;
	v42 =	vadd.s32 s31, v0  }
0x2a3: {  	v43 =	vadd.s32 s30, v0;
	s31 =	sadd.s32 $0x36D, s22;
	v6 =	vld.idx.msk [tilespmem:v37+s15+$0x0], $0xffff  }
0x2a4: {  	s28 =	sadd.s32 $0x37D, s22;
	v4 =	vld.idx.msk [tilespmem:v39+s15+$0x0], $0xffff;
	v44 =	vadd.s32 s31, v0  }
0x2a5: {  	v5 =	vld.idx.msk [tilespmem:v40+s15+$0x0], $0xffff;
	v45 =	vadd.s32 s28, v0  }
0x2a6: {  	v46 =	vbroadcast v3, $0xC;
	v8 =	vld.idx.msk [tilespmem:v41+s15+$0x0], $0xffff  }
0x2a7: {  	v7 =	vld.idx.msk [tilespmem:v42+s15+$0x0], $0xffff  }
0x2a8: {  	v9 =	vld.idx.msk [tilespmem:v43+s15+$0x0], $0xffff;
	v6 =	vmul.f32 v6, v46  }
0x2a9: {  	v10 =	vld.idx.msk [tilespmem:v44+s15+$0x0], $0xffff;
	v4 =	vmul.f32 v4, v46  }
0x2aa: {  	v47 =	vbroadcast v3, $0xD;
	v11 =	vld.idx.msk [tilespmem:v45+s15+$0x0], $0xffff;
	v5 =	vmul.f32 v5, v46;
	[tilespmem:s24+$0xFFFFFF40] =	vst v6  }
0x2ab: {  	v8 =	vmul.f32 v8, v46;
	[tilespmem:s24+$0xFFFFFF50] =	vst v4  }
0x2ac: {  	s29 =	sadd.s32 $0x38E, s22;
	[tilespmem:s24+$0xFFFFFF60] =	vst v5;
	v48 =	vmul.f32 v7, v47  }
0x2ad: {  	s30 =	sadd.s32 $0x39E, s22;
	v50 =	vadd.s32 s29, v0;
	s28 =	sadd.s32 $0xFFFFFF80, s23;
	v49 =	vmul.f32 v9, v47;
	[tilespmem:s24+$0xFFFFFF70] =	vst v8  }
0x2ae: {  	v52 =	vadd.s32 s30, v0;
	s30 =	sadd.s32 $0x3AE, s22;
	s31 =	sor.u32 $0x50, s28;
	v51 =	vmul.f32 v10, v47;
	[tilespmem:s24+$0xFFFFFF80] =	vst v48  }
0x2af: {  	v53 =	vadd.s32 s30, v0;
	s30 =	sadd.s32 $0x3BE, s22;
	v6 =	vmul.f32 v11, v47;
	[tilespmem:s31+$0x10180] =	vst v49;
	s31 =	sor.u32 $0x60, s28  }
0x2b0: {  	v54 =	vadd.s32 s30, v0;
	s28 =	sor.u32 $0x70, s28;
	[tilespmem:s31+$0x10180] =	vst v51;
	s31 =	sadd.s32 $0x3CF, s22  }
0x2b1: {  	s30 =	sadd.s32 $0x3DF, s22;
	[tilespmem:s28+$0x10180] =	vst v6;
	v55 =	vadd.s32 s31, v0  }
0x2b2: {  	v56 =	vadd.s32 s30, v0;
	s31 =	sadd.s32 $0x3EF, s22;
	v7 =	vld.idx.msk [tilespmem:v50+s15+$0x0], $0xffff  }
0x2b3: {  	s28 =	sadd.s32 $0x3FF, s22;
	v4 =	vld.idx.msk [tilespmem:v52+s15+$0x0], $0xffff;
	v57 =	vadd.s32 s31, v0  }
0x2b4: {  	v5 =	vld.idx.msk [tilespmem:v53+s15+$0x0], $0xffff;
	v58 =	vadd.s32 s28, v0  }
0x2b5: {  	v59 =	vbroadcast v3, $0xE;
	v8 =	vld.idx.msk [tilespmem:v54+s15+$0x0], $0xffff  }
0x2b6: {  	v6 =	vld.idx.msk [tilespmem:v55+s15+$0x0], $0xffff  }
0x2b7: {  	v9 =	vld.idx.msk [tilespmem:v56+s15+$0x0], $0xffff;
	v7 =	vmul.f32 v7, v59  }
0x2b8: {  	v10 =	vld.idx.msk [tilespmem:v57+s15+$0x0], $0xffff;
	v4 =	vmul.f32 v4, v59  }
0x2b9: {  	v3 =	vbroadcast v3, $0xF;
	v11 =	vld.idx.msk [tilespmem:v58+s15+$0x0], $0xffff;
	v5 =	vmul.f32 v5, v59;
	[tilespmem:s24+$0xFFFFFFC0] =	vst v7  }
0x2ba: {  	v60 =	vmul.f32 v8, v59;
	[tilespmem:s24+$0xFFFFFFD0] =	vst v4  }
0x2bb: {  	p0 =	sne.s32 s22, $0x3CF0;
	[tilespmem:s24+$0xFFFFFFE0] =	vst v5;
	v61 =	vmul.f32 v6, v3  }
.Ltmp7:
0x2bc: {  	v62 =	vmul.f32 v9, v3;
	[tilespmem:s24+$0xFFFFFFF0] =	vst v60;
	(pc) =	sbr.rel @p0 .LBB2_16-.Ltmp7, $4  }
0x2bd: {  	s29 =	sor.u32 $0x50, s23;
	v63 =	vmul.f32 v10, v3;
	[tilespmem:s24+$0x0] =	vst v61  }
0x2be: {  	s30 =	sor.u32 $0x60, s23;
	v3 =	vmul.f32 v11, v3;
	[tilespmem:s29+$0x10180] =	vst v62  }
0x2bf: {  	s25 =	sadd.s32 $0x10, s25;
	s31 =	sor.u32 $0x70, s23;
	[tilespmem:s30+$0x10180] =	vst v63  }
0x2c0: {  	s22 =	sadd.s32 $0x410, s22;
	s23 =	sadd.s32 $0x400, s23;
	s24 =	sadd.s32 $0x400, s24;
	[tilespmem:s31+$0x10180] =	vst v3  }
0x2c1: {  	[hbm4b:s9+s11] =	stream.strided.scatter [tilespmem:s19], [sflag:$0x2], $0x1000, s12, s11, $0x38;
	[tilespmem:$0x14680] =	vst v63  }
0x2c2: {  	_ =	swait.ge [sflag:s20], $0x1000  }
0x2c3: {  	[sflag:s20] =	ssyncset.done $0x0  }
0x2c4: {  	[sflag:s20] =	ssyncadd.s32 $0xFFFFF000  }
0x2c5: {  	_ =	swait.ge [sflag:s20], $0x1000  }
0x2c6: {  	[sflag:s20] =	ssyncset.done $0x0  }
0x2c7: {  	s21 =	sadd.s32 $0x1, s21;
	[sflag:s20] =	ssyncadd.s32 $0xFFFFF000  }
0x2c8: {  	p0 =	sne.s32 s21, s10;
	_ =	swait.ge [sflag:s20], $0x1000  }
.Ltmp8:
0x2c9: {  	[sflag:s20] =	ssyncset.done $0x0;
	(pc) =	sbr.rel @p0 .LBB2_1-.Ltmp8, $4  }
0x2ca: {  	[sflag:s20] =	ssyncadd.s32 $0xFFFFF000  }
0x2cb: {  	_ =	swait.ge [sflag:s20], $0x1000  }
0x2cc: {  	[sflag:s20] =	ssyncset.done $0x0  }
0x2cd: {  	[sflag:s20] =	ssyncadd.s32 $0xFFFFF000  }
0x2ce: {  	_ =	sfence.sel $0x180000  }
0x2cf: {  	[bflag:$0x0] =	sbarrier.arrive $0xFFFF  }
0x2d0: {  	p0 =	sne.s32 s0, $0x0;
	_ =	strace $0x90000047  }
0x2d1: {  	s0 =	sadd.s32 @!p0 $0x100000, s1;
	[bflag:$0x2] =	sbarrier.arrive $0xFFFF  }
0x2d2: {  	[sflag:s0] =	ssyncadd.tile.s32 @!p0 $0x1;
	_ =	shalt  }
.Lfunc_end2:
_tile_overlayer_lowered:
.L_overlay_start_2:
0x2d3: {  	(tag) =	ssettag $0x2  }
0x2d4: {  	s0 =	rddreg [dreg:$0x0];
	s2 =	stileid.u32  }
0x2d5: {  	s1 =	rddreg [dreg:$0x1];
	p0 =	sne.s32 s2, $0x0  }
0x2d6: {  	s3 =	rddreg [dreg:$0x2];
	[bflag:$0x3] =	sbarrier.arrive $0xFFFF;
	s2 =	simm.s32 @!p0 $0x1C03  }
0x2d7: {  	[timem:s3], [sflag:s2] =	dma.local @!p0 [hbm:s0], s1  }
0x2d8: {  	s0 =	simm.s32 @!p0 $0x3  }
0x2d9: {  	_ =	swait.ge @!p0 [sflag:s0], s1  }
0x2da: {  	s1 =	ssub.s32 @!p0 $0x0, s1;
	[sflag:s0] =	ssyncset.done @!p0 $0x0  }
0x2db: {  	[sflag:s0] =	ssyncadd.s32 @!p0 s1  }
0x2dc: {  	[bflag:$0x3] =	sbarrier.arrive $0xFFFF  }
0x2dd: {  	_ =	shalt  }

</sc_bundles>
